<compile_context>
chip_gen: v7x
topology: tpu7x:2x2x1
jax: 0.10.2.dev20260603
libtpu: 0.0.44.dev20260713+nightly
codegen_flags: <defaults>
</compile_context>

<pallas_src>
import functools

import jax
import jax.numpy as jnp
from jax import lax
from jax.experimental import pallas as pl
from jax.experimental.pallas import tpu as pltpu
from jax.experimental.pallas import tpu_sc as plsc

NC = 2
NS = 16
NW = NC * NS
CHUNK = 80



def _node_proj(x, WT, b):
    n, d = x.shape
    bn = 2000
    grid = n // bn

    def body(x_ref, w_ref, b_ref, o_ref):
        o_ref[...] = jnp.maximum(
            jnp.dot(x_ref[...], w_ref[...], preferred_element_type=jnp.float32)
            + b_ref[...], 0.0)

    return pl.pallas_call(
        body,
        grid=(grid,),
        in_specs=[
            pl.BlockSpec((bn, d), lambda i: (i, 0)),
            pl.BlockSpec(WT.shape, lambda i: (0, 0)),
            pl.BlockSpec(b.shape, lambda i: (0, 0)),
        ],
        out_specs=pl.BlockSpec((bn, WT.shape[1]), lambda i: (i, 0)),
        out_shape=jax.ShapeDtypeStruct((n, WT.shape[1]), jnp.float32),
    )(x, WT, b)


def _film_params(cond, WcT, bc, d, batch2):
    g = cond.shape[0]

    def body(c_ref, w_ref, b_ref, bat_ref, gam_ref, bet_ref, lo_ref, hi_ref):
        gb = jnp.dot(c_ref[...], w_ref[...],
                     preferred_element_type=jnp.float32) + b_ref[...]
        gam_ref[...] = gb[:, :d] + 1.0
        bet_ref[...] = gb[:, d:]
        iota = lax.broadcasted_iota(jnp.int32, (1, g), 1)
        b = bat_ref[...]
        lo_ref[...] = jnp.sum((b < iota).astype(jnp.int32), axis=0,
                              keepdims=True)
        hi_ref[...] = jnp.sum((b < iota + 1).astype(jnp.int32), axis=0,
                              keepdims=True)

    return pl.pallas_call(
        body,
        out_shape=(jax.ShapeDtypeStruct((g, d), jnp.float32),
                   jax.ShapeDtypeStruct((g, d), jnp.float32),
                   jax.ShapeDtypeStruct((1, g), jnp.int32),
                   jax.ShapeDtypeStruct((1, g), jnp.int32)),
    )(cond, WcT, bc, batch2)


def _edge_mlp(jp, spatial, dstc, lo, hi, gamma, beta, WsT, bs,
              Wf1loT, Wf1hiT, Wf2T):
    e, dp = jp.shape
    d = Wf1loT.shape[1]
    g = gamma.shape[0]
    be = 4000
    grid = e // be

    def body(jp_ref, sp_ref, dst_ref, lo_ref, hi_b_ref, gam_ref,
             bet_ref, ws_ref, bs_ref, w1lo_ref, w1hi_ref, w2_ref, o_ref):
        s = jnp.maximum(
            jnp.dot(sp_ref[...], ws_ref[...],
                    preferred_element_type=jnp.float32) + bs_ref[...], 0.0)
        u = lax.bitcast_convert_type(jp_ref[...], jnp.uint32)
        plo = lax.bitcast_convert_type(u << 16, jnp.float32)
        phi = lax.bitcast_convert_type(u & jnp.uint32(0xFFFF0000),
                                       jnp.float32)
        x = (jnp.dot(plo, w1lo_ref[...],
                     preferred_element_type=jnp.float32)
             + jnp.dot(phi, w1hi_ref[...],
                       preferred_element_type=jnp.float32)
             + jnp.dot(s, w2_ref[...], preferred_element_type=jnp.float32))
        mu = jnp.mean(x, axis=-1, keepdims=True)
        dx = x - mu
        var = jnp.mean(dx * dx, axis=-1, keepdims=True)
        xn = dx * lax.rsqrt(var + 1e-5)
        dst = dst_ref[...]
        oh = ((dst >= lo_ref[...]) & (dst < hi_b_ref[...])
              ).astype(jnp.float32)
        ge = jnp.dot(oh, gam_ref[...], preferred_element_type=jnp.float32)
        bee = jnp.dot(oh, bet_ref[...], preferred_element_type=jnp.float32)
        o_ref[...] = jnp.maximum(xn * ge + bee, 0.0)

    return pl.pallas_call(
        body,
        grid=(grid,),
        in_specs=[
            pl.BlockSpec((be, dp), lambda i: (i, 0)),
            pl.BlockSpec((be, spatial.shape[1]), lambda i: (i, 0)),
            pl.BlockSpec((be, 1), lambda i: (i, 0)),
            pl.BlockSpec((1, g), lambda i: (0, 0)),
            pl.BlockSpec((1, g), lambda i: (0, 0)),
            pl.BlockSpec(gamma.shape, lambda i: (0, 0)),
            pl.BlockSpec(beta.shape, lambda i: (0, 0)),
            pl.BlockSpec(WsT.shape, lambda i: (0, 0)),
            pl.BlockSpec(bs.shape, lambda i: (0, 0)),
            pl.BlockSpec(Wf1loT.shape, lambda i: (0, 0)),
            pl.BlockSpec(Wf1hiT.shape, lambda i: (0, 0)),
            pl.BlockSpec(Wf2T.shape, lambda i: (0, 0)),
        ],
        out_specs=pl.BlockSpec((be, d), lambda i: (i, 0)),
        out_shape=jax.ShapeDtypeStruct((e, d), jnp.float32),
    )(jp, spatial, dstc, lo, hi, gamma, beta, WsT, bs,
      Wf1loT, Wf1hiT, Wf2T)



def _sc_gather(h, src3, dst3):
    n, d = h.shape
    kw = src3.shape[1]
    e = NW * kw * CHUNK
    mesh = plsc.VectorSubcoreMesh(core_axis_name="c", subcore_axis_name="s")

    assert kw % 2 == 1
    npairs = (kw - 1) // 2
    dh = d // 2

    @functools.partial(
        pl.kernel,
        mesh=mesh,
        out_type=jax.ShapeDtypeStruct((e, dh), jnp.int32),
        scratch_types=[
            pltpu.VMEM((kw, CHUNK), jnp.int32),
            pltpu.VMEM((kw, CHUNK), jnp.int32),
            pltpu.VMEM((2, CHUNK, d), jnp.float32),
            pltpu.VMEM((2, CHUNK, d), jnp.float32),
            pltpu.VMEM((2, CHUNK, dh), jnp.int32),
            pltpu.SemaphoreType.DMA,
            pltpu.SemaphoreType.DMA,
            pltpu.SemaphoreType.DMA,
            pltpu.SemaphoreType.DMA,
        ],
    )
    def k(h_hbm, src_hbm, dst_hbm, joint_hbm,
          src_v, dst_v, rows_i, rows_j, prod,
          sem_a, sem_b, st_a, st_b):
        wid = lax.axis_index("s") * NC + lax.axis_index("c")
        row0 = wid * kw
        pltpu.sync_copy(src_hbm.at[wid], src_v)
        pltpu.sync_copy(dst_hbm.at[wid], dst_v)

        sems = (sem_a, sem_b)
        st_sems = (st_a, st_b)

        def issue(kk, buf):
            pltpu.async_copy(h_hbm.at[src_v.at[kk]], rows_i.at[buf],
                             sems[buf])
            pltpu.async_copy(h_hbm.at[dst_v.at[kk]], rows_j.at[buf],
                             sems[buf])

        def drain(kk, buf):
            pltpu.make_async_copy(h_hbm.at[src_v.at[kk]], rows_i.at[buf],
                                  sems[buf]).wait()
            pltpu.make_async_copy(h_hbm.at[dst_v.at[kk]], rows_j.at[buf],
                                  sems[buf]).wait()

        def out_slice(kk):
            return joint_hbm.at[pl.ds((row0 + kk) * CHUNK, CHUNK), :]

        def rne(f):
            u = lax.bitcast_convert_type(f, jnp.int32)
            return lax.shift_right_logical(
                u + 0x7FFF + (lax.shift_right_logical(u, 16) & 1), 16)

        def process(kk, buf, first):
            drain(kk, buf)
            if not first:
                pltpu.make_async_copy(prod.at[buf], out_slice(kk),
                                      st_sems[buf]).wait()

            def mul_row(r, c2):
                for c in range(dh // 16):
                    sa = pl.ds(c * 16, 16)
                    sb = pl.ds(dh + c * 16, 16)
                    pa = rows_i[buf, r, sa] * rows_j[buf, r, sa]
                    pb = rows_i[buf, r, sb] * rows_j[buf, r, sb]
                    prod[buf, r, sa] = rne(pa) | lax.shift_left(rne(pb), 16)
                return c2

            lax.fori_loop(0, CHUNK, mul_row, 0)
            pltpu.async_copy(prod.at[buf], out_slice(kk), st_sems[buf])

        issue(0, 0)
        issue(1, 1)
        process(0, 0, True)
        issue(2, 0)
        process(1, 1, True)
        issue(3, 1)

        def body(t, carry):
            k0 = 2 * t + 2
            process(k0, 0, False)
            issue(k0 + 2, 0)
            process(k0 + 1, 1, False)
            issue(k0 + 3, 1)
            return carry

        lax.fori_loop(0, npairs - 2, body, 0)
        process(kw - 3, 0, False)
        issue(kw - 1, 0)
        process(kw - 2, 1, False)
        process(kw - 1, 0, False)
        pltpu.make_async_copy(prod.at[0], out_slice(kw - 1), st_a).wait()
        pltpu.make_async_copy(prod.at[1], out_slice(kw - 2), st_b).wait()

    return k(h, src3, dst3)


def _sc_scatter(ef, dst3, n, d):
    kw = dst3.shape[1]
    assert ef.shape[0] == NW * kw * CHUNK and kw % 2 == 1
    npairs = (kw - 1) // 2
    nzc = n // CHUNK
    zper = -(-nzc // NS)
    mesh = plsc.VectorSubcoreMesh(core_axis_name="c", subcore_axis_name="s")

    @functools.partial(
        pl.kernel,
        mesh=mesh,
        out_type=jax.ShapeDtypeStruct((NC, n, d), jnp.float32),
        scratch_types=[
            pltpu.VMEM_SHARED((n, d), jnp.float32),
            pltpu.VMEM((kw, CHUNK), jnp.int32),
            pltpu.VMEM((2, CHUNK, d), jnp.float32),
            pltpu.SemaphoreType.DMA,
            pltpu.SemaphoreType.DMA,
        ],
    )
    def k(ef_hbm, dst_hbm, out_hbm, acc, dst_v, rows_v, sem_a, sem_b):
        cid = lax.axis_index("c")
        sid = lax.axis_index("s")
        wid = sid * NC + cid
        row0 = wid * kw
        sems = (sem_a, sem_b)

        def zrow(r, c2):
            for c8 in range(d // 16):
                rows_v[0, r, pl.ds(c8 * 16, 16)] = jnp.zeros((16,),
                                                             jnp.float32)
            return c2

        lax.fori_loop(0, CHUNK, zrow, 0)
        for j in range(zper):
            ch = sid + j * NS
            @pl.when(ch < nzc)
            def _():
                pltpu.sync_copy(rows_v.at[0],
                                acc.at[pl.ds(ch * CHUNK, CHUNK), :])
        plsc.subcore_barrier()

        pltpu.sync_copy(dst_hbm.at[wid], dst_v)

        def ef_slice(kk):
            return ef_hbm.at[pl.ds((row0 + kk) * CHUNK, CHUNK), :]

        def issue(kk, buf):
            pltpu.async_copy(ef_slice(kk), rows_v.at[buf], sems[buf])

        def drain(kk, buf):
            pltpu.make_async_copy(ef_slice(kk), rows_v.at[buf],
                                  sems[buf]).wait()

        def scat(kk, buf):
            pltpu.sync_copy(rows_v.at[buf], acc.at[dst_v.at[kk]], add=True)

        issue(0, 0)

        def body(t, carry):
            k0 = 2 * t
            issue(k0 + 1, 1)
            drain(k0, 0)
            scat(k0, 0)
            issue(k0 + 2, 0)
            drain(k0 + 1, 1)
            scat(k0 + 1, 1)
            return carry

        lax.fori_loop(0, npairs, body, 0)
        drain(kw - 1, 0)
        scat(kw - 1, 0)
        plsc.subcore_barrier()

        for j in range(zper):
            ch = sid + j * NS
            @pl.when(ch < nzc)
            def _():
                pltpu.sync_copy(acc.at[pl.ds(ch * CHUNK, CHUNK), :],
                                rows_v.at[0])
                pltpu.sync_copy(rows_v.at[0],
                                out_hbm.at[cid, pl.ds(ch * CHUNK, CHUNK), :])

    return k(ef, dst3)



def kernel(node_feats, cond_feats, edge_index, batch_ids, spatial_feats,
           W_node, b_node, W_s, b_s, W_cond, b_cond, W_film):
    n, dd = node_feats.shape
    e = edge_index.shape[1]

    h = _node_proj(node_feats, W_node.T, b_node.reshape(1, -1))
    gamma, beta, lo, hi = _film_params(cond_feats, W_cond.T,
                                       b_cond.reshape(1, -1), dd,
                                       batch_ids.reshape(n, 1))

    kw = e // (NW * CHUNK)
    src3 = edge_index[0].reshape(NW, kw, CHUNK)
    dst3 = edge_index[1].reshape(NW, kw, CHUNK)
    jp = _sc_gather(h, src3, dst3)
    wf1 = W_film[:, :dd].T
    ef = _edge_mlp(jp, spatial_feats, edge_index[1].reshape(e, 1),
                   lo, hi, gamma, beta, W_s.T, b_s.reshape(1, -1),
                   wf1[:dd // 2], wf1[dd // 2:], W_film[:, dd:].T)

    parts = _sc_scatter(ef, dst3, n, dd)
    return parts[0] + parts[1]

# --- scband reference (transcript-rebuilt; emitter-appended) ---
"""Pipeline reference for scband-cond-graph-conv-75952201663111 (READ-ONLY COPY).

The authoritative reference and input builder live on the scoring server;
editing this copy changes nothing except your own understanding.
"""

import jax, jax.numpy as jnp
import numpy as np

N = 10000
E = 320000
D = 128
COND = 1024
EDGE = 128
G = 64
S_IN = 8
S_HID = 30


def setup_inputs(seed: int = 0) -> dict:
    key = jax.random.key(seed)
    ks = jax.random.split(key, 12)
    node_feats = jax.random.normal(ks[0], (N, D), dtype=jnp.float32)
    cond_feats = jax.random.normal(ks[1], (G, COND), dtype=jnp.float32)
    edge_index = jax.random.randint(ks[2], (2, E), 0, N, dtype=jnp.int32)
    batch_ids = jnp.sort(jax.random.randint(ks[3], (N,), 0, G, dtype=jnp.int32))
    spatial_feats = jax.random.uniform(ks[4], (E, S_IN), dtype=jnp.float32)
    # learned params (weight_norm Linear collapsed to effective weight at init)
    W_node = jax.random.normal(ks[5], (EDGE, D), dtype=jnp.float32) * (1.0 / np.sqrt(D))
    b_node = jnp.zeros((EDGE,), dtype=jnp.float32)
    W_s = jax.random.normal(ks[6], (S_HID, S_IN), dtype=jnp.float32) * (1.0 / np.sqrt(S_IN))
    b_s = jnp.zeros((S_HID,), dtype=jnp.float32)
    W_cond = jax.random.normal(ks[7], (2 * EDGE, COND), dtype=jnp.float32) * (1.0 / np.sqrt(COND))
    b_cond = jnp.zeros((2 * EDGE,), dtype=jnp.float32)
    W_film = jax.random.normal(ks[8], (EDGE, EDGE + S_HID), dtype=jnp.float32) * (1.0 / np.sqrt(EDGE + S_HID))
    return {
        'node_feats': node_feats,
        'cond_feats': cond_feats,
        'edge_index': edge_index,
        'batch_ids': batch_ids,
        'spatial_feats': spatial_feats,
        'W_node': W_node, 'b_node': b_node,
        'W_s': W_s, 'b_s': b_s,
        'W_cond': W_cond, 'b_cond': b_cond,
        'W_film': W_film,
    }


def reference(node_feats, cond_feats, edge_index, batch_ids, spatial_feats,
              W_node, b_node, W_s, b_s, W_cond, b_cond, W_film):
    # node projection (Linear + ReLU), dropout=0 is identity in eval
    h = jax.nn.relu(node_feats @ W_node.T + b_node)
    src = edge_index[0]
    dst = edge_index[1]
    # gather endpoint features (SparseCore gather)
    h_i = jnp.take(h, src, axis=0)
    h_j = jnp.take(h, dst, axis=0)
    # n2n_method == 'mul'
    joint = h_i * h_j
    # edge spatial linear (8 -> 30) + ReLU
    s = jax.nn.relu(spatial_feats @ W_s.T + b_s)
    joint = jnp.concatenate([joint, s], axis=-1)
    # FiLM fusion: cond -> gamma/beta, gathered per-edge via batch ids of dst node
    gb = cond_feats @ W_cond.T + b_cond
    gamma, beta = jnp.split(gb, 2, axis=-1)
    gamma = gamma + 1.0
    edge_batch_ids = jnp.take(batch_ids, dst, axis=0)
    x = joint @ W_film.T  # no bias
    # LayerNorm without affine
    mu = jnp.mean(x, axis=-1, keepdims=True)
    var = jnp.var(x, axis=-1, keepdims=True)
    x = (x - mu) / jnp.sqrt(var + 1e-5)
    x = x * jnp.take(gamma, edge_batch_ids, axis=0) + jnp.take(beta, edge_batch_ids, axis=0)
    edge_feats = jax.nn.relu(x)
    # message passing: scatter-add edge features to destination nodes
    out = jax.ops.segment_sum(edge_feats, dst, num_segments=N)
    return out

if __name__ == "__main__":
    import jax
    _d = setup_inputs()
    print(jax.jit(kernel)(*tuple(_d.values())))

</pallas_src>

<mosaic_0001>
#map = affine_map<(d0, d1) -> (0, 0)>
#map1 = affine_map<(d0, d1) -> (0, 0, 0)>
module attributes {stable_mosaic.version = 14 : i64} {
  func.func @k(%arg0: i32, %arg1: i32, %arg2: memref<10000x128xf32, #tpu.memory_space<hbm>>, %arg3: memref<32x125x80xi32, #tpu.memory_space<hbm>>, %arg4: memref<32x125x80xi32, #tpu.memory_space<hbm>>, %arg5: memref<320000x64xi32, #tpu.memory_space<hbm>>, %arg6: memref<125x80xi32, #tpu.memory_space<vmem>>, %arg7: memref<125x80xi32, #tpu.memory_space<vmem>>, %arg8: memref<2x80x128xf32, #tpu.memory_space<vmem>>, %arg9: memref<2x80x128xf32, #tpu.memory_space<vmem>>, %arg10: memref<2x80x64xi32, #tpu.memory_space<vmem>>, %arg11: memref<!tpu.dma_semaphore, #tpu.memory_space<semaphore_mem>>, %arg12: memref<!tpu.dma_semaphore, #tpu.memory_space<semaphore_mem>>, %arg13: memref<!tpu.dma_semaphore, #tpu.memory_space<semaphore_mem>>, %arg14: memref<!tpu.dma_semaphore, #tpu.memory_space<semaphore_mem>>) attributes {dimension_semantics = [#tpu.dimension_semantics<core_parallel>, #tpu.dimension_semantics<subcore_parallel>], iteration_bounds = array<i64: 2, 16>, scalar_prefetch = 0 : i64, scratch_operands = 9 : i64, tpu.core_type = #tpu.core_type<sc_vector_subcore>, window_params = [{transform_indices = #map}, {transform_indices = #map1}, {transform_indices = #map1}, {transform_indices = #map}]} {
    %mul3A = arith.constant 2 : i32
    %mul3A_0 = arith.muli %arg1, %mul3A : i32
    %add3A = arith.addi %mul3A_0, %arg0 : i32
    %mul3A_1 = arith.constant 125 : i32
    %mul3A_2 = arith.muli %add3A, %mul3A_1 : i32
    "tpu.region"() ({
      %run_scoped3A = tpu.sem_alloc : memref<!tpu.dma_semaphore, #tpu.memory_space<semaphore_mem>>
      %dma_start3A_446 = arith.constant 0 : i32
      %dma_start3A_447 = arith.constant 0 : i32
      %dma_start3A_448 = tpu.memref_slice %arg3[%add3A, %dma_start3A_446, %dma_start3A_447] : memref<32x125x80xi32, #tpu.memory_space<hbm>> -> memref<1x125x80xi32, #tpu.memory_space<hbm>>
      %dma_start3A_449 = tpu.memref_squeeze %dma_start3A_448 : memref<1x125x80xi32, #tpu.memory_space<hbm>> -> memref<125x80xi32, #tpu.memory_space<hbm>>
      %dma_start3A_450 = arith.constant 0 : i32
      %dma_start3A_451 = arith.constant 0 : i32
      %dma_start3A_452 = tpu.memref_slice %arg3[%add3A, %dma_start3A_450, %dma_start3A_451] : memref<32x125x80xi32, #tpu.memory_space<hbm>> -> memref<1x125x80xi32, #tpu.memory_space<hbm>>
      %dma_start3A_453 = tpu.memref_squeeze %dma_start3A_452 : memref<1x125x80xi32, #tpu.memory_space<hbm>> -> memref<125x80xi32, #tpu.memory_space<hbm>>
      tpu.enqueue_dma source(%dma_start3A_453 : memref<125x80xi32, #tpu.memory_space<hbm>>) target(%arg6 : memref<125x80xi32, #tpu.memory_space<vmem>>) target_semaphore(%run_scoped3A : memref<!tpu.dma_semaphore, #tpu.memory_space<semaphore_mem>>)
      %dma_wait3A_454 = arith.constant 0 : i32
      %dma_wait3A_455 = arith.constant 0 : i32
      %dma_wait3A_456 = tpu.memref_slice %arg3[%add3A, %dma_wait3A_454, %dma_wait3A_455] : memref<32x125x80xi32, #tpu.memory_space<hbm>> -> memref<1x125x80xi32, #tpu.memory_space<hbm>>
      %dma_wait3A_457 = tpu.memref_squeeze %dma_wait3A_456 : memref<1x125x80xi32, #tpu.memory_space<hbm>> -> memref<125x80xi32, #tpu.memory_space<hbm>>
      %dma_wait3A_458 = arith.constant 0 : i32
      %dma_wait3A_459 = arith.constant 0 : i32
      %dma_wait3A_460 = tpu.memref_slice %arg3[%add3A, %dma_wait3A_458, %dma_wait3A_459] : memref<32x125x80xi32, #tpu.memory_space<hbm>> -> memref<1x125x80xi32, #tpu.memory_space<hbm>>
      %dma_wait3A_461 = tpu.memref_squeeze %dma_wait3A_460 : memref<1x125x80xi32, #tpu.memory_space<hbm>> -> memref<125x80xi32, #tpu.memory_space<hbm>>
      tpu.wait_dma2 semaphore(%run_scoped3A : memref<!tpu.dma_semaphore, #tpu.memory_space<semaphore_mem>>) src(%dma_wait3A_461 : memref<125x80xi32, #tpu.memory_space<hbm>>) dst(%arg6 : memref<125x80xi32, #tpu.memory_space<vmem>>)
      tpu.yield
    }) : () -> ()
    "tpu.region"() ({
      %run_scoped3A = tpu.sem_alloc : memref<!tpu.dma_semaphore, #tpu.memory_space<semaphore_mem>>
      %dma_start3A_446 = arith.constant 0 : i32
      %dma_start3A_447 = arith.constant 0 : i32
      %dma_start3A_448 = tpu.memref_slice %arg4[%add3A, %dma_start3A_446, %dma_start3A_447] : memref<32x125x80xi32, #tpu.memory_space<hbm>> -> memref<1x125x80xi32, #tpu.memory_space<hbm>>
      %dma_start3A_449 = tpu.memref_squeeze %dma_start3A_448 : memref<1x125x80xi32, #tpu.memory_space<hbm>> -> memref<125x80xi32, #tpu.memory_space<hbm>>
      %dma_start3A_450 = arith.constant 0 : i32
      %dma_start3A_451 = arith.constant 0 : i32
      %dma_start3A_452 = tpu.memref_slice %arg4[%add3A, %dma_start3A_450, %dma_start3A_451] : memref<32x125x80xi32, #tpu.memory_space<hbm>> -> memref<1x125x80xi32, #tpu.memory_space<hbm>>
      %dma_start3A_453 = tpu.memref_squeeze %dma_start3A_452 : memref<1x125x80xi32, #tpu.memory_space<hbm>> -> memref<125x80xi32, #tpu.memory_space<hbm>>
      tpu.enqueue_dma source(%dma_start3A_453 : memref<125x80xi32, #tpu.memory_space<hbm>>) target(%arg7 : memref<125x80xi32, #tpu.memory_space<vmem>>) target_semaphore(%run_scoped3A : memref<!tpu.dma_semaphore, #tpu.memory_space<semaphore_mem>>)
      %dma_wait3A_454 = arith.constant 0 : i32
      %dma_wait3A_455 = arith.constant 0 : i32
      %dma_wait3A_456 = tpu.memref_slice %arg4[%add3A, %dma_wait3A_454, %dma_wait3A_455] : memref<32x125x80xi32, #tpu.memory_space<hbm>> -> memref<1x125x80xi32, #tpu.memory_space<hbm>>
      %dma_wait3A_457 = tpu.memref_squeeze %dma_wait3A_456 : memref<1x125x80xi32, #tpu.memory_space<hbm>> -> memref<125x80xi32, #tpu.memory_space<hbm>>
      %dma_wait3A_458 = arith.constant 0 : i32
      %dma_wait3A_459 = arith.constant 0 : i32
      %dma_wait3A_460 = tpu.memref_slice %arg4[%add3A, %dma_wait3A_458, %dma_wait3A_459] : memref<32x125x80xi32, #tpu.memory_space<hbm>> -> memref<1x125x80xi32, #tpu.memory_space<hbm>>
      %dma_wait3A_461 = tpu.memref_squeeze %dma_wait3A_460 : memref<1x125x80xi32, #tpu.memory_space<hbm>> -> memref<125x80xi32, #tpu.memory_space<hbm>>
      tpu.wait_dma2 semaphore(%run_scoped3A : memref<!tpu.dma_semaphore, #tpu.memory_space<semaphore_mem>>) src(%dma_wait3A_461 : memref<125x80xi32, #tpu.memory_space<hbm>>) dst(%arg7 : memref<125x80xi32, #tpu.memory_space<vmem>>)
      tpu.yield
    }) : () -> ()
    %dma_start3A = arith.constant 0 : i32
    %dma_start3A_3 = arith.constant 0 : i32
    %dma_start3A_4 = arith.constant 0 : i32
    %dma_start3A_5 = arith.constant 0 : i32
    %dma_start3A_6 = tpu.memref_slice %arg8[%dma_start3A_3, %dma_start3A_4, %dma_start3A_5] : memref<2x80x128xf32, #tpu.memory_space<vmem>> -> memref<1x80x128xf32, #tpu.memory_space<vmem>>
    %dma_start3A_7 = tpu.memref_squeeze %dma_start3A_6 : memref<1x80x128xf32, #tpu.memory_space<vmem>> -> memref<80x128xf32, #tpu.memory_space<vmem>>
    %dma_start3A_8 = arith.constant 0 : i32
    %dma_start3A_9 = tpu.memref_slice %arg6[%dma_start3A, %dma_start3A_8] : memref<125x80xi32, #tpu.memory_space<vmem>> -> memref<1x80xi32, #tpu.memory_space<vmem>>
    %dma_start3A_10 = tpu.memref_squeeze %dma_start3A_9 : memref<1x80xi32, #tpu.memory_space<vmem>> -> memref<80xi32, #tpu.memory_space<vmem>>
    %dma_start3A_11 = arith.constant 0 : i32
    %dma_start3A_12 = arith.constant 0 : i32
    %dma_start3A_13 = tpu.memref_slice %arg2[%dma_start3A_11, %dma_start3A_12] : memref<10000x128xf32, #tpu.memory_space<hbm>> -> memref<10000x128xf32, #tpu.memory_space<hbm>>
    tpu.enqueue_indirect_dma source(%dma_start3A_13 : memref<10000x128xf32, #tpu.memory_space<hbm>>) target(%dma_start3A_7 : memref<80x128xf32, #tpu.memory_space<vmem>>) offsets(%dma_start3A_10 : memref<80xi32, #tpu.memory_space<vmem>>) semaphore(%arg11 : memref<!tpu.dma_semaphore, #tpu.memory_space<semaphore_mem>>)
    %dma_start3A_14 = arith.constant 0 : i32
    %dma_start3A_15 = arith.constant 0 : i32
    %dma_start3A_16 = arith.constant 0 : i32
    %dma_start3A_17 = arith.constant 0 : i32
    %dma_start3A_18 = tpu.memref_slice %arg9[%dma_start3A_15, %dma_start3A_16, %dma_start3A_17] : memref<2x80x128xf32, #tpu.memory_space<vmem>> -> memref<1x80x128xf32, #tpu.memory_space<vmem>>
    %dma_start3A_19 = tpu.memref_squeeze %dma_start3A_18 : memref<1x80x128xf32, #tpu.memory_space<vmem>> -> memref<80x128xf32, #tpu.memory_space<vmem>>
    %dma_start3A_20 = arith.constant 0 : i32
    %dma_start3A_21 = tpu.memref_slice %arg7[%dma_start3A_14, %dma_start3A_20] : memref<125x80xi32, #tpu.memory_space<vmem>> -> memref<1x80xi32, #tpu.memory_space<vmem>>
    %dma_start3A_22 = tpu.memref_squeeze %dma_start3A_21 : memref<1x80xi32, #tpu.memory_space<vmem>> -> memref<80xi32, #tpu.memory_space<vmem>>
    %dma_start3A_23 = arith.constant 0 : i32
    %dma_start3A_24 = arith.constant 0 : i32
    %dma_start3A_25 = tpu.memref_slice %arg2[%dma_start3A_23, %dma_start3A_24] : memref<10000x128xf32, #tpu.memory_space<hbm>> -> memref<10000x128xf32, #tpu.memory_space<hbm>>
    tpu.enqueue_indirect_dma source(%dma_start3A_25 : memref<10000x128xf32, #tpu.memory_space<hbm>>) target(%dma_start3A_19 : memref<80x128xf32, #tpu.memory_space<vmem>>) offsets(%dma_start3A_22 : memref<80xi32, #tpu.memory_space<vmem>>) semaphore(%arg11 : memref<!tpu.dma_semaphore, #tpu.memory_space<semaphore_mem>>)
    %dma_start3A_26 = arith.constant 1 : i32
    %dma_start3A_27 = arith.constant 1 : i32
    %dma_start3A_28 = arith.constant 0 : i32
    %dma_start3A_29 = arith.constant 0 : i32
    %dma_start3A_30 = tpu.memref_slice %arg8[%dma_start3A_27, %dma_start3A_28, %dma_start3A_29] : memref<2x80x128xf32, #tpu.memory_space<vmem>> -> memref<1x80x128xf32, #tpu.memory_space<vmem>>
    %dma_start3A_31 = tpu.memref_squeeze %dma_start3A_30 : memref<1x80x128xf32, #tpu.memory_space<vmem>> -> memref<80x128xf32, #tpu.memory_space<vmem>>
    %dma_start3A_32 = arith.constant 0 : i32
    %dma_start3A_33 = tpu.memref_slice %arg6[%dma_start3A_26, %dma_start3A_32] : memref<125x80xi32, #tpu.memory_space<vmem>> -> memref<1x80xi32, #tpu.memory_space<vmem>>
    %dma_start3A_34 = tpu.memref_squeeze %dma_start3A_33 : memref<1x80xi32, #tpu.memory_space<vmem>> -> memref<80xi32, #tpu.memory_space<vmem>>
    %dma_start3A_35 = arith.constant 0 : i32
    %dma_start3A_36 = arith.constant 0 : i32
    %dma_start3A_37 = tpu.memref_slice %arg2[%dma_start3A_35, %dma_start3A_36] : memref<10000x128xf32, #tpu.memory_space<hbm>> -> memref<10000x128xf32, #tpu.memory_space<hbm>>
    tpu.enqueue_indirect_dma source(%dma_start3A_37 : memref<10000x128xf32, #tpu.memory_space<hbm>>) target(%dma_start3A_31 : memref<80x128xf32, #tpu.memory_space<vmem>>) offsets(%dma_start3A_34 : memref<80xi32, #tpu.memory_space<vmem>>) semaphore(%arg12 : memref<!tpu.dma_semaphore, #tpu.memory_space<semaphore_mem>>)
    %dma_start3A_38 = arith.constant 1 : i32
    %dma_start3A_39 = arith.constant 1 : i32
    %dma_start3A_40 = arith.constant 0 : i32
    %dma_start3A_41 = arith.constant 0 : i32
    %dma_start3A_42 = tpu.memref_slice %arg9[%dma_start3A_39, %dma_start3A_40, %dma_start3A_41] : memref<2x80x128xf32, #tpu.memory_space<vmem>> -> memref<1x80x128xf32, #tpu.memory_space<vmem>>
    %dma_start3A_43 = tpu.memref_squeeze %dma_start3A_42 : memref<1x80x128xf32, #tpu.memory_space<vmem>> -> memref<80x128xf32, #tpu.memory_space<vmem>>
    %dma_start3A_44 = arith.constant 0 : i32
    %dma_start3A_45 = tpu.memref_slice %arg7[%dma_start3A_38, %dma_start3A_44] : memref<125x80xi32, #tpu.memory_space<vmem>> -> memref<1x80xi32, #tpu.memory_space<vmem>>
    %dma_start3A_46 = tpu.memref_squeeze %dma_start3A_45 : memref<1x80xi32, #tpu.memory_space<vmem>> -> memref<80xi32, #tpu.memory_space<vmem>>
    %dma_start3A_47 = arith.constant 0 : i32
    %dma_start3A_48 = arith.constant 0 : i32
    %dma_start3A_49 = tpu.memref_slice %arg2[%dma_start3A_47, %dma_start3A_48] : memref<10000x128xf32, #tpu.memory_space<hbm>> -> memref<10000x128xf32, #tpu.memory_space<hbm>>
    tpu.enqueue_indirect_dma source(%dma_start3A_49 : memref<10000x128xf32, #tpu.memory_space<hbm>>) target(%dma_start3A_43 : memref<80x128xf32, #tpu.memory_space<vmem>>) offsets(%dma_start3A_46 : memref<80xi32, #tpu.memory_space<vmem>>) semaphore(%arg12 : memref<!tpu.dma_semaphore, #tpu.memory_space<semaphore_mem>>)
    %dma_wait3A = arith.constant 0 : i32
    %dma_wait3A_50 = arith.constant 0 : i32
    %dma_wait3A_51 = arith.constant 0 : i32
    %dma_wait3A_52 = arith.constant 0 : i32
    %dma_wait3A_53 = tpu.memref_slice %arg8[%dma_wait3A_50, %dma_wait3A_51, %dma_wait3A_52] : memref<2x80x128xf32, #tpu.memory_space<vmem>> -> memref<1x80x128xf32, #tpu.memory_space<vmem>>
    %dma_wait3A_54 = tpu.memref_squeeze %dma_wait3A_53 : memref<1x80x128xf32, #tpu.memory_space<vmem>> -> memref<80x128xf32, #tpu.memory_space<vmem>>
    %dma_wait3A_55 = arith.constant 0 : i32
    %dma_wait3A_56 = tpu.memref_slice %arg6[%dma_wait3A, %dma_wait3A_55] : memref<125x80xi32, #tpu.memory_space<vmem>> -> memref<1x80xi32, #tpu.memory_space<vmem>>
    %dma_wait3A_57 = tpu.memref_squeeze %dma_wait3A_56 : memref<1x80xi32, #tpu.memory_space<vmem>> -> memref<80xi32, #tpu.memory_space<vmem>>
    %dma_wait3A_58 = arith.constant 0 : i32
    %dma_wait3A_59 = arith.constant 0 : i32
    %dma_wait3A_60 = tpu.memref_slice %arg2[%dma_wait3A_58, %dma_wait3A_59] : memref<10000x128xf32, #tpu.memory_space<hbm>> -> memref<10000x128xf32, #tpu.memory_space<hbm>>
    tpu.wait_indirect_dma semaphore(%arg11 : memref<!tpu.dma_semaphore, #tpu.memory_space<semaphore_mem>>) src(%dma_wait3A_60 : memref<10000x128xf32, #tpu.memory_space<hbm>>) dst(%dma_wait3A_54 : memref<80x128xf32, #tpu.memory_space<vmem>>)
    %dma_wait3A_61 = arith.constant 0 : i32
    %dma_wait3A_62 = arith.constant 0 : i32
    %dma_wait3A_63 = arith.constant 0 : i32
    %dma_wait3A_64 = arith.constant 0 : i32
    %dma_wait3A_65 = tpu.memref_slice %arg9[%dma_wait3A_62, %dma_wait3A_63, %dma_wait3A_64] : memref<2x80x128xf32, #tpu.memory_space<vmem>> -> memref<1x80x128xf32, #tpu.memory_space<vmem>>
    %dma_wait3A_66 = tpu.memref_squeeze %dma_wait3A_65 : memref<1x80x128xf32, #tpu.memory_space<vmem>> -> memref<80x128xf32, #tpu.memory_space<vmem>>
    %dma_wait3A_67 = arith.constant 0 : i32
    %dma_wait3A_68 = tpu.memref_slice %arg7[%dma_wait3A_61, %dma_wait3A_67] : memref<125x80xi32, #tpu.memory_space<vmem>> -> memref<1x80xi32, #tpu.memory_space<vmem>>
    %dma_wait3A_69 = tpu.memref_squeeze %dma_wait3A_68 : memref<1x80xi32, #tpu.memory_space<vmem>> -> memref<80xi32, #tpu.memory_space<vmem>>
    %dma_wait3A_70 = arith.constant 0 : i32
    %dma_wait3A_71 = arith.constant 0 : i32
    %dma_wait3A_72 = tpu.memref_slice %arg2[%dma_wait3A_70, %dma_wait3A_71] : memref<10000x128xf32, #tpu.memory_space<hbm>> -> memref<10000x128xf32, #tpu.memory_space<hbm>>
    tpu.wait_indirect_dma semaphore(%arg11 : memref<!tpu.dma_semaphore, #tpu.memory_space<semaphore_mem>>) src(%dma_wait3A_72 : memref<10000x128xf32, #tpu.memory_space<hbm>>) dst(%dma_wait3A_66 : memref<80x128xf32, #tpu.memory_space<vmem>>)
    %scan3A = arith.constant 0 : i32
    %scan3A_73 = arith.constant 0 : i32
    %scan3A_74 = arith.constant 80 : i32
    %scan3A_75 = arith.addi %scan3A_73, %scan3A_74 : i32
    %scan3A_76 = arith.constant 1 : i32
    scf.for %scan3A_446 = %scan3A_73 to %scan3A_75 step %scan3A_76  : i32 {
      %get3A = arith.constant 0 : i32
      %get3A_447 = arith.index_cast %get3A : i32 to index
      %get3A_448 = arith.index_cast %scan3A_446 : i32 to index
      %get3A_449 = arith.constant 0 : index
      %get3A_450 = tpu.vector_load %arg8[%get3A_447, %get3A_448, %get3A_449] {strides = array<i32>} : memref<2x80x128xf32, #tpu.memory_space<vmem>>, vector<1x1x16xf32>,
      %get3A_451 = vector.shape_cast %get3A_450 : vector<1x1x16xf32> to vector<16xf32>
      %get3A_452 = arith.constant 0 : i32
      %get3A_453 = arith.index_cast %get3A_452 : i32 to index
      %get3A_454 = arith.index_cast %scan3A_446 : i32 to index
      %get3A_455 = arith.constant 0 : index
      %get3A_456 = tpu.vector_load %arg9[%get3A_453, %get3A_454, %get3A_455] {strides = array<i32>} : memref<2x80x128xf32, #tpu.memory_space<vmem>>, vector<1x1x16xf32>,
      %get3A_457 = vector.shape_cast %get3A_456 : vector<1x1x16xf32> to vector<16xf32>
      %mul3A_458 = arith.mulf %get3A_451, %get3A_457 : vector<16xf32>
      %get3A_459 = arith.constant 0 : i32
      %get3A_460 = arith.index_cast %get3A_459 : i32 to index
      %get3A_461 = arith.index_cast %scan3A_446 : i32 to index
      %get3A_462 = arith.constant 64 : index
      %get3A_463 = tpu.vector_load %arg8[%get3A_460, %get3A_461, %get3A_462] {strides = array<i32>} : memref<2x80x128xf32, #tpu.memory_space<vmem>>, vector<1x1x16xf32>,
      %get3A_464 = vector.shape_cast %get3A_463 : vector<1x1x16xf32> to vector<16xf32>
      %get3A_465 = arith.constant 0 : i32
      %get3A_466 = arith.index_cast %get3A_465 : i32 to index
      %get3A_467 = arith.index_cast %scan3A_446 : i32 to index
      %get3A_468 = arith.constant 64 : index
      %get3A_469 = tpu.vector_load %arg9[%get3A_466, %get3A_467, %get3A_468] {strides = array<i32>} : memref<2x80x128xf32, #tpu.memory_space<vmem>>, vector<1x1x16xf32>,
      %get3A_470 = vector.shape_cast %get3A_469 : vector<1x1x16xf32> to vector<16xf32>
      %mul3A_471 = arith.mulf %get3A_464, %get3A_470 : vector<16xf32>
      %bitcast_convert_type3A = tpu.bitcast %mul3A_458 : vector<16xf32> -> vector<16xi32>
      %add3A_472 = arith.constant 32767 : i32
      %add3A_473 = vector.broadcast %add3A_472 : i32 to vector<16xi32>
      %add3A_474 = arith.addi %bitcast_convert_type3A, %add3A_473 : vector<16xi32>
      %shift_right_logical3A = arith.constant 16 : i32
      %shift_right_logical3A_475 = vector.broadcast %shift_right_logical3A : i32 to vector<16xi32>
      %shift_right_logical3A_476 = arith.shrui %bitcast_convert_type3A, %shift_right_logical3A_475 : vector<16xi32>
      %and3A = arith.constant 1 : i32
      %and3A_477 = vector.broadcast %and3A : i32 to vector<16xi32>
      %and3A_478 = arith.andi %shift_right_logical3A_476, %and3A_477 : vector<16xi32>
      %add3A_479 = arith.addi %add3A_474, %and3A_478 : vector<16xi32>
      %shift_right_logical3A_480 = arith.constant 16 : i32
      %shift_right_logical3A_481 = vector.broadcast %shift_right_logical3A_480 : i32 to vector<16xi32>
      %shift_right_logical3A_482 = arith.shrui %add3A_479, %shift_right_logical3A_481 : vector<16xi32>
      %bitcast_convert_type3A_483 = tpu.bitcast %mul3A_471 : vector<16xf32> -> vector<16xi32>
      %add3A_484 = arith.constant 32767 : i32
      %add3A_485 = vector.broadcast %add3A_484 : i32 to vector<16xi32>
      %add3A_486 = arith.addi %bitcast_convert_type3A_483, %add3A_485 : vector<16xi32>
      %shift_right_logical3A_487 = arith.constant 16 : i32
      %shift_right_logical3A_488 = vector.broadcast %shift_right_logical3A_487 : i32 to vector<16xi32>
      %shift_right_logical3A_489 = arith.shrui %bitcast_convert_type3A_483, %shift_right_logical3A_488 : vector<16xi32>
      %and3A_490 = arith.constant 1 : i32
      %and3A_491 = vector.broadcast %and3A_490 : i32 to vector<16xi32>
      %and3A_492 = arith.andi %shift_right_logical3A_489, %and3A_491 : vector<16xi32>
      %add3A_493 = arith.addi %add3A_486, %and3A_492 : vector<16xi32>
      %shift_right_logical3A_494 = arith.constant 16 : i32
      %shift_right_logical3A_495 = vector.broadcast %shift_right_logical3A_494 : i32 to vector<16xi32>
      %shift_right_logical3A_496 = arith.shrui %add3A_493, %shift_right_logical3A_495 : vector<16xi32>
      %shift_left3A = arith.constant 16 : i32
      %shift_left3A_497 = vector.broadcast %shift_left3A : i32 to vector<16xi32>
      %shift_left3A_498 = arith.shli %shift_right_logical3A_496, %shift_left3A_497 : vector<16xi32>
      %or3A = arith.ori %shift_right_logical3A_482, %shift_left3A_498 : vector<16xi32>
      %swap3A = arith.constant 0 : i32
      %swap3A_499 = arith.index_cast %swap3A : i32 to index
      %swap3A_500 = arith.index_cast %scan3A_446 : i32 to index
      %swap3A_501 = arith.constant 0 : index
      %swap3A_502 = tpu.vector_load %arg10[%swap3A_499, %swap3A_500, %swap3A_501] {strides = array<i32>} : memref<2x80x64xi32, #tpu.memory_space<vmem>>, vector<1x1x16xi32>,
      %swap3A_503 = vector.shape_cast %swap3A_502 : vector<1x1x16xi32> to vector<16xi32>
      %swap3A_504 = vector.shape_cast %or3A : vector<16xi32> to vector<1x1x16xi32>
      tpu.vector_store %arg10[%swap3A_499, %swap3A_500, %swap3A_501], %swap3A_504 {strides = array<i32>} : memref<2x80x64xi32, #tpu.memory_space<vmem>>, vector<1x1x16xi32>,
      %get3A_505 = arith.constant 0 : i32
      %get3A_506 = arith.index_cast %get3A_505 : i32 to index
      %get3A_507 = arith.index_cast %scan3A_446 : i32 to index
      %get3A_508 = arith.constant 16 : index
      %get3A_509 = tpu.vector_load %arg8[%get3A_506, %get3A_507, %get3A_508] {strides = array<i32>} : memref<2x80x128xf32, #tpu.memory_space<vmem>>, vector<1x1x16xf32>,
      %get3A_510 = vector.shape_cast %get3A_509 : vector<1x1x16xf32> to vector<16xf32>
      %get3A_511 = arith.constant 0 : i32
      %get3A_512 = arith.index_cast %get3A_511 : i32 to index
      %get3A_513 = arith.index_cast %scan3A_446 : i32 to index
      %get3A_514 = arith.constant 16 : index
      %get3A_515 = tpu.vector_load %arg9[%get3A_512, %get3A_513, %get3A_514] {strides = array<i32>} : memref<2x80x128xf32, #tpu.memory_space<vmem>>, vector<1x1x16xf32>,
      %get3A_516 = vector.shape_cast %get3A_515 : vector<1x1x16xf32> to vector<16xf32>
      %mul3A_517 = arith.mulf %get3A_510, %get3A_516 : vector<16xf32>
      %get3A_518 = arith.constant 0 : i32
      %get3A_519 = arith.index_cast %get3A_518 : i32 to index
      %get3A_520 = arith.index_cast %scan3A_446 : i32 to index
      %get3A_521 = arith.constant 80 : index
      %get3A_522 = tpu.vector_load %arg8[%get3A_519, %get3A_520, %get3A_521] {strides = array<i32>} : memref<2x80x128xf32, #tpu.memory_space<vmem>>, vector<1x1x16xf32>,
      %get3A_523 = vector.shape_cast %get3A_522 : vector<1x1x16xf32> to vector<16xf32>
      %get3A_524 = arith.constant 0 : i32
      %get3A_525 = arith.index_cast %get3A_524 : i32 to index
      %get3A_526 = arith.index_cast %scan3A_446 : i32 to index
      %get3A_527 = arith.constant 80 : index
      %get3A_528 = tpu.vector_load %arg9[%get3A_525, %get3A_526, %get3A_527] {strides = array<i32>} : memref<2x80x128xf32, #tpu.memory_space<vmem>>, vector<1x1x16xf32>,
      %get3A_529 = vector.shape_cast %get3A_528 : vector<1x1x16xf32> to vector<16xf32>
      %mul3A_530 = arith.mulf %get3A_523, %get3A_529 : vector<16xf32>
      %bitcast_convert_type3A_531 = tpu.bitcast %mul3A_517 : vector<16xf32> -> vector<16xi32>
      %add3A_532 = arith.constant 32767 : i32
      %add3A_533 = vector.broadcast %add3A_532 : i32 to vector<16xi32>
      %add3A_534 = arith.addi %bitcast_convert_type3A_531, %add3A_533 : vector<16xi32>
      %shift_right_logical3A_535 = arith.constant 16 : i32
      %shift_right_logical3A_536 = vector.broadcast %shift_right_logical3A_535 : i32 to vector<16xi32>
      %shift_right_logical3A_537 = arith.shrui %bitcast_convert_type3A_531, %shift_right_logical3A_536 : vector<16xi32>
      %and3A_538 = arith.constant 1 : i32
      %and3A_539 = vector.broadcast %and3A_538 : i32 to vector<16xi32>
      %and3A_540 = arith.andi %shift_right_logical3A_537, %and3A_539 : vector<16xi32>
      %add3A_541 = arith.addi %add3A_534, %and3A_540 : vector<16xi32>
      %shift_right_logical3A_542 = arith.constant 16 : i32
      %shift_right_logical3A_543 = vector.broadcast %shift_right_logical3A_542 : i32 to vector<16xi32>
      %shift_right_logical3A_544 = arith.shrui %add3A_541, %shift_right_logical3A_543 : vector<16xi32>
      %bitcast_convert_type3A_545 = tpu.bitcast %mul3A_530 : vector<16xf32> -> vector<16xi32>
      %add3A_546 = arith.constant 32767 : i32
      %add3A_547 = vector.broadcast %add3A_546 : i32 to vector<16xi32>
      %add3A_548 = arith.addi %bitcast_convert_type3A_545, %add3A_547 : vector<16xi32>
      %shift_right_logical3A_549 = arith.constant 16 : i32
      %shift_right_logical3A_550 = vector.broadcast %shift_right_logical3A_549 : i32 to vector<16xi32>
      %shift_right_logical3A_551 = arith.shrui %bitcast_convert_type3A_545, %shift_right_logical3A_550 : vector<16xi32>
      %and3A_552 = arith.constant 1 : i32
      %and3A_553 = vector.broadcast %and3A_552 : i32 to vector<16xi32>
      %and3A_554 = arith.andi %shift_right_logical3A_551, %and3A_553 : vector<16xi32>
      %add3A_555 = arith.addi %add3A_548, %and3A_554 : vector<16xi32>
      %shift_right_logical3A_556 = arith.constant 16 : i32
      %shift_right_logical3A_557 = vector.broadcast %shift_right_logical3A_556 : i32 to vector<16xi32>
      %shift_right_logical3A_558 = arith.shrui %add3A_555, %shift_right_logical3A_557 : vector<16xi32>
      %shift_left3A_559 = arith.constant 16 : i32
      %shift_left3A_560 = vector.broadcast %shift_left3A_559 : i32 to vector<16xi32>
      %shift_left3A_561 = arith.shli %shift_right_logical3A_558, %shift_left3A_560 : vector<16xi32>
      %or3A_562 = arith.ori %shift_right_logical3A_544, %shift_left3A_561 : vector<16xi32>
      %swap3A_563 = arith.constant 0 : i32
      %swap3A_564 = arith.index_cast %swap3A_563 : i32 to index
      %swap3A_565 = arith.index_cast %scan3A_446 : i32 to index
      %swap3A_566 = arith.constant 16 : index
      %swap3A_567 = tpu.vector_load %arg10[%swap3A_564, %swap3A_565, %swap3A_566] {strides = array<i32>} : memref<2x80x64xi32, #tpu.memory_space<vmem>>, vector<1x1x16xi32>,
      %swap3A_568 = vector.shape_cast %swap3A_567 : vector<1x1x16xi32> to vector<16xi32>
      %swap3A_569 = vector.shape_cast %or3A_562 : vector<16xi32> to vector<1x1x16xi32>
      tpu.vector_store %arg10[%swap3A_564, %swap3A_565, %swap3A_566], %swap3A_569 {strides = array<i32>} : memref<2x80x64xi32, #tpu.memory_space<vmem>>, vector<1x1x16xi32>,
      %get3A_570 = arith.constant 0 : i32
      %get3A_571 = arith.index_cast %get3A_570 : i32 to index
      %get3A_572 = arith.index_cast %scan3A_446 : i32 to index
      %get3A_573 = arith.constant 32 : index
      %get3A_574 = tpu.vector_load %arg8[%get3A_571, %get3A_572, %get3A_573] {strides = array<i32>} : memref<2x80x128xf32, #tpu.memory_space<vmem>>, vector<1x1x16xf32>,
      %get3A_575 = vector.shape_cast %get3A_574 : vector<1x1x16xf32> to vector<16xf32>
      %get3A_576 = arith.constant 0 : i32
      %get3A_577 = arith.index_cast %get3A_576 : i32 to index
      %get3A_578 = arith.index_cast %scan3A_446 : i32 to index
      %get3A_579 = arith.constant 32 : index
      %get3A_580 = tpu.vector_load %arg9[%get3A_577, %get3A_578, %get3A_579] {strides = array<i32>} : memref<2x80x128xf32, #tpu.memory_space<vmem>>, vector<1x1x16xf32>,
      %get3A_581 = vector.shape_cast %get3A_580 : vector<1x1x16xf32> to vector<16xf32>
      %mul3A_582 = arith.mulf %get3A_575, %get3A_581 : vector<16xf32>
      %get3A_583 = arith.constant 0 : i32
      %get3A_584 = arith.index_cast %get3A_583 : i32 to index
      %get3A_585 = arith.index_cast %scan3A_446 : i32 to index
      %get3A_586 = arith.constant 96 : index
      %get3A_587 = tpu.vector_load %arg8[%get3A_584, %get3A_585, %get3A_586] {strides = array<i32>} : memref<2x80x128xf32, #tpu.memory_space<vmem>>, vector<1x1x16xf32>,
      %get3A_588 = vector.shape_cast %get3A_587 : vector<1x1x16xf32> to vector<16xf32>
      %get3A_589 = arith.constant 0 : i32
      %get3A_590 = arith.index_cast %get3A_589 : i32 to index
      %get3A_591 = arith.index_cast %scan3A_446 : i32 to index
      %get3A_592 = arith.constant 96 : index
      %get3A_593 = tpu.vector_load %arg9[%get3A_590, %get3A_591, %get3A_592] {strides = array<i32>} : memref<2x80x128xf32, #tpu.memory_space<vmem>>, vector<1x1x16xf32>,
      %get3A_594 = vector.shape_cast %get3A_593 : vector<1x1x16xf32> to vector<16xf32>
      %mul3A_595 = arith.mulf %get3A_588, %get3A_594 : vector<16xf32>
      %bitcast_convert_type3A_596 = tpu.bitcast %mul3A_582 : vector<16xf32> -> vector<16xi32>
      %add3A_597 = arith.constant 32767 : i32
      %add3A_598 = vector.broadcast %add3A_597 : i32 to vector<16xi32>
      %add3A_599 = arith.addi %bitcast_convert_type3A_596, %add3A_598 : vector<16xi32>
      %shift_right_logical3A_600 = arith.constant 16 : i32
      %shift_right_logical3A_601 = vector.broadcast %shift_right_logical3A_600 : i32 to vector<16xi32>
      %shift_right_logical3A_602 = arith.shrui %bitcast_convert_type3A_596, %shift_right_logical3A_601 : vector<16xi32>
      %and3A_603 = arith.constant 1 : i32
      %and3A_604 = vector.broadcast %and3A_603 : i32 to vector<16xi32>
      %and3A_605 = arith.andi %shift_right_logical3A_602, %and3A_604 : vector<16xi32>
      %add3A_606 = arith.addi %add3A_599, %and3A_605 : vector<16xi32>
      %shift_right_logical3A_607 = arith.constant 16 : i32
      %shift_right_logical3A_608 = vector.broadcast %shift_right_logical3A_607 : i32 to vector<16xi32>
      %shift_right_logical3A_609 = arith.shrui %add3A_606, %shift_right_logical3A_608 : vector<16xi32>
      %bitcast_convert_type3A_610 = tpu.bitcast %mul3A_595 : vector<16xf32> -> vector<16xi32>
      %add3A_611 = arith.constant 32767 : i32
      %add3A_612 = vector.broadcast %add3A_611 : i32 to vector<16xi32>
      %add3A_613 = arith.addi %bitcast_convert_type3A_610, %add3A_612 : vector<16xi32>
      %shift_right_logical3A_614 = arith.constant 16 : i32
      %shift_right_logical3A_615 = vector.broadcast %shift_right_logical3A_614 : i32 to vector<16xi32>
      %shift_right_logical3A_616 = arith.shrui %bitcast_convert_type3A_610, %shift_right_logical3A_615 : vector<16xi32>
      %and3A_617 = arith.constant 1 : i32
      %and3A_618 = vector.broadcast %and3A_617 : i32 to vector<16xi32>
      %and3A_619 = arith.andi %shift_right_logical3A_616, %and3A_618 : vector<16xi32>
      %add3A_620 = arith.addi %add3A_613, %and3A_619 : vector<16xi32>
      %shift_right_logical3A_621 = arith.constant 16 : i32
      %shift_right_logical3A_622 = vector.broadcast %shift_right_logical3A_621 : i32 to vector<16xi32>
      %shift_right_logical3A_623 = arith.shrui %add3A_620, %shift_right_logical3A_622 : vector<16xi32>
      %shift_left3A_624 = arith.constant 16 : i32
      %shift_left3A_625 = vector.broadcast %shift_left3A_624 : i32 to vector<16xi32>
      %shift_left3A_626 = arith.shli %shift_right_logical3A_623, %shift_left3A_625 : vector<16xi32>
      %or3A_627 = arith.ori %shift_right_logical3A_609, %shift_left3A_626 : vector<16xi32>
      %swap3A_628 = arith.constant 0 : i32
      %swap3A_629 = arith.index_cast %swap3A_628 : i32 to index
      %swap3A_630 = arith.index_cast %scan3A_446 : i32 to index
      %swap3A_631 = arith.constant 32 : index
      %swap3A_632 = tpu.vector_load %arg10[%swap3A_629, %swap3A_630, %swap3A_631] {strides = array<i32>} : memref<2x80x64xi32, #tpu.memory_space<vmem>>, vector<1x1x16xi32>,
      %swap3A_633 = vector.shape_cast %swap3A_632 : vector<1x1x16xi32> to vector<16xi32>
      %swap3A_634 = vector.shape_cast %or3A_627 : vector<16xi32> to vector<1x1x16xi32>
      tpu.vector_store %arg10[%swap3A_629, %swap3A_630, %swap3A_631], %swap3A_634 {strides = array<i32>} : memref<2x80x64xi32, #tpu.memory_space<vmem>>, vector<1x1x16xi32>,
      %get3A_635 = arith.constant 0 : i32
      %get3A_636 = arith.index_cast %get3A_635 : i32 to index
      %get3A_637 = arith.index_cast %scan3A_446 : i32 to index
      %get3A_638 = arith.constant 48 : index
      %get3A_639 = tpu.vector_load %arg8[%get3A_636, %get3A_637, %get3A_638] {strides = array<i32>} : memref<2x80x128xf32, #tpu.memory_space<vmem>>, vector<1x1x16xf32>,
      %get3A_640 = vector.shape_cast %get3A_639 : vector<1x1x16xf32> to vector<16xf32>
      %get3A_641 = arith.constant 0 : i32
      %get3A_642 = arith.index_cast %get3A_641 : i32 to index
      %get3A_643 = arith.index_cast %scan3A_446 : i32 to index
      %get3A_644 = arith.constant 48 : index
      %get3A_645 = tpu.vector_load %arg9[%get3A_642, %get3A_643, %get3A_644] {strides = array<i32>} : memref<2x80x128xf32, #tpu.memory_space<vmem>>, vector<1x1x16xf32>,
      %get3A_646 = vector.shape_cast %get3A_645 : vector<1x1x16xf32> to vector<16xf32>
      %mul3A_647 = arith.mulf %get3A_640, %get3A_646 : vector<16xf32>
      %get3A_648 = arith.constant 0 : i32
      %get3A_649 = arith.index_cast %get3A_648 : i32 to index
      %get3A_650 = arith.index_cast %scan3A_446 : i32 to index
      %get3A_651 = arith.constant 112 : index
      %get3A_652 = tpu.vector_load %arg8[%get3A_649, %get3A_650, %get3A_651] {strides = array<i32>} : memref<2x80x128xf32, #tpu.memory_space<vmem>>, vector<1x1x16xf32>,
      %get3A_653 = vector.shape_cast %get3A_652 : vector<1x1x16xf32> to vector<16xf32>
      %get3A_654 = arith.constant 0 : i32
      %get3A_655 = arith.index_cast %get3A_654 : i32 to index
      %get3A_656 = arith.index_cast %scan3A_446 : i32 to index
      %get3A_657 = arith.constant 112 : index
      %get3A_658 = tpu.vector_load %arg9[%get3A_655, %get3A_656, %get3A_657] {strides = array<i32>} : memref<2x80x128xf32, #tpu.memory_space<vmem>>, vector<1x1x16xf32>,
      %get3A_659 = vector.shape_cast %get3A_658 : vector<1x1x16xf32> to vector<16xf32>
      %mul3A_660 = arith.mulf %get3A_653, %get3A_659 : vector<16xf32>
      %bitcast_convert_type3A_661 = tpu.bitcast %mul3A_647 : vector<16xf32> -> vector<16xi32>
      %add3A_662 = arith.constant 32767 : i32
      %add3A_663 = vector.broadcast %add3A_662 : i32 to vector<16xi32>
      %add3A_664 = arith.addi %bitcast_convert_type3A_661, %add3A_663 : vector<16xi32>
      %shift_right_logical3A_665 = arith.constant 16 : i32
      %shift_right_logical3A_666 = vector.broadcast %shift_right_logical3A_665 : i32 to vector<16xi32>
      %shift_right_logical3A_667 = arith.shrui %bitcast_convert_type3A_661, %shift_right_logical3A_666 : vector<16xi32>
      %and3A_668 = arith.constant 1 : i32
      %and3A_669 = vector.broadcast %and3A_668 : i32 to vector<16xi32>
      %and3A_670 = arith.andi %shift_right_logical3A_667, %and3A_669 : vector<16xi32>
      %add3A_671 = arith.addi %add3A_664, %and3A_670 : vector<16xi32>
      %shift_right_logical3A_672 = arith.constant 16 : i32
      %shift_right_logical3A_673 = vector.broadcast %shift_right_logical3A_672 : i32 to vector<16xi32>
      %shift_right_logical3A_674 = arith.shrui %add3A_671, %shift_right_logical3A_673 : vector<16xi32>
      %bitcast_convert_type3A_675 = tpu.bitcast %mul3A_660 : vector<16xf32> -> vector<16xi32>
      %add3A_676 = arith.constant 32767 : i32
      %add3A_677 = vector.broadcast %add3A_676 : i32 to vector<16xi32>
      %add3A_678 = arith.addi %bitcast_convert_type3A_675, %add3A_677 : vector<16xi32>
      %shift_right_logical3A_679 = arith.constant 16 : i32
      %shift_right_logical3A_680 = vector.broadcast %shift_right_logical3A_679 : i32 to vector<16xi32>
      %shift_right_logical3A_681 = arith.shrui %bitcast_convert_type3A_675, %shift_right_logical3A_680 : vector<16xi32>
      %and3A_682 = arith.constant 1 : i32
      %and3A_683 = vector.broadcast %and3A_682 : i32 to vector<16xi32>
      %and3A_684 = arith.andi %shift_right_logical3A_681, %and3A_683 : vector<16xi32>
      %add3A_685 = arith.addi %add3A_678, %and3A_684 : vector<16xi32>
      %shift_right_logical3A_686 = arith.constant 16 : i32
      %shift_right_logical3A_687 = vector.broadcast %shift_right_logical3A_686 : i32 to vector<16xi32>
      %shift_right_logical3A_688 = arith.shrui %add3A_685, %shift_right_logical3A_687 : vector<16xi32>
      %shift_left3A_689 = arith.constant 16 : i32
      %shift_left3A_690 = vector.broadcast %shift_left3A_689 : i32 to vector<16xi32>
      %shift_left3A_691 = arith.shli %shift_right_logical3A_688, %shift_left3A_690 : vector<16xi32>
      %or3A_692 = arith.ori %shift_right_logical3A_674, %shift_left3A_691 : vector<16xi32>
      %swap3A_693 = arith.constant 0 : i32
      %swap3A_694 = arith.index_cast %swap3A_693 : i32 to index
      %swap3A_695 = arith.index_cast %scan3A_446 : i32 to index
      %swap3A_696 = arith.constant 48 : index
      %swap3A_697 = tpu.vector_load %arg10[%swap3A_694, %swap3A_695, %swap3A_696] {strides = array<i32>} : memref<2x80x64xi32, #tpu.memory_space<vmem>>, vector<1x1x16xi32>,
      %swap3A_698 = vector.shape_cast %swap3A_697 : vector<1x1x16xi32> to vector<16xi32>
      %swap3A_699 = vector.shape_cast %or3A_692 : vector<16xi32> to vector<1x1x16xi32>
      tpu.vector_store %arg10[%swap3A_694, %swap3A_695, %swap3A_696], %swap3A_699 {strides = array<i32>} : memref<2x80x64xi32, #tpu.memory_space<vmem>>, vector<1x1x16xi32>,
    }
    %scan3A_77 = arith.constant 80 : i32
    %add3A_78 = arith.constant 0 : i32
    %add3A_79 = arith.addi %mul3A_2, %add3A_78 : i32
    %mul3A_80 = arith.constant 80 : i32
    %mul3A_81 = arith.muli %add3A_79, %mul3A_80 : i32
    %dma_start3A_82 = arith.constant 0 : i32
    %dma_start3A_83 = arith.constant 0 : i32
    %dma_start3A_84 = arith.constant 0 : i32
    %dma_start3A_85 = tpu.memref_slice %arg10[%dma_start3A_82, %dma_start3A_83, %dma_start3A_84] : memref<2x80x64xi32, #tpu.memory_space<vmem>> -> memref<1x80x64xi32, #tpu.memory_space<vmem>>
    %dma_start3A_86 = tpu.memref_squeeze %dma_start3A_85 : memref<1x80x64xi32, #tpu.memory_space<vmem>> -> memref<80x64xi32, #tpu.memory_space<vmem>>
    %dma_start3A_87 = arith.constant 0 : i32
    %dma_start3A_88 = tpu.memref_slice %arg5[%mul3A_81, %dma_start3A_87] : memref<320000x64xi32, #tpu.memory_space<hbm>> -> memref<80x64xi32, #tpu.memory_space<hbm>>
    %dma_start3A_89 = arith.constant 0 : i32
    %dma_start3A_90 = tpu.memref_slice %arg5[%mul3A_81, %dma_start3A_89] : memref<320000x64xi32, #tpu.memory_space<hbm>> -> memref<80x64xi32, #tpu.memory_space<hbm>>
    %dma_start3A_91 = arith.constant 0 : i32
    %dma_start3A_92 = arith.constant 0 : i32
    %dma_start3A_93 = tpu.memref_slice %arg10[%dma_start3A_82, %dma_start3A_91, %dma_start3A_92] : memref<2x80x64xi32, #tpu.memory_space<vmem>> -> memref<1x80x64xi32, #tpu.memory_space<vmem>>
    %dma_start3A_94 = tpu.memref_squeeze %dma_start3A_93 : memref<1x80x64xi32, #tpu.memory_space<vmem>> -> memref<80x64xi32, #tpu.memory_space<vmem>>
    tpu.enqueue_dma source(%dma_start3A_94 : memref<80x64xi32, #tpu.memory_space<vmem>>) target(%dma_start3A_90 : memref<80x64xi32, #tpu.memory_space<hbm>>) target_semaphore(%arg13 : memref<!tpu.dma_semaphore, #tpu.memory_space<semaphore_mem>>)
    %dma_start3A_95 = arith.constant 2 : i32
    %dma_start3A_96 = arith.constant 0 : i32
    %dma_start3A_97 = arith.constant 0 : i32
    %dma_start3A_98 = arith.constant 0 : i32
    %dma_start3A_99 = tpu.memref_slice %arg8[%dma_start3A_96, %dma_start3A_97, %dma_start3A_98] : memref<2x80x128xf32, #tpu.memory_space<vmem>> -> memref<1x80x128xf32, #tpu.memory_space<vmem>>
    %dma_start3A_100 = tpu.memref_squeeze %dma_start3A_99 : memref<1x80x128xf32, #tpu.memory_space<vmem>> -> memref<80x128xf32, #tpu.memory_space<vmem>>
    %dma_start3A_101 = arith.constant 0 : i32
    %dma_start3A_102 = tpu.memref_slice %arg6[%dma_start3A_95, %dma_start3A_101] : memref<125x80xi32, #tpu.memory_space<vmem>> -> memref<1x80xi32, #tpu.memory_space<vmem>>
    %dma_start3A_103 = tpu.memref_squeeze %dma_start3A_102 : memref<1x80xi32, #tpu.memory_space<vmem>> -> memref<80xi32, #tpu.memory_space<vmem>>
    %dma_start3A_104 = arith.constant 0 : i32
    %dma_start3A_105 = arith.constant 0 : i32
    %dma_start3A_106 = tpu.memref_slice %arg2[%dma_start3A_104, %dma_start3A_105] : memref<10000x128xf32, #tpu.memory_space<hbm>> -> memref<10000x128xf32, #tpu.memory_space<hbm>>
    tpu.enqueue_indirect_dma source(%dma_start3A_106 : memref<10000x128xf32, #tpu.memory_space<hbm>>) target(%dma_start3A_100 : memref<80x128xf32, #tpu.memory_space<vmem>>) offsets(%dma_start3A_103 : memref<80xi32, #tpu.memory_space<vmem>>) semaphore(%arg11 : memref<!tpu.dma_semaphore, #tpu.memory_space<semaphore_mem>>)
    %dma_start3A_107 = arith.constant 2 : i32
    %dma_start3A_108 = arith.constant 0 : i32
    %dma_start3A_109 = arith.constant 0 : i32
    %dma_start3A_110 = arith.constant 0 : i32
    %dma_start3A_111 = tpu.memref_slice %arg9[%dma_start3A_108, %dma_start3A_109, %dma_start3A_110] : memref<2x80x128xf32, #tpu.memory_space<vmem>> -> memref<1x80x128xf32, #tpu.memory_space<vmem>>
    %dma_start3A_112 = tpu.memref_squeeze %dma_start3A_111 : memref<1x80x128xf32, #tpu.memory_space<vmem>> -> memref<80x128xf32, #tpu.memory_space<vmem>>
    %dma_start3A_113 = arith.constant 0 : i32
    %dma_start3A_114 = tpu.memref_slice %arg7[%dma_start3A_107, %dma_start3A_113] : memref<125x80xi32, #tpu.memory_space<vmem>> -> memref<1x80xi32, #tpu.memory_space<vmem>>
    %dma_start3A_115 = tpu.memref_squeeze %dma_start3A_114 : memref<1x80xi32, #tpu.memory_space<vmem>> -> memref<80xi32, #tpu.memory_space<vmem>>
    %dma_start3A_116 = arith.constant 0 : i32
    %dma_start3A_117 = arith.constant 0 : i32
    %dma_start3A_118 = tpu.memref_slice %arg2[%dma_start3A_116, %dma_start3A_117] : memref<10000x128xf32, #tpu.memory_space<hbm>> -> memref<10000x128xf32, #tpu.memory_space<hbm>>
    tpu.enqueue_indirect_dma source(%dma_start3A_118 : memref<10000x128xf32, #tpu.memory_space<hbm>>) target(%dma_start3A_112 : memref<80x128xf32, #tpu.memory_space<vmem>>) offsets(%dma_start3A_115 : memref<80xi32, #tpu.memory_space<vmem>>) semaphore(%arg11 : memref<!tpu.dma_semaphore, #tpu.memory_space<semaphore_mem>>)
    %dma_wait3A_119 = arith.constant 1 : i32
    %dma_wait3A_120 = arith.constant 1 : i32
    %dma_wait3A_121 = arith.constant 0 : i32
    %dma_wait3A_122 = arith.constant 0 : i32
    %dma_wait3A_123 = tpu.memref_slice %arg8[%dma_wait3A_120, %dma_wait3A_121, %dma_wait3A_122] : memref<2x80x128xf32, #tpu.memory_space<vmem>> -> memref<1x80x128xf32, #tpu.memory_space<vmem>>
    %dma_wait3A_124 = tpu.memref_squeeze %dma_wait3A_123 : memref<1x80x128xf32, #tpu.memory_space<vmem>> -> memref<80x128xf32, #tpu.memory_space<vmem>>
    %dma_wait3A_125 = arith.constant 0 : i32
    %dma_wait3A_126 = tpu.memref_slice %arg6[%dma_wait3A_119, %dma_wait3A_125] : memref<125x80xi32, #tpu.memory_space<vmem>> -> memref<1x80xi32, #tpu.memory_space<vmem>>
    %dma_wait3A_127 = tpu.memref_squeeze %dma_wait3A_126 : memref<1x80xi32, #tpu.memory_space<vmem>> -> memref<80xi32, #tpu.memory_space<vmem>>
    %dma_wait3A_128 = arith.constant 0 : i32
    %dma_wait3A_129 = arith.constant 0 : i32
    %dma_wait3A_130 = tpu.memref_slice %arg2[%dma_wait3A_128, %dma_wait3A_129] : memref<10000x128xf32, #tpu.memory_space<hbm>> -> memref<10000x128xf32, #tpu.memory_space<hbm>>
    tpu.wait_indirect_dma semaphore(%arg12 : memref<!tpu.dma_semaphore, #tpu.memory_space<semaphore_mem>>) src(%dma_wait3A_130 : memref<10000x128xf32, #tpu.memory_space<hbm>>) dst(%dma_wait3A_124 : memref<80x128xf32, #tpu.memory_space<vmem>>)
    %dma_wait3A_131 = arith.constant 1 : i32
    %dma_wait3A_132 = arith.constant 1 : i32
    %dma_wait3A_133 = arith.constant 0 : i32
    %dma_wait3A_134 = arith.constant 0 : i32
    %dma_wait3A_135 = tpu.memref_slice %arg9[%dma_wait3A_132, %dma_wait3A_133, %dma_wait3A_134] : memref<2x80x128xf32, #tpu.memory_space<vmem>> -> memref<1x80x128xf32, #tpu.memory_space<vmem>>
    %dma_wait3A_136 = tpu.memref_squeeze %dma_wait3A_135 : memref<1x80x128xf32, #tpu.memory_space<vmem>> -> memref<80x128xf32, #tpu.memory_space<vmem>>
    %dma_wait3A_137 = arith.constant 0 : i32
    %dma_wait3A_138 = tpu.memref_slice %arg7[%dma_wait3A_131, %dma_wait3A_137] : memref<125x80xi32, #tpu.memory_space<vmem>> -> memref<1x80xi32, #tpu.memory_space<vmem>>
    %dma_wait3A_139 = tpu.memref_squeeze %dma_wait3A_138 : memref<1x80xi32, #tpu.memory_space<vmem>> -> memref<80xi32, #tpu.memory_space<vmem>>
    %dma_wait3A_140 = arith.constant 0 : i32
    %dma_wait3A_141 = arith.constant 0 : i32
    %dma_wait3A_142 = tpu.memref_slice %arg2[%dma_wait3A_140, %dma_wait3A_141] : memref<10000x128xf32, #tpu.memory_space<hbm>> -> memref<10000x128xf32, #tpu.memory_space<hbm>>
    tpu.wait_indirect_dma semaphore(%arg12 : memref<!tpu.dma_semaphore, #tpu.memory_space<semaphore_mem>>) src(%dma_wait3A_142 : memref<10000x128xf32, #tpu.memory_space<hbm>>) dst(%dma_wait3A_136 : memref<80x128xf32, #tpu.memory_space<vmem>>)
    %scan3A_143 = arith.constant 0 : i32
    %scan3A_144 = arith.constant 0 : i32
    %scan3A_145 = arith.constant 80 : i32
    %scan3A_146 = arith.addi %scan3A_144, %scan3A_145 : i32
    %scan3A_147 = arith.constant 1 : i32
    scf.for %scan3A_446 = %scan3A_144 to %scan3A_146 step %scan3A_147  : i32 {
      %get3A = arith.constant 1 : i32
      %get3A_447 = arith.index_cast %get3A : i32 to index
      %get3A_448 = arith.index_cast %scan3A_446 : i32 to index
      %get3A_449 = arith.constant 0 : index
      %get3A_450 = tpu.vector_load %arg8[%get3A_447, %get3A_448, %get3A_449] {strides = array<i32>} : memref<2x80x128xf32, #tpu.memory_space<vmem>>, vector<1x1x16xf32>,
      %get3A_451 = vector.shape_cast %get3A_450 : vector<1x1x16xf32> to vector<16xf32>
      %get3A_452 = arith.constant 1 : i32
      %get3A_453 = arith.index_cast %get3A_452 : i32 to index
      %get3A_454 = arith.index_cast %scan3A_446 : i32 to index
      %get3A_455 = arith.constant 0 : index
      %get3A_456 = tpu.vector_load %arg9[%get3A_453, %get3A_454, %get3A_455] {strides = array<i32>} : memref<2x80x128xf32, #tpu.memory_space<vmem>>, vector<1x1x16xf32>,
      %get3A_457 = vector.shape_cast %get3A_456 : vector<1x1x16xf32> to vector<16xf32>
      %mul3A_458 = arith.mulf %get3A_451, %get3A_457 : vector<16xf32>
      %get3A_459 = arith.constant 1 : i32
      %get3A_460 = arith.index_cast %get3A_459 : i32 to index
      %get3A_461 = arith.index_cast %scan3A_446 : i32 to index
      %get3A_462 = arith.constant 64 : index
      %get3A_463 = tpu.vector_load %arg8[%get3A_460, %get3A_461, %get3A_462] {strides = array<i32>} : memref<2x80x128xf32, #tpu.memory_space<vmem>>, vector<1x1x16xf32>,
      %get3A_464 = vector.shape_cast %get3A_463 : vector<1x1x16xf32> to vector<16xf32>
      %get3A_465 = arith.constant 1 : i32
      %get3A_466 = arith.index_cast %get3A_465 : i32 to index
      %get3A_467 = arith.index_cast %scan3A_446 : i32 to index
      %get3A_468 = arith.constant 64 : index
      %get3A_469 = tpu.vector_load %arg9[%get3A_466, %get3A_467, %get3A_468] {strides = array<i32>} : memref<2x80x128xf32, #tpu.memory_space<vmem>>, vector<1x1x16xf32>,
      %get3A_470 = vector.shape_cast %get3A_469 : vector<1x1x16xf32> to vector<16xf32>
      %mul3A_471 = arith.mulf %get3A_464, %get3A_470 : vector<16xf32>
      %bitcast_convert_type3A = tpu.bitcast %mul3A_458 : vector<16xf32> -> vector<16xi32>
      %add3A_472 = arith.constant 32767 : i32
      %add3A_473 = vector.broadcast %add3A_472 : i32 to vector<16xi32>
      %add3A_474 = arith.addi %bitcast_convert_type3A, %add3A_473 : vector<16xi32>
      %shift_right_logical3A = arith.constant 16 : i32
      %shift_right_logical3A_475 = vector.broadcast %shift_right_logical3A : i32 to vector<16xi32>
      %shift_right_logical3A_476 = arith.shrui %bitcast_convert_type3A, %shift_right_logical3A_475 : vector<16xi32>
      %and3A = arith.constant 1 : i32
      %and3A_477 = vector.broadcast %and3A : i32 to vector<16xi32>
      %and3A_478 = arith.andi %shift_right_logical3A_476, %and3A_477 : vector<16xi32>
      %add3A_479 = arith.addi %add3A_474, %and3A_478 : vector<16xi32>
      %shift_right_logical3A_480 = arith.constant 16 : i32
      %shift_right_logical3A_481 = vector.broadcast %shift_right_logical3A_480 : i32 to vector<16xi32>
      %shift_right_logical3A_482 = arith.shrui %add3A_479, %shift_right_logical3A_481 : vector<16xi32>
      %bitcast_convert_type3A_483 = tpu.bitcast %mul3A_471 : vector<16xf32> -> vector<16xi32>
      %add3A_484 = arith.constant 32767 : i32
      %add3A_485 = vector.broadcast %add3A_484 : i32 to vector<16xi32>
      %add3A_486 = arith.addi %bitcast_convert_type3A_483, %add3A_485 : vector<16xi32>
      %shift_right_logical3A_487 = arith.constant 16 : i32
      %shift_right_logical3A_488 = vector.broadcast %shift_right_logical3A_487 : i32 to vector<16xi32>
      %shift_right_logical3A_489 = arith.shrui %bitcast_convert_type3A_483, %shift_right_logical3A_488 : vector<16xi32>
      %and3A_490 = arith.constant 1 : i32
      %and3A_491 = vector.broadcast %and3A_490 : i32 to vector<16xi32>
      %and3A_492 = arith.andi %shift_right_logical3A_489, %and3A_491 : vector<16xi32>
      %add3A_493 = arith.addi %add3A_486, %and3A_492 : vector<16xi32>
      %shift_right_logical3A_494 = arith.constant 16 : i32
      %shift_right_logical3A_495 = vector.broadcast %shift_right_logical3A_494 : i32 to vector<16xi32>
      %shift_right_logical3A_496 = arith.shrui %add3A_493, %shift_right_logical3A_495 : vector<16xi32>
      %shift_left3A = arith.constant 16 : i32
      %shift_left3A_497 = vector.broadcast %shift_left3A : i32 to vector<16xi32>
      %shift_left3A_498 = arith.shli %shift_right_logical3A_496, %shift_left3A_497 : vector<16xi32>
      %or3A = arith.ori %shift_right_logical3A_482, %shift_left3A_498 : vector<16xi32>
      %swap3A = arith.constant 1 : i32
      %swap3A_499 = arith.index_cast %swap3A : i32 to index
      %swap3A_500 = arith.index_cast %scan3A_446 : i32 to index
      %swap3A_501 = arith.constant 0 : index
      %swap3A_502 = tpu.vector_load %arg10[%swap3A_499, %swap3A_500, %swap3A_501] {strides = array<i32>} : memref<2x80x64xi32, #tpu.memory_space<vmem>>, vector<1x1x16xi32>,
      %swap3A_503 = vector.shape_cast %swap3A_502 : vector<1x1x16xi32> to vector<16xi32>
      %swap3A_504 = vector.shape_cast %or3A : vector<16xi32> to vector<1x1x16xi32>
      tpu.vector_store %arg10[%swap3A_499, %swap3A_500, %swap3A_501], %swap3A_504 {strides = array<i32>} : memref<2x80x64xi32, #tpu.memory_space<vmem>>, vector<1x1x16xi32>,
      %get3A_505 = arith.constant 1 : i32
      %get3A_506 = arith.index_cast %get3A_505 : i32 to index
      %get3A_507 = arith.index_cast %scan3A_446 : i32 to index
      %get3A_508 = arith.constant 16 : index
      %get3A_509 = tpu.vector_load %arg8[%get3A_506, %get3A_507, %get3A_508] {strides = array<i32>} : memref<2x80x128xf32, #tpu.memory_space<vmem>>, vector<1x1x16xf32>,
      %get3A_510 = vector.shape_cast %get3A_509 : vector<1x1x16xf32> to vector<16xf32>
      %get3A_511 = arith.constant 1 : i32
      %get3A_512 = arith.index_cast %get3A_511 : i32 to index
      %get3A_513 = arith.index_cast %scan3A_446 : i32 to index
      %get3A_514 = arith.constant 16 : index
      %get3A_515 = tpu.vector_load %arg9[%get3A_512, %get3A_513, %get3A_514] {strides = array<i32>} : memref<2x80x128xf32, #tpu.memory_space<vmem>>, vector<1x1x16xf32>,
      %get3A_516 = vector.shape_cast %get3A_515 : vector<1x1x16xf32> to vector<16xf32>
      %mul3A_517 = arith.mulf %get3A_510, %get3A_516 : vector<16xf32>
      %get3A_518 = arith.constant 1 : i32
      %get3A_519 = arith.index_cast %get3A_518 : i32 to index
      %get3A_520 = arith.index_cast %scan3A_446 : i32 to index
      %get3A_521 = arith.constant 80 : index
      %get3A_522 = tpu.vector_load %arg8[%get3A_519, %get3A_520, %get3A_521] {strides = array<i32>} : memref<2x80x128xf32, #tpu.memory_space<vmem>>, vector<1x1x16xf32>,
      %get3A_523 = vector.shape_cast %get3A_522 : vector<1x1x16xf32> to vector<16xf32>
      %get3A_524 = arith.constant 1 : i32
      %get3A_525 = arith.index_cast %get3A_524 : i32 to index
      %get3A_526 = arith.index_cast %scan3A_446 : i32 to index
      %get3A_527 = arith.constant 80 : index
      %get3A_528 = tpu.vector_load %arg9[%get3A_525, %get3A_526, %get3A_527] {strides = array<i32>} : memref<2x80x128xf32, #tpu.memory_space<vmem>>, vector<1x1x16xf32>,
      %get3A_529 = vector.shape_cast %get3A_528 : vector<1x1x16xf32> to vector<16xf32>
      %mul3A_530 = arith.mulf %get3A_523, %get3A_529 : vector<16xf32>
      %bitcast_convert_type3A_531 = tpu.bitcast %mul3A_517 : vector<16xf32> -> vector<16xi32>
      %add3A_532 = arith.constant 32767 : i32
      %add3A_533 = vector.broadcast %add3A_532 : i32 to vector<16xi32>
      %add3A_534 = arith.addi %bitcast_convert_type3A_531, %add3A_533 : vector<16xi32>
      %shift_right_logical3A_535 = arith.constant 16 : i32
      %shift_right_logical3A_536 = vector.broadcast %shift_right_logical3A_535 : i32 to vector<16xi32>
      %shift_right_logical3A_537 = arith.shrui %bitcast_convert_type3A_531, %shift_right_logical3A_536 : vector<16xi32>
      %and3A_538 = arith.constant 1 : i32
      %and3A_539 = vector.broadcast %and3A_538 : i32 to vector<16xi32>
      %and3A_540 = arith.andi %shift_right_logical3A_537, %and3A_539 : vector<16xi32>
      %add3A_541 = arith.addi %add3A_534, %and3A_540 : vector<16xi32>
      %shift_right_logical3A_542 = arith.constant 16 : i32
      %shift_right_logical3A_543 = vector.broadcast %shift_right_logical3A_542 : i32 to vector<16xi32>
      %shift_right_logical3A_544 = arith.shrui %add3A_541, %shift_right_logical3A_543 : vector<16xi32>
      %bitcast_convert_type3A_545 = tpu.bitcast %mul3A_530 : vector<16xf32> -> vector<16xi32>
      %add3A_546 = arith.constant 32767 : i32
      %add3A_547 = vector.broadcast %add3A_546 : i32 to vector<16xi32>
      %add3A_548 = arith.addi %bitcast_convert_type3A_545, %add3A_547 : vector<16xi32>
      %shift_right_logical3A_549 = arith.constant 16 : i32
      %shift_right_logical3A_550 = vector.broadcast %shift_right_logical3A_549 : i32 to vector<16xi32>
      %shift_right_logical3A_551 = arith.shrui %bitcast_convert_type3A_545, %shift_right_logical3A_550 : vector<16xi32>
      %and3A_552 = arith.constant 1 : i32
      %and3A_553 = vector.broadcast %and3A_552 : i32 to vector<16xi32>
      %and3A_554 = arith.andi %shift_right_logical3A_551, %and3A_553 : vector<16xi32>
      %add3A_555 = arith.addi %add3A_548, %and3A_554 : vector<16xi32>
      %shift_right_logical3A_556 = arith.constant 16 : i32
      %shift_right_logical3A_557 = vector.broadcast %shift_right_logical3A_556 : i32 to vector<16xi32>
      %shift_right_logical3A_558 = arith.shrui %add3A_555, %shift_right_logical3A_557 : vector<16xi32>
      %shift_left3A_559 = arith.constant 16 : i32
      %shift_left3A_560 = vector.broadcast %shift_left3A_559 : i32 to vector<16xi32>
      %shift_left3A_561 = arith.shli %shift_right_logical3A_558, %shift_left3A_560 : vector<16xi32>
      %or3A_562 = arith.ori %shift_right_logical3A_544, %shift_left3A_561 : vector<16xi32>
      %swap3A_563 = arith.constant 1 : i32
      %swap3A_564 = arith.index_cast %swap3A_563 : i32 to index
      %swap3A_565 = arith.index_cast %scan3A_446 : i32 to index
      %swap3A_566 = arith.constant 16 : index
      %swap3A_567 = tpu.vector_load %arg10[%swap3A_564, %swap3A_565, %swap3A_566] {strides = array<i32>} : memref<2x80x64xi32, #tpu.memory_space<vmem>>, vector<1x1x16xi32>,
      %swap3A_568 = vector.shape_cast %swap3A_567 : vector<1x1x16xi32> to vector<16xi32>
      %swap3A_569 = vector.shape_cast %or3A_562 : vector<16xi32> to vector<1x1x16xi32>
      tpu.vector_store %arg10[%swap3A_564, %swap3A_565, %swap3A_566], %swap3A_569 {strides = array<i32>} : memref<2x80x64xi32, #tpu.memory_space<vmem>>, vector<1x1x16xi32>,
      %get3A_570 = arith.constant 1 : i32
      %get3A_571 = arith.index_cast %get3A_570 : i32 to index
      %get3A_572 = arith.index_cast %scan3A_446 : i32 to index
      %get3A_573 = arith.constant 32 : index
      %get3A_574 = tpu.vector_load %arg8[%get3A_571, %get3A_572, %get3A_573] {strides = array<i32>} : memref<2x80x128xf32, #tpu.memory_space<vmem>>, vector<1x1x16xf32>,
      %get3A_575 = vector.shape_cast %get3A_574 : vector<1x1x16xf32> to vector<16xf32>
      %get3A_576 = arith.constant 1 : i32
      %get3A_577 = arith.index_cast %get3A_576 : i32 to index
      %get3A_578 = arith.index_cast %scan3A_446 : i32 to index
      %get3A_579 = arith.constant 32 : index
      %get3A_580 = tpu.vector_load %arg9[%get3A_577, %get3A_578, %get3A_579] {strides = array<i32>} : memref<2x80x128xf32, #tpu.memory_space<vmem>>, vector<1x1x16xf32>,
      %get3A_581 = vector.shape_cast %get3A_580 : vector<1x1x16xf32> to vector<16xf32>
      %mul3A_582 = arith.mulf %get3A_575, %get3A_581 : vector<16xf32>
      %get3A_583 = arith.constant 1 : i32
      %get3A_584 = arith.index_cast %get3A_583 : i32 to index
      %get3A_585 = arith.index_cast %scan3A_446 : i32 to index
      %get3A_586 = arith.constant 96 : index
      %get3A_587 = tpu.vector_load %arg8[%get3A_584, %get3A_585, %get3A_586] {strides = array<i32>} : memref<2x80x128xf32, #tpu.memory_space<vmem>>, vector<1x1x16xf32>,
      %get3A_588 = vector.shape_cast %get3A_587 : vector<1x1x16xf32> to vector<16xf32>
      %get3A_589 = arith.constant 1 : i32
      %get3A_590 = arith.index_cast %get3A_589 : i32 to index
      %get3A_591 = arith.index_cast %scan3A_446 : i32 to index
      %get3A_592 = arith.constant 96 : index
      %get3A_593 = tpu.vector_load %arg9[%get3A_590, %get3A_591, %get3A_592] {strides = array<i32>} : memref<2x80x128xf32, #tpu.memory_space<vmem>>, vector<1x1x16xf32>,
      %get3A_594 = vector.shape_cast %get3A_593 : vector<1x1x16xf32> to vector<16xf32>
      %mul3A_595 = arith.mulf %get3A_588, %get3A_594 : vector<16xf32>
      %bitcast_convert_type3A_596 = tpu.bitcast %mul3A_582 : vector<16xf32> -> vector<16xi32>
      %add3A_597 = arith.constant 32767 : i32
      %add3A_598 = vector.broadcast %add3A_597 : i32 to vector<16xi32>
      %add3A_599 = arith.addi %bitcast_convert_type3A_596, %add3A_598 : vector<16xi32>
      %shift_right_logical3A_600 = arith.constant 16 : i32
      %shift_right_logical3A_601 = vector.broadcast %shift_right_logical3A_600 : i32 to vector<16xi32>
      %shift_right_logical3A_602 = arith.shrui %bitcast_convert_type3A_596, %shift_right_logical3A_601 : vector<16xi32>
      %and3A_603 = arith.constant 1 : i32
      %and3A_604 = vector.broadcast %and3A_603 : i32 to vector<16xi32>
      %and3A_605 = arith.andi %shift_right_logical3A_602, %and3A_604 : vector<16xi32>
      %add3A_606 = arith.addi %add3A_599, %and3A_605 : vector<16xi32>
      %shift_right_logical3A_607 = arith.constant 16 : i32
      %shift_right_logical3A_608 = vector.broadcast %shift_right_logical3A_607 : i32 to vector<16xi32>
      %shift_right_logical3A_609 = arith.shrui %add3A_606, %shift_right_logical3A_608 : vector<16xi32>
      %bitcast_convert_type3A_610 = tpu.bitcast %mul3A_595 : vector<16xf32> -> vector<16xi32>
      %add3A_611 = arith.constant 32767 : i32
      %add3A_612 = vector.broadcast %add3A_611 : i32 to vector<16xi32>
      %add3A_613 = arith.addi %bitcast_convert_type3A_610, %add3A_612 : vector<16xi32>
      %shift_right_logical3A_614 = arith.constant 16 : i32
      %shift_right_logical3A_615 = vector.broadcast %shift_right_logical3A_614 : i32 to vector<16xi32>
      %shift_right_logical3A_616 = arith.shrui %bitcast_convert_type3A_610, %shift_right_logical3A_615 : vector<16xi32>
      %and3A_617 = arith.constant 1 : i32
      %and3A_618 = vector.broadcast %and3A_617 : i32 to vector<16xi32>
      %and3A_619 = arith.andi %shift_right_logical3A_616, %and3A_618 : vector<16xi32>
      %add3A_620 = arith.addi %add3A_613, %and3A_619 : vector<16xi32>
      %shift_right_logical3A_621 = arith.constant 16 : i32
      %shift_right_logical3A_622 = vector.broadcast %shift_right_logical3A_621 : i32 to vector<16xi32>
      %shift_right_logical3A_623 = arith.shrui %add3A_620, %shift_right_logical3A_622 : vector<16xi32>
      %shift_left3A_624 = arith.constant 16 : i32
      %shift_left3A_625 = vector.broadcast %shift_left3A_624 : i32 to vector<16xi32>
      %shift_left3A_626 = arith.shli %shift_right_logical3A_623, %shift_left3A_625 : vector<16xi32>
      %or3A_627 = arith.ori %shift_right_logical3A_609, %shift_left3A_626 : vector<16xi32>
      %swap3A_628 = arith.constant 1 : i32
      %swap3A_629 = arith.index_cast %swap3A_628 : i32 to index
      %swap3A_630 = arith.index_cast %scan3A_446 : i32 to index
      %swap3A_631 = arith.constant 32 : index
      %swap3A_632 = tpu.vector_load %arg10[%swap3A_629, %swap3A_630, %swap3A_631] {strides = array<i32>} : memref<2x80x64xi32, #tpu.memory_space<vmem>>, vector<1x1x16xi32>,
      %swap3A_633 = vector.shape_cast %swap3A_632 : vector<1x1x16xi32> to vector<16xi32>
      %swap3A_634 = vector.shape_cast %or3A_627 : vector<16xi32> to vector<1x1x16xi32>
      tpu.vector_store %arg10[%swap3A_629, %swap3A_630, %swap3A_631], %swap3A_634 {strides = array<i32>} : memref<2x80x64xi32, #tpu.memory_space<vmem>>, vector<1x1x16xi32>,
      %get3A_635 = arith.constant 1 : i32
      %get3A_636 = arith.index_cast %get3A_635 : i32 to index
      %get3A_637 = arith.index_cast %scan3A_446 : i32 to index
      %get3A_638 = arith.constant 48 : index
      %get3A_639 = tpu.vector_load %arg8[%get3A_636, %get3A_637, %get3A_638] {strides = array<i32>} : memref<2x80x128xf32, #tpu.memory_space<vmem>>, vector<1x1x16xf32>,
      %get3A_640 = vector.shape_cast %get3A_639 : vector<1x1x16xf32> to vector<16xf32>
      %get3A_641 = arith.constant 1 : i32
      %get3A_642 = arith.index_cast %get3A_641 : i32 to index
      %get3A_643 = arith.index_cast %scan3A_446 : i32 to index
      %get3A_644 = arith.constant 48 : index
      %get3A_645 = tpu.vector_load %arg9[%get3A_642, %get3A_643, %get3A_644] {strides = array<i32>} : memref<2x80x128xf32, #tpu.memory_space<vmem>>, vector<1x1x16xf32>,
      %get3A_646 = vector.shape_cast %get3A_645 : vector<1x1x16xf32> to vector<16xf32>
      %mul3A_647 = arith.mulf %get3A_640, %get3A_646 : vector<16xf32>
      %get3A_648 = arith.constant 1 : i32
      %get3A_649 = arith.index_cast %get3A_648 : i32 to index
      %get3A_650 = arith.index_cast %scan3A_446 : i32 to index
      %get3A_651 = arith.constant 112 : index
      %get3A_652 = tpu.vector_load %arg8[%get3A_649, %get3A_650, %get3A_651] {strides = array<i32>} : memref<2x80x128xf32, #tpu.memory_space<vmem>>, vector<1x1x16xf32>,
      %get3A_653 = vector.shape_cast %get3A_652 : vector<1x1x16xf32> to vector<16xf32>
      %get3A_654 = arith.constant 1 : i32
      %get3A_655 = arith.index_cast %get3A_654 : i32 to index
      %get3A_656 = arith.index_cast %scan3A_446 : i32 to index
      %get3A_657 = arith.constant 112 : index
      %get3A_658 = tpu.vector_load %arg9[%get3A_655, %get3A_656, %get3A_657] {strides = array<i32>} : memref<2x80x128xf32, #tpu.memory_space<vmem>>, vector<1x1x16xf32>,
      %get3A_659 = vector.shape_cast %get3A_658 : vector<1x1x16xf32> to vector<16xf32>
      %mul3A_660 = arith.mulf %get3A_653, %get3A_659 : vector<16xf32>
      %bitcast_convert_type3A_661 = tpu.bitcast %mul3A_647 : vector<16xf32> -> vector<16xi32>
      %add3A_662 = arith.constant 32767 : i32
      %add3A_663 = vector.broadcast %add3A_662 : i32 to vector<16xi32>
      %add3A_664 = arith.addi %bitcast_convert_type3A_661, %add3A_663 : vector<16xi32>
      %shift_right_logical3A_665 = arith.constant 16 : i32
      %shift_right_logical3A_666 = vector.broadcast %shift_right_logical3A_665 : i32 to vector<16xi32>
      %shift_right_logical3A_667 = arith.shrui %bitcast_convert_type3A_661, %shift_right_logical3A_666 : vector<16xi32>
      %and3A_668 = arith.constant 1 : i32
      %and3A_669 = vector.broadcast %and3A_668 : i32 to vector<16xi32>
      %and3A_670 = arith.andi %shift_right_logical3A_667, %and3A_669 : vector<16xi32>
      %add3A_671 = arith.addi %add3A_664, %and3A_670 : vector<16xi32>
      %shift_right_logical3A_672 = arith.constant 16 : i32
      %shift_right_logical3A_673 = vector.broadcast %shift_right_logical3A_672 : i32 to vector<16xi32>
      %shift_right_logical3A_674 = arith.shrui %add3A_671, %shift_right_logical3A_673 : vector<16xi32>
      %bitcast_convert_type3A_675 = tpu.bitcast %mul3A_660 : vector<16xf32> -> vector<16xi32>
      %add3A_676 = arith.constant 32767 : i32
      %add3A_677 = vector.broadcast %add3A_676 : i32 to vector<16xi32>
      %add3A_678 = arith.addi %bitcast_convert_type3A_675, %add3A_677 : vector<16xi32>
      %shift_right_logical3A_679 = arith.constant 16 : i32
      %shift_right_logical3A_680 = vector.broadcast %shift_right_logical3A_679 : i32 to vector<16xi32>
      %shift_right_logical3A_681 = arith.shrui %bitcast_convert_type3A_675, %shift_right_logical3A_680 : vector<16xi32>
      %and3A_682 = arith.constant 1 : i32
      %and3A_683 = vector.broadcast %and3A_682 : i32 to vector<16xi32>
      %and3A_684 = arith.andi %shift_right_logical3A_681, %and3A_683 : vector<16xi32>
      %add3A_685 = arith.addi %add3A_678, %and3A_684 : vector<16xi32>
      %shift_right_logical3A_686 = arith.constant 16 : i32
      %shift_right_logical3A_687 = vector.broadcast %shift_right_logical3A_686 : i32 to vector<16xi32>
      %shift_right_logical3A_688 = arith.shrui %add3A_685, %shift_right_logical3A_687 : vector<16xi32>
      %shift_left3A_689 = arith.constant 16 : i32
      %shift_left3A_690 = vector.broadcast %shift_left3A_689 : i32 to vector<16xi32>
      %shift_left3A_691 = arith.shli %shift_right_logical3A_688, %shift_left3A_690 : vector<16xi32>
      %or3A_692 = arith.ori %shift_right_logical3A_674, %shift_left3A_691 : vector<16xi32>
      %swap3A_693 = arith.constant 1 : i32
      %swap3A_694 = arith.index_cast %swap3A_693 : i32 to index
      %swap3A_695 = arith.index_cast %scan3A_446 : i32 to index
      %swap3A_696 = arith.constant 48 : index
      %swap3A_697 = tpu.vector_load %arg10[%swap3A_694, %swap3A_695, %swap3A_696] {strides = array<i32>} : memref<2x80x64xi32, #tpu.memory_space<vmem>>, vector<1x1x16xi32>,
      %swap3A_698 = vector.shape_cast %swap3A_697 : vector<1x1x16xi32> to vector<16xi32>
      %swap3A_699 = vector.shape_cast %or3A_692 : vector<16xi32> to vector<1x1x16xi32>
      tpu.vector_store %arg10[%swap3A_694, %swap3A_695, %swap3A_696], %swap3A_699 {strides = array<i32>} : memref<2x80x64xi32, #tpu.memory_space<vmem>>, vector<1x1x16xi32>,
    }
    %scan3A_148 = arith.constant 80 : i32
    %add3A_149 = arith.constant 1 : i32
    %add3A_150 = arith.addi %mul3A_2, %add3A_149 : i32
    %mul3A_151 = arith.constant 80 : i32
    %mul3A_152 = arith.muli %add3A_150, %mul3A_151 : i32
    %dma_start3A_153 = arith.constant 1 : i32
    %dma_start3A_154 = arith.constant 0 : i32
    %dma_start3A_155 = arith.constant 0 : i32
    %dma_start3A_156 = tpu.memref_slice %arg10[%dma_start3A_153, %dma_start3A_154, %dma_start3A_155] : memref<2x80x64xi32, #tpu.memory_space<vmem>> -> memref<1x80x64xi32, #tpu.memory_space<vmem>>
    %dma_start3A_157 = tpu.memref_squeeze %dma_start3A_156 : memref<1x80x64xi32, #tpu.memory_space<vmem>> -> memref<80x64xi32, #tpu.memory_space<vmem>>
    %dma_start3A_158 = arith.constant 0 : i32
    %dma_start3A_159 = tpu.memref_slice %arg5[%mul3A_152, %dma_start3A_158] : memref<320000x64xi32, #tpu.memory_space<hbm>> -> memref<80x64xi32, #tpu.memory_space<hbm>>
    %dma_start3A_160 = arith.constant 0 : i32
    %dma_start3A_161 = tpu.memref_slice %arg5[%mul3A_152, %dma_start3A_160] : memref<320000x64xi32, #tpu.memory_space<hbm>> -> memref<80x64xi32, #tpu.memory_space<hbm>>
    %dma_start3A_162 = arith.constant 0 : i32
    %dma_start3A_163 = arith.constant 0 : i32
    %dma_start3A_164 = tpu.memref_slice %arg10[%dma_start3A_153, %dma_start3A_162, %dma_start3A_163] : memref<2x80x64xi32, #tpu.memory_space<vmem>> -> memref<1x80x64xi32, #tpu.memory_space<vmem>>
    %dma_start3A_165 = tpu.memref_squeeze %dma_start3A_164 : memref<1x80x64xi32, #tpu.memory_space<vmem>> -> memref<80x64xi32, #tpu.memory_space<vmem>>
    tpu.enqueue_dma source(%dma_start3A_165 : memref<80x64xi32, #tpu.memory_space<vmem>>) target(%dma_start3A_161 : memref<80x64xi32, #tpu.memory_space<hbm>>) target_semaphore(%arg14 : memref<!tpu.dma_semaphore, #tpu.memory_space<semaphore_mem>>)
    %dma_start3A_166 = arith.constant 3 : i32
    %dma_start3A_167 = arith.constant 1 : i32
    %dma_start3A_168 = arith.constant 0 : i32
    %dma_start3A_169 = arith.constant 0 : i32
    %dma_start3A_170 = tpu.memref_slice %arg8[%dma_start3A_167, %dma_start3A_168, %dma_start3A_169] : memref<2x80x128xf32, #tpu.memory_space<vmem>> -> memref<1x80x128xf32, #tpu.memory_space<vmem>>
    %dma_start3A_171 = tpu.memref_squeeze %dma_start3A_170 : memref<1x80x128xf32, #tpu.memory_space<vmem>> -> memref<80x128xf32, #tpu.memory_space<vmem>>
    %dma_start3A_172 = arith.constant 0 : i32
    %dma_start3A_173 = tpu.memref_slice %arg6[%dma_start3A_166, %dma_start3A_172] : memref<125x80xi32, #tpu.memory_space<vmem>> -> memref<1x80xi32, #tpu.memory_space<vmem>>
    %dma_start3A_174 = tpu.memref_squeeze %dma_start3A_173 : memref<1x80xi32, #tpu.memory_space<vmem>> -> memref<80xi32, #tpu.memory_space<vmem>>
    %dma_start3A_175 = arith.constant 0 : i32
    %dma_start3A_176 = arith.constant 0 : i32
    %dma_start3A_177 = tpu.memref_slice %arg2[%dma_start3A_175, %dma_start3A_176] : memref<10000x128xf32, #tpu.memory_space<hbm>> -> memref<10000x128xf32, #tpu.memory_space<hbm>>
    tpu.enqueue_indirect_dma source(%dma_start3A_177 : memref<10000x128xf32, #tpu.memory_space<hbm>>) target(%dma_start3A_171 : memref<80x128xf32, #tpu.memory_space<vmem>>) offsets(%dma_start3A_174 : memref<80xi32, #tpu.memory_space<vmem>>) semaphore(%arg12 : memref<!tpu.dma_semaphore, #tpu.memory_space<semaphore_mem>>)
    %dma_start3A_178 = arith.constant 3 : i32
    %dma_start3A_179 = arith.constant 1 : i32
    %dma_start3A_180 = arith.constant 0 : i32
    %dma_start3A_181 = arith.constant 0 : i32
    %dma_start3A_182 = tpu.memref_slice %arg9[%dma_start3A_179, %dma_start3A_180, %dma_start3A_181] : memref<2x80x128xf32, #tpu.memory_space<vmem>> -> memref<1x80x128xf32, #tpu.memory_space<vmem>>
    %dma_start3A_183 = tpu.memref_squeeze %dma_start3A_182 : memref<1x80x128xf32, #tpu.memory_space<vmem>> -> memref<80x128xf32, #tpu.memory_space<vmem>>
    %dma_start3A_184 = arith.constant 0 : i32
    %dma_start3A_185 = tpu.memref_slice %arg7[%dma_start3A_178, %dma_start3A_184] : memref<125x80xi32, #tpu.memory_space<vmem>> -> memref<1x80xi32, #tpu.memory_space<vmem>>
    %dma_start3A_186 = tpu.memref_squeeze %dma_start3A_185 : memref<1x80xi32, #tpu.memory_space<vmem>> -> memref<80xi32, #tpu.memory_space<vmem>>
    %dma_start3A_187 = arith.constant 0 : i32
    %dma_start3A_188 = arith.constant 0 : i32
    %dma_start3A_189 = tpu.memref_slice %arg2[%dma_start3A_187, %dma_start3A_188] : memref<10000x128xf32, #tpu.memory_space<hbm>> -> memref<10000x128xf32, #tpu.memory_space<hbm>>
    tpu.enqueue_indirect_dma source(%dma_start3A_189 : memref<10000x128xf32, #tpu.memory_space<hbm>>) target(%dma_start3A_183 : memref<80x128xf32, #tpu.memory_space<vmem>>) offsets(%dma_start3A_186 : memref<80xi32, #tpu.memory_space<vmem>>) semaphore(%arg12 : memref<!tpu.dma_semaphore, #tpu.memory_space<semaphore_mem>>)
    %scan3A_190 = arith.constant 0 : i32
    %scan3A_191 = arith.constant 0 : i32
    %scan3A_192 = arith.constant 60 : i32
    %scan3A_193 = arith.addi %scan3A_191, %scan3A_192 : i32
    %scan3A_194 = arith.constant 1 : i32
    scf.for %scan3A_446 = %scan3A_191 to %scan3A_193 step %scan3A_194  : i32 {
      %mul3A_447 = arith.constant 2 : i32
      %mul3A_448 = arith.muli %mul3A_447, %scan3A_446 : i32
      %add3A_449 = arith.constant 2 : i32
      %add3A_450 = arith.addi %mul3A_448, %add3A_449 : i32
      %dma_wait3A_451 = arith.constant 0 : i32
      %dma_wait3A_452 = arith.constant 0 : i32
      %dma_wait3A_453 = arith.constant 0 : i32
      %dma_wait3A_454 = tpu.memref_slice %arg8[%dma_wait3A_451, %dma_wait3A_452, %dma_wait3A_453] : memref<2x80x128xf32, #tpu.memory_space<vmem>> -> memref<1x80x128xf32, #tpu.memory_space<vmem>>
      %dma_wait3A_455 = tpu.memref_squeeze %dma_wait3A_454 : memref<1x80x128xf32, #tpu.memory_space<vmem>> -> memref<80x128xf32, #tpu.memory_space<vmem>>
      %dma_wait3A_456 = arith.constant 0 : i32
      %dma_wait3A_457 = tpu.memref_slice %arg6[%add3A_450, %dma_wait3A_456] : memref<125x80xi32, #tpu.memory_space<vmem>> -> memref<1x80xi32, #tpu.memory_space<vmem>>
      %dma_wait3A_458 = tpu.memref_squeeze %dma_wait3A_457 : memref<1x80xi32, #tpu.memory_space<vmem>> -> memref<80xi32, #tpu.memory_space<vmem>>
      %dma_wait3A_459 = arith.constant 0 : i32
      %dma_wait3A_460 = arith.constant 0 : i32
      %dma_wait3A_461 = tpu.memref_slice %arg2[%dma_wait3A_459, %dma_wait3A_460] : memref<10000x128xf32, #tpu.memory_space<hbm>> -> memref<10000x128xf32, #tpu.memory_space<hbm>>
      tpu.wait_indirect_dma semaphore(%arg11 : memref<!tpu.dma_semaphore, #tpu.memory_space<semaphore_mem>>) src(%dma_wait3A_461 : memref<10000x128xf32, #tpu.memory_space<hbm>>) dst(%dma_wait3A_455 : memref<80x128xf32, #tpu.memory_space<vmem>>)
      %dma_wait3A_462 = arith.constant 0 : i32
      %dma_wait3A_463 = arith.constant 0 : i32
      %dma_wait3A_464 = arith.constant 0 : i32
      %dma_wait3A_465 = tpu.memref_slice %arg9[%dma_wait3A_462, %dma_wait3A_463, %dma_wait3A_464] : memref<2x80x128xf32, #tpu.memory_space<vmem>> -> memref<1x80x128xf32, #tpu.memory_space<vmem>>
      %dma_wait3A_466 = tpu.memref_squeeze %dma_wait3A_465 : memref<1x80x128xf32, #tpu.memory_space<vmem>> -> memref<80x128xf32, #tpu.memory_space<vmem>>
      %dma_wait3A_467 = arith.constant 0 : i32
      %dma_wait3A_468 = tpu.memref_slice %arg7[%add3A_450, %dma_wait3A_467] : memref<125x80xi32, #tpu.memory_space<vmem>> -> memref<1x80xi32, #tpu.memory_space<vmem>>
      %dma_wait3A_469 = tpu.memref_squeeze %dma_wait3A_468 : memref<1x80xi32, #tpu.memory_space<vmem>> -> memref<80xi32, #tpu.memory_space<vmem>>
      %dma_wait3A_470 = arith.constant 0 : i32
      %dma_wait3A_471 = arith.constant 0 : i32
      %dma_wait3A_472 = tpu.memref_slice %arg2[%dma_wait3A_470, %dma_wait3A_471] : memref<10000x128xf32, #tpu.memory_space<hbm>> -> memref<10000x128xf32, #tpu.memory_space<hbm>>
      tpu.wait_indirect_dma semaphore(%arg11 : memref<!tpu.dma_semaphore, #tpu.memory_space<semaphore_mem>>) src(%dma_wait3A_472 : memref<10000x128xf32, #tpu.memory_space<hbm>>) dst(%dma_wait3A_466 : memref<80x128xf32, #tpu.memory_space<vmem>>)
      %add3A_473 = arith.addi %mul3A_2, %add3A_450 : i32
      %mul3A_474 = arith.constant 80 : i32
      %mul3A_475 = arith.muli %add3A_473, %mul3A_474 : i32
      %dma_wait3A_476 = arith.constant 0 : i32
      %dma_wait3A_477 = arith.constant 0 : i32
      %dma_wait3A_478 = arith.constant 0 : i32
      %dma_wait3A_479 = tpu.memref_slice %arg10[%dma_wait3A_476, %dma_wait3A_477, %dma_wait3A_478] : memref<2x80x64xi32, #tpu.memory_space<vmem>> -> memref<1x80x64xi32, #tpu.memory_space<vmem>>
      %dma_wait3A_480 = tpu.memref_squeeze %dma_wait3A_479 : memref<1x80x64xi32, #tpu.memory_space<vmem>> -> memref<80x64xi32, #tpu.memory_space<vmem>>
      %dma_wait3A_481 = arith.constant 0 : i32
      %dma_wait3A_482 = tpu.memref_slice %arg5[%mul3A_475, %dma_wait3A_481] : memref<320000x64xi32, #tpu.memory_space<hbm>> -> memref<80x64xi32, #tpu.memory_space<hbm>>
      %dma_wait3A_483 = arith.constant 0 : i32
      %dma_wait3A_484 = tpu.memref_slice %arg5[%mul3A_475, %dma_wait3A_483] : memref<320000x64xi32, #tpu.memory_space<hbm>> -> memref<80x64xi32, #tpu.memory_space<hbm>>
      %dma_wait3A_485 = arith.constant 0 : i32
      %dma_wait3A_486 = arith.constant 0 : i32
      %dma_wait3A_487 = tpu.memref_slice %arg10[%dma_wait3A_476, %dma_wait3A_485, %dma_wait3A_486] : memref<2x80x64xi32, #tpu.memory_space<vmem>> -> memref<1x80x64xi32, #tpu.memory_space<vmem>>
      %dma_wait3A_488 = tpu.memref_squeeze %dma_wait3A_487 : memref<1x80x64xi32, #tpu.memory_space<vmem>> -> memref<80x64xi32, #tpu.memory_space<vmem>>
      tpu.wait_dma2 semaphore(%arg13 : memref<!tpu.dma_semaphore, #tpu.memory_space<semaphore_mem>>) src(%dma_wait3A_488 : memref<80x64xi32, #tpu.memory_space<vmem>>) dst(%dma_wait3A_484 : memref<80x64xi32, #tpu.memory_space<hbm>>)
      %scan3A_489 = arith.constant 0 : i32
      %scan3A_490 = arith.constant 0 : i32
      %scan3A_491 = arith.constant 80 : i32
      %scan3A_492 = arith.addi %scan3A_490, %scan3A_491 : i32
      %scan3A_493 = arith.constant 1 : i32
      scf.for %scan3A_621 = %scan3A_490 to %scan3A_492 step %scan3A_493  : i32 {
        %get3A = arith.constant 0 : i32
        %get3A_622 = arith.index_cast %get3A : i32 to index
        %get3A_623 = arith.index_cast %scan3A_621 : i32 to index
        %get3A_624 = arith.constant 0 : index
        %get3A_625 = tpu.vector_load %arg8[%get3A_622, %get3A_623, %get3A_624] {strides = array<i32>} : memref<2x80x128xf32, #tpu.memory_space<vmem>>, vector<1x1x16xf32>,
        %get3A_626 = vector.shape_cast %get3A_625 : vector<1x1x16xf32> to vector<16xf32>
        %get3A_627 = arith.constant 0 : i32
        %get3A_628 = arith.index_cast %get3A_627 : i32 to index
        %get3A_629 = arith.index_cast %scan3A_621 : i32 to index
        %get3A_630 = arith.constant 0 : index
        %get3A_631 = tpu.vector_load %arg9[%get3A_628, %get3A_629, %get3A_630] {strides = array<i32>} : memref<2x80x128xf32, #tpu.memory_space<vmem>>, vector<1x1x16xf32>,
        %get3A_632 = vector.shape_cast %get3A_631 : vector<1x1x16xf32> to vector<16xf32>
        %mul3A_633 = arith.mulf %get3A_626, %get3A_632 : vector<16xf32>
        %get3A_634 = arith.constant 0 : i32
        %get3A_635 = arith.index_cast %get3A_634 : i32 to index
        %get3A_636 = arith.index_cast %scan3A_621 : i32 to index
        %get3A_637 = arith.constant 64 : index
        %get3A_638 = tpu.vector_load %arg8[%get3A_635, %get3A_636, %get3A_637] {strides = array<i32>} : memref<2x80x128xf32, #tpu.memory_space<vmem>>, vector<1x1x16xf32>,
        %get3A_639 = vector.shape_cast %get3A_638 : vector<1x1x16xf32> to vector<16xf32>
        %get3A_640 = arith.constant 0 : i32
        %get3A_641 = arith.index_cast %get3A_640 : i32 to index
        %get3A_642 = arith.index_cast %scan3A_621 : i32 to index
        %get3A_643 = arith.constant 64 : index
        %get3A_644 = tpu.vector_load %arg9[%get3A_641, %get3A_642, %get3A_643] {strides = array<i32>} : memref<2x80x128xf32, #tpu.memory_space<vmem>>, vector<1x1x16xf32>,
        %get3A_645 = vector.shape_cast %get3A_644 : vector<1x1x16xf32> to vector<16xf32>
        %mul3A_646 = arith.mulf %get3A_639, %get3A_645 : vector<16xf32>
        %bitcast_convert_type3A = tpu.bitcast %mul3A_633 : vector<16xf32> -> vector<16xi32>
        %add3A_647 = arith.constant 32767 : i32
        %add3A_648 = vector.broadcast %add3A_647 : i32 to vector<16xi32>
        %add3A_649 = arith.addi %bitcast_convert_type3A, %add3A_648 : vector<16xi32>
        %shift_right_logical3A = arith.constant 16 : i32
        %shift_right_logical3A_650 = vector.broadcast %shift_right_logical3A : i32 to vector<16xi32>
        %shift_right_logical3A_651 = arith.shrui %bitcast_convert_type3A, %shift_right_logical3A_650 : vector<16xi32>
        %and3A = arith.constant 1 : i32
        %and3A_652 = vector.broadcast %and3A : i32 to vector<16xi32>
        %and3A_653 = arith.andi %shift_right_logical3A_651, %and3A_652 : vector<16xi32>
        %add3A_654 = arith.addi %add3A_649, %and3A_653 : vector<16xi32>
        %shift_right_logical3A_655 = arith.constant 16 : i32
        %shift_right_logical3A_656 = vector.broadcast %shift_right_logical3A_655 : i32 to vector<16xi32>
        %shift_right_logical3A_657 = arith.shrui %add3A_654, %shift_right_logical3A_656 : vector<16xi32>
        %bitcast_convert_type3A_658 = tpu.bitcast %mul3A_646 : vector<16xf32> -> vector<16xi32>
        %add3A_659 = arith.constant 32767 : i32
        %add3A_660 = vector.broadcast %add3A_659 : i32 to vector<16xi32>
        %add3A_661 = arith.addi %bitcast_convert_type3A_658, %add3A_660 : vector<16xi32>
        %shift_right_logical3A_662 = arith.constant 16 : i32
        %shift_right_logical3A_663 = vector.broadcast %shift_right_logical3A_662 : i32 to vector<16xi32>
        %shift_right_logical3A_664 = arith.shrui %bitcast_convert_type3A_658, %shift_right_logical3A_663 : vector<16xi32>
        %and3A_665 = arith.constant 1 : i32
        %and3A_666 = vector.broadcast %and3A_665 : i32 to vector<16xi32>
        %and3A_667 = arith.andi %shift_right_logical3A_664, %and3A_666 : vector<16xi32>
        %add3A_668 = arith.addi %add3A_661, %and3A_667 : vector<16xi32>
        %shift_right_logical3A_669 = arith.constant 16 : i32
        %shift_right_logical3A_670 = vector.broadcast %shift_right_logical3A_669 : i32 to vector<16xi32>
        %shift_right_logical3A_671 = arith.shrui %add3A_668, %shift_right_logical3A_670 : vector<16xi32>
        %shift_left3A = arith.constant 16 : i32
        %shift_left3A_672 = vector.broadcast %shift_left3A : i32 to vector<16xi32>
        %shift_left3A_673 = arith.shli %shift_right_logical3A_671, %shift_left3A_672 : vector<16xi32>
        %or3A = arith.ori %shift_right_logical3A_657, %shift_left3A_673 : vector<16xi32>
        %swap3A = arith.constant 0 : i32
        %swap3A_674 = arith.index_cast %swap3A : i32 to index
        %swap3A_675 = arith.index_cast %scan3A_621 : i32 to index
        %swap3A_676 = arith.constant 0 : index
        %swap3A_677 = tpu.vector_load %arg10[%swap3A_674, %swap3A_675, %swap3A_676] {strides = array<i32>} : memref<2x80x64xi32, #tpu.memory_space<vmem>>, vector<1x1x16xi32>,
        %swap3A_678 = vector.shape_cast %swap3A_677 : vector<1x1x16xi32> to vector<16xi32>
        %swap3A_679 = vector.shape_cast %or3A : vector<16xi32> to vector<1x1x16xi32>
        tpu.vector_store %arg10[%swap3A_674, %swap3A_675, %swap3A_676], %swap3A_679 {strides = array<i32>} : memref<2x80x64xi32, #tpu.memory_space<vmem>>, vector<1x1x16xi32>,
        %get3A_680 = arith.constant 0 : i32
        %get3A_681 = arith.index_cast %get3A_680 : i32 to index
        %get3A_682 = arith.index_cast %scan3A_621 : i32 to index
        %get3A_683 = arith.constant 16 : index
        %get3A_684 = tpu.vector_load %arg8[%get3A_681, %get3A_682, %get3A_683] {strides = array<i32>} : memref<2x80x128xf32, #tpu.memory_space<vmem>>, vector<1x1x16xf32>,
        %get3A_685 = vector.shape_cast %get3A_684 : vector<1x1x16xf32> to vector<16xf32>
        %get3A_686 = arith.constant 0 : i32
        %get3A_687 = arith.index_cast %get3A_686 : i32 to index
        %get3A_688 = arith.index_cast %scan3A_621 : i32 to index
        %get3A_689 = arith.constant 16 : index
        %get3A_690 = tpu.vector_load %arg9[%get3A_687, %get3A_688, %get3A_689] {strides = array<i32>} : memref<2x80x128xf32, #tpu.memory_space<vmem>>, vector<1x1x16xf32>,
        %get3A_691 = vector.shape_cast %get3A_690 : vector<1x1x16xf32> to vector<16xf32>
        %mul3A_692 = arith.mulf %get3A_685, %get3A_691 : vector<16xf32>
        %get3A_693 = arith.constant 0 : i32
        %get3A_694 = arith.index_cast %get3A_693 : i32 to index
        %get3A_695 = arith.index_cast %scan3A_621 : i32 to index
        %get3A_696 = arith.constant 80 : index
        %get3A_697 = tpu.vector_load %arg8[%get3A_694, %get3A_695, %get3A_696] {strides = array<i32>} : memref<2x80x128xf32, #tpu.memory_space<vmem>>, vector<1x1x16xf32>,
        %get3A_698 = vector.shape_cast %get3A_697 : vector<1x1x16xf32> to vector<16xf32>
        %get3A_699 = arith.constant 0 : i32
        %get3A_700 = arith.index_cast %get3A_699 : i32 to index
        %get3A_701 = arith.index_cast %scan3A_621 : i32 to index
        %get3A_702 = arith.constant 80 : index
        %get3A_703 = tpu.vector_load %arg9[%get3A_700, %get3A_701, %get3A_702] {strides = array<i32>} : memref<2x80x128xf32, #tpu.memory_space<vmem>>, vector<1x1x16xf32>,
        %get3A_704 = vector.shape_cast %get3A_703 : vector<1x1x16xf32> to vector<16xf32>
        %mul3A_705 = arith.mulf %get3A_698, %get3A_704 : vector<16xf32>
        %bitcast_convert_type3A_706 = tpu.bitcast %mul3A_692 : vector<16xf32> -> vector<16xi32>
        %add3A_707 = arith.constant 32767 : i32
        %add3A_708 = vector.broadcast %add3A_707 : i32 to vector<16xi32>
        %add3A_709 = arith.addi %bitcast_convert_type3A_706, %add3A_708 : vector<16xi32>
        %shift_right_logical3A_710 = arith.constant 16 : i32
        %shift_right_logical3A_711 = vector.broadcast %shift_right_logical3A_710 : i32 to vector<16xi32>
        %shift_right_logical3A_712 = arith.shrui %bitcast_convert_type3A_706, %shift_right_logical3A_711 : vector<16xi32>
        %and3A_713 = arith.constant 1 : i32
        %and3A_714 = vector.broadcast %and3A_713 : i32 to vector<16xi32>
        %and3A_715 = arith.andi %shift_right_logical3A_712, %and3A_714 : vector<16xi32>
        %add3A_716 = arith.addi %add3A_709, %and3A_715 : vector<16xi32>
        %shift_right_logical3A_717 = arith.constant 16 : i32
        %shift_right_logical3A_718 = vector.broadcast %shift_right_logical3A_717 : i32 to vector<16xi32>
        %shift_right_logical3A_719 = arith.shrui %add3A_716, %shift_right_logical3A_718 : vector<16xi32>
        %bitcast_convert_type3A_720 = tpu.bitcast %mul3A_705 : vector<16xf32> -> vector<16xi32>
        %add3A_721 = arith.constant 32767 : i32
        %add3A_722 = vector.broadcast %add3A_721 : i32 to vector<16xi32>
        %add3A_723 = arith.addi %bitcast_convert_type3A_720, %add3A_722 : vector<16xi32>
        %shift_right_logical3A_724 = arith.constant 16 : i32
        %shift_right_logical3A_725 = vector.broadcast %shift_right_logical3A_724 : i32 to vector<16xi32>
        %shift_right_logical3A_726 = arith.shrui %bitcast_convert_type3A_720, %shift_right_logical3A_725 : vector<16xi32>
        %and3A_727 = arith.constant 1 : i32
        %and3A_728 = vector.broadcast %and3A_727 : i32 to vector<16xi32>
        %and3A_729 = arith.andi %shift_right_logical3A_726, %and3A_728 : vector<16xi32>
        %add3A_730 = arith.addi %add3A_723, %and3A_729 : vector<16xi32>
        %shift_right_logical3A_731 = arith.constant 16 : i32
        %shift_right_logical3A_732 = vector.broadcast %shift_right_logical3A_731 : i32 to vector<16xi32>
        %shift_right_logical3A_733 = arith.shrui %add3A_730, %shift_right_logical3A_732 : vector<16xi32>
        %shift_left3A_734 = arith.constant 16 : i32
        %shift_left3A_735 = vector.broadcast %shift_left3A_734 : i32 to vector<16xi32>
        %shift_left3A_736 = arith.shli %shift_right_logical3A_733, %shift_left3A_735 : vector<16xi32>
        %or3A_737 = arith.ori %shift_right_logical3A_719, %shift_left3A_736 : vector<16xi32>
        %swap3A_738 = arith.constant 0 : i32
        %swap3A_739 = arith.index_cast %swap3A_738 : i32 to index
        %swap3A_740 = arith.index_cast %scan3A_621 : i32 to index
        %swap3A_741 = arith.constant 16 : index
        %swap3A_742 = tpu.vector_load %arg10[%swap3A_739, %swap3A_740, %swap3A_741] {strides = array<i32>} : memref<2x80x64xi32, #tpu.memory_space<vmem>>, vector<1x1x16xi32>,
        %swap3A_743 = vector.shape_cast %swap3A_742 : vector<1x1x16xi32> to vector<16xi32>
        %swap3A_744 = vector.shape_cast %or3A_737 : vector<16xi32> to vector<1x1x16xi32>
        tpu.vector_store %arg10[%swap3A_739, %swap3A_740, %swap3A_741], %swap3A_744 {strides = array<i32>} : memref<2x80x64xi32, #tpu.memory_space<vmem>>, vector<1x1x16xi32>,
        %get3A_745 = arith.constant 0 : i32
        %get3A_746 = arith.index_cast %get3A_745 : i32 to index
        %get3A_747 = arith.index_cast %scan3A_621 : i32 to index
        %get3A_748 = arith.constant 32 : index
        %get3A_749 = tpu.vector_load %arg8[%get3A_746, %get3A_747, %get3A_748] {strides = array<i32>} : memref<2x80x128xf32, #tpu.memory_space<vmem>>, vector<1x1x16xf32>,
        %get3A_750 = vector.shape_cast %get3A_749 : vector<1x1x16xf32> to vector<16xf32>
        %get3A_751 = arith.constant 0 : i32
        %get3A_752 = arith.index_cast %get3A_751 : i32 to index
        %get3A_753 = arith.index_cast %scan3A_621 : i32 to index
        %get3A_754 = arith.constant 32 : index
        %get3A_755 = tpu.vector_load %arg9[%get3A_752, %get3A_753, %get3A_754] {strides = array<i32>} : memref<2x80x128xf32, #tpu.memory_space<vmem>>, vector<1x1x16xf32>,
        %get3A_756 = vector.shape_cast %get3A_755 : vector<1x1x16xf32> to vector<16xf32>
        %mul3A_757 = arith.mulf %get3A_750, %get3A_756 : vector<16xf32>
        %get3A_758 = arith.constant 0 : i32
        %get3A_759 = arith.index_cast %get3A_758 : i32 to index
        %get3A_760 = arith.index_cast %scan3A_621 : i32 to index
        %get3A_761 = arith.constant 96 : index
        %get3A_762 = tpu.vector_load %arg8[%get3A_759, %get3A_760, %get3A_761] {strides = array<i32>} : memref<2x80x128xf32, #tpu.memory_space<vmem>>, vector<1x1x16xf32>,
        %get3A_763 = vector.shape_cast %get3A_762 : vector<1x1x16xf32> to vector<16xf32>
        %get3A_764 = arith.constant 0 : i32
        %get3A_765 = arith.index_cast %get3A_764 : i32 to index
        %get3A_766 = arith.index_cast %scan3A_621 : i32 to index
        %get3A_767 = arith.constant 96 : index
        %get3A_768 = tpu.vector_load %arg9[%get3A_765, %get3A_766, %get3A_767] {strides = array<i32>} : memref<2x80x128xf32, #tpu.memory_space<vmem>>, vector<1x1x16xf32>,
        %get3A_769 = vector.shape_cast %get3A_768 : vector<1x1x16xf32> to vector<16xf32>
        %mul3A_770 = arith.mulf %get3A_763, %get3A_769 : vector<16xf32>
        %bitcast_convert_type3A_771 = tpu.bitcast %mul3A_757 : vector<16xf32> -> vector<16xi32>
        %add3A_772 = arith.constant 32767 : i32
        %add3A_773 = vector.broadcast %add3A_772 : i32 to vector<16xi32>
        %add3A_774 = arith.addi %bitcast_convert_type3A_771, %add3A_773 : vector<16xi32>
        %shift_right_logical3A_775 = arith.constant 16 : i32
        %shift_right_logical3A_776 = vector.broadcast %shift_right_logical3A_775 : i32 to vector<16xi32>
        %shift_right_logical3A_777 = arith.shrui %bitcast_convert_type3A_771, %shift_right_logical3A_776 : vector<16xi32>
        %and3A_778 = arith.constant 1 : i32
        %and3A_779 = vector.broadcast %and3A_778 : i32 to vector<16xi32>
        %and3A_780 = arith.andi %shift_right_logical3A_777, %and3A_779 : vector<16xi32>
        %add3A_781 = arith.addi %add3A_774, %and3A_780 : vector<16xi32>
        %shift_right_logical3A_782 = arith.constant 16 : i32
        %shift_right_logical3A_783 = vector.broadcast %shift_right_logical3A_782 : i32 to vector<16xi32>
        %shift_right_logical3A_784 = arith.shrui %add3A_781, %shift_right_logical3A_783 : vector<16xi32>
        %bitcast_convert_type3A_785 = tpu.bitcast %mul3A_770 : vector<16xf32> -> vector<16xi32>
        %add3A_786 = arith.constant 32767 : i32
        %add3A_787 = vector.broadcast %add3A_786 : i32 to vector<16xi32>
        %add3A_788 = arith.addi %bitcast_convert_type3A_785, %add3A_787 : vector<16xi32>
        %shift_right_logical3A_789 = arith.constant 16 : i32
        %shift_right_logical3A_790 = vector.broadcast %shift_right_logical3A_789 : i32 to vector<16xi32>
        %shift_right_logical3A_791 = arith.shrui %bitcast_convert_type3A_785, %shift_right_logical3A_790 : vector<16xi32>
        %and3A_792 = arith.constant 1 : i32
        %and3A_793 = vector.broadcast %and3A_792 : i32 to vector<16xi32>
        %and3A_794 = arith.andi %shift_right_logical3A_791, %and3A_793 : vector<16xi32>
        %add3A_795 = arith.addi %add3A_788, %and3A_794 : vector<16xi32>
        %shift_right_logical3A_796 = arith.constant 16 : i32
        %shift_right_logical3A_797 = vector.broadcast %shift_right_logical3A_796 : i32 to vector<16xi32>
        %shift_right_logical3A_798 = arith.shrui %add3A_795, %shift_right_logical3A_797 : vector<16xi32>
        %shift_left3A_799 = arith.constant 16 : i32
        %shift_left3A_800 = vector.broadcast %shift_left3A_799 : i32 to vector<16xi32>
        %shift_left3A_801 = arith.shli %shift_right_logical3A_798, %shift_left3A_800 : vector<16xi32>
        %or3A_802 = arith.ori %shift_right_logical3A_784, %shift_left3A_801 : vector<16xi32>
        %swap3A_803 = arith.constant 0 : i32
        %swap3A_804 = arith.index_cast %swap3A_803 : i32 to index
        %swap3A_805 = arith.index_cast %scan3A_621 : i32 to index
        %swap3A_806 = arith.constant 32 : index
        %swap3A_807 = tpu.vector_load %arg10[%swap3A_804, %swap3A_805, %swap3A_806] {strides = array<i32>} : memref<2x80x64xi32, #tpu.memory_space<vmem>>, vector<1x1x16xi32>,
        %swap3A_808 = vector.shape_cast %swap3A_807 : vector<1x1x16xi32> to vector<16xi32>
        %swap3A_809 = vector.shape_cast %or3A_802 : vector<16xi32> to vector<1x1x16xi32>
        tpu.vector_store %arg10[%swap3A_804, %swap3A_805, %swap3A_806], %swap3A_809 {strides = array<i32>} : memref<2x80x64xi32, #tpu.memory_space<vmem>>, vector<1x1x16xi32>,
        %get3A_810 = arith.constant 0 : i32
        %get3A_811 = arith.index_cast %get3A_810 : i32 to index
        %get3A_812 = arith.index_cast %scan3A_621 : i32 to index
        %get3A_813 = arith.constant 48 : index
        %get3A_814 = tpu.vector_load %arg8[%get3A_811, %get3A_812, %get3A_813] {strides = array<i32>} : memref<2x80x128xf32, #tpu.memory_space<vmem>>, vector<1x1x16xf32>,
        %get3A_815 = vector.shape_cast %get3A_814 : vector<1x1x16xf32> to vector<16xf32>
        %get3A_816 = arith.constant 0 : i32
        %get3A_817 = arith.index_cast %get3A_816 : i32 to index
        %get3A_818 = arith.index_cast %scan3A_621 : i32 to index
        %get3A_819 = arith.constant 48 : index
        %get3A_820 = tpu.vector_load %arg9[%get3A_817, %get3A_818, %get3A_819] {strides = array<i32>} : memref<2x80x128xf32, #tpu.memory_space<vmem>>, vector<1x1x16xf32>,
        %get3A_821 = vector.shape_cast %get3A_820 : vector<1x1x16xf32> to vector<16xf32>
        %mul3A_822 = arith.mulf %get3A_815, %get3A_821 : vector<16xf32>
        %get3A_823 = arith.constant 0 : i32
        %get3A_824 = arith.index_cast %get3A_823 : i32 to index
        %get3A_825 = arith.index_cast %scan3A_621 : i32 to index
        %get3A_826 = arith.constant 112 : index
        %get3A_827 = tpu.vector_load %arg8[%get3A_824, %get3A_825, %get3A_826] {strides = array<i32>} : memref<2x80x128xf32, #tpu.memory_space<vmem>>, vector<1x1x16xf32>,
        %get3A_828 = vector.shape_cast %get3A_827 : vector<1x1x16xf32> to vector<16xf32>
        %get3A_829 = arith.constant 0 : i32
        %get3A_830 = arith.index_cast %get3A_829 : i32 to index
        %get3A_831 = arith.index_cast %scan3A_621 : i32 to index
        %get3A_832 = arith.constant 112 : index
        %get3A_833 = tpu.vector_load %arg9[%get3A_830, %get3A_831, %get3A_832] {strides = array<i32>} : memref<2x80x128xf32, #tpu.memory_space<vmem>>, vector<1x1x16xf32>,
        %get3A_834 = vector.shape_cast %get3A_833 : vector<1x1x16xf32> to vector<16xf32>
        %mul3A_835 = arith.mulf %get3A_828, %get3A_834 : vector<16xf32>
        %bitcast_convert_type3A_836 = tpu.bitcast %mul3A_822 : vector<16xf32> -> vector<16xi32>
        %add3A_837 = arith.constant 32767 : i32
        %add3A_838 = vector.broadcast %add3A_837 : i32 to vector<16xi32>
        %add3A_839 = arith.addi %bitcast_convert_type3A_836, %add3A_838 : vector<16xi32>
        %shift_right_logical3A_840 = arith.constant 16 : i32
        %shift_right_logical3A_841 = vector.broadcast %shift_right_logical3A_840 : i32 to vector<16xi32>
        %shift_right_logical3A_842 = arith.shrui %bitcast_convert_type3A_836, %shift_right_logical3A_841 : vector<16xi32>
        %and3A_843 = arith.constant 1 : i32
        %and3A_844 = vector.broadcast %and3A_843 : i32 to vector<16xi32>
        %and3A_845 = arith.andi %shift_right_logical3A_842, %and3A_844 : vector<16xi32>
        %add3A_846 = arith.addi %add3A_839, %and3A_845 : vector<16xi32>
        %shift_right_logical3A_847 = arith.constant 16 : i32
        %shift_right_logical3A_848 = vector.broadcast %shift_right_logical3A_847 : i32 to vector<16xi32>
        %shift_right_logical3A_849 = arith.shrui %add3A_846, %shift_right_logical3A_848 : vector<16xi32>
        %bitcast_convert_type3A_850 = tpu.bitcast %mul3A_835 : vector<16xf32> -> vector<16xi32>
        %add3A_851 = arith.constant 32767 : i32
        %add3A_852 = vector.broadcast %add3A_851 : i32 to vector<16xi32>
        %add3A_853 = arith.addi %bitcast_convert_type3A_850, %add3A_852 : vector<16xi32>
        %shift_right_logical3A_854 = arith.constant 16 : i32
        %shift_right_logical3A_855 = vector.broadcast %shift_right_logical3A_854 : i32 to vector<16xi32>
        %shift_right_logical3A_856 = arith.shrui %bitcast_convert_type3A_850, %shift_right_logical3A_855 : vector<16xi32>
        %and3A_857 = arith.constant 1 : i32
        %and3A_858 = vector.broadcast %and3A_857 : i32 to vector<16xi32>
        %and3A_859 = arith.andi %shift_right_logical3A_856, %and3A_858 : vector<16xi32>
        %add3A_860 = arith.addi %add3A_853, %and3A_859 : vector<16xi32>
        %shift_right_logical3A_861 = arith.constant 16 : i32
        %shift_right_logical3A_862 = vector.broadcast %shift_right_logical3A_861 : i32 to vector<16xi32>
        %shift_right_logical3A_863 = arith.shrui %add3A_860, %shift_right_logical3A_862 : vector<16xi32>
        %shift_left3A_864 = arith.constant 16 : i32
        %shift_left3A_865 = vector.broadcast %shift_left3A_864 : i32 to vector<16xi32>
        %shift_left3A_866 = arith.shli %shift_right_logical3A_863, %shift_left3A_865 : vector<16xi32>
        %or3A_867 = arith.ori %shift_right_logical3A_849, %shift_left3A_866 : vector<16xi32>
        %swap3A_868 = arith.constant 0 : i32
        %swap3A_869 = arith.index_cast %swap3A_868 : i32 to index
        %swap3A_870 = arith.index_cast %scan3A_621 : i32 to index
        %swap3A_871 = arith.constant 48 : index
        %swap3A_872 = tpu.vector_load %arg10[%swap3A_869, %swap3A_870, %swap3A_871] {strides = array<i32>} : memref<2x80x64xi32, #tpu.memory_space<vmem>>, vector<1x1x16xi32>,
        %swap3A_873 = vector.shape_cast %swap3A_872 : vector<1x1x16xi32> to vector<16xi32>
        %swap3A_874 = vector.shape_cast %or3A_867 : vector<16xi32> to vector<1x1x16xi32>
        tpu.vector_store %arg10[%swap3A_869, %swap3A_870, %swap3A_871], %swap3A_874 {strides = array<i32>} : memref<2x80x64xi32, #tpu.memory_space<vmem>>, vector<1x1x16xi32>,
      }
      %scan3A_494 = arith.constant 80 : i32
      %add3A_495 = arith.addi %mul3A_2, %add3A_450 : i32
      %mul3A_496 = arith.constant 80 : i32
      %mul3A_497 = arith.muli %add3A_495, %mul3A_496 : i32
      %dma_start3A_498 = arith.constant 0 : i32
      %dma_start3A_499 = arith.constant 0 : i32
      %dma_start3A_500 = arith.constant 0 : i32
      %dma_start3A_501 = tpu.memref_slice %arg10[%dma_start3A_498, %dma_start3A_499, %dma_start3A_500] : memref<2x80x64xi32, #tpu.memory_space<vmem>> -> memref<1x80x64xi32, #tpu.memory_space<vmem>>
      %dma_start3A_502 = tpu.memref_squeeze %dma_start3A_501 : memref<1x80x64xi32, #tpu.memory_space<vmem>> -> memref<80x64xi32, #tpu.memory_space<vmem>>
      %dma_start3A_503 = arith.constant 0 : i32
      %dma_start3A_504 = tpu.memref_slice %arg5[%mul3A_497, %dma_start3A_503] : memref<320000x64xi32, #tpu.memory_space<hbm>> -> memref<80x64xi32, #tpu.memory_space<hbm>>
      %dma_start3A_505 = arith.constant 0 : i32
      %dma_start3A_506 = tpu.memref_slice %arg5[%mul3A_497, %dma_start3A_505] : memref<320000x64xi32, #tpu.memory_space<hbm>> -> memref<80x64xi32, #tpu.memory_space<hbm>>
      %dma_start3A_507 = arith.constant 0 : i32
      %dma_start3A_508 = arith.constant 0 : i32
      %dma_start3A_509 = tpu.memref_slice %arg10[%dma_start3A_498, %dma_start3A_507, %dma_start3A_508] : memref<2x80x64xi32, #tpu.memory_space<vmem>> -> memref<1x80x64xi32, #tpu.memory_space<vmem>>
      %dma_start3A_510 = tpu.memref_squeeze %dma_start3A_509 : memref<1x80x64xi32, #tpu.memory_space<vmem>> -> memref<80x64xi32, #tpu.memory_space<vmem>>
      tpu.enqueue_dma source(%dma_start3A_510 : memref<80x64xi32, #tpu.memory_space<vmem>>) target(%dma_start3A_506 : memref<80x64xi32, #tpu.memory_space<hbm>>) target_semaphore(%arg13 : memref<!tpu.dma_semaphore, #tpu.memory_space<semaphore_mem>>)
      %add3A_511 = arith.constant 2 : i32
      %add3A_512 = arith.addi %add3A_450, %add3A_511 : i32
      %dma_start3A_513 = arith.constant 0 : i32
      %dma_start3A_514 = arith.constant 0 : i32
      %dma_start3A_515 = arith.constant 0 : i32
      %dma_start3A_516 = tpu.memref_slice %arg8[%dma_start3A_513, %dma_start3A_514, %dma_start3A_515] : memref<2x80x128xf32, #tpu.memory_space<vmem>> -> memref<1x80x128xf32, #tpu.memory_space<vmem>>
      %dma_start3A_517 = tpu.memref_squeeze %dma_start3A_516 : memref<1x80x128xf32, #tpu.memory_space<vmem>> -> memref<80x128xf32, #tpu.memory_space<vmem>>
      %dma_start3A_518 = arith.constant 0 : i32
      %dma_start3A_519 = tpu.memref_slice %arg6[%add3A_512, %dma_start3A_518] : memref<125x80xi32, #tpu.memory_space<vmem>> -> memref<1x80xi32, #tpu.memory_space<vmem>>
      %dma_start3A_520 = tpu.memref_squeeze %dma_start3A_519 : memref<1x80xi32, #tpu.memory_space<vmem>> -> memref<80xi32, #tpu.memory_space<vmem>>
      %dma_start3A_521 = arith.constant 0 : i32
      %dma_start3A_522 = arith.constant 0 : i32
      %dma_start3A_523 = tpu.memref_slice %arg2[%dma_start3A_521, %dma_start3A_522] : memref<10000x128xf32, #tpu.memory_space<hbm>> -> memref<10000x128xf32, #tpu.memory_space<hbm>>
      tpu.enqueue_indirect_dma source(%dma_start3A_523 : memref<10000x128xf32, #tpu.memory_space<hbm>>) target(%dma_start3A_517 : memref<80x128xf32, #tpu.memory_space<vmem>>) offsets(%dma_start3A_520 : memref<80xi32, #tpu.memory_space<vmem>>) semaphore(%arg11 : memref<!tpu.dma_semaphore, #tpu.memory_space<semaphore_mem>>)
      %dma_start3A_524 = arith.constant 0 : i32
      %dma_start3A_525 = arith.constant 0 : i32
      %dma_start3A_526 = arith.constant 0 : i32
      %dma_start3A_527 = tpu.memref_slice %arg9[%dma_start3A_524, %dma_start3A_525, %dma_start3A_526] : memref<2x80x128xf32, #tpu.memory_space<vmem>> -> memref<1x80x128xf32, #tpu.memory_space<vmem>>
      %dma_start3A_528 = tpu.memref_squeeze %dma_start3A_527 : memref<1x80x128xf32, #tpu.memory_space<vmem>> -> memref<80x128xf32, #tpu.memory_space<vmem>>
      %dma_start3A_529 = arith.constant 0 : i32
      %dma_start3A_530 = tpu.memref_slice %arg7[%add3A_512, %dma_start3A_529] : memref<125x80xi32, #tpu.memory_space<vmem>> -> memref<1x80xi32, #tpu.memory_space<vmem>>
      %dma_start3A_531 = tpu.memref_squeeze %dma_start3A_530 : memref<1x80xi32, #tpu.memory_space<vmem>> -> memref<80xi32, #tpu.memory_space<vmem>>
      %dma_start3A_532 = arith.constant 0 : i32
      %dma_start3A_533 = arith.constant 0 : i32
      %dma_start3A_534 = tpu.memref_slice %arg2[%dma_start3A_532, %dma_start3A_533] : memref<10000x128xf32, #tpu.memory_space<hbm>> -> memref<10000x128xf32, #tpu.memory_space<hbm>>
      tpu.enqueue_indirect_dma source(%dma_start3A_534 : memref<10000x128xf32, #tpu.memory_space<hbm>>) target(%dma_start3A_528 : memref<80x128xf32, #tpu.memory_space<vmem>>) offsets(%dma_start3A_531 : memref<80xi32, #tpu.memory_space<vmem>>) semaphore(%arg11 : memref<!tpu.dma_semaphore, #tpu.memory_space<semaphore_mem>>)
      %add3A_535 = arith.constant 1 : i32
      %add3A_536 = arith.addi %add3A_450, %add3A_535 : i32
      %dma_wait3A_537 = arith.constant 1 : i32
      %dma_wait3A_538 = arith.constant 0 : i32
      %dma_wait3A_539 = arith.constant 0 : i32
      %dma_wait3A_540 = tpu.memref_slice %arg8[%dma_wait3A_537, %dma_wait3A_538, %dma_wait3A_539] : memref<2x80x128xf32, #tpu.memory_space<vmem>> -> memref<1x80x128xf32, #tpu.memory_space<vmem>>
      %dma_wait3A_541 = tpu.memref_squeeze %dma_wait3A_540 : memref<1x80x128xf32, #tpu.memory_space<vmem>> -> memref<80x128xf32, #tpu.memory_space<vmem>>
      %dma_wait3A_542 = arith.constant 0 : i32
      %dma_wait3A_543 = tpu.memref_slice %arg6[%add3A_536, %dma_wait3A_542] : memref<125x80xi32, #tpu.memory_space<vmem>> -> memref<1x80xi32, #tpu.memory_space<vmem>>
      %dma_wait3A_544 = tpu.memref_squeeze %dma_wait3A_543 : memref<1x80xi32, #tpu.memory_space<vmem>> -> memref<80xi32, #tpu.memory_space<vmem>>
      %dma_wait3A_545 = arith.constant 0 : i32
      %dma_wait3A_546 = arith.constant 0 : i32
      %dma_wait3A_547 = tpu.memref_slice %arg2[%dma_wait3A_545, %dma_wait3A_546] : memref<10000x128xf32, #tpu.memory_space<hbm>> -> memref<10000x128xf32, #tpu.memory_space<hbm>>
      tpu.wait_indirect_dma semaphore(%arg12 : memref<!tpu.dma_semaphore, #tpu.memory_space<semaphore_mem>>) src(%dma_wait3A_547 : memref<10000x128xf32, #tpu.memory_space<hbm>>) dst(%dma_wait3A_541 : memref<80x128xf32, #tpu.memory_space<vmem>>)
      %dma_wait3A_548 = arith.constant 1 : i32
      %dma_wait3A_549 = arith.constant 0 : i32
      %dma_wait3A_550 = arith.constant 0 : i32
      %dma_wait3A_551 = tpu.memref_slice %arg9[%dma_wait3A_548, %dma_wait3A_549, %dma_wait3A_550] : memref<2x80x128xf32, #tpu.memory_space<vmem>> -> memref<1x80x128xf32, #tpu.memory_space<vmem>>
      %dma_wait3A_552 = tpu.memref_squeeze %dma_wait3A_551 : memref<1x80x128xf32, #tpu.memory_space<vmem>> -> memref<80x128xf32, #tpu.memory_space<vmem>>
      %dma_wait3A_553 = arith.constant 0 : i32
      %dma_wait3A_554 = tpu.memref_slice %arg7[%add3A_536, %dma_wait3A_553] : memref<125x80xi32, #tpu.memory_space<vmem>> -> memref<1x80xi32, #tpu.memory_space<vmem>>
      %dma_wait3A_555 = tpu.memref_squeeze %dma_wait3A_554 : memref<1x80xi32, #tpu.memory_space<vmem>> -> memref<80xi32, #tpu.memory_space<vmem>>
      %dma_wait3A_556 = arith.constant 0 : i32
      %dma_wait3A_557 = arith.constant 0 : i32
      %dma_wait3A_558 = tpu.memref_slice %arg2[%dma_wait3A_556, %dma_wait3A_557] : memref<10000x128xf32, #tpu.memory_space<hbm>> -> memref<10000x128xf32, #tpu.memory_space<hbm>>
      tpu.wait_indirect_dma semaphore(%arg12 : memref<!tpu.dma_semaphore, #tpu.memory_space<semaphore_mem>>) src(%dma_wait3A_558 : memref<10000x128xf32, #tpu.memory_space<hbm>>) dst(%dma_wait3A_552 : memref<80x128xf32, #tpu.memory_space<vmem>>)
      %add3A_559 = arith.addi %mul3A_2, %add3A_536 : i32
      %mul3A_560 = arith.constant 80 : i32
      %mul3A_561 = arith.muli %add3A_559, %mul3A_560 : i32
      %dma_wait3A_562 = arith.constant 1 : i32
      %dma_wait3A_563 = arith.constant 0 : i32
      %dma_wait3A_564 = arith.constant 0 : i32
      %dma_wait3A_565 = tpu.memref_slice %arg10[%dma_wait3A_562, %dma_wait3A_563, %dma_wait3A_564] : memref<2x80x64xi32, #tpu.memory_space<vmem>> -> memref<1x80x64xi32, #tpu.memory_space<vmem>>
      %dma_wait3A_566 = tpu.memref_squeeze %dma_wait3A_565 : memref<1x80x64xi32, #tpu.memory_space<vmem>> -> memref<80x64xi32, #tpu.memory_space<vmem>>
      %dma_wait3A_567 = arith.constant 0 : i32
      %dma_wait3A_568 = tpu.memref_slice %arg5[%mul3A_561, %dma_wait3A_567] : memref<320000x64xi32, #tpu.memory_space<hbm>> -> memref<80x64xi32, #tpu.memory_space<hbm>>
      %dma_wait3A_569 = arith.constant 0 : i32
      %dma_wait3A_570 = tpu.memref_slice %arg5[%mul3A_561, %dma_wait3A_569] : memref<320000x64xi32, #tpu.memory_space<hbm>> -> memref<80x64xi32, #tpu.memory_space<hbm>>
      %dma_wait3A_571 = arith.constant 0 : i32
      %dma_wait3A_572 = arith.constant 0 : i32
      %dma_wait3A_573 = tpu.memref_slice %arg10[%dma_wait3A_562, %dma_wait3A_571, %dma_wait3A_572] : memref<2x80x64xi32, #tpu.memory_space<vmem>> -> memref<1x80x64xi32, #tpu.memory_space<vmem>>
      %dma_wait3A_574 = tpu.memref_squeeze %dma_wait3A_573 : memref<1x80x64xi32, #tpu.memory_space<vmem>> -> memref<80x64xi32, #tpu.memory_space<vmem>>
      tpu.wait_dma2 semaphore(%arg14 : memref<!tpu.dma_semaphore, #tpu.memory_space<semaphore_mem>>) src(%dma_wait3A_574 : memref<80x64xi32, #tpu.memory_space<vmem>>) dst(%dma_wait3A_570 : memref<80x64xi32, #tpu.memory_space<hbm>>)
      %scan3A_575 = arith.constant 0 : i32
      %scan3A_576 = arith.constant 0 : i32
      %scan3A_577 = arith.constant 80 : i32
      %scan3A_578 = arith.addi %scan3A_576, %scan3A_577 : i32
      %scan3A_579 = arith.constant 1 : i32
      scf.for %scan3A_621 = %scan3A_576 to %scan3A_578 step %scan3A_579  : i32 {
        %get3A = arith.constant 1 : i32
        %get3A_622 = arith.index_cast %get3A : i32 to index
        %get3A_623 = arith.index_cast %scan3A_621 : i32 to index
        %get3A_624 = arith.constant 0 : index
        %get3A_625 = tpu.vector_load %arg8[%get3A_622, %get3A_623, %get3A_624] {strides = array<i32>} : memref<2x80x128xf32, #tpu.memory_space<vmem>>, vector<1x1x16xf32>,
        %get3A_626 = vector.shape_cast %get3A_625 : vector<1x1x16xf32> to vector<16xf32>
        %get3A_627 = arith.constant 1 : i32
        %get3A_628 = arith.index_cast %get3A_627 : i32 to index
        %get3A_629 = arith.index_cast %scan3A_621 : i32 to index
        %get3A_630 = arith.constant 0 : index
        %get3A_631 = tpu.vector_load %arg9[%get3A_628, %get3A_629, %get3A_630] {strides = array<i32>} : memref<2x80x128xf32, #tpu.memory_space<vmem>>, vector<1x1x16xf32>,
        %get3A_632 = vector.shape_cast %get3A_631 : vector<1x1x16xf32> to vector<16xf32>
        %mul3A_633 = arith.mulf %get3A_626, %get3A_632 : vector<16xf32>
        %get3A_634 = arith.constant 1 : i32
        %get3A_635 = arith.index_cast %get3A_634 : i32 to index
        %get3A_636 = arith.index_cast %scan3A_621 : i32 to index
        %get3A_637 = arith.constant 64 : index
        %get3A_638 = tpu.vector_load %arg8[%get3A_635, %get3A_636, %get3A_637] {strides = array<i32>} : memref<2x80x128xf32, #tpu.memory_space<vmem>>, vector<1x1x16xf32>,
        %get3A_639 = vector.shape_cast %get3A_638 : vector<1x1x16xf32> to vector<16xf32>
        %get3A_640 = arith.constant 1 : i32
        %get3A_641 = arith.index_cast %get3A_640 : i32 to index
        %get3A_642 = arith.index_cast %scan3A_621 : i32 to index
        %get3A_643 = arith.constant 64 : index
        %get3A_644 = tpu.vector_load %arg9[%get3A_641, %get3A_642, %get3A_643] {strides = array<i32>} : memref<2x80x128xf32, #tpu.memory_space<vmem>>, vector<1x1x16xf32>,
        %get3A_645 = vector.shape_cast %get3A_644 : vector<1x1x16xf32> to vector<16xf32>
        %mul3A_646 = arith.mulf %get3A_639, %get3A_645 : vector<16xf32>
        %bitcast_convert_type3A = tpu.bitcast %mul3A_633 : vector<16xf32> -> vector<16xi32>
        %add3A_647 = arith.constant 32767 : i32
        %add3A_648 = vector.broadcast %add3A_647 : i32 to vector<16xi32>
        %add3A_649 = arith.addi %bitcast_convert_type3A, %add3A_648 : vector<16xi32>
        %shift_right_logical3A = arith.constant 16 : i32
        %shift_right_logical3A_650 = vector.broadcast %shift_right_logical3A : i32 to vector<16xi32>
        %shift_right_logical3A_651 = arith.shrui %bitcast_convert_type3A, %shift_right_logical3A_650 : vector<16xi32>
        %and3A = arith.constant 1 : i32
        %and3A_652 = vector.broadcast %and3A : i32 to vector<16xi32>
        %and3A_653 = arith.andi %shift_right_logical3A_651, %and3A_652 : vector<16xi32>
        %add3A_654 = arith.addi %add3A_649, %and3A_653 : vector<16xi32>
        %shift_right_logical3A_655 = arith.constant 16 : i32
        %shift_right_logical3A_656 = vector.broadcast %shift_right_logical3A_655 : i32 to vector<16xi32>
        %shift_right_logical3A_657 = arith.shrui %add3A_654, %shift_right_logical3A_656 : vector<16xi32>
        %bitcast_convert_type3A_658 = tpu.bitcast %mul3A_646 : vector<16xf32> -> vector<16xi32>
        %add3A_659 = arith.constant 32767 : i32
        %add3A_660 = vector.broadcast %add3A_659 : i32 to vector<16xi32>
        %add3A_661 = arith.addi %bitcast_convert_type3A_658, %add3A_660 : vector<16xi32>
        %shift_right_logical3A_662 = arith.constant 16 : i32
        %shift_right_logical3A_663 = vector.broadcast %shift_right_logical3A_662 : i32 to vector<16xi32>
        %shift_right_logical3A_664 = arith.shrui %bitcast_convert_type3A_658, %shift_right_logical3A_663 : vector<16xi32>
        %and3A_665 = arith.constant 1 : i32
        %and3A_666 = vector.broadcast %and3A_665 : i32 to vector<16xi32>
        %and3A_667 = arith.andi %shift_right_logical3A_664, %and3A_666 : vector<16xi32>
        %add3A_668 = arith.addi %add3A_661, %and3A_667 : vector<16xi32>
        %shift_right_logical3A_669 = arith.constant 16 : i32
        %shift_right_logical3A_670 = vector.broadcast %shift_right_logical3A_669 : i32 to vector<16xi32>
        %shift_right_logical3A_671 = arith.shrui %add3A_668, %shift_right_logical3A_670 : vector<16xi32>
        %shift_left3A = arith.constant 16 : i32
        %shift_left3A_672 = vector.broadcast %shift_left3A : i32 to vector<16xi32>
        %shift_left3A_673 = arith.shli %shift_right_logical3A_671, %shift_left3A_672 : vector<16xi32>
        %or3A = arith.ori %shift_right_logical3A_657, %shift_left3A_673 : vector<16xi32>
        %swap3A = arith.constant 1 : i32
        %swap3A_674 = arith.index_cast %swap3A : i32 to index
        %swap3A_675 = arith.index_cast %scan3A_621 : i32 to index
        %swap3A_676 = arith.constant 0 : index
        %swap3A_677 = tpu.vector_load %arg10[%swap3A_674, %swap3A_675, %swap3A_676] {strides = array<i32>} : memref<2x80x64xi32, #tpu.memory_space<vmem>>, vector<1x1x16xi32>,
        %swap3A_678 = vector.shape_cast %swap3A_677 : vector<1x1x16xi32> to vector<16xi32>
        %swap3A_679 = vector.shape_cast %or3A : vector<16xi32> to vector<1x1x16xi32>
        tpu.vector_store %arg10[%swap3A_674, %swap3A_675, %swap3A_676], %swap3A_679 {strides = array<i32>} : memref<2x80x64xi32, #tpu.memory_space<vmem>>, vector<1x1x16xi32>,
        %get3A_680 = arith.constant 1 : i32
        %get3A_681 = arith.index_cast %get3A_680 : i32 to index
        %get3A_682 = arith.index_cast %scan3A_621 : i32 to index
        %get3A_683 = arith.constant 16 : index
        %get3A_684 = tpu.vector_load %arg8[%get3A_681, %get3A_682, %get3A_683] {strides = array<i32>} : memref<2x80x128xf32, #tpu.memory_space<vmem>>, vector<1x1x16xf32>,
        %get3A_685 = vector.shape_cast %get3A_684 : vector<1x1x16xf32> to vector<16xf32>
        %get3A_686 = arith.constant 1 : i32
        %get3A_687 = arith.index_cast %get3A_686 : i32 to index
        %get3A_688 = arith.index_cast %scan3A_621 : i32 to index
        %get3A_689 = arith.constant 16 : index
        %get3A_690 = tpu.vector_load %arg9[%get3A_687, %get3A_688, %get3A_689] {strides = array<i32>} : memref<2x80x128xf32, #tpu.memory_space<vmem>>, vector<1x1x16xf32>,
        %get3A_691 = vector.shape_cast %get3A_690 : vector<1x1x16xf32> to vector<16xf32>
        %mul3A_692 = arith.mulf %get3A_685, %get3A_691 : vector<16xf32>
        %get3A_693 = arith.constant 1 : i32
        %get3A_694 = arith.index_cast %get3A_693 : i32 to index
        %get3A_695 = arith.index_cast %scan3A_621 : i32 to index
        %get3A_696 = arith.constant 80 : index
        %get3A_697 = tpu.vector_load %arg8[%get3A_694, %get3A_695, %get3A_696] {strides = array<i32>} : memref<2x80x128xf32, #tpu.memory_space<vmem>>, vector<1x1x16xf32>,
        %get3A_698 = vector.shape_cast %get3A_697 : vector<1x1x16xf32> to vector<16xf32>
        %get3A_699 = arith.constant 1 : i32
        %get3A_700 = arith.index_cast %get3A_699 : i32 to index
        %get3A_701 = arith.index_cast %scan3A_621 : i32 to index
        %get3A_702 = arith.constant 80 : index
        %get3A_703 = tpu.vector_load %arg9[%get3A_700, %get3A_701, %get3A_702] {strides = array<i32>} : memref<2x80x128xf32, #tpu.memory_space<vmem>>, vector<1x1x16xf32>,
        %get3A_704 = vector.shape_cast %get3A_703 : vector<1x1x16xf32> to vector<16xf32>
        %mul3A_705 = arith.mulf %get3A_698, %get3A_704 : vector<16xf32>
        %bitcast_convert_type3A_706 = tpu.bitcast %mul3A_692 : vector<16xf32> -> vector<16xi32>
        %add3A_707 = arith.constant 32767 : i32
        %add3A_708 = vector.broadcast %add3A_707 : i32 to vector<16xi32>
        %add3A_709 = arith.addi %bitcast_convert_type3A_706, %add3A_708 : vector<16xi32>
        %shift_right_logical3A_710 = arith.constant 16 : i32
        %shift_right_logical3A_711 = vector.broadcast %shift_right_logical3A_710 : i32 to vector<16xi32>
        %shift_right_logical3A_712 = arith.shrui %bitcast_convert_type3A_706, %shift_right_logical3A_711 : vector<16xi32>
        %and3A_713 = arith.constant 1 : i32
        %and3A_714 = vector.broadcast %and3A_713 : i32 to vector<16xi32>
        %and3A_715 = arith.andi %shift_right_logical3A_712, %and3A_714 : vector<16xi32>
        %add3A_716 = arith.addi %add3A_709, %and3A_715 : vector<16xi32>
        %shift_right_logical3A_717 = arith.constant 16 : i32
        %shift_right_logical3A_718 = vector.broadcast %shift_right_logical3A_717 : i32 to vector<16xi32>
        %shift_right_logical3A_719 = arith.shrui %add3A_716, %shift_right_logical3A_718 : vector<16xi32>
        %bitcast_convert_type3A_720 = tpu.bitcast %mul3A_705 : vector<16xf32> -> vector<16xi32>
        %add3A_721 = arith.constant 32767 : i32
        %add3A_722 = vector.broadcast %add3A_721 : i32 to vector<16xi32>
        %add3A_723 = arith.addi %bitcast_convert_type3A_720, %add3A_722 : vector<16xi32>
        %shift_right_logical3A_724 = arith.constant 16 : i32
        %shift_right_logical3A_725 = vector.broadcast %shift_right_logical3A_724 : i32 to vector<16xi32>
        %shift_right_logical3A_726 = arith.shrui %bitcast_convert_type3A_720, %shift_right_logical3A_725 : vector<16xi32>
        %and3A_727 = arith.constant 1 : i32
        %and3A_728 = vector.broadcast %and3A_727 : i32 to vector<16xi32>
        %and3A_729 = arith.andi %shift_right_logical3A_726, %and3A_728 : vector<16xi32>
        %add3A_730 = arith.addi %add3A_723, %and3A_729 : vector<16xi32>
        %shift_right_logical3A_731 = arith.constant 16 : i32
        %shift_right_logical3A_732 = vector.broadcast %shift_right_logical3A_731 : i32 to vector<16xi32>
        %shift_right_logical3A_733 = arith.shrui %add3A_730, %shift_right_logical3A_732 : vector<16xi32>
        %shift_left3A_734 = arith.constant 16 : i32
        %shift_left3A_735 = vector.broadcast %shift_left3A_734 : i32 to vector<16xi32>
        %shift_left3A_736 = arith.shli %shift_right_logical3A_733, %shift_left3A_735 : vector<16xi32>
        %or3A_737 = arith.ori %shift_right_logical3A_719, %shift_left3A_736 : vector<16xi32>
        %swap3A_738 = arith.constant 1 : i32
        %swap3A_739 = arith.index_cast %swap3A_738 : i32 to index
        %swap3A_740 = arith.index_cast %scan3A_621 : i32 to index
        %swap3A_741 = arith.constant 16 : index
        %swap3A_742 = tpu.vector_load %arg10[%swap3A_739, %swap3A_740, %swap3A_741] {strides = array<i32>} : memref<2x80x64xi32, #tpu.memory_space<vmem>>, vector<1x1x16xi32>,
        %swap3A_743 = vector.shape_cast %swap3A_742 : vector<1x1x16xi32> to vector<16xi32>
        %swap3A_744 = vector.shape_cast %or3A_737 : vector<16xi32> to vector<1x1x16xi32>
        tpu.vector_store %arg10[%swap3A_739, %swap3A_740, %swap3A_741], %swap3A_744 {strides = array<i32>} : memref<2x80x64xi32, #tpu.memory_space<vmem>>, vector<1x1x16xi32>,
        %get3A_745 = arith.constant 1 : i32
        %get3A_746 = arith.index_cast %get3A_745 : i32 to index
        %get3A_747 = arith.index_cast %scan3A_621 : i32 to index
        %get3A_748 = arith.constant 32 : index
        %get3A_749 = tpu.vector_load %arg8[%get3A_746, %get3A_747, %get3A_748] {strides = array<i32>} : memref<2x80x128xf32, #tpu.memory_space<vmem>>, vector<1x1x16xf32>,
        %get3A_750 = vector.shape_cast %get3A_749 : vector<1x1x16xf32> to vector<16xf32>
        %get3A_751 = arith.constant 1 : i32
        %get3A_752 = arith.index_cast %get3A_751 : i32 to index
        %get3A_753 = arith.index_cast %scan3A_621 : i32 to index
        %get3A_754 = arith.constant 32 : index
        %get3A_755 = tpu.vector_load %arg9[%get3A_752, %get3A_753, %get3A_754] {strides = array<i32>} : memref<2x80x128xf32, #tpu.memory_space<vmem>>, vector<1x1x16xf32>,
        %get3A_756 = vector.shape_cast %get3A_755 : vector<1x1x16xf32> to vector<16xf32>
        %mul3A_757 = arith.mulf %get3A_750, %get3A_756 : vector<16xf32>
        %get3A_758 = arith.constant 1 : i32
        %get3A_759 = arith.index_cast %get3A_758 : i32 to index
        %get3A_760 = arith.index_cast %scan3A_621 : i32 to index
        %get3A_761 = arith.constant 96 : index
        %get3A_762 = tpu.vector_load %arg8[%get3A_759, %get3A_760, %get3A_761] {strides = array<i32>} : memref<2x80x128xf32, #tpu.memory_space<vmem>>, vector<1x1x16xf32>,
        %get3A_763 = vector.shape_cast %get3A_762 : vector<1x1x16xf32> to vector<16xf32>
        %get3A_764 = arith.constant 1 : i32
        %get3A_765 = arith.index_cast %get3A_764 : i32 to index
        %get3A_766 = arith.index_cast %scan3A_621 : i32 to index
        %get3A_767 = arith.constant 96 : index
        %get3A_768 = tpu.vector_load %arg9[%get3A_765, %get3A_766, %get3A_767] {strides = array<i32>} : memref<2x80x128xf32, #tpu.memory_space<vmem>>, vector<1x1x16xf32>,
        %get3A_769 = vector.shape_cast %get3A_768 : vector<1x1x16xf32> to vector<16xf32>
        %mul3A_770 = arith.mulf %get3A_763, %get3A_769 : vector<16xf32>
        %bitcast_convert_type3A_771 = tpu.bitcast %mul3A_757 : vector<16xf32> -> vector<16xi32>
        %add3A_772 = arith.constant 32767 : i32
        %add3A_773 = vector.broadcast %add3A_772 : i32 to vector<16xi32>
        %add3A_774 = arith.addi %bitcast_convert_type3A_771, %add3A_773 : vector<16xi32>
        %shift_right_logical3A_775 = arith.constant 16 : i32
        %shift_right_logical3A_776 = vector.broadcast %shift_right_logical3A_775 : i32 to vector<16xi32>
        %shift_right_logical3A_777 = arith.shrui %bitcast_convert_type3A_771, %shift_right_logical3A_776 : vector<16xi32>
        %and3A_778 = arith.constant 1 : i32
        %and3A_779 = vector.broadcast %and3A_778 : i32 to vector<16xi32>
        %and3A_780 = arith.andi %shift_right_logical3A_777, %and3A_779 : vector<16xi32>
        %add3A_781 = arith.addi %add3A_774, %and3A_780 : vector<16xi32>
        %shift_right_logical3A_782 = arith.constant 16 : i32
        %shift_right_logical3A_783 = vector.broadcast %shift_right_logical3A_782 : i32 to vector<16xi32>
        %shift_right_logical3A_784 = arith.shrui %add3A_781, %shift_right_logical3A_783 : vector<16xi32>
        %bitcast_convert_type3A_785 = tpu.bitcast %mul3A_770 : vector<16xf32> -> vector<16xi32>
        %add3A_786 = arith.constant 32767 : i32
        %add3A_787 = vector.broadcast %add3A_786 : i32 to vector<16xi32>
        %add3A_788 = arith.addi %bitcast_convert_type3A_785, %add3A_787 : vector<16xi32>
        %shift_right_logical3A_789 = arith.constant 16 : i32
        %shift_right_logical3A_790 = vector.broadcast %shift_right_logical3A_789 : i32 to vector<16xi32>
        %shift_right_logical3A_791 = arith.shrui %bitcast_convert_type3A_785, %shift_right_logical3A_790 : vector<16xi32>
        %and3A_792 = arith.constant 1 : i32
        %and3A_793 = vector.broadcast %and3A_792 : i32 to vector<16xi32>
        %and3A_794 = arith.andi %shift_right_logical3A_791, %and3A_793 : vector<16xi32>
        %add3A_795 = arith.addi %add3A_788, %and3A_794 : vector<16xi32>
        %shift_right_logical3A_796 = arith.constant 16 : i32
        %shift_right_logical3A_797 = vector.broadcast %shift_right_logical3A_796 : i32 to vector<16xi32>
        %shift_right_logical3A_798 = arith.shrui %add3A_795, %shift_right_logical3A_797 : vector<16xi32>
        %shift_left3A_799 = arith.constant 16 : i32
        %shift_left3A_800 = vector.broadcast %shift_left3A_799 : i32 to vector<16xi32>
        %shift_left3A_801 = arith.shli %shift_right_logical3A_798, %shift_left3A_800 : vector<16xi32>
        %or3A_802 = arith.ori %shift_right_logical3A_784, %shift_left3A_801 : vector<16xi32>
        %swap3A_803 = arith.constant 1 : i32
        %swap3A_804 = arith.index_cast %swap3A_803 : i32 to index
        %swap3A_805 = arith.index_cast %scan3A_621 : i32 to index
        %swap3A_806 = arith.constant 32 : index
        %swap3A_807 = tpu.vector_load %arg10[%swap3A_804, %swap3A_805, %swap3A_806] {strides = array<i32>} : memref<2x80x64xi32, #tpu.memory_space<vmem>>, vector<1x1x16xi32>,
        %swap3A_808 = vector.shape_cast %swap3A_807 : vector<1x1x16xi32> to vector<16xi32>
        %swap3A_809 = vector.shape_cast %or3A_802 : vector<16xi32> to vector<1x1x16xi32>
        tpu.vector_store %arg10[%swap3A_804, %swap3A_805, %swap3A_806], %swap3A_809 {strides = array<i32>} : memref<2x80x64xi32, #tpu.memory_space<vmem>>, vector<1x1x16xi32>,
        %get3A_810 = arith.constant 1 : i32
        %get3A_811 = arith.index_cast %get3A_810 : i32 to index
        %get3A_812 = arith.index_cast %scan3A_621 : i32 to index
        %get3A_813 = arith.constant 48 : index
        %get3A_814 = tpu.vector_load %arg8[%get3A_811, %get3A_812, %get3A_813] {strides = array<i32>} : memref<2x80x128xf32, #tpu.memory_space<vmem>>, vector<1x1x16xf32>,
        %get3A_815 = vector.shape_cast %get3A_814 : vector<1x1x16xf32> to vector<16xf32>
        %get3A_816 = arith.constant 1 : i32
        %get3A_817 = arith.index_cast %get3A_816 : i32 to index
        %get3A_818 = arith.index_cast %scan3A_621 : i32 to index
        %get3A_819 = arith.constant 48 : index
        %get3A_820 = tpu.vector_load %arg9[%get3A_817, %get3A_818, %get3A_819] {strides = array<i32>} : memref<2x80x128xf32, #tpu.memory_space<vmem>>, vector<1x1x16xf32>,
        %get3A_821 = vector.shape_cast %get3A_820 : vector<1x1x16xf32> to vector<16xf32>
        %mul3A_822 = arith.mulf %get3A_815, %get3A_821 : vector<16xf32>
        %get3A_823 = arith.constant 1 : i32
        %get3A_824 = arith.index_cast %get3A_823 : i32 to index
        %get3A_825 = arith.index_cast %scan3A_621 : i32 to index
        %get3A_826 = arith.constant 112 : index
        %get3A_827 = tpu.vector_load %arg8[%get3A_824, %get3A_825, %get3A_826] {strides = array<i32>} : memref<2x80x128xf32, #tpu.memory_space<vmem>>, vector<1x1x16xf32>,
        %get3A_828 = vector.shape_cast %get3A_827 : vector<1x1x16xf32> to vector<16xf32>
        %get3A_829 = arith.constant 1 : i32
        %get3A_830 = arith.index_cast %get3A_829 : i32 to index
        %get3A_831 = arith.index_cast %scan3A_621 : i32 to index
        %get3A_832 = arith.constant 112 : index
        %get3A_833 = tpu.vector_load %arg9[%get3A_830, %get3A_831, %get3A_832] {strides = array<i32>} : memref<2x80x128xf32, #tpu.memory_space<vmem>>, vector<1x1x16xf32>,
        %get3A_834 = vector.shape_cast %get3A_833 : vector<1x1x16xf32> to vector<16xf32>
        %mul3A_835 = arith.mulf %get3A_828, %get3A_834 : vector<16xf32>
        %bitcast_convert_type3A_836 = tpu.bitcast %mul3A_822 : vector<16xf32> -> vector<16xi32>
        %add3A_837 = arith.constant 32767 : i32
        %add3A_838 = vector.broadcast %add3A_837 : i32 to vector<16xi32>
        %add3A_839 = arith.addi %bitcast_convert_type3A_836, %add3A_838 : vector<16xi32>
        %shift_right_logical3A_840 = arith.constant 16 : i32
        %shift_right_logical3A_841 = vector.broadcast %shift_right_logical3A_840 : i32 to vector<16xi32>
        %shift_right_logical3A_842 = arith.shrui %bitcast_convert_type3A_836, %shift_right_logical3A_841 : vector<16xi32>
        %and3A_843 = arith.constant 1 : i32
        %and3A_844 = vector.broadcast %and3A_843 : i32 to vector<16xi32>
        %and3A_845 = arith.andi %shift_right_logical3A_842, %and3A_844 : vector<16xi32>
        %add3A_846 = arith.addi %add3A_839, %and3A_845 : vector<16xi32>
        %shift_right_logical3A_847 = arith.constant 16 : i32
        %shift_right_logical3A_848 = vector.broadcast %shift_right_logical3A_847 : i32 to vector<16xi32>
        %shift_right_logical3A_849 = arith.shrui %add3A_846, %shift_right_logical3A_848 : vector<16xi32>
        %bitcast_convert_type3A_850 = tpu.bitcast %mul3A_835 : vector<16xf32> -> vector<16xi32>
        %add3A_851 = arith.constant 32767 : i32
        %add3A_852 = vector.broadcast %add3A_851 : i32 to vector<16xi32>
        %add3A_853 = arith.addi %bitcast_convert_type3A_850, %add3A_852 : vector<16xi32>
        %shift_right_logical3A_854 = arith.constant 16 : i32
        %shift_right_logical3A_855 = vector.broadcast %shift_right_logical3A_854 : i32 to vector<16xi32>
        %shift_right_logical3A_856 = arith.shrui %bitcast_convert_type3A_850, %shift_right_logical3A_855 : vector<16xi32>
        %and3A_857 = arith.constant 1 : i32
        %and3A_858 = vector.broadcast %and3A_857 : i32 to vector<16xi32>
        %and3A_859 = arith.andi %shift_right_logical3A_856, %and3A_858 : vector<16xi32>
        %add3A_860 = arith.addi %add3A_853, %and3A_859 : vector<16xi32>
        %shift_right_logical3A_861 = arith.constant 16 : i32
        %shift_right_logical3A_862 = vector.broadcast %shift_right_logical3A_861 : i32 to vector<16xi32>
        %shift_right_logical3A_863 = arith.shrui %add3A_860, %shift_right_logical3A_862 : vector<16xi32>
        %shift_left3A_864 = arith.constant 16 : i32
        %shift_left3A_865 = vector.broadcast %shift_left3A_864 : i32 to vector<16xi32>
        %shift_left3A_866 = arith.shli %shift_right_logical3A_863, %shift_left3A_865 : vector<16xi32>
        %or3A_867 = arith.ori %shift_right_logical3A_849, %shift_left3A_866 : vector<16xi32>
        %swap3A_868 = arith.constant 1 : i32
        %swap3A_869 = arith.index_cast %swap3A_868 : i32 to index
        %swap3A_870 = arith.index_cast %scan3A_621 : i32 to index
        %swap3A_871 = arith.constant 48 : index
        %swap3A_872 = tpu.vector_load %arg10[%swap3A_869, %swap3A_870, %swap3A_871] {strides = array<i32>} : memref<2x80x64xi32, #tpu.memory_space<vmem>>, vector<1x1x16xi32>,
        %swap3A_873 = vector.shape_cast %swap3A_872 : vector<1x1x16xi32> to vector<16xi32>
        %swap3A_874 = vector.shape_cast %or3A_867 : vector<16xi32> to vector<1x1x16xi32>
        tpu.vector_store %arg10[%swap3A_869, %swap3A_870, %swap3A_871], %swap3A_874 {strides = array<i32>} : memref<2x80x64xi32, #tpu.memory_space<vmem>>, vector<1x1x16xi32>,
      }
      %scan3A_580 = arith.constant 80 : i32
      %add3A_581 = arith.addi %mul3A_2, %add3A_536 : i32
      %mul3A_582 = arith.constant 80 : i32
      %mul3A_583 = arith.muli %add3A_581, %mul3A_582 : i32
      %dma_start3A_584 = arith.constant 1 : i32
      %dma_start3A_585 = arith.constant 0 : i32
      %dma_start3A_586 = arith.constant 0 : i32
      %dma_start3A_587 = tpu.memref_slice %arg10[%dma_start3A_584, %dma_start3A_585, %dma_start3A_586] : memref<2x80x64xi32, #tpu.memory_space<vmem>> -> memref<1x80x64xi32, #tpu.memory_space<vmem>>
      %dma_start3A_588 = tpu.memref_squeeze %dma_start3A_587 : memref<1x80x64xi32, #tpu.memory_space<vmem>> -> memref<80x64xi32, #tpu.memory_space<vmem>>
      %dma_start3A_589 = arith.constant 0 : i32
      %dma_start3A_590 = tpu.memref_slice %arg5[%mul3A_583, %dma_start3A_589] : memref<320000x64xi32, #tpu.memory_space<hbm>> -> memref<80x64xi32, #tpu.memory_space<hbm>>
      %dma_start3A_591 = arith.constant 0 : i32
      %dma_start3A_592 = tpu.memref_slice %arg5[%mul3A_583, %dma_start3A_591] : memref<320000x64xi32, #tpu.memory_space<hbm>> -> memref<80x64xi32, #tpu.memory_space<hbm>>
      %dma_start3A_593 = arith.constant 0 : i32
      %dma_start3A_594 = arith.constant 0 : i32
      %dma_start3A_595 = tpu.memref_slice %arg10[%dma_start3A_584, %dma_start3A_593, %dma_start3A_594] : memref<2x80x64xi32, #tpu.memory_space<vmem>> -> memref<1x80x64xi32, #tpu.memory_space<vmem>>
      %dma_start3A_596 = tpu.memref_squeeze %dma_start3A_595 : memref<1x80x64xi32, #tpu.memory_space<vmem>> -> memref<80x64xi32, #tpu.memory_space<vmem>>
      tpu.enqueue_dma source(%dma_start3A_596 : memref<80x64xi32, #tpu.memory_space<vmem>>) target(%dma_start3A_592 : memref<80x64xi32, #tpu.memory_space<hbm>>) target_semaphore(%arg14 : memref<!tpu.dma_semaphore, #tpu.memory_space<semaphore_mem>>)
      %add3A_597 = arith.constant 3 : i32
      %add3A_598 = arith.addi %add3A_450, %add3A_597 : i32
      %dma_start3A_599 = arith.constant 1 : i32
      %dma_start3A_600 = arith.constant 0 : i32
      %dma_start3A_601 = arith.constant 0 : i32
      %dma_start3A_602 = tpu.memref_slice %arg8[%dma_start3A_599, %dma_start3A_600, %dma_start3A_601] : memref<2x80x128xf32, #tpu.memory_space<vmem>> -> memref<1x80x128xf32, #tpu.memory_space<vmem>>
      %dma_start3A_603 = tpu.memref_squeeze %dma_start3A_602 : memref<1x80x128xf32, #tpu.memory_space<vmem>> -> memref<80x128xf32, #tpu.memory_space<vmem>>
      %dma_start3A_604 = arith.constant 0 : i32
      %dma_start3A_605 = tpu.memref_slice %arg6[%add3A_598, %dma_start3A_604] : memref<125x80xi32, #tpu.memory_space<vmem>> -> memref<1x80xi32, #tpu.memory_space<vmem>>
      %dma_start3A_606 = tpu.memref_squeeze %dma_start3A_605 : memref<1x80xi32, #tpu.memory_space<vmem>> -> memref<80xi32, #tpu.memory_space<vmem>>
      %dma_start3A_607 = arith.constant 0 : i32
      %dma_start3A_608 = arith.constant 0 : i32
      %dma_start3A_609 = tpu.memref_slice %arg2[%dma_start3A_607, %dma_start3A_608] : memref<10000x128xf32, #tpu.memory_space<hbm>> -> memref<10000x128xf32, #tpu.memory_space<hbm>>
      tpu.enqueue_indirect_dma source(%dma_start3A_609 : memref<10000x128xf32, #tpu.memory_space<hbm>>) target(%dma_start3A_603 : memref<80x128xf32, #tpu.memory_space<vmem>>) offsets(%dma_start3A_606 : memref<80xi32, #tpu.memory_space<vmem>>) semaphore(%arg12 : memref<!tpu.dma_semaphore, #tpu.memory_space<semaphore_mem>>)
      %dma_start3A_610 = arith.constant 1 : i32
      %dma_start3A_611 = arith.constant 0 : i32
      %dma_start3A_612 = arith.constant 0 : i32
      %dma_start3A_613 = tpu.memref_slice %arg9[%dma_start3A_610, %dma_start3A_611, %dma_start3A_612] : memref<2x80x128xf32, #tpu.memory_space<vmem>> -> memref<1x80x128xf32, #tpu.memory_space<vmem>>
      %dma_start3A_614 = tpu.memref_squeeze %dma_start3A_613 : memref<1x80x128xf32, #tpu.memory_space<vmem>> -> memref<80x128xf32, #tpu.memory_space<vmem>>
      %dma_start3A_615 = arith.constant 0 : i32
      %dma_start3A_616 = tpu.memref_slice %arg7[%add3A_598, %dma_start3A_615] : memref<125x80xi32, #tpu.memory_space<vmem>> -> memref<1x80xi32, #tpu.memory_space<vmem>>
      %dma_start3A_617 = tpu.memref_squeeze %dma_start3A_616 : memref<1x80xi32, #tpu.memory_space<vmem>> -> memref<80xi32, #tpu.memory_space<vmem>>
      %dma_start3A_618 = arith.constant 0 : i32
      %dma_start3A_619 = arith.constant 0 : i32
      %dma_start3A_620 = tpu.memref_slice %arg2[%dma_start3A_618, %dma_start3A_619] : memref<10000x128xf32, #tpu.memory_space<hbm>> -> memref<10000x128xf32, #tpu.memory_space<hbm>>
      tpu.enqueue_indirect_dma source(%dma_start3A_620 : memref<10000x128xf32, #tpu.memory_space<hbm>>) target(%dma_start3A_614 : memref<80x128xf32, #tpu.memory_space<vmem>>) offsets(%dma_start3A_617 : memref<80xi32, #tpu.memory_space<vmem>>) semaphore(%arg12 : memref<!tpu.dma_semaphore, #tpu.memory_space<semaphore_mem>>)
    }
    %scan3A_195 = arith.constant 60 : i32
    %dma_wait3A_196 = arith.constant 122 : i32
    %dma_wait3A_197 = arith.constant 0 : i32
    %dma_wait3A_198 = arith.constant 0 : i32
    %dma_wait3A_199 = arith.constant 0 : i32
    %dma_wait3A_200 = tpu.memref_slice %arg8[%dma_wait3A_197, %dma_wait3A_198, %dma_wait3A_199] : memref<2x80x128xf32, #tpu.memory_space<vmem>> -> memref<1x80x128xf32, #tpu.memory_space<vmem>>
    %dma_wait3A_201 = tpu.memref_squeeze %dma_wait3A_200 : memref<1x80x128xf32, #tpu.memory_space<vmem>> -> memref<80x128xf32, #tpu.memory_space<vmem>>
    %dma_wait3A_202 = arith.constant 0 : i32
    %dma_wait3A_203 = tpu.memref_slice %arg6[%dma_wait3A_196, %dma_wait3A_202] : memref<125x80xi32, #tpu.memory_space<vmem>> -> memref<1x80xi32, #tpu.memory_space<vmem>>
    %dma_wait3A_204 = tpu.memref_squeeze %dma_wait3A_203 : memref<1x80xi32, #tpu.memory_space<vmem>> -> memref<80xi32, #tpu.memory_space<vmem>>
    %dma_wait3A_205 = arith.constant 0 : i32
    %dma_wait3A_206 = arith.constant 0 : i32
    %dma_wait3A_207 = tpu.memref_slice %arg2[%dma_wait3A_205, %dma_wait3A_206] : memref<10000x128xf32, #tpu.memory_space<hbm>> -> memref<10000x128xf32, #tpu.memory_space<hbm>>
    tpu.wait_indirect_dma semaphore(%arg11 : memref<!tpu.dma_semaphore, #tpu.memory_space<semaphore_mem>>) src(%dma_wait3A_207 : memref<10000x128xf32, #tpu.memory_space<hbm>>) dst(%dma_wait3A_201 : memref<80x128xf32, #tpu.memory_space<vmem>>)
    %dma_wait3A_208 = arith.constant 122 : i32
    %dma_wait3A_209 = arith.constant 0 : i32
    %dma_wait3A_210 = arith.constant 0 : i32
    %dma_wait3A_211 = arith.constant 0 : i32
    %dma_wait3A_212 = tpu.memref_slice %arg9[%dma_wait3A_209, %dma_wait3A_210, %dma_wait3A_211] : memref<2x80x128xf32, #tpu.memory_space<vmem>> -> memref<1x80x128xf32, #tpu.memory_space<vmem>>
    %dma_wait3A_213 = tpu.memref_squeeze %dma_wait3A_212 : memref<1x80x128xf32, #tpu.memory_space<vmem>> -> memref<80x128xf32, #tpu.memory_space<vmem>>
    %dma_wait3A_214 = arith.constant 0 : i32
    %dma_wait3A_215 = tpu.memref_slice %arg7[%dma_wait3A_208, %dma_wait3A_214] : memref<125x80xi32, #tpu.memory_space<vmem>> -> memref<1x80xi32, #tpu.memory_space<vmem>>
    %dma_wait3A_216 = tpu.memref_squeeze %dma_wait3A_215 : memref<1x80xi32, #tpu.memory_space<vmem>> -> memref<80xi32, #tpu.memory_space<vmem>>
    %dma_wait3A_217 = arith.constant 0 : i32
    %dma_wait3A_218 = arith.constant 0 : i32
    %dma_wait3A_219 = tpu.memref_slice %arg2[%dma_wait3A_217, %dma_wait3A_218] : memref<10000x128xf32, #tpu.memory_space<hbm>> -> memref<10000x128xf32, #tpu.memory_space<hbm>>
    tpu.wait_indirect_dma semaphore(%arg11 : memref<!tpu.dma_semaphore, #tpu.memory_space<semaphore_mem>>) src(%dma_wait3A_219 : memref<10000x128xf32, #tpu.memory_space<hbm>>) dst(%dma_wait3A_213 : memref<80x128xf32, #tpu.memory_space<vmem>>)
    %add3A_220 = arith.constant 122 : i32
    %add3A_221 = arith.addi %mul3A_2, %add3A_220 : i32
    %mul3A_222 = arith.constant 80 : i32
    %mul3A_223 = arith.muli %add3A_221, %mul3A_222 : i32
    %dma_wait3A_224 = arith.constant 0 : i32
    %dma_wait3A_225 = arith.constant 0 : i32
    %dma_wait3A_226 = arith.constant 0 : i32
    %dma_wait3A_227 = tpu.memref_slice %arg10[%dma_wait3A_224, %dma_wait3A_225, %dma_wait3A_226] : memref<2x80x64xi32, #tpu.memory_space<vmem>> -> memref<1x80x64xi32, #tpu.memory_space<vmem>>
    %dma_wait3A_228 = tpu.memref_squeeze %dma_wait3A_227 : memref<1x80x64xi32, #tpu.memory_space<vmem>> -> memref<80x64xi32, #tpu.memory_space<vmem>>
    %dma_wait3A_229 = arith.constant 0 : i32
    %dma_wait3A_230 = tpu.memref_slice %arg5[%mul3A_223, %dma_wait3A_229] : memref<320000x64xi32, #tpu.memory_space<hbm>> -> memref<80x64xi32, #tpu.memory_space<hbm>>
    %dma_wait3A_231 = arith.constant 0 : i32
    %dma_wait3A_232 = tpu.memref_slice %arg5[%mul3A_223, %dma_wait3A_231] : memref<320000x64xi32, #tpu.memory_space<hbm>> -> memref<80x64xi32, #tpu.memory_space<hbm>>
    %dma_wait3A_233 = arith.constant 0 : i32
    %dma_wait3A_234 = arith.constant 0 : i32
    %dma_wait3A_235 = tpu.memref_slice %arg10[%dma_wait3A_224, %dma_wait3A_233, %dma_wait3A_234] : memref<2x80x64xi32, #tpu.memory_space<vmem>> -> memref<1x80x64xi32, #tpu.memory_space<vmem>>
    %dma_wait3A_236 = tpu.memref_squeeze %dma_wait3A_235 : memref<1x80x64xi32, #tpu.memory_space<vmem>> -> memref<80x64xi32, #tpu.memory_space<vmem>>
    tpu.wait_dma2 semaphore(%arg13 : memref<!tpu.dma_semaphore, #tpu.memory_space<semaphore_mem>>) src(%dma_wait3A_236 : memref<80x64xi32, #tpu.memory_space<vmem>>) dst(%dma_wait3A_232 : memref<80x64xi32, #tpu.memory_space<hbm>>)
    %scan3A_237 = arith.constant 0 : i32
    %scan3A_238 = arith.constant 0 : i32
    %scan3A_239 = arith.constant 80 : i32
    %scan3A_240 = arith.addi %scan3A_238, %scan3A_239 : i32
    %scan3A_241 = arith.constant 1 : i32
    scf.for %scan3A_446 = %scan3A_238 to %scan3A_240 step %scan3A_241  : i32 {
      %get3A = arith.constant 0 : i32
      %get3A_447 = arith.index_cast %get3A : i32 to index
      %get3A_448 = arith.index_cast %scan3A_446 : i32 to index
      %get3A_449 = arith.constant 0 : index
      %get3A_450 = tpu.vector_load %arg8[%get3A_447, %get3A_448, %get3A_449] {strides = array<i32>} : memref<2x80x128xf32, #tpu.memory_space<vmem>>, vector<1x1x16xf32>,
      %get3A_451 = vector.shape_cast %get3A_450 : vector<1x1x16xf32> to vector<16xf32>
      %get3A_452 = arith.constant 0 : i32
      %get3A_453 = arith.index_cast %get3A_452 : i32 to index
      %get3A_454 = arith.index_cast %scan3A_446 : i32 to index
      %get3A_455 = arith.constant 0 : index
      %get3A_456 = tpu.vector_load %arg9[%get3A_453, %get3A_454, %get3A_455] {strides = array<i32>} : memref<2x80x128xf32, #tpu.memory_space<vmem>>, vector<1x1x16xf32>,
      %get3A_457 = vector.shape_cast %get3A_456 : vector<1x1x16xf32> to vector<16xf32>
      %mul3A_458 = arith.mulf %get3A_451, %get3A_457 : vector<16xf32>
      %get3A_459 = arith.constant 0 : i32
      %get3A_460 = arith.index_cast %get3A_459 : i32 to index
      %get3A_461 = arith.index_cast %scan3A_446 : i32 to index
      %get3A_462 = arith.constant 64 : index
      %get3A_463 = tpu.vector_load %arg8[%get3A_460, %get3A_461, %get3A_462] {strides = array<i32>} : memref<2x80x128xf32, #tpu.memory_space<vmem>>, vector<1x1x16xf32>,
      %get3A_464 = vector.shape_cast %get3A_463 : vector<1x1x16xf32> to vector<16xf32>
      %get3A_465 = arith.constant 0 : i32
      %get3A_466 = arith.index_cast %get3A_465 : i32 to index
      %get3A_467 = arith.index_cast %scan3A_446 : i32 to index
      %get3A_468 = arith.constant 64 : index
      %get3A_469 = tpu.vector_load %arg9[%get3A_466, %get3A_467, %get3A_468] {strides = array<i32>} : memref<2x80x128xf32, #tpu.memory_space<vmem>>, vector<1x1x16xf32>,
      %get3A_470 = vector.shape_cast %get3A_469 : vector<1x1x16xf32> to vector<16xf32>
      %mul3A_471 = arith.mulf %get3A_464, %get3A_470 : vector<16xf32>
      %bitcast_convert_type3A = tpu.bitcast %mul3A_458 : vector<16xf32> -> vector<16xi32>
      %add3A_472 = arith.constant 32767 : i32
      %add3A_473 = vector.broadcast %add3A_472 : i32 to vector<16xi32>
      %add3A_474 = arith.addi %bitcast_convert_type3A, %add3A_473 : vector<16xi32>
      %shift_right_logical3A = arith.constant 16 : i32
      %shift_right_logical3A_475 = vector.broadcast %shift_right_logical3A : i32 to vector<16xi32>
      %shift_right_logical3A_476 = arith.shrui %bitcast_convert_type3A, %shift_right_logical3A_475 : vector<16xi32>
      %and3A = arith.constant 1 : i32
      %and3A_477 = vector.broadcast %and3A : i32 to vector<16xi32>
      %and3A_478 = arith.andi %shift_right_logical3A_476, %and3A_477 : vector<16xi32>
      %add3A_479 = arith.addi %add3A_474, %and3A_478 : vector<16xi32>
      %shift_right_logical3A_480 = arith.constant 16 : i32
      %shift_right_logical3A_481 = vector.broadcast %shift_right_logical3A_480 : i32 to vector<16xi32>
      %shift_right_logical3A_482 = arith.shrui %add3A_479, %shift_right_logical3A_481 : vector<16xi32>
      %bitcast_convert_type3A_483 = tpu.bitcast %mul3A_471 : vector<16xf32> -> vector<16xi32>
      %add3A_484 = arith.constant 32767 : i32
      %add3A_485 = vector.broadcast %add3A_484 : i32 to vector<16xi32>
      %add3A_486 = arith.addi %bitcast_convert_type3A_483, %add3A_485 : vector<16xi32>
      %shift_right_logical3A_487 = arith.constant 16 : i32
      %shift_right_logical3A_488 = vector.broadcast %shift_right_logical3A_487 : i32 to vector<16xi32>
      %shift_right_logical3A_489 = arith.shrui %bitcast_convert_type3A_483, %shift_right_logical3A_488 : vector<16xi32>
      %and3A_490 = arith.constant 1 : i32
      %and3A_491 = vector.broadcast %and3A_490 : i32 to vector<16xi32>
      %and3A_492 = arith.andi %shift_right_logical3A_489, %and3A_491 : vector<16xi32>
      %add3A_493 = arith.addi %add3A_486, %and3A_492 : vector<16xi32>
      %shift_right_logical3A_494 = arith.constant 16 : i32
      %shift_right_logical3A_495 = vector.broadcast %shift_right_logical3A_494 : i32 to vector<16xi32>
      %shift_right_logical3A_496 = arith.shrui %add3A_493, %shift_right_logical3A_495 : vector<16xi32>
      %shift_left3A = arith.constant 16 : i32
      %shift_left3A_497 = vector.broadcast %shift_left3A : i32 to vector<16xi32>
      %shift_left3A_498 = arith.shli %shift_right_logical3A_496, %shift_left3A_497 : vector<16xi32>
      %or3A = arith.ori %shift_right_logical3A_482, %shift_left3A_498 : vector<16xi32>
      %swap3A = arith.constant 0 : i32
      %swap3A_499 = arith.index_cast %swap3A : i32 to index
      %swap3A_500 = arith.index_cast %scan3A_446 : i32 to index
      %swap3A_501 = arith.constant 0 : index
      %swap3A_502 = tpu.vector_load %arg10[%swap3A_499, %swap3A_500, %swap3A_501] {strides = array<i32>} : memref<2x80x64xi32, #tpu.memory_space<vmem>>, vector<1x1x16xi32>,
      %swap3A_503 = vector.shape_cast %swap3A_502 : vector<1x1x16xi32> to vector<16xi32>
      %swap3A_504 = vector.shape_cast %or3A : vector<16xi32> to vector<1x1x16xi32>
      tpu.vector_store %arg10[%swap3A_499, %swap3A_500, %swap3A_501], %swap3A_504 {strides = array<i32>} : memref<2x80x64xi32, #tpu.memory_space<vmem>>, vector<1x1x16xi32>,
      %get3A_505 = arith.constant 0 : i32
      %get3A_506 = arith.index_cast %get3A_505 : i32 to index
      %get3A_507 = arith.index_cast %scan3A_446 : i32 to index
      %get3A_508 = arith.constant 16 : index
      %get3A_509 = tpu.vector_load %arg8[%get3A_506, %get3A_507, %get3A_508] {strides = array<i32>} : memref<2x80x128xf32, #tpu.memory_space<vmem>>, vector<1x1x16xf32>,
      %get3A_510 = vector.shape_cast %get3A_509 : vector<1x1x16xf32> to vector<16xf32>
      %get3A_511 = arith.constant 0 : i32
      %get3A_512 = arith.index_cast %get3A_511 : i32 to index
      %get3A_513 = arith.index_cast %scan3A_446 : i32 to index
      %get3A_514 = arith.constant 16 : index
      %get3A_515 = tpu.vector_load %arg9[%get3A_512, %get3A_513, %get3A_514] {strides = array<i32>} : memref<2x80x128xf32, #tpu.memory_space<vmem>>, vector<1x1x16xf32>,
      %get3A_516 = vector.shape_cast %get3A_515 : vector<1x1x16xf32> to vector<16xf32>
      %mul3A_517 = arith.mulf %get3A_510, %get3A_516 : vector<16xf32>
      %get3A_518 = arith.constant 0 : i32
      %get3A_519 = arith.index_cast %get3A_518 : i32 to index
      %get3A_520 = arith.index_cast %scan3A_446 : i32 to index
      %get3A_521 = arith.constant 80 : index
      %get3A_522 = tpu.vector_load %arg8[%get3A_519, %get3A_520, %get3A_521] {strides = array<i32>} : memref<2x80x128xf32, #tpu.memory_space<vmem>>, vector<1x1x16xf32>,
      %get3A_523 = vector.shape_cast %get3A_522 : vector<1x1x16xf32> to vector<16xf32>
      %get3A_524 = arith.constant 0 : i32
      %get3A_525 = arith.index_cast %get3A_524 : i32 to index
      %get3A_526 = arith.index_cast %scan3A_446 : i32 to index
      %get3A_527 = arith.constant 80 : index
      %get3A_528 = tpu.vector_load %arg9[%get3A_525, %get3A_526, %get3A_527] {strides = array<i32>} : memref<2x80x128xf32, #tpu.memory_space<vmem>>, vector<1x1x16xf32>,
      %get3A_529 = vector.shape_cast %get3A_528 : vector<1x1x16xf32> to vector<16xf32>
      %mul3A_530 = arith.mulf %get3A_523, %get3A_529 : vector<16xf32>
      %bitcast_convert_type3A_531 = tpu.bitcast %mul3A_517 : vector<16xf32> -> vector<16xi32>
      %add3A_532 = arith.constant 32767 : i32
      %add3A_533 = vector.broadcast %add3A_532 : i32 to vector<16xi32>
      %add3A_534 = arith.addi %bitcast_convert_type3A_531, %add3A_533 : vector<16xi32>
      %shift_right_logical3A_535 = arith.constant 16 : i32
      %shift_right_logical3A_536 = vector.broadcast %shift_right_logical3A_535 : i32 to vector<16xi32>
      %shift_right_logical3A_537 = arith.shrui %bitcast_convert_type3A_531, %shift_right_logical3A_536 : vector<16xi32>
      %and3A_538 = arith.constant 1 : i32
      %and3A_539 = vector.broadcast %and3A_538 : i32 to vector<16xi32>
      %and3A_540 = arith.andi %shift_right_logical3A_537, %and3A_539 : vector<16xi32>
      %add3A_541 = arith.addi %add3A_534, %and3A_540 : vector<16xi32>
      %shift_right_logical3A_542 = arith.constant 16 : i32
      %shift_right_logical3A_543 = vector.broadcast %shift_right_logical3A_542 : i32 to vector<16xi32>
      %shift_right_logical3A_544 = arith.shrui %add3A_541, %shift_right_logical3A_543 : vector<16xi32>
      %bitcast_convert_type3A_545 = tpu.bitcast %mul3A_530 : vector<16xf32> -> vector<16xi32>
      %add3A_546 = arith.constant 32767 : i32
      %add3A_547 = vector.broadcast %add3A_546 : i32 to vector<16xi32>
      %add3A_548 = arith.addi %bitcast_convert_type3A_545, %add3A_547 : vector<16xi32>
      %shift_right_logical3A_549 = arith.constant 16 : i32
      %shift_right_logical3A_550 = vector.broadcast %shift_right_logical3A_549 : i32 to vector<16xi32>
      %shift_right_logical3A_551 = arith.shrui %bitcast_convert_type3A_545, %shift_right_logical3A_550 : vector<16xi32>
      %and3A_552 = arith.constant 1 : i32
      %and3A_553 = vector.broadcast %and3A_552 : i32 to vector<16xi32>
      %and3A_554 = arith.andi %shift_right_logical3A_551, %and3A_553 : vector<16xi32>
      %add3A_555 = arith.addi %add3A_548, %and3A_554 : vector<16xi32>
      %shift_right_logical3A_556 = arith.constant 16 : i32
      %shift_right_logical3A_557 = vector.broadcast %shift_right_logical3A_556 : i32 to vector<16xi32>
      %shift_right_logical3A_558 = arith.shrui %add3A_555, %shift_right_logical3A_557 : vector<16xi32>
      %shift_left3A_559 = arith.constant 16 : i32
      %shift_left3A_560 = vector.broadcast %shift_left3A_559 : i32 to vector<16xi32>
      %shift_left3A_561 = arith.shli %shift_right_logical3A_558, %shift_left3A_560 : vector<16xi32>
      %or3A_562 = arith.ori %shift_right_logical3A_544, %shift_left3A_561 : vector<16xi32>
      %swap3A_563 = arith.constant 0 : i32
      %swap3A_564 = arith.index_cast %swap3A_563 : i32 to index
      %swap3A_565 = arith.index_cast %scan3A_446 : i32 to index
      %swap3A_566 = arith.constant 16 : index
      %swap3A_567 = tpu.vector_load %arg10[%swap3A_564, %swap3A_565, %swap3A_566] {strides = array<i32>} : memref<2x80x64xi32, #tpu.memory_space<vmem>>, vector<1x1x16xi32>,
      %swap3A_568 = vector.shape_cast %swap3A_567 : vector<1x1x16xi32> to vector<16xi32>
      %swap3A_569 = vector.shape_cast %or3A_562 : vector<16xi32> to vector<1x1x16xi32>
      tpu.vector_store %arg10[%swap3A_564, %swap3A_565, %swap3A_566], %swap3A_569 {strides = array<i32>} : memref<2x80x64xi32, #tpu.memory_space<vmem>>, vector<1x1x16xi32>,
      %get3A_570 = arith.constant 0 : i32
      %get3A_571 = arith.index_cast %get3A_570 : i32 to index
      %get3A_572 = arith.index_cast %scan3A_446 : i32 to index
      %get3A_573 = arith.constant 32 : index
      %get3A_574 = tpu.vector_load %arg8[%get3A_571, %get3A_572, %get3A_573] {strides = array<i32>} : memref<2x80x128xf32, #tpu.memory_space<vmem>>, vector<1x1x16xf32>,
      %get3A_575 = vector.shape_cast %get3A_574 : vector<1x1x16xf32> to vector<16xf32>
      %get3A_576 = arith.constant 0 : i32
      %get3A_577 = arith.index_cast %get3A_576 : i32 to index
      %get3A_578 = arith.index_cast %scan3A_446 : i32 to index
      %get3A_579 = arith.constant 32 : index
      %get3A_580 = tpu.vector_load %arg9[%get3A_577, %get3A_578, %get3A_579] {strides = array<i32>} : memref<2x80x128xf32, #tpu.memory_space<vmem>>, vector<1x1x16xf32>,
      %get3A_581 = vector.shape_cast %get3A_580 : vector<1x1x16xf32> to vector<16xf32>
      %mul3A_582 = arith.mulf %get3A_575, %get3A_581 : vector<16xf32>
      %get3A_583 = arith.constant 0 : i32
      %get3A_584 = arith.index_cast %get3A_583 : i32 to index
      %get3A_585 = arith.index_cast %scan3A_446 : i32 to index
      %get3A_586 = arith.constant 96 : index
      %get3A_587 = tpu.vector_load %arg8[%get3A_584, %get3A_585, %get3A_586] {strides = array<i32>} : memref<2x80x128xf32, #tpu.memory_space<vmem>>, vector<1x1x16xf32>,
      %get3A_588 = vector.shape_cast %get3A_587 : vector<1x1x16xf32> to vector<16xf32>
      %get3A_589 = arith.constant 0 : i32
      %get3A_590 = arith.index_cast %get3A_589 : i32 to index
      %get3A_591 = arith.index_cast %scan3A_446 : i32 to index
      %get3A_592 = arith.constant 96 : index
      %get3A_593 = tpu.vector_load %arg9[%get3A_590, %get3A_591, %get3A_592] {strides = array<i32>} : memref<2x80x128xf32, #tpu.memory_space<vmem>>, vector<1x1x16xf32>,
      %get3A_594 = vector.shape_cast %get3A_593 : vector<1x1x16xf32> to vector<16xf32>
      %mul3A_595 = arith.mulf %get3A_588, %get3A_594 : vector<16xf32>
      %bitcast_convert_type3A_596 = tpu.bitcast %mul3A_582 : vector<16xf32> -> vector<16xi32>
      %add3A_597 = arith.constant 32767 : i32
      %add3A_598 = vector.broadcast %add3A_597 : i32 to vector<16xi32>
      %add3A_599 = arith.addi %bitcast_convert_type3A_596, %add3A_598 : vector<16xi32>
      %shift_right_logical3A_600 = arith.constant 16 : i32
      %shift_right_logical3A_601 = vector.broadcast %shift_right_logical3A_600 : i32 to vector<16xi32>
      %shift_right_logical3A_602 = arith.shrui %bitcast_convert_type3A_596, %shift_right_logical3A_601 : vector<16xi32>
      %and3A_603 = arith.constant 1 : i32
      %and3A_604 = vector.broadcast %and3A_603 : i32 to vector<16xi32>
      %and3A_605 = arith.andi %shift_right_logical3A_602, %and3A_604 : vector<16xi32>
      %add3A_606 = arith.addi %add3A_599, %and3A_605 : vector<16xi32>
      %shift_right_logical3A_607 = arith.constant 16 : i32
      %shift_right_logical3A_608 = vector.broadcast %shift_right_logical3A_607 : i32 to vector<16xi32>
      %shift_right_logical3A_609 = arith.shrui %add3A_606, %shift_right_logical3A_608 : vector<16xi32>
      %bitcast_convert_type3A_610 = tpu.bitcast %mul3A_595 : vector<16xf32> -> vector<16xi32>
      %add3A_611 = arith.constant 32767 : i32
      %add3A_612 = vector.broadcast %add3A_611 : i32 to vector<16xi32>
      %add3A_613 = arith.addi %bitcast_convert_type3A_610, %add3A_612 : vector<16xi32>
      %shift_right_logical3A_614 = arith.constant 16 : i32
      %shift_right_logical3A_615 = vector.broadcast %shift_right_logical3A_614 : i32 to vector<16xi32>
      %shift_right_logical3A_616 = arith.shrui %bitcast_convert_type3A_610, %shift_right_logical3A_615 : vector<16xi32>
      %and3A_617 = arith.constant 1 : i32
      %and3A_618 = vector.broadcast %and3A_617 : i32 to vector<16xi32>
      %and3A_619 = arith.andi %shift_right_logical3A_616, %and3A_618 : vector<16xi32>
      %add3A_620 = arith.addi %add3A_613, %and3A_619 : vector<16xi32>
      %shift_right_logical3A_621 = arith.constant 16 : i32
      %shift_right_logical3A_622 = vector.broadcast %shift_right_logical3A_621 : i32 to vector<16xi32>
      %shift_right_logical3A_623 = arith.shrui %add3A_620, %shift_right_logical3A_622 : vector<16xi32>
      %shift_left3A_624 = arith.constant 16 : i32
      %shift_left3A_625 = vector.broadcast %shift_left3A_624 : i32 to vector<16xi32>
      %shift_left3A_626 = arith.shli %shift_right_logical3A_623, %shift_left3A_625 : vector<16xi32>
      %or3A_627 = arith.ori %shift_right_logical3A_609, %shift_left3A_626 : vector<16xi32>
      %swap3A_628 = arith.constant 0 : i32
      %swap3A_629 = arith.index_cast %swap3A_628 : i32 to index
      %swap3A_630 = arith.index_cast %scan3A_446 : i32 to index
      %swap3A_631 = arith.constant 32 : index
      %swap3A_632 = tpu.vector_load %arg10[%swap3A_629, %swap3A_630, %swap3A_631] {strides = array<i32>} : memref<2x80x64xi32, #tpu.memory_space<vmem>>, vector<1x1x16xi32>,
      %swap3A_633 = vector.shape_cast %swap3A_632 : vector<1x1x16xi32> to vector<16xi32>
      %swap3A_634 = vector.shape_cast %or3A_627 : vector<16xi32> to vector<1x1x16xi32>
      tpu.vector_store %arg10[%swap3A_629, %swap3A_630, %swap3A_631], %swap3A_634 {strides = array<i32>} : memref<2x80x64xi32, #tpu.memory_space<vmem>>, vector<1x1x16xi32>,
      %get3A_635 = arith.constant 0 : i32
      %get3A_636 = arith.index_cast %get3A_635 : i32 to index
      %get3A_637 = arith.index_cast %scan3A_446 : i32 to index
      %get3A_638 = arith.constant 48 : index
      %get3A_639 = tpu.vector_load %arg8[%get3A_636, %get3A_637, %get3A_638] {strides = array<i32>} : memref<2x80x128xf32, #tpu.memory_space<vmem>>, vector<1x1x16xf32>,
      %get3A_640 = vector.shape_cast %get3A_639 : vector<1x1x16xf32> to vector<16xf32>
      %get3A_641 = arith.constant 0 : i32
      %get3A_642 = arith.index_cast %get3A_641 : i32 to index
      %get3A_643 = arith.index_cast %scan3A_446 : i32 to index
      %get3A_644 = arith.constant 48 : index
      %get3A_645 = tpu.vector_load %arg9[%get3A_642, %get3A_643, %get3A_644] {strides = array<i32>} : memref<2x80x128xf32, #tpu.memory_space<vmem>>, vector<1x1x16xf32>,
      %get3A_646 = vector.shape_cast %get3A_645 : vector<1x1x16xf32> to vector<16xf32>
      %mul3A_647 = arith.mulf %get3A_640, %get3A_646 : vector<16xf32>
      %get3A_648 = arith.constant 0 : i32
      %get3A_649 = arith.index_cast %get3A_648 : i32 to index
      %get3A_650 = arith.index_cast %scan3A_446 : i32 to index
      %get3A_651 = arith.constant 112 : index
      %get3A_652 = tpu.vector_load %arg8[%get3A_649, %get3A_650, %get3A_651] {strides = array<i32>} : memref<2x80x128xf32, #tpu.memory_space<vmem>>, vector<1x1x16xf32>,
      %get3A_653 = vector.shape_cast %get3A_652 : vector<1x1x16xf32> to vector<16xf32>
      %get3A_654 = arith.constant 0 : i32
      %get3A_655 = arith.index_cast %get3A_654 : i32 to index
      %get3A_656 = arith.index_cast %scan3A_446 : i32 to index
      %get3A_657 = arith.constant 112 : index
      %get3A_658 = tpu.vector_load %arg9[%get3A_655, %get3A_656, %get3A_657] {strides = array<i32>} : memref<2x80x128xf32, #tpu.memory_space<vmem>>, vector<1x1x16xf32>,
      %get3A_659 = vector.shape_cast %get3A_658 : vector<1x1x16xf32> to vector<16xf32>
      %mul3A_660 = arith.mulf %get3A_653, %get3A_659 : vector<16xf32>
      %bitcast_convert_type3A_661 = tpu.bitcast %mul3A_647 : vector<16xf32> -> vector<16xi32>
      %add3A_662 = arith.constant 32767 : i32
      %add3A_663 = vector.broadcast %add3A_662 : i32 to vector<16xi32>
      %add3A_664 = arith.addi %bitcast_convert_type3A_661, %add3A_663 : vector<16xi32>
      %shift_right_logical3A_665 = arith.constant 16 : i32
      %shift_right_logical3A_666 = vector.broadcast %shift_right_logical3A_665 : i32 to vector<16xi32>
      %shift_right_logical3A_667 = arith.shrui %bitcast_convert_type3A_661, %shift_right_logical3A_666 : vector<16xi32>
      %and3A_668 = arith.constant 1 : i32
      %and3A_669 = vector.broadcast %and3A_668 : i32 to vector<16xi32>
      %and3A_670 = arith.andi %shift_right_logical3A_667, %and3A_669 : vector<16xi32>
      %add3A_671 = arith.addi %add3A_664, %and3A_670 : vector<16xi32>
      %shift_right_logical3A_672 = arith.constant 16 : i32
      %shift_right_logical3A_673 = vector.broadcast %shift_right_logical3A_672 : i32 to vector<16xi32>
      %shift_right_logical3A_674 = arith.shrui %add3A_671, %shift_right_logical3A_673 : vector<16xi32>
      %bitcast_convert_type3A_675 = tpu.bitcast %mul3A_660 : vector<16xf32> -> vector<16xi32>
      %add3A_676 = arith.constant 32767 : i32
      %add3A_677 = vector.broadcast %add3A_676 : i32 to vector<16xi32>
      %add3A_678 = arith.addi %bitcast_convert_type3A_675, %add3A_677 : vector<16xi32>
      %shift_right_logical3A_679 = arith.constant 16 : i32
      %shift_right_logical3A_680 = vector.broadcast %shift_right_logical3A_679 : i32 to vector<16xi32>
      %shift_right_logical3A_681 = arith.shrui %bitcast_convert_type3A_675, %shift_right_logical3A_680 : vector<16xi32>
      %and3A_682 = arith.constant 1 : i32
      %and3A_683 = vector.broadcast %and3A_682 : i32 to vector<16xi32>
      %and3A_684 = arith.andi %shift_right_logical3A_681, %and3A_683 : vector<16xi32>
      %add3A_685 = arith.addi %add3A_678, %and3A_684 : vector<16xi32>
      %shift_right_logical3A_686 = arith.constant 16 : i32
      %shift_right_logical3A_687 = vector.broadcast %shift_right_logical3A_686 : i32 to vector<16xi32>
      %shift_right_logical3A_688 = arith.shrui %add3A_685, %shift_right_logical3A_687 : vector<16xi32>
      %shift_left3A_689 = arith.constant 16 : i32
      %shift_left3A_690 = vector.broadcast %shift_left3A_689 : i32 to vector<16xi32>
      %shift_left3A_691 = arith.shli %shift_right_logical3A_688, %shift_left3A_690 : vector<16xi32>
      %or3A_692 = arith.ori %shift_right_logical3A_674, %shift_left3A_691 : vector<16xi32>
      %swap3A_693 = arith.constant 0 : i32
      %swap3A_694 = arith.index_cast %swap3A_693 : i32 to index
      %swap3A_695 = arith.index_cast %scan3A_446 : i32 to index
      %swap3A_696 = arith.constant 48 : index
      %swap3A_697 = tpu.vector_load %arg10[%swap3A_694, %swap3A_695, %swap3A_696] {strides = array<i32>} : memref<2x80x64xi32, #tpu.memory_space<vmem>>, vector<1x1x16xi32>,
      %swap3A_698 = vector.shape_cast %swap3A_697 : vector<1x1x16xi32> to vector<16xi32>
      %swap3A_699 = vector.shape_cast %or3A_692 : vector<16xi32> to vector<1x1x16xi32>
      tpu.vector_store %arg10[%swap3A_694, %swap3A_695, %swap3A_696], %swap3A_699 {strides = array<i32>} : memref<2x80x64xi32, #tpu.memory_space<vmem>>, vector<1x1x16xi32>,
    }
    %scan3A_242 = arith.constant 80 : i32
    %add3A_243 = arith.constant 122 : i32
    %add3A_244 = arith.addi %mul3A_2, %add3A_243 : i32
    %mul3A_245 = arith.constant 80 : i32
    %mul3A_246 = arith.muli %add3A_244, %mul3A_245 : i32
    %dma_start3A_247 = arith.constant 0 : i32
    %dma_start3A_248 = arith.constant 0 : i32
    %dma_start3A_249 = arith.constant 0 : i32
    %dma_start3A_250 = tpu.memref_slice %arg10[%dma_start3A_247, %dma_start3A_248, %dma_start3A_249] : memref<2x80x64xi32, #tpu.memory_space<vmem>> -> memref<1x80x64xi32, #tpu.memory_space<vmem>>
    %dma_start3A_251 = tpu.memref_squeeze %dma_start3A_250 : memref<1x80x64xi32, #tpu.memory_space<vmem>> -> memref<80x64xi32, #tpu.memory_space<vmem>>
    %dma_start3A_252 = arith.constant 0 : i32
    %dma_start3A_253 = tpu.memref_slice %arg5[%mul3A_246, %dma_start3A_252] : memref<320000x64xi32, #tpu.memory_space<hbm>> -> memref<80x64xi32, #tpu.memory_space<hbm>>
    %dma_start3A_254 = arith.constant 0 : i32
    %dma_start3A_255 = tpu.memref_slice %arg5[%mul3A_246, %dma_start3A_254] : memref<320000x64xi32, #tpu.memory_space<hbm>> -> memref<80x64xi32, #tpu.memory_space<hbm>>
    %dma_start3A_256 = arith.constant 0 : i32
    %dma_start3A_257 = arith.constant 0 : i32
    %dma_start3A_258 = tpu.memref_slice %arg10[%dma_start3A_247, %dma_start3A_256, %dma_start3A_257] : memref<2x80x64xi32, #tpu.memory_space<vmem>> -> memref<1x80x64xi32, #tpu.memory_space<vmem>>
    %dma_start3A_259 = tpu.memref_squeeze %dma_start3A_258 : memref<1x80x64xi32, #tpu.memory_space<vmem>> -> memref<80x64xi32, #tpu.memory_space<vmem>>
    tpu.enqueue_dma source(%dma_start3A_259 : memref<80x64xi32, #tpu.memory_space<vmem>>) target(%dma_start3A_255 : memref<80x64xi32, #tpu.memory_space<hbm>>) target_semaphore(%arg13 : memref<!tpu.dma_semaphore, #tpu.memory_space<semaphore_mem>>)
    %dma_start3A_260 = arith.constant 124 : i32
    %dma_start3A_261 = arith.constant 0 : i32
    %dma_start3A_262 = arith.constant 0 : i32
    %dma_start3A_263 = arith.constant 0 : i32
    %dma_start3A_264 = tpu.memref_slice %arg8[%dma_start3A_261, %dma_start3A_262, %dma_start3A_263] : memref<2x80x128xf32, #tpu.memory_space<vmem>> -> memref<1x80x128xf32, #tpu.memory_space<vmem>>
    %dma_start3A_265 = tpu.memref_squeeze %dma_start3A_264 : memref<1x80x128xf32, #tpu.memory_space<vmem>> -> memref<80x128xf32, #tpu.memory_space<vmem>>
    %dma_start3A_266 = arith.constant 0 : i32
    %dma_start3A_267 = tpu.memref_slice %arg6[%dma_start3A_260, %dma_start3A_266] : memref<125x80xi32, #tpu.memory_space<vmem>> -> memref<1x80xi32, #tpu.memory_space<vmem>>
    %dma_start3A_268 = tpu.memref_squeeze %dma_start3A_267 : memref<1x80xi32, #tpu.memory_space<vmem>> -> memref<80xi32, #tpu.memory_space<vmem>>
    %dma_start3A_269 = arith.constant 0 : i32
    %dma_start3A_270 = arith.constant 0 : i32
    %dma_start3A_271 = tpu.memref_slice %arg2[%dma_start3A_269, %dma_start3A_270] : memref<10000x128xf32, #tpu.memory_space<hbm>> -> memref<10000x128xf32, #tpu.memory_space<hbm>>
    tpu.enqueue_indirect_dma source(%dma_start3A_271 : memref<10000x128xf32, #tpu.memory_space<hbm>>) target(%dma_start3A_265 : memref<80x128xf32, #tpu.memory_space<vmem>>) offsets(%dma_start3A_268 : memref<80xi32, #tpu.memory_space<vmem>>) semaphore(%arg11 : memref<!tpu.dma_semaphore, #tpu.memory_space<semaphore_mem>>)
    %dma_start3A_272 = arith.constant 124 : i32
    %dma_start3A_273 = arith.constant 0 : i32
    %dma_start3A_274 = arith.constant 0 : i32
    %dma_start3A_275 = arith.constant 0 : i32
    %dma_start3A_276 = tpu.memref_slice %arg9[%dma_start3A_273, %dma_start3A_274, %dma_start3A_275] : memref<2x80x128xf32, #tpu.memory_space<vmem>> -> memref<1x80x128xf32, #tpu.memory_space<vmem>>
    %dma_start3A_277 = tpu.memref_squeeze %dma_start3A_276 : memref<1x80x128xf32, #tpu.memory_space<vmem>> -> memref<80x128xf32, #tpu.memory_space<vmem>>
    %dma_start3A_278 = arith.constant 0 : i32
    %dma_start3A_279 = tpu.memref_slice %arg7[%dma_start3A_272, %dma_start3A_278] : memref<125x80xi32, #tpu.memory_space<vmem>> -> memref<1x80xi32, #tpu.memory_space<vmem>>
    %dma_start3A_280 = tpu.memref_squeeze %dma_start3A_279 : memref<1x80xi32, #tpu.memory_space<vmem>> -> memref<80xi32, #tpu.memory_space<vmem>>
    %dma_start3A_281 = arith.constant 0 : i32
    %dma_start3A_282 = arith.constant 0 : i32
    %dma_start3A_283 = tpu.memref_slice %arg2[%dma_start3A_281, %dma_start3A_282] : memref<10000x128xf32, #tpu.memory_space<hbm>> -> memref<10000x128xf32, #tpu.memory_space<hbm>>
    tpu.enqueue_indirect_dma source(%dma_start3A_283 : memref<10000x128xf32, #tpu.memory_space<hbm>>) target(%dma_start3A_277 : memref<80x128xf32, #tpu.memory_space<vmem>>) offsets(%dma_start3A_280 : memref<80xi32, #tpu.memory_space<vmem>>) semaphore(%arg11 : memref<!tpu.dma_semaphore, #tpu.memory_space<semaphore_mem>>)
    %dma_wait3A_284 = arith.constant 123 : i32
    %dma_wait3A_285 = arith.constant 1 : i32
    %dma_wait3A_286 = arith.constant 0 : i32
    %dma_wait3A_287 = arith.constant 0 : i32
    %dma_wait3A_288 = tpu.memref_slice %arg8[%dma_wait3A_285, %dma_wait3A_286, %dma_wait3A_287] : memref<2x80x128xf32, #tpu.memory_space<vmem>> -> memref<1x80x128xf32, #tpu.memory_space<vmem>>
    %dma_wait3A_289 = tpu.memref_squeeze %dma_wait3A_288 : memref<1x80x128xf32, #tpu.memory_space<vmem>> -> memref<80x128xf32, #tpu.memory_space<vmem>>
    %dma_wait3A_290 = arith.constant 0 : i32
    %dma_wait3A_291 = tpu.memref_slice %arg6[%dma_wait3A_284, %dma_wait3A_290] : memref<125x80xi32, #tpu.memory_space<vmem>> -> memref<1x80xi32, #tpu.memory_space<vmem>>
    %dma_wait3A_292 = tpu.memref_squeeze %dma_wait3A_291 : memref<1x80xi32, #tpu.memory_space<vmem>> -> memref<80xi32, #tpu.memory_space<vmem>>
    %dma_wait3A_293 = arith.constant 0 : i32
    %dma_wait3A_294 = arith.constant 0 : i32
    %dma_wait3A_295 = tpu.memref_slice %arg2[%dma_wait3A_293, %dma_wait3A_294] : memref<10000x128xf32, #tpu.memory_space<hbm>> -> memref<10000x128xf32, #tpu.memory_space<hbm>>
    tpu.wait_indirect_dma semaphore(%arg12 : memref<!tpu.dma_semaphore, #tpu.memory_space<semaphore_mem>>) src(%dma_wait3A_295 : memref<10000x128xf32, #tpu.memory_space<hbm>>) dst(%dma_wait3A_289 : memref<80x128xf32, #tpu.memory_space<vmem>>)
    %dma_wait3A_296 = arith.constant 123 : i32
    %dma_wait3A_297 = arith.constant 1 : i32
    %dma_wait3A_298 = arith.constant 0 : i32
    %dma_wait3A_299 = arith.constant 0 : i32
    %dma_wait3A_300 = tpu.memref_slice %arg9[%dma_wait3A_297, %dma_wait3A_298, %dma_wait3A_299] : memref<2x80x128xf32, #tpu.memory_space<vmem>> -> memref<1x80x128xf32, #tpu.memory_space<vmem>>
    %dma_wait3A_301 = tpu.memref_squeeze %dma_wait3A_300 : memref<1x80x128xf32, #tpu.memory_space<vmem>> -> memref<80x128xf32, #tpu.memory_space<vmem>>
    %dma_wait3A_302 = arith.constant 0 : i32
    %dma_wait3A_303 = tpu.memref_slice %arg7[%dma_wait3A_296, %dma_wait3A_302] : memref<125x80xi32, #tpu.memory_space<vmem>> -> memref<1x80xi32, #tpu.memory_space<vmem>>
    %dma_wait3A_304 = tpu.memref_squeeze %dma_wait3A_303 : memref<1x80xi32, #tpu.memory_space<vmem>> -> memref<80xi32, #tpu.memory_space<vmem>>
    %dma_wait3A_305 = arith.constant 0 : i32
    %dma_wait3A_306 = arith.constant 0 : i32
    %dma_wait3A_307 = tpu.memref_slice %arg2[%dma_wait3A_305, %dma_wait3A_306] : memref<10000x128xf32, #tpu.memory_space<hbm>> -> memref<10000x128xf32, #tpu.memory_space<hbm>>
    tpu.wait_indirect_dma semaphore(%arg12 : memref<!tpu.dma_semaphore, #tpu.memory_space<semaphore_mem>>) src(%dma_wait3A_307 : memref<10000x128xf32, #tpu.memory_space<hbm>>) dst(%dma_wait3A_301 : memref<80x128xf32, #tpu.memory_space<vmem>>)
    %add3A_308 = arith.constant 123 : i32
    %add3A_309 = arith.addi %mul3A_2, %add3A_308 : i32
    %mul3A_310 = arith.constant 80 : i32
    %mul3A_311 = arith.muli %add3A_309, %mul3A_310 : i32
    %dma_wait3A_312 = arith.constant 1 : i32
    %dma_wait3A_313 = arith.constant 0 : i32
    %dma_wait3A_314 = arith.constant 0 : i32
    %dma_wait3A_315 = tpu.memref_slice %arg10[%dma_wait3A_312, %dma_wait3A_313, %dma_wait3A_314] : memref<2x80x64xi32, #tpu.memory_space<vmem>> -> memref<1x80x64xi32, #tpu.memory_space<vmem>>
    %dma_wait3A_316 = tpu.memref_squeeze %dma_wait3A_315 : memref<1x80x64xi32, #tpu.memory_space<vmem>> -> memref<80x64xi32, #tpu.memory_space<vmem>>
    %dma_wait3A_317 = arith.constant 0 : i32
    %dma_wait3A_318 = tpu.memref_slice %arg5[%mul3A_311, %dma_wait3A_317] : memref<320000x64xi32, #tpu.memory_space<hbm>> -> memref<80x64xi32, #tpu.memory_space<hbm>>
    %dma_wait3A_319 = arith.constant 0 : i32
    %dma_wait3A_320 = tpu.memref_slice %arg5[%mul3A_311, %dma_wait3A_319] : memref<320000x64xi32, #tpu.memory_space<hbm>> -> memref<80x64xi32, #tpu.memory_space<hbm>>
    %dma_wait3A_321 = arith.constant 0 : i32
    %dma_wait3A_322 = arith.constant 0 : i32
    %dma_wait3A_323 = tpu.memref_slice %arg10[%dma_wait3A_312, %dma_wait3A_321, %dma_wait3A_322] : memref<2x80x64xi32, #tpu.memory_space<vmem>> -> memref<1x80x64xi32, #tpu.memory_space<vmem>>
    %dma_wait3A_324 = tpu.memref_squeeze %dma_wait3A_323 : memref<1x80x64xi32, #tpu.memory_space<vmem>> -> memref<80x64xi32, #tpu.memory_space<vmem>>
    tpu.wait_dma2 semaphore(%arg14 : memref<!tpu.dma_semaphore, #tpu.memory_space<semaphore_mem>>) src(%dma_wait3A_324 : memref<80x64xi32, #tpu.memory_space<vmem>>) dst(%dma_wait3A_320 : memref<80x64xi32, #tpu.memory_space<hbm>>)
    %scan3A_325 = arith.constant 0 : i32
    %scan3A_326 = arith.constant 0 : i32
    %scan3A_327 = arith.constant 80 : i32
    %scan3A_328 = arith.addi %scan3A_326, %scan3A_327 : i32
    %scan3A_329 = arith.constant 1 : i32
    scf.for %scan3A_446 = %scan3A_326 to %scan3A_328 step %scan3A_329  : i32 {
      %get3A = arith.constant 1 : i32
      %get3A_447 = arith.index_cast %get3A : i32 to index
      %get3A_448 = arith.index_cast %scan3A_446 : i32 to index
      %get3A_449 = arith.constant 0 : index
      %get3A_450 = tpu.vector_load %arg8[%get3A_447, %get3A_448, %get3A_449] {strides = array<i32>} : memref<2x80x128xf32, #tpu.memory_space<vmem>>, vector<1x1x16xf32>,
      %get3A_451 = vector.shape_cast %get3A_450 : vector<1x1x16xf32> to vector<16xf32>
      %get3A_452 = arith.constant 1 : i32
      %get3A_453 = arith.index_cast %get3A_452 : i32 to index
      %get3A_454 = arith.index_cast %scan3A_446 : i32 to index
      %get3A_455 = arith.constant 0 : index
      %get3A_456 = tpu.vector_load %arg9[%get3A_453, %get3A_454, %get3A_455] {strides = array<i32>} : memref<2x80x128xf32, #tpu.memory_space<vmem>>, vector<1x1x16xf32>,
      %get3A_457 = vector.shape_cast %get3A_456 : vector<1x1x16xf32> to vector<16xf32>
      %mul3A_458 = arith.mulf %get3A_451, %get3A_457 : vector<16xf32>
      %get3A_459 = arith.constant 1 : i32
      %get3A_460 = arith.index_cast %get3A_459 : i32 to index
      %get3A_461 = arith.index_cast %scan3A_446 : i32 to index
      %get3A_462 = arith.constant 64 : index
      %get3A_463 = tpu.vector_load %arg8[%get3A_460, %get3A_461, %get3A_462] {strides = array<i32>} : memref<2x80x128xf32, #tpu.memory_space<vmem>>, vector<1x1x16xf32>,
      %get3A_464 = vector.shape_cast %get3A_463 : vector<1x1x16xf32> to vector<16xf32>
      %get3A_465 = arith.constant 1 : i32
      %get3A_466 = arith.index_cast %get3A_465 : i32 to index
      %get3A_467 = arith.index_cast %scan3A_446 : i32 to index
      %get3A_468 = arith.constant 64 : index
      %get3A_469 = tpu.vector_load %arg9[%get3A_466, %get3A_467, %get3A_468] {strides = array<i32>} : memref<2x80x128xf32, #tpu.memory_space<vmem>>, vector<1x1x16xf32>,
      %get3A_470 = vector.shape_cast %get3A_469 : vector<1x1x16xf32> to vector<16xf32>
      %mul3A_471 = arith.mulf %get3A_464, %get3A_470 : vector<16xf32>
      %bitcast_convert_type3A = tpu.bitcast %mul3A_458 : vector<16xf32> -> vector<16xi32>
      %add3A_472 = arith.constant 32767 : i32
      %add3A_473 = vector.broadcast %add3A_472 : i32 to vector<16xi32>
      %add3A_474 = arith.addi %bitcast_convert_type3A, %add3A_473 : vector<16xi32>
      %shift_right_logical3A = arith.constant 16 : i32
      %shift_right_logical3A_475 = vector.broadcast %shift_right_logical3A : i32 to vector<16xi32>
      %shift_right_logical3A_476 = arith.shrui %bitcast_convert_type3A, %shift_right_logical3A_475 : vector<16xi32>
      %and3A = arith.constant 1 : i32
      %and3A_477 = vector.broadcast %and3A : i32 to vector<16xi32>
      %and3A_478 = arith.andi %shift_right_logical3A_476, %and3A_477 : vector<16xi32>
      %add3A_479 = arith.addi %add3A_474, %and3A_478 : vector<16xi32>
      %shift_right_logical3A_480 = arith.constant 16 : i32
      %shift_right_logical3A_481 = vector.broadcast %shift_right_logical3A_480 : i32 to vector<16xi32>
      %shift_right_logical3A_482 = arith.shrui %add3A_479, %shift_right_logical3A_481 : vector<16xi32>
      %bitcast_convert_type3A_483 = tpu.bitcast %mul3A_471 : vector<16xf32> -> vector<16xi32>
      %add3A_484 = arith.constant 32767 : i32
      %add3A_485 = vector.broadcast %add3A_484 : i32 to vector<16xi32>
      %add3A_486 = arith.addi %bitcast_convert_type3A_483, %add3A_485 : vector<16xi32>
      %shift_right_logical3A_487 = arith.constant 16 : i32
      %shift_right_logical3A_488 = vector.broadcast %shift_right_logical3A_487 : i32 to vector<16xi32>
      %shift_right_logical3A_489 = arith.shrui %bitcast_convert_type3A_483, %shift_right_logical3A_488 : vector<16xi32>
      %and3A_490 = arith.constant 1 : i32
      %and3A_491 = vector.broadcast %and3A_490 : i32 to vector<16xi32>
      %and3A_492 = arith.andi %shift_right_logical3A_489, %and3A_491 : vector<16xi32>
      %add3A_493 = arith.addi %add3A_486, %and3A_492 : vector<16xi32>
      %shift_right_logical3A_494 = arith.constant 16 : i32
      %shift_right_logical3A_495 = vector.broadcast %shift_right_logical3A_494 : i32 to vector<16xi32>
      %shift_right_logical3A_496 = arith.shrui %add3A_493, %shift_right_logical3A_495 : vector<16xi32>
      %shift_left3A = arith.constant 16 : i32
      %shift_left3A_497 = vector.broadcast %shift_left3A : i32 to vector<16xi32>
      %shift_left3A_498 = arith.shli %shift_right_logical3A_496, %shift_left3A_497 : vector<16xi32>
      %or3A = arith.ori %shift_right_logical3A_482, %shift_left3A_498 : vector<16xi32>
      %swap3A = arith.constant 1 : i32
      %swap3A_499 = arith.index_cast %swap3A : i32 to index
      %swap3A_500 = arith.index_cast %scan3A_446 : i32 to index
      %swap3A_501 = arith.constant 0 : index
      %swap3A_502 = tpu.vector_load %arg10[%swap3A_499, %swap3A_500, %swap3A_501] {strides = array<i32>} : memref<2x80x64xi32, #tpu.memory_space<vmem>>, vector<1x1x16xi32>,
      %swap3A_503 = vector.shape_cast %swap3A_502 : vector<1x1x16xi32> to vector<16xi32>
      %swap3A_504 = vector.shape_cast %or3A : vector<16xi32> to vector<1x1x16xi32>
      tpu.vector_store %arg10[%swap3A_499, %swap3A_500, %swap3A_501], %swap3A_504 {strides = array<i32>} : memref<2x80x64xi32, #tpu.memory_space<vmem>>, vector<1x1x16xi32>,
      %get3A_505 = arith.constant 1 : i32
      %get3A_506 = arith.index_cast %get3A_505 : i32 to index
      %get3A_507 = arith.index_cast %scan3A_446 : i32 to index
      %get3A_508 = arith.constant 16 : index
      %get3A_509 = tpu.vector_load %arg8[%get3A_506, %get3A_507, %get3A_508] {strides = array<i32>} : memref<2x80x128xf32, #tpu.memory_space<vmem>>, vector<1x1x16xf32>,
      %get3A_510 = vector.shape_cast %get3A_509 : vector<1x1x16xf32> to vector<16xf32>
      %get3A_511 = arith.constant 1 : i32
      %get3A_512 = arith.index_cast %get3A_511 : i32 to index
      %get3A_513 = arith.index_cast %scan3A_446 : i32 to index
      %get3A_514 = arith.constant 16 : index
      %get3A_515 = tpu.vector_load %arg9[%get3A_512, %get3A_513, %get3A_514] {strides = array<i32>} : memref<2x80x128xf32, #tpu.memory_space<vmem>>, vector<1x1x16xf32>,
      %get3A_516 = vector.shape_cast %get3A_515 : vector<1x1x16xf32> to vector<16xf32>
      %mul3A_517 = arith.mulf %get3A_510, %get3A_516 : vector<16xf32>
      %get3A_518 = arith.constant 1 : i32
      %get3A_519 = arith.index_cast %get3A_518 : i32 to index
      %get3A_520 = arith.index_cast %scan3A_446 : i32 to index
      %get3A_521 = arith.constant 80 : index
      %get3A_522 = tpu.vector_load %arg8[%get3A_519, %get3A_520, %get3A_521] {strides = array<i32>} : memref<2x80x128xf32, #tpu.memory_space<vmem>>, vector<1x1x16xf32>,
      %get3A_523 = vector.shape_cast %get3A_522 : vector<1x1x16xf32> to vector<16xf32>
      %get3A_524 = arith.constant 1 : i32
      %get3A_525 = arith.index_cast %get3A_524 : i32 to index
      %get3A_526 = arith.index_cast %scan3A_446 : i32 to index
      %get3A_527 = arith.constant 80 : index
      %get3A_528 = tpu.vector_load %arg9[%get3A_525, %get3A_526, %get3A_527] {strides = array<i32>} : memref<2x80x128xf32, #tpu.memory_space<vmem>>, vector<1x1x16xf32>,
      %get3A_529 = vector.shape_cast %get3A_528 : vector<1x1x16xf32> to vector<16xf32>
      %mul3A_530 = arith.mulf %get3A_523, %get3A_529 : vector<16xf32>
      %bitcast_convert_type3A_531 = tpu.bitcast %mul3A_517 : vector<16xf32> -> vector<16xi32>
      %add3A_532 = arith.constant 32767 : i32
      %add3A_533 = vector.broadcast %add3A_532 : i32 to vector<16xi32>
      %add3A_534 = arith.addi %bitcast_convert_type3A_531, %add3A_533 : vector<16xi32>
      %shift_right_logical3A_535 = arith.constant 16 : i32
      %shift_right_logical3A_536 = vector.broadcast %shift_right_logical3A_535 : i32 to vector<16xi32>
      %shift_right_logical3A_537 = arith.shrui %bitcast_convert_type3A_531, %shift_right_logical3A_536 : vector<16xi32>
      %and3A_538 = arith.constant 1 : i32
      %and3A_539 = vector.broadcast %and3A_538 : i32 to vector<16xi32>
      %and3A_540 = arith.andi %shift_right_logical3A_537, %and3A_539 : vector<16xi32>
      %add3A_541 = arith.addi %add3A_534, %and3A_540 : vector<16xi32>
      %shift_right_logical3A_542 = arith.constant 16 : i32
      %shift_right_logical3A_543 = vector.broadcast %shift_right_logical3A_542 : i32 to vector<16xi32>
      %shift_right_logical3A_544 = arith.shrui %add3A_541, %shift_right_logical3A_543 : vector<16xi32>
      %bitcast_convert_type3A_545 = tpu.bitcast %mul3A_530 : vector<16xf32> -> vector<16xi32>
      %add3A_546 = arith.constant 32767 : i32
      %add3A_547 = vector.broadcast %add3A_546 : i32 to vector<16xi32>
      %add3A_548 = arith.addi %bitcast_convert_type3A_545, %add3A_547 : vector<16xi32>
      %shift_right_logical3A_549 = arith.constant 16 : i32
      %shift_right_logical3A_550 = vector.broadcast %shift_right_logical3A_549 : i32 to vector<16xi32>
      %shift_right_logical3A_551 = arith.shrui %bitcast_convert_type3A_545, %shift_right_logical3A_550 : vector<16xi32>
      %and3A_552 = arith.constant 1 : i32
      %and3A_553 = vector.broadcast %and3A_552 : i32 to vector<16xi32>
      %and3A_554 = arith.andi %shift_right_logical3A_551, %and3A_553 : vector<16xi32>
      %add3A_555 = arith.addi %add3A_548, %and3A_554 : vector<16xi32>
      %shift_right_logical3A_556 = arith.constant 16 : i32
      %shift_right_logical3A_557 = vector.broadcast %shift_right_logical3A_556 : i32 to vector<16xi32>
      %shift_right_logical3A_558 = arith.shrui %add3A_555, %shift_right_logical3A_557 : vector<16xi32>
      %shift_left3A_559 = arith.constant 16 : i32
      %shift_left3A_560 = vector.broadcast %shift_left3A_559 : i32 to vector<16xi32>
      %shift_left3A_561 = arith.shli %shift_right_logical3A_558, %shift_left3A_560 : vector<16xi32>
      %or3A_562 = arith.ori %shift_right_logical3A_544, %shift_left3A_561 : vector<16xi32>
      %swap3A_563 = arith.constant 1 : i32
      %swap3A_564 = arith.index_cast %swap3A_563 : i32 to index
      %swap3A_565 = arith.index_cast %scan3A_446 : i32 to index
      %swap3A_566 = arith.constant 16 : index
      %swap3A_567 = tpu.vector_load %arg10[%swap3A_564, %swap3A_565, %swap3A_566] {strides = array<i32>} : memref<2x80x64xi32, #tpu.memory_space<vmem>>, vector<1x1x16xi32>,
      %swap3A_568 = vector.shape_cast %swap3A_567 : vector<1x1x16xi32> to vector<16xi32>
      %swap3A_569 = vector.shape_cast %or3A_562 : vector<16xi32> to vector<1x1x16xi32>
      tpu.vector_store %arg10[%swap3A_564, %swap3A_565, %swap3A_566], %swap3A_569 {strides = array<i32>} : memref<2x80x64xi32, #tpu.memory_space<vmem>>, vector<1x1x16xi32>,
      %get3A_570 = arith.constant 1 : i32
      %get3A_571 = arith.index_cast %get3A_570 : i32 to index
      %get3A_572 = arith.index_cast %scan3A_446 : i32 to index
      %get3A_573 = arith.constant 32 : index
      %get3A_574 = tpu.vector_load %arg8[%get3A_571, %get3A_572, %get3A_573] {strides = array<i32>} : memref<2x80x128xf32, #tpu.memory_space<vmem>>, vector<1x1x16xf32>,
      %get3A_575 = vector.shape_cast %get3A_574 : vector<1x1x16xf32> to vector<16xf32>
      %get3A_576 = arith.constant 1 : i32
      %get3A_577 = arith.index_cast %get3A_576 : i32 to index
      %get3A_578 = arith.index_cast %scan3A_446 : i32 to index
      %get3A_579 = arith.constant 32 : index
      %get3A_580 = tpu.vector_load %arg9[%get3A_577, %get3A_578, %get3A_579] {strides = array<i32>} : memref<2x80x128xf32, #tpu.memory_space<vmem>>, vector<1x1x16xf32>,
      %get3A_581 = vector.shape_cast %get3A_580 : vector<1x1x16xf32> to vector<16xf32>
      %mul3A_582 = arith.mulf %get3A_575, %get3A_581 : vector<16xf32>
      %get3A_583 = arith.constant 1 : i32
      %get3A_584 = arith.index_cast %get3A_583 : i32 to index
      %get3A_585 = arith.index_cast %scan3A_446 : i32 to index
      %get3A_586 = arith.constant 96 : index
      %get3A_587 = tpu.vector_load %arg8[%get3A_584, %get3A_585, %get3A_586] {strides = array<i32>} : memref<2x80x128xf32, #tpu.memory_space<vmem>>, vector<1x1x16xf32>,
      %get3A_588 = vector.shape_cast %get3A_587 : vector<1x1x16xf32> to vector<16xf32>
      %get3A_589 = arith.constant 1 : i32
      %get3A_590 = arith.index_cast %get3A_589 : i32 to index
      %get3A_591 = arith.index_cast %scan3A_446 : i32 to index
      %get3A_592 = arith.constant 96 : index
      %get3A_593 = tpu.vector_load %arg9[%get3A_590, %get3A_591, %get3A_592] {strides = array<i32>} : memref<2x80x128xf32, #tpu.memory_space<vmem>>, vector<1x1x16xf32>,
      %get3A_594 = vector.shape_cast %get3A_593 : vector<1x1x16xf32> to vector<16xf32>
      %mul3A_595 = arith.mulf %get3A_588, %get3A_594 : vector<16xf32>
      %bitcast_convert_type3A_596 = tpu.bitcast %mul3A_582 : vector<16xf32> -> vector<16xi32>
      %add3A_597 = arith.constant 32767 : i32
      %add3A_598 = vector.broadcast %add3A_597 : i32 to vector<16xi32>
      %add3A_599 = arith.addi %bitcast_convert_type3A_596, %add3A_598 : vector<16xi32>
      %shift_right_logical3A_600 = arith.constant 16 : i32
      %shift_right_logical3A_601 = vector.broadcast %shift_right_logical3A_600 : i32 to vector<16xi32>
      %shift_right_logical3A_602 = arith.shrui %bitcast_convert_type3A_596, %shift_right_logical3A_601 : vector<16xi32>
      %and3A_603 = arith.constant 1 : i32
      %and3A_604 = vector.broadcast %and3A_603 : i32 to vector<16xi32>
      %and3A_605 = arith.andi %shift_right_logical3A_602, %and3A_604 : vector<16xi32>
      %add3A_606 = arith.addi %add3A_599, %and3A_605 : vector<16xi32>
      %shift_right_logical3A_607 = arith.constant 16 : i32
      %shift_right_logical3A_608 = vector.broadcast %shift_right_logical3A_607 : i32 to vector<16xi32>
      %shift_right_logical3A_609 = arith.shrui %add3A_606, %shift_right_logical3A_608 : vector<16xi32>
      %bitcast_convert_type3A_610 = tpu.bitcast %mul3A_595 : vector<16xf32> -> vector<16xi32>
      %add3A_611 = arith.constant 32767 : i32
      %add3A_612 = vector.broadcast %add3A_611 : i32 to vector<16xi32>
      %add3A_613 = arith.addi %bitcast_convert_type3A_610, %add3A_612 : vector<16xi32>
      %shift_right_logical3A_614 = arith.constant 16 : i32
      %shift_right_logical3A_615 = vector.broadcast %shift_right_logical3A_614 : i32 to vector<16xi32>
      %shift_right_logical3A_616 = arith.shrui %bitcast_convert_type3A_610, %shift_right_logical3A_615 : vector<16xi32>
      %and3A_617 = arith.constant 1 : i32
      %and3A_618 = vector.broadcast %and3A_617 : i32 to vector<16xi32>
      %and3A_619 = arith.andi %shift_right_logical3A_616, %and3A_618 : vector<16xi32>
      %add3A_620 = arith.addi %add3A_613, %and3A_619 : vector<16xi32>
      %shift_right_logical3A_621 = arith.constant 16 : i32
      %shift_right_logical3A_622 = vector.broadcast %shift_right_logical3A_621 : i32 to vector<16xi32>
      %shift_right_logical3A_623 = arith.shrui %add3A_620, %shift_right_logical3A_622 : vector<16xi32>
      %shift_left3A_624 = arith.constant 16 : i32
      %shift_left3A_625 = vector.broadcast %shift_left3A_624 : i32 to vector<16xi32>
      %shift_left3A_626 = arith.shli %shift_right_logical3A_623, %shift_left3A_625 : vector<16xi32>
      %or3A_627 = arith.ori %shift_right_logical3A_609, %shift_left3A_626 : vector<16xi32>
      %swap3A_628 = arith.constant 1 : i32
      %swap3A_629 = arith.index_cast %swap3A_628 : i32 to index
      %swap3A_630 = arith.index_cast %scan3A_446 : i32 to index
      %swap3A_631 = arith.constant 32 : index
      %swap3A_632 = tpu.vector_load %arg10[%swap3A_629, %swap3A_630, %swap3A_631] {strides = array<i32>} : memref<2x80x64xi32, #tpu.memory_space<vmem>>, vector<1x1x16xi32>,
      %swap3A_633 = vector.shape_cast %swap3A_632 : vector<1x1x16xi32> to vector<16xi32>
      %swap3A_634 = vector.shape_cast %or3A_627 : vector<16xi32> to vector<1x1x16xi32>
      tpu.vector_store %arg10[%swap3A_629, %swap3A_630, %swap3A_631], %swap3A_634 {strides = array<i32>} : memref<2x80x64xi32, #tpu.memory_space<vmem>>, vector<1x1x16xi32>,
      %get3A_635 = arith.constant 1 : i32
      %get3A_636 = arith.index_cast %get3A_635 : i32 to index
      %get3A_637 = arith.index_cast %scan3A_446 : i32 to index
      %get3A_638 = arith.constant 48 : index
      %get3A_639 = tpu.vector_load %arg8[%get3A_636, %get3A_637, %get3A_638] {strides = array<i32>} : memref<2x80x128xf32, #tpu.memory_space<vmem>>, vector<1x1x16xf32>,
      %get3A_640 = vector.shape_cast %get3A_639 : vector<1x1x16xf32> to vector<16xf32>
      %get3A_641 = arith.constant 1 : i32
      %get3A_642 = arith.index_cast %get3A_641 : i32 to index
      %get3A_643 = arith.index_cast %scan3A_446 : i32 to index
      %get3A_644 = arith.constant 48 : index
      %get3A_645 = tpu.vector_load %arg9[%get3A_642, %get3A_643, %get3A_644] {strides = array<i32>} : memref<2x80x128xf32, #tpu.memory_space<vmem>>, vector<1x1x16xf32>,
      %get3A_646 = vector.shape_cast %get3A_645 : vector<1x1x16xf32> to vector<16xf32>
      %mul3A_647 = arith.mulf %get3A_640, %get3A_646 : vector<16xf32>
      %get3A_648 = arith.constant 1 : i32
      %get3A_649 = arith.index_cast %get3A_648 : i32 to index
      %get3A_650 = arith.index_cast %scan3A_446 : i32 to index
      %get3A_651 = arith.constant 112 : index
      %get3A_652 = tpu.vector_load %arg8[%get3A_649, %get3A_650, %get3A_651] {strides = array<i32>} : memref<2x80x128xf32, #tpu.memory_space<vmem>>, vector<1x1x16xf32>,
      %get3A_653 = vector.shape_cast %get3A_652 : vector<1x1x16xf32> to vector<16xf32>
      %get3A_654 = arith.constant 1 : i32
      %get3A_655 = arith.index_cast %get3A_654 : i32 to index
      %get3A_656 = arith.index_cast %scan3A_446 : i32 to index
      %get3A_657 = arith.constant 112 : index
      %get3A_658 = tpu.vector_load %arg9[%get3A_655, %get3A_656, %get3A_657] {strides = array<i32>} : memref<2x80x128xf32, #tpu.memory_space<vmem>>, vector<1x1x16xf32>,
      %get3A_659 = vector.shape_cast %get3A_658 : vector<1x1x16xf32> to vector<16xf32>
      %mul3A_660 = arith.mulf %get3A_653, %get3A_659 : vector<16xf32>
      %bitcast_convert_type3A_661 = tpu.bitcast %mul3A_647 : vector<16xf32> -> vector<16xi32>
      %add3A_662 = arith.constant 32767 : i32
      %add3A_663 = vector.broadcast %add3A_662 : i32 to vector<16xi32>
      %add3A_664 = arith.addi %bitcast_convert_type3A_661, %add3A_663 : vector<16xi32>
      %shift_right_logical3A_665 = arith.constant 16 : i32
      %shift_right_logical3A_666 = vector.broadcast %shift_right_logical3A_665 : i32 to vector<16xi32>
      %shift_right_logical3A_667 = arith.shrui %bitcast_convert_type3A_661, %shift_right_logical3A_666 : vector<16xi32>
      %and3A_668 = arith.constant 1 : i32
      %and3A_669 = vector.broadcast %and3A_668 : i32 to vector<16xi32>
      %and3A_670 = arith.andi %shift_right_logical3A_667, %and3A_669 : vector<16xi32>
      %add3A_671 = arith.addi %add3A_664, %and3A_670 : vector<16xi32>
      %shift_right_logical3A_672 = arith.constant 16 : i32
      %shift_right_logical3A_673 = vector.broadcast %shift_right_logical3A_672 : i32 to vector<16xi32>
      %shift_right_logical3A_674 = arith.shrui %add3A_671, %shift_right_logical3A_673 : vector<16xi32>
      %bitcast_convert_type3A_675 = tpu.bitcast %mul3A_660 : vector<16xf32> -> vector<16xi32>
      %add3A_676 = arith.constant 32767 : i32
      %add3A_677 = vector.broadcast %add3A_676 : i32 to vector<16xi32>
      %add3A_678 = arith.addi %bitcast_convert_type3A_675, %add3A_677 : vector<16xi32>
      %shift_right_logical3A_679 = arith.constant 16 : i32
      %shift_right_logical3A_680 = vector.broadcast %shift_right_logical3A_679 : i32 to vector<16xi32>
      %shift_right_logical3A_681 = arith.shrui %bitcast_convert_type3A_675, %shift_right_logical3A_680 : vector<16xi32>
      %and3A_682 = arith.constant 1 : i32
      %and3A_683 = vector.broadcast %and3A_682 : i32 to vector<16xi32>
      %and3A_684 = arith.andi %shift_right_logical3A_681, %and3A_683 : vector<16xi32>
      %add3A_685 = arith.addi %add3A_678, %and3A_684 : vector<16xi32>
      %shift_right_logical3A_686 = arith.constant 16 : i32
      %shift_right_logical3A_687 = vector.broadcast %shift_right_logical3A_686 : i32 to vector<16xi32>
      %shift_right_logical3A_688 = arith.shrui %add3A_685, %shift_right_logical3A_687 : vector<16xi32>
      %shift_left3A_689 = arith.constant 16 : i32
      %shift_left3A_690 = vector.broadcast %shift_left3A_689 : i32 to vector<16xi32>
      %shift_left3A_691 = arith.shli %shift_right_logical3A_688, %shift_left3A_690 : vector<16xi32>
      %or3A_692 = arith.ori %shift_right_logical3A_674, %shift_left3A_691 : vector<16xi32>
      %swap3A_693 = arith.constant 1 : i32
      %swap3A_694 = arith.index_cast %swap3A_693 : i32 to index
      %swap3A_695 = arith.index_cast %scan3A_446 : i32 to index
      %swap3A_696 = arith.constant 48 : index
      %swap3A_697 = tpu.vector_load %arg10[%swap3A_694, %swap3A_695, %swap3A_696] {strides = array<i32>} : memref<2x80x64xi32, #tpu.memory_space<vmem>>, vector<1x1x16xi32>,
      %swap3A_698 = vector.shape_cast %swap3A_697 : vector<1x1x16xi32> to vector<16xi32>
      %swap3A_699 = vector.shape_cast %or3A_692 : vector<16xi32> to vector<1x1x16xi32>
      tpu.vector_store %arg10[%swap3A_694, %swap3A_695, %swap3A_696], %swap3A_699 {strides = array<i32>} : memref<2x80x64xi32, #tpu.memory_space<vmem>>, vector<1x1x16xi32>,
    }
    %scan3A_330 = arith.constant 80 : i32
    %add3A_331 = arith.constant 123 : i32
    %add3A_332 = arith.addi %mul3A_2, %add3A_331 : i32
    %mul3A_333 = arith.constant 80 : i32
    %mul3A_334 = arith.muli %add3A_332, %mul3A_333 : i32
    %dma_start3A_335 = arith.constant 1 : i32
    %dma_start3A_336 = arith.constant 0 : i32
    %dma_start3A_337 = arith.constant 0 : i32
    %dma_start3A_338 = tpu.memref_slice %arg10[%dma_start3A_335, %dma_start3A_336, %dma_start3A_337] : memref<2x80x64xi32, #tpu.memory_space<vmem>> -> memref<1x80x64xi32, #tpu.memory_space<vmem>>
    %dma_start3A_339 = tpu.memref_squeeze %dma_start3A_338 : memref<1x80x64xi32, #tpu.memory_space<vmem>> -> memref<80x64xi32, #tpu.memory_space<vmem>>
    %dma_start3A_340 = arith.constant 0 : i32
    %dma_start3A_341 = tpu.memref_slice %arg5[%mul3A_334, %dma_start3A_340] : memref<320000x64xi32, #tpu.memory_space<hbm>> -> memref<80x64xi32, #tpu.memory_space<hbm>>
    %dma_start3A_342 = arith.constant 0 : i32
    %dma_start3A_343 = tpu.memref_slice %arg5[%mul3A_334, %dma_start3A_342] : memref<320000x64xi32, #tpu.memory_space<hbm>> -> memref<80x64xi32, #tpu.memory_space<hbm>>
    %dma_start3A_344 = arith.constant 0 : i32
    %dma_start3A_345 = arith.constant 0 : i32
    %dma_start3A_346 = tpu.memref_slice %arg10[%dma_start3A_335, %dma_start3A_344, %dma_start3A_345] : memref<2x80x64xi32, #tpu.memory_space<vmem>> -> memref<1x80x64xi32, #tpu.memory_space<vmem>>
    %dma_start3A_347 = tpu.memref_squeeze %dma_start3A_346 : memref<1x80x64xi32, #tpu.memory_space<vmem>> -> memref<80x64xi32, #tpu.memory_space<vmem>>
    tpu.enqueue_dma source(%dma_start3A_347 : memref<80x64xi32, #tpu.memory_space<vmem>>) target(%dma_start3A_343 : memref<80x64xi32, #tpu.memory_space<hbm>>) target_semaphore(%arg14 : memref<!tpu.dma_semaphore, #tpu.memory_space<semaphore_mem>>)
    %dma_wait3A_348 = arith.constant 124 : i32
    %dma_wait3A_349 = arith.constant 0 : i32
    %dma_wait3A_350 = arith.constant 0 : i32
    %dma_wait3A_351 = arith.constant 0 : i32
    %dma_wait3A_352 = tpu.memref_slice %arg8[%dma_wait3A_349, %dma_wait3A_350, %dma_wait3A_351] : memref<2x80x128xf32, #tpu.memory_space<vmem>> -> memref<1x80x128xf32, #tpu.memory_space<vmem>>
    %dma_wait3A_353 = tpu.memref_squeeze %dma_wait3A_352 : memref<1x80x128xf32, #tpu.memory_space<vmem>> -> memref<80x128xf32, #tpu.memory_space<vmem>>
    %dma_wait3A_354 = arith.constant 0 : i32
    %dma_wait3A_355 = tpu.memref_slice %arg6[%dma_wait3A_348, %dma_wait3A_354] : memref<125x80xi32, #tpu.memory_space<vmem>> -> memref<1x80xi32, #tpu.memory_space<vmem>>
    %dma_wait3A_356 = tpu.memref_squeeze %dma_wait3A_355 : memref<1x80xi32, #tpu.memory_space<vmem>> -> memref<80xi32, #tpu.memory_space<vmem>>
    %dma_wait3A_357 = arith.constant 0 : i32
    %dma_wait3A_358 = arith.constant 0 : i32
    %dma_wait3A_359 = tpu.memref_slice %arg2[%dma_wait3A_357, %dma_wait3A_358] : memref<10000x128xf32, #tpu.memory_space<hbm>> -> memref<10000x128xf32, #tpu.memory_space<hbm>>
    tpu.wait_indirect_dma semaphore(%arg11 : memref<!tpu.dma_semaphore, #tpu.memory_space<semaphore_mem>>) src(%dma_wait3A_359 : memref<10000x128xf32, #tpu.memory_space<hbm>>) dst(%dma_wait3A_353 : memref<80x128xf32, #tpu.memory_space<vmem>>)
    %dma_wait3A_360 = arith.constant 124 : i32
    %dma_wait3A_361 = arith.constant 0 : i32
    %dma_wait3A_362 = arith.constant 0 : i32
    %dma_wait3A_363 = arith.constant 0 : i32
    %dma_wait3A_364 = tpu.memref_slice %arg9[%dma_wait3A_361, %dma_wait3A_362, %dma_wait3A_363] : memref<2x80x128xf32, #tpu.memory_space<vmem>> -> memref<1x80x128xf32, #tpu.memory_space<vmem>>
    %dma_wait3A_365 = tpu.memref_squeeze %dma_wait3A_364 : memref<1x80x128xf32, #tpu.memory_space<vmem>> -> memref<80x128xf32, #tpu.memory_space<vmem>>
    %dma_wait3A_366 = arith.constant 0 : i32
    %dma_wait3A_367 = tpu.memref_slice %arg7[%dma_wait3A_360, %dma_wait3A_366] : memref<125x80xi32, #tpu.memory_space<vmem>> -> memref<1x80xi32, #tpu.memory_space<vmem>>
    %dma_wait3A_368 = tpu.memref_squeeze %dma_wait3A_367 : memref<1x80xi32, #tpu.memory_space<vmem>> -> memref<80xi32, #tpu.memory_space<vmem>>
    %dma_wait3A_369 = arith.constant 0 : i32
    %dma_wait3A_370 = arith.constant 0 : i32
    %dma_wait3A_371 = tpu.memref_slice %arg2[%dma_wait3A_369, %dma_wait3A_370] : memref<10000x128xf32, #tpu.memory_space<hbm>> -> memref<10000x128xf32, #tpu.memory_space<hbm>>
    tpu.wait_indirect_dma semaphore(%arg11 : memref<!tpu.dma_semaphore, #tpu.memory_space<semaphore_mem>>) src(%dma_wait3A_371 : memref<10000x128xf32, #tpu.memory_space<hbm>>) dst(%dma_wait3A_365 : memref<80x128xf32, #tpu.memory_space<vmem>>)
    %add3A_372 = arith.constant 124 : i32
    %add3A_373 = arith.addi %mul3A_2, %add3A_372 : i32
    %mul3A_374 = arith.constant 80 : i32
    %mul3A_375 = arith.muli %add3A_373, %mul3A_374 : i32
    %dma_wait3A_376 = arith.constant 0 : i32
    %dma_wait3A_377 = arith.constant 0 : i32
    %dma_wait3A_378 = arith.constant 0 : i32
    %dma_wait3A_379 = tpu.memref_slice %arg10[%dma_wait3A_376, %dma_wait3A_377, %dma_wait3A_378] : memref<2x80x64xi32, #tpu.memory_space<vmem>> -> memref<1x80x64xi32, #tpu.memory_space<vmem>>
    %dma_wait3A_380 = tpu.memref_squeeze %dma_wait3A_379 : memref<1x80x64xi32, #tpu.memory_space<vmem>> -> memref<80x64xi32, #tpu.memory_space<vmem>>
    %dma_wait3A_381 = arith.constant 0 : i32
    %dma_wait3A_382 = tpu.memref_slice %arg5[%mul3A_375, %dma_wait3A_381] : memref<320000x64xi32, #tpu.memory_space<hbm>> -> memref<80x64xi32, #tpu.memory_space<hbm>>
    %dma_wait3A_383 = arith.constant 0 : i32
    %dma_wait3A_384 = tpu.memref_slice %arg5[%mul3A_375, %dma_wait3A_383] : memref<320000x64xi32, #tpu.memory_space<hbm>> -> memref<80x64xi32, #tpu.memory_space<hbm>>
    %dma_wait3A_385 = arith.constant 0 : i32
    %dma_wait3A_386 = arith.constant 0 : i32
    %dma_wait3A_387 = tpu.memref_slice %arg10[%dma_wait3A_376, %dma_wait3A_385, %dma_wait3A_386] : memref<2x80x64xi32, #tpu.memory_space<vmem>> -> memref<1x80x64xi32, #tpu.memory_space<vmem>>
    %dma_wait3A_388 = tpu.memref_squeeze %dma_wait3A_387 : memref<1x80x64xi32, #tpu.memory_space<vmem>> -> memref<80x64xi32, #tpu.memory_space<vmem>>
    tpu.wait_dma2 semaphore(%arg13 : memref<!tpu.dma_semaphore, #tpu.memory_space<semaphore_mem>>) src(%dma_wait3A_388 : memref<80x64xi32, #tpu.memory_space<vmem>>) dst(%dma_wait3A_384 : memref<80x64xi32, #tpu.memory_space<hbm>>)
    %scan3A_389 = arith.constant 0 : i32
    %scan3A_390 = arith.constant 0 : i32
    %scan3A_391 = arith.constant 80 : i32
    %scan3A_392 = arith.addi %scan3A_390, %scan3A_391 : i32
    %scan3A_393 = arith.constant 1 : i32
    scf.for %scan3A_446 = %scan3A_390 to %scan3A_392 step %scan3A_393  : i32 {
      %get3A = arith.constant 0 : i32
      %get3A_447 = arith.index_cast %get3A : i32 to index
      %get3A_448 = arith.index_cast %scan3A_446 : i32 to index
      %get3A_449 = arith.constant 0 : index
      %get3A_450 = tpu.vector_load %arg8[%get3A_447, %get3A_448, %get3A_449] {strides = array<i32>} : memref<2x80x128xf32, #tpu.memory_space<vmem>>, vector<1x1x16xf32>,
      %get3A_451 = vector.shape_cast %get3A_450 : vector<1x1x16xf32> to vector<16xf32>
      %get3A_452 = arith.constant 0 : i32
      %get3A_453 = arith.index_cast %get3A_452 : i32 to index
      %get3A_454 = arith.index_cast %scan3A_446 : i32 to index
      %get3A_455 = arith.constant 0 : index
      %get3A_456 = tpu.vector_load %arg9[%get3A_453, %get3A_454, %get3A_455] {strides = array<i32>} : memref<2x80x128xf32, #tpu.memory_space<vmem>>, vector<1x1x16xf32>,
      %get3A_457 = vector.shape_cast %get3A_456 : vector<1x1x16xf32> to vector<16xf32>
      %mul3A_458 = arith.mulf %get3A_451, %get3A_457 : vector<16xf32>
      %get3A_459 = arith.constant 0 : i32
      %get3A_460 = arith.index_cast %get3A_459 : i32 to index
      %get3A_461 = arith.index_cast %scan3A_446 : i32 to index
      %get3A_462 = arith.constant 64 : index
      %get3A_463 = tpu.vector_load %arg8[%get3A_460, %get3A_461, %get3A_462] {strides = array<i32>} : memref<2x80x128xf32, #tpu.memory_space<vmem>>, vector<1x1x16xf32>,
      %get3A_464 = vector.shape_cast %get3A_463 : vector<1x1x16xf32> to vector<16xf32>
      %get3A_465 = arith.constant 0 : i32
      %get3A_466 = arith.index_cast %get3A_465 : i32 to index
      %get3A_467 = arith.index_cast %scan3A_446 : i32 to index
      %get3A_468 = arith.constant 64 : index
      %get3A_469 = tpu.vector_load %arg9[%get3A_466, %get3A_467, %get3A_468] {strides = array<i32>} : memref<2x80x128xf32, #tpu.memory_space<vmem>>, vector<1x1x16xf32>,
      %get3A_470 = vector.shape_cast %get3A_469 : vector<1x1x16xf32> to vector<16xf32>
      %mul3A_471 = arith.mulf %get3A_464, %get3A_470 : vector<16xf32>
      %bitcast_convert_type3A = tpu.bitcast %mul3A_458 : vector<16xf32> -> vector<16xi32>
      %add3A_472 = arith.constant 32767 : i32
      %add3A_473 = vector.broadcast %add3A_472 : i32 to vector<16xi32>
      %add3A_474 = arith.addi %bitcast_convert_type3A, %add3A_473 : vector<16xi32>
      %shift_right_logical3A = arith.constant 16 : i32
      %shift_right_logical3A_475 = vector.broadcast %shift_right_logical3A : i32 to vector<16xi32>
      %shift_right_logical3A_476 = arith.shrui %bitcast_convert_type3A, %shift_right_logical3A_475 : vector<16xi32>
      %and3A = arith.constant 1 : i32
      %and3A_477 = vector.broadcast %and3A : i32 to vector<16xi32>
      %and3A_478 = arith.andi %shift_right_logical3A_476, %and3A_477 : vector<16xi32>
      %add3A_479 = arith.addi %add3A_474, %and3A_478 : vector<16xi32>
      %shift_right_logical3A_480 = arith.constant 16 : i32
      %shift_right_logical3A_481 = vector.broadcast %shift_right_logical3A_480 : i32 to vector<16xi32>
      %shift_right_logical3A_482 = arith.shrui %add3A_479, %shift_right_logical3A_481 : vector<16xi32>
      %bitcast_convert_type3A_483 = tpu.bitcast %mul3A_471 : vector<16xf32> -> vector<16xi32>
      %add3A_484 = arith.constant 32767 : i32
      %add3A_485 = vector.broadcast %add3A_484 : i32 to vector<16xi32>
      %add3A_486 = arith.addi %bitcast_convert_type3A_483, %add3A_485 : vector<16xi32>
      %shift_right_logical3A_487 = arith.constant 16 : i32
      %shift_right_logical3A_488 = vector.broadcast %shift_right_logical3A_487 : i32 to vector<16xi32>
      %shift_right_logical3A_489 = arith.shrui %bitcast_convert_type3A_483, %shift_right_logical3A_488 : vector<16xi32>
      %and3A_490 = arith.constant 1 : i32
      %and3A_491 = vector.broadcast %and3A_490 : i32 to vector<16xi32>
      %and3A_492 = arith.andi %shift_right_logical3A_489, %and3A_491 : vector<16xi32>
      %add3A_493 = arith.addi %add3A_486, %and3A_492 : vector<16xi32>
      %shift_right_logical3A_494 = arith.constant 16 : i32
      %shift_right_logical3A_495 = vector.broadcast %shift_right_logical3A_494 : i32 to vector<16xi32>
      %shift_right_logical3A_496 = arith.shrui %add3A_493, %shift_right_logical3A_495 : vector<16xi32>
      %shift_left3A = arith.constant 16 : i32
      %shift_left3A_497 = vector.broadcast %shift_left3A : i32 to vector<16xi32>
      %shift_left3A_498 = arith.shli %shift_right_logical3A_496, %shift_left3A_497 : vector<16xi32>
      %or3A = arith.ori %shift_right_logical3A_482, %shift_left3A_498 : vector<16xi32>
      %swap3A = arith.constant 0 : i32
      %swap3A_499 = arith.index_cast %swap3A : i32 to index
      %swap3A_500 = arith.index_cast %scan3A_446 : i32 to index
      %swap3A_501 = arith.constant 0 : index
      %swap3A_502 = tpu.vector_load %arg10[%swap3A_499, %swap3A_500, %swap3A_501] {strides = array<i32>} : memref<2x80x64xi32, #tpu.memory_space<vmem>>, vector<1x1x16xi32>,
      %swap3A_503 = vector.shape_cast %swap3A_502 : vector<1x1x16xi32> to vector<16xi32>
      %swap3A_504 = vector.shape_cast %or3A : vector<16xi32> to vector<1x1x16xi32>
      tpu.vector_store %arg10[%swap3A_499, %swap3A_500, %swap3A_501], %swap3A_504 {strides = array<i32>} : memref<2x80x64xi32, #tpu.memory_space<vmem>>, vector<1x1x16xi32>,
      %get3A_505 = arith.constant 0 : i32
      %get3A_506 = arith.index_cast %get3A_505 : i32 to index
      %get3A_507 = arith.index_cast %scan3A_446 : i32 to index
      %get3A_508 = arith.constant 16 : index
      %get3A_509 = tpu.vector_load %arg8[%get3A_506, %get3A_507, %get3A_508] {strides = array<i32>} : memref<2x80x128xf32, #tpu.memory_space<vmem>>, vector<1x1x16xf32>,
      %get3A_510 = vector.shape_cast %get3A_509 : vector<1x1x16xf32> to vector<16xf32>
      %get3A_511 = arith.constant 0 : i32
      %get3A_512 = arith.index_cast %get3A_511 : i32 to index
      %get3A_513 = arith.index_cast %scan3A_446 : i32 to index
      %get3A_514 = arith.constant 16 : index
      %get3A_515 = tpu.vector_load %arg9[%get3A_512, %get3A_513, %get3A_514] {strides = array<i32>} : memref<2x80x128xf32, #tpu.memory_space<vmem>>, vector<1x1x16xf32>,
      %get3A_516 = vector.shape_cast %get3A_515 : vector<1x1x16xf32> to vector<16xf32>
      %mul3A_517 = arith.mulf %get3A_510, %get3A_516 : vector<16xf32>
      %get3A_518 = arith.constant 0 : i32
      %get3A_519 = arith.index_cast %get3A_518 : i32 to index
      %get3A_520 = arith.index_cast %scan3A_446 : i32 to index
      %get3A_521 = arith.constant 80 : index
      %get3A_522 = tpu.vector_load %arg8[%get3A_519, %get3A_520, %get3A_521] {strides = array<i32>} : memref<2x80x128xf32, #tpu.memory_space<vmem>>, vector<1x1x16xf32>,
      %get3A_523 = vector.shape_cast %get3A_522 : vector<1x1x16xf32> to vector<16xf32>
      %get3A_524 = arith.constant 0 : i32
      %get3A_525 = arith.index_cast %get3A_524 : i32 to index
      %get3A_526 = arith.index_cast %scan3A_446 : i32 to index
      %get3A_527 = arith.constant 80 : index
      %get3A_528 = tpu.vector_load %arg9[%get3A_525, %get3A_526, %get3A_527] {strides = array<i32>} : memref<2x80x128xf32, #tpu.memory_space<vmem>>, vector<1x1x16xf32>,
      %get3A_529 = vector.shape_cast %get3A_528 : vector<1x1x16xf32> to vector<16xf32>
      %mul3A_530 = arith.mulf %get3A_523, %get3A_529 : vector<16xf32>
      %bitcast_convert_type3A_531 = tpu.bitcast %mul3A_517 : vector<16xf32> -> vector<16xi32>
      %add3A_532 = arith.constant 32767 : i32
      %add3A_533 = vector.broadcast %add3A_532 : i32 to vector<16xi32>
      %add3A_534 = arith.addi %bitcast_convert_type3A_531, %add3A_533 : vector<16xi32>
      %shift_right_logical3A_535 = arith.constant 16 : i32
      %shift_right_logical3A_536 = vector.broadcast %shift_right_logical3A_535 : i32 to vector<16xi32>
      %shift_right_logical3A_537 = arith.shrui %bitcast_convert_type3A_531, %shift_right_logical3A_536 : vector<16xi32>
      %and3A_538 = arith.constant 1 : i32
      %and3A_539 = vector.broadcast %and3A_538 : i32 to vector<16xi32>
      %and3A_540 = arith.andi %shift_right_logical3A_537, %and3A_539 : vector<16xi32>
      %add3A_541 = arith.addi %add3A_534, %and3A_540 : vector<16xi32>
      %shift_right_logical3A_542 = arith.constant 16 : i32
      %shift_right_logical3A_543 = vector.broadcast %shift_right_logical3A_542 : i32 to vector<16xi32>
      %shift_right_logical3A_544 = arith.shrui %add3A_541, %shift_right_logical3A_543 : vector<16xi32>
      %bitcast_convert_type3A_545 = tpu.bitcast %mul3A_530 : vector<16xf32> -> vector<16xi32>
      %add3A_546 = arith.constant 32767 : i32
      %add3A_547 = vector.broadcast %add3A_546 : i32 to vector<16xi32>
      %add3A_548 = arith.addi %bitcast_convert_type3A_545, %add3A_547 : vector<16xi32>
      %shift_right_logical3A_549 = arith.constant 16 : i32
      %shift_right_logical3A_550 = vector.broadcast %shift_right_logical3A_549 : i32 to vector<16xi32>
      %shift_right_logical3A_551 = arith.shrui %bitcast_convert_type3A_545, %shift_right_logical3A_550 : vector<16xi32>
      %and3A_552 = arith.constant 1 : i32
      %and3A_553 = vector.broadcast %and3A_552 : i32 to vector<16xi32>
      %and3A_554 = arith.andi %shift_right_logical3A_551, %and3A_553 : vector<16xi32>
      %add3A_555 = arith.addi %add3A_548, %and3A_554 : vector<16xi32>
      %shift_right_logical3A_556 = arith.constant 16 : i32
      %shift_right_logical3A_557 = vector.broadcast %shift_right_logical3A_556 : i32 to vector<16xi32>
      %shift_right_logical3A_558 = arith.shrui %add3A_555, %shift_right_logical3A_557 : vector<16xi32>
      %shift_left3A_559 = arith.constant 16 : i32
      %shift_left3A_560 = vector.broadcast %shift_left3A_559 : i32 to vector<16xi32>
      %shift_left3A_561 = arith.shli %shift_right_logical3A_558, %shift_left3A_560 : vector<16xi32>
      %or3A_562 = arith.ori %shift_right_logical3A_544, %shift_left3A_561 : vector<16xi32>
      %swap3A_563 = arith.constant 0 : i32
      %swap3A_564 = arith.index_cast %swap3A_563 : i32 to index
      %swap3A_565 = arith.index_cast %scan3A_446 : i32 to index
      %swap3A_566 = arith.constant 16 : index
      %swap3A_567 = tpu.vector_load %arg10[%swap3A_564, %swap3A_565, %swap3A_566] {strides = array<i32>} : memref<2x80x64xi32, #tpu.memory_space<vmem>>, vector<1x1x16xi32>,
      %swap3A_568 = vector.shape_cast %swap3A_567 : vector<1x1x16xi32> to vector<16xi32>
      %swap3A_569 = vector.shape_cast %or3A_562 : vector<16xi32> to vector<1x1x16xi32>
      tpu.vector_store %arg10[%swap3A_564, %swap3A_565, %swap3A_566], %swap3A_569 {strides = array<i32>} : memref<2x80x64xi32, #tpu.memory_space<vmem>>, vector<1x1x16xi32>,
      %get3A_570 = arith.constant 0 : i32
      %get3A_571 = arith.index_cast %get3A_570 : i32 to index
      %get3A_572 = arith.index_cast %scan3A_446 : i32 to index
      %get3A_573 = arith.constant 32 : index
      %get3A_574 = tpu.vector_load %arg8[%get3A_571, %get3A_572, %get3A_573] {strides = array<i32>} : memref<2x80x128xf32, #tpu.memory_space<vmem>>, vector<1x1x16xf32>,
      %get3A_575 = vector.shape_cast %get3A_574 : vector<1x1x16xf32> to vector<16xf32>
      %get3A_576 = arith.constant 0 : i32
      %get3A_577 = arith.index_cast %get3A_576 : i32 to index
      %get3A_578 = arith.index_cast %scan3A_446 : i32 to index
      %get3A_579 = arith.constant 32 : index
      %get3A_580 = tpu.vector_load %arg9[%get3A_577, %get3A_578, %get3A_579] {strides = array<i32>} : memref<2x80x128xf32, #tpu.memory_space<vmem>>, vector<1x1x16xf32>,
      %get3A_581 = vector.shape_cast %get3A_580 : vector<1x1x16xf32> to vector<16xf32>
      %mul3A_582 = arith.mulf %get3A_575, %get3A_581 : vector<16xf32>
      %get3A_583 = arith.constant 0 : i32
      %get3A_584 = arith.index_cast %get3A_583 : i32 to index
      %get3A_585 = arith.index_cast %scan3A_446 : i32 to index
      %get3A_586 = arith.constant 96 : index
      %get3A_587 = tpu.vector_load %arg8[%get3A_584, %get3A_585, %get3A_586] {strides = array<i32>} : memref<2x80x128xf32, #tpu.memory_space<vmem>>, vector<1x1x16xf32>,
      %get3A_588 = vector.shape_cast %get3A_587 : vector<1x1x16xf32> to vector<16xf32>
      %get3A_589 = arith.constant 0 : i32
      %get3A_590 = arith.index_cast %get3A_589 : i32 to index
      %get3A_591 = arith.index_cast %scan3A_446 : i32 to index
      %get3A_592 = arith.constant 96 : index
      %get3A_593 = tpu.vector_load %arg9[%get3A_590, %get3A_591, %get3A_592] {strides = array<i32>} : memref<2x80x128xf32, #tpu.memory_space<vmem>>, vector<1x1x16xf32>,
      %get3A_594 = vector.shape_cast %get3A_593 : vector<1x1x16xf32> to vector<16xf32>
      %mul3A_595 = arith.mulf %get3A_588, %get3A_594 : vector<16xf32>
      %bitcast_convert_type3A_596 = tpu.bitcast %mul3A_582 : vector<16xf32> -> vector<16xi32>
      %add3A_597 = arith.constant 32767 : i32
      %add3A_598 = vector.broadcast %add3A_597 : i32 to vector<16xi32>
      %add3A_599 = arith.addi %bitcast_convert_type3A_596, %add3A_598 : vector<16xi32>
      %shift_right_logical3A_600 = arith.constant 16 : i32
      %shift_right_logical3A_601 = vector.broadcast %shift_right_logical3A_600 : i32 to vector<16xi32>
      %shift_right_logical3A_602 = arith.shrui %bitcast_convert_type3A_596, %shift_right_logical3A_601 : vector<16xi32>
      %and3A_603 = arith.constant 1 : i32
      %and3A_604 = vector.broadcast %and3A_603 : i32 to vector<16xi32>
      %and3A_605 = arith.andi %shift_right_logical3A_602, %and3A_604 : vector<16xi32>
      %add3A_606 = arith.addi %add3A_599, %and3A_605 : vector<16xi32>
      %shift_right_logical3A_607 = arith.constant 16 : i32
      %shift_right_logical3A_608 = vector.broadcast %shift_right_logical3A_607 : i32 to vector<16xi32>
      %shift_right_logical3A_609 = arith.shrui %add3A_606, %shift_right_logical3A_608 : vector<16xi32>
      %bitcast_convert_type3A_610 = tpu.bitcast %mul3A_595 : vector<16xf32> -> vector<16xi32>
      %add3A_611 = arith.constant 32767 : i32
      %add3A_612 = vector.broadcast %add3A_611 : i32 to vector<16xi32>
      %add3A_613 = arith.addi %bitcast_convert_type3A_610, %add3A_612 : vector<16xi32>
      %shift_right_logical3A_614 = arith.constant 16 : i32
      %shift_right_logical3A_615 = vector.broadcast %shift_right_logical3A_614 : i32 to vector<16xi32>
      %shift_right_logical3A_616 = arith.shrui %bitcast_convert_type3A_610, %shift_right_logical3A_615 : vector<16xi32>
      %and3A_617 = arith.constant 1 : i32
      %and3A_618 = vector.broadcast %and3A_617 : i32 to vector<16xi32>
      %and3A_619 = arith.andi %shift_right_logical3A_616, %and3A_618 : vector<16xi32>
      %add3A_620 = arith.addi %add3A_613, %and3A_619 : vector<16xi32>
      %shift_right_logical3A_621 = arith.constant 16 : i32
      %shift_right_logical3A_622 = vector.broadcast %shift_right_logical3A_621 : i32 to vector<16xi32>
      %shift_right_logical3A_623 = arith.shrui %add3A_620, %shift_right_logical3A_622 : vector<16xi32>
      %shift_left3A_624 = arith.constant 16 : i32
      %shift_left3A_625 = vector.broadcast %shift_left3A_624 : i32 to vector<16xi32>
      %shift_left3A_626 = arith.shli %shift_right_logical3A_623, %shift_left3A_625 : vector<16xi32>
      %or3A_627 = arith.ori %shift_right_logical3A_609, %shift_left3A_626 : vector<16xi32>
      %swap3A_628 = arith.constant 0 : i32
      %swap3A_629 = arith.index_cast %swap3A_628 : i32 to index
      %swap3A_630 = arith.index_cast %scan3A_446 : i32 to index
      %swap3A_631 = arith.constant 32 : index
      %swap3A_632 = tpu.vector_load %arg10[%swap3A_629, %swap3A_630, %swap3A_631] {strides = array<i32>} : memref<2x80x64xi32, #tpu.memory_space<vmem>>, vector<1x1x16xi32>,
      %swap3A_633 = vector.shape_cast %swap3A_632 : vector<1x1x16xi32> to vector<16xi32>
      %swap3A_634 = vector.shape_cast %or3A_627 : vector<16xi32> to vector<1x1x16xi32>
      tpu.vector_store %arg10[%swap3A_629, %swap3A_630, %swap3A_631], %swap3A_634 {strides = array<i32>} : memref<2x80x64xi32, #tpu.memory_space<vmem>>, vector<1x1x16xi32>,
      %get3A_635 = arith.constant 0 : i32
      %get3A_636 = arith.index_cast %get3A_635 : i32 to index
      %get3A_637 = arith.index_cast %scan3A_446 : i32 to index
      %get3A_638 = arith.constant 48 : index
      %get3A_639 = tpu.vector_load %arg8[%get3A_636, %get3A_637, %get3A_638] {strides = array<i32>} : memref<2x80x128xf32, #tpu.memory_space<vmem>>, vector<1x1x16xf32>,
      %get3A_640 = vector.shape_cast %get3A_639 : vector<1x1x16xf32> to vector<16xf32>
      %get3A_641 = arith.constant 0 : i32
      %get3A_642 = arith.index_cast %get3A_641 : i32 to index
      %get3A_643 = arith.index_cast %scan3A_446 : i32 to index
      %get3A_644 = arith.constant 48 : index
      %get3A_645 = tpu.vector_load %arg9[%get3A_642, %get3A_643, %get3A_644] {strides = array<i32>} : memref<2x80x128xf32, #tpu.memory_space<vmem>>, vector<1x1x16xf32>,
      %get3A_646 = vector.shape_cast %get3A_645 : vector<1x1x16xf32> to vector<16xf32>
      %mul3A_647 = arith.mulf %get3A_640, %get3A_646 : vector<16xf32>
      %get3A_648 = arith.constant 0 : i32
      %get3A_649 = arith.index_cast %get3A_648 : i32 to index
      %get3A_650 = arith.index_cast %scan3A_446 : i32 to index
      %get3A_651 = arith.constant 112 : index
      %get3A_652 = tpu.vector_load %arg8[%get3A_649, %get3A_650, %get3A_651] {strides = array<i32>} : memref<2x80x128xf32, #tpu.memory_space<vmem>>, vector<1x1x16xf32>,
      %get3A_653 = vector.shape_cast %get3A_652 : vector<1x1x16xf32> to vector<16xf32>
      %get3A_654 = arith.constant 0 : i32
      %get3A_655 = arith.index_cast %get3A_654 : i32 to index
      %get3A_656 = arith.index_cast %scan3A_446 : i32 to index
      %get3A_657 = arith.constant 112 : index
      %get3A_658 = tpu.vector_load %arg9[%get3A_655, %get3A_656, %get3A_657] {strides = array<i32>} : memref<2x80x128xf32, #tpu.memory_space<vmem>>, vector<1x1x16xf32>,
      %get3A_659 = vector.shape_cast %get3A_658 : vector<1x1x16xf32> to vector<16xf32>
      %mul3A_660 = arith.mulf %get3A_653, %get3A_659 : vector<16xf32>
      %bitcast_convert_type3A_661 = tpu.bitcast %mul3A_647 : vector<16xf32> -> vector<16xi32>
      %add3A_662 = arith.constant 32767 : i32
      %add3A_663 = vector.broadcast %add3A_662 : i32 to vector<16xi32>
      %add3A_664 = arith.addi %bitcast_convert_type3A_661, %add3A_663 : vector<16xi32>
      %shift_right_logical3A_665 = arith.constant 16 : i32
      %shift_right_logical3A_666 = vector.broadcast %shift_right_logical3A_665 : i32 to vector<16xi32>
      %shift_right_logical3A_667 = arith.shrui %bitcast_convert_type3A_661, %shift_right_logical3A_666 : vector<16xi32>
      %and3A_668 = arith.constant 1 : i32
      %and3A_669 = vector.broadcast %and3A_668 : i32 to vector<16xi32>
      %and3A_670 = arith.andi %shift_right_logical3A_667, %and3A_669 : vector<16xi32>
      %add3A_671 = arith.addi %add3A_664, %and3A_670 : vector<16xi32>
      %shift_right_logical3A_672 = arith.constant 16 : i32
      %shift_right_logical3A_673 = vector.broadcast %shift_right_logical3A_672 : i32 to vector<16xi32>
      %shift_right_logical3A_674 = arith.shrui %add3A_671, %shift_right_logical3A_673 : vector<16xi32>
      %bitcast_convert_type3A_675 = tpu.bitcast %mul3A_660 : vector<16xf32> -> vector<16xi32>
      %add3A_676 = arith.constant 32767 : i32
      %add3A_677 = vector.broadcast %add3A_676 : i32 to vector<16xi32>
      %add3A_678 = arith.addi %bitcast_convert_type3A_675, %add3A_677 : vector<16xi32>
      %shift_right_logical3A_679 = arith.constant 16 : i32
      %shift_right_logical3A_680 = vector.broadcast %shift_right_logical3A_679 : i32 to vector<16xi32>
      %shift_right_logical3A_681 = arith.shrui %bitcast_convert_type3A_675, %shift_right_logical3A_680 : vector<16xi32>
      %and3A_682 = arith.constant 1 : i32
      %and3A_683 = vector.broadcast %and3A_682 : i32 to vector<16xi32>
      %and3A_684 = arith.andi %shift_right_logical3A_681, %and3A_683 : vector<16xi32>
      %add3A_685 = arith.addi %add3A_678, %and3A_684 : vector<16xi32>
      %shift_right_logical3A_686 = arith.constant 16 : i32
      %shift_right_logical3A_687 = vector.broadcast %shift_right_logical3A_686 : i32 to vector<16xi32>
      %shift_right_logical3A_688 = arith.shrui %add3A_685, %shift_right_logical3A_687 : vector<16xi32>
      %shift_left3A_689 = arith.constant 16 : i32
      %shift_left3A_690 = vector.broadcast %shift_left3A_689 : i32 to vector<16xi32>
      %shift_left3A_691 = arith.shli %shift_right_logical3A_688, %shift_left3A_690 : vector<16xi32>
      %or3A_692 = arith.ori %shift_right_logical3A_674, %shift_left3A_691 : vector<16xi32>
      %swap3A_693 = arith.constant 0 : i32
      %swap3A_694 = arith.index_cast %swap3A_693 : i32 to index
      %swap3A_695 = arith.index_cast %scan3A_446 : i32 to index
      %swap3A_696 = arith.constant 48 : index
      %swap3A_697 = tpu.vector_load %arg10[%swap3A_694, %swap3A_695, %swap3A_696] {strides = array<i32>} : memref<2x80x64xi32, #tpu.memory_space<vmem>>, vector<1x1x16xi32>,
      %swap3A_698 = vector.shape_cast %swap3A_697 : vector<1x1x16xi32> to vector<16xi32>
      %swap3A_699 = vector.shape_cast %or3A_692 : vector<16xi32> to vector<1x1x16xi32>
      tpu.vector_store %arg10[%swap3A_694, %swap3A_695, %swap3A_696], %swap3A_699 {strides = array<i32>} : memref<2x80x64xi32, #tpu.memory_space<vmem>>, vector<1x1x16xi32>,
    }
    %scan3A_394 = arith.constant 80 : i32
    %add3A_395 = arith.constant 124 : i32
    %add3A_396 = arith.addi %mul3A_2, %add3A_395 : i32
    %mul3A_397 = arith.constant 80 : i32
    %mul3A_398 = arith.muli %add3A_396, %mul3A_397 : i32
    %dma_start3A_399 = arith.constant 0 : i32
    %dma_start3A_400 = arith.constant 0 : i32
    %dma_start3A_401 = arith.constant 0 : i32
    %dma_start3A_402 = tpu.memref_slice %arg10[%dma_start3A_399, %dma_start3A_400, %dma_start3A_401] : memref<2x80x64xi32, #tpu.memory_space<vmem>> -> memref<1x80x64xi32, #tpu.memory_space<vmem>>
    %dma_start3A_403 = tpu.memref_squeeze %dma_start3A_402 : memref<1x80x64xi32, #tpu.memory_space<vmem>> -> memref<80x64xi32, #tpu.memory_space<vmem>>
    %dma_start3A_404 = arith.constant 0 : i32
    %dma_start3A_405 = tpu.memref_slice %arg5[%mul3A_398, %dma_start3A_404] : memref<320000x64xi32, #tpu.memory_space<hbm>> -> memref<80x64xi32, #tpu.memory_space<hbm>>
    %dma_start3A_406 = arith.constant 0 : i32
    %dma_start3A_407 = tpu.memref_slice %arg5[%mul3A_398, %dma_start3A_406] : memref<320000x64xi32, #tpu.memory_space<hbm>> -> memref<80x64xi32, #tpu.memory_space<hbm>>
    %dma_start3A_408 = arith.constant 0 : i32
    %dma_start3A_409 = arith.constant 0 : i32
    %dma_start3A_410 = tpu.memref_slice %arg10[%dma_start3A_399, %dma_start3A_408, %dma_start3A_409] : memref<2x80x64xi32, #tpu.memory_space<vmem>> -> memref<1x80x64xi32, #tpu.memory_space<vmem>>
    %dma_start3A_411 = tpu.memref_squeeze %dma_start3A_410 : memref<1x80x64xi32, #tpu.memory_space<vmem>> -> memref<80x64xi32, #tpu.memory_space<vmem>>
    tpu.enqueue_dma source(%dma_start3A_411 : memref<80x64xi32, #tpu.memory_space<vmem>>) target(%dma_start3A_407 : memref<80x64xi32, #tpu.memory_space<hbm>>) target_semaphore(%arg13 : memref<!tpu.dma_semaphore, #tpu.memory_space<semaphore_mem>>)
    %add3A_412 = arith.constant 124 : i32
    %add3A_413 = arith.addi %mul3A_2, %add3A_412 : i32
    %mul3A_414 = arith.constant 80 : i32
    %mul3A_415 = arith.muli %add3A_413, %mul3A_414 : i32
    %dma_wait3A_416 = arith.constant 0 : i32
    %dma_wait3A_417 = arith.constant 0 : i32
    %dma_wait3A_418 = arith.constant 0 : i32
    %dma_wait3A_419 = tpu.memref_slice %arg10[%dma_wait3A_416, %dma_wait3A_417, %dma_wait3A_418] : memref<2x80x64xi32, #tpu.memory_space<vmem>> -> memref<1x80x64xi32, #tpu.memory_space<vmem>>
    %dma_wait3A_420 = tpu.memref_squeeze %dma_wait3A_419 : memref<1x80x64xi32, #tpu.memory_space<vmem>> -> memref<80x64xi32, #tpu.memory_space<vmem>>
    %dma_wait3A_421 = arith.constant 0 : i32
    %dma_wait3A_422 = tpu.memref_slice %arg5[%mul3A_415, %dma_wait3A_421] : memref<320000x64xi32, #tpu.memory_space<hbm>> -> memref<80x64xi32, #tpu.memory_space<hbm>>
    %dma_wait3A_423 = arith.constant 0 : i32
    %dma_wait3A_424 = tpu.memref_slice %arg5[%mul3A_415, %dma_wait3A_423] : memref<320000x64xi32, #tpu.memory_space<hbm>> -> memref<80x64xi32, #tpu.memory_space<hbm>>
    %dma_wait3A_425 = arith.constant 0 : i32
    %dma_wait3A_426 = arith.constant 0 : i32
    %dma_wait3A_427 = tpu.memref_slice %arg10[%dma_wait3A_416, %dma_wait3A_425, %dma_wait3A_426] : memref<2x80x64xi32, #tpu.memory_space<vmem>> -> memref<1x80x64xi32, #tpu.memory_space<vmem>>
    %dma_wait3A_428 = tpu.memref_squeeze %dma_wait3A_427 : memref<1x80x64xi32, #tpu.memory_space<vmem>> -> memref<80x64xi32, #tpu.memory_space<vmem>>
    tpu.wait_dma2 semaphore(%arg13 : memref<!tpu.dma_semaphore, #tpu.memory_space<semaphore_mem>>) src(%dma_wait3A_428 : memref<80x64xi32, #tpu.memory_space<vmem>>) dst(%dma_wait3A_424 : memref<80x64xi32, #tpu.memory_space<hbm>>)
    %add3A_429 = arith.constant 123 : i32
    %add3A_430 = arith.addi %mul3A_2, %add3A_429 : i32
    %mul3A_431 = arith.constant 80 : i32
    %mul3A_432 = arith.muli %add3A_430, %mul3A_431 : i32
    %dma_wait3A_433 = arith.constant 1 : i32
    %dma_wait3A_434 = arith.constant 0 : i32
    %dma_wait3A_435 = arith.constant 0 : i32
    %dma_wait3A_436 = tpu.memref_slice %arg10[%dma_wait3A_433, %dma_wait3A_434, %dma_wait3A_435] : memref<2x80x64xi32, #tpu.memory_space<vmem>> -> memref<1x80x64xi32, #tpu.memory_space<vmem>>
    %dma_wait3A_437 = tpu.memref_squeeze %dma_wait3A_436 : memref<1x80x64xi32, #tpu.memory_space<vmem>> -> memref<80x64xi32, #tpu.memory_space<vmem>>
    %dma_wait3A_438 = arith.constant 0 : i32
    %dma_wait3A_439 = tpu.memref_slice %arg5[%mul3A_432, %dma_wait3A_438] : memref<320000x64xi32, #tpu.memory_space<hbm>> -> memref<80x64xi32, #tpu.memory_space<hbm>>
    %dma_wait3A_440 = arith.constant 0 : i32
    %dma_wait3A_441 = tpu.memref_slice %arg5[%mul3A_432, %dma_wait3A_440] : memref<320000x64xi32, #tpu.memory_space<hbm>> -> memref<80x64xi32, #tpu.memory_space<hbm>>
    %dma_wait3A_442 = arith.constant 0 : i32
    %dma_wait3A_443 = arith.constant 0 : i32
    %dma_wait3A_444 = tpu.memref_slice %arg10[%dma_wait3A_433, %dma_wait3A_442, %dma_wait3A_443] : memref<2x80x64xi32, #tpu.memory_space<vmem>> -> memref<1x80x64xi32, #tpu.memory_space<vmem>>
    %dma_wait3A_445 = tpu.memref_squeeze %dma_wait3A_444 : memref<1x80x64xi32, #tpu.memory_space<vmem>> -> memref<80x64xi32, #tpu.memory_space<vmem>>
    tpu.wait_dma2 semaphore(%arg14 : memref<!tpu.dma_semaphore, #tpu.memory_space<semaphore_mem>>) src(%dma_wait3A_445 : memref<80x64xi32, #tpu.memory_space<vmem>>) dst(%dma_wait3A_441 : memref<80x64xi32, #tpu.memory_space<hbm>>)
    return
  }
}

#map = affine_map<(d0, d1) -> (0, 0)>
#map1 = affine_map<(d0, d1) -> (0, 0, 0)>
module attributes {stable_mosaic.version = 14 : i64} {
  func.func @k(%arg0: i32, %arg1: i32, %arg2: memref<320000x128xf32, #tpu.memory_space<hbm>>, %arg3: memref<32x125x80xi32, #tpu.memory_space<hbm>>, %arg4: memref<2x10000x128xf32, #tpu.memory_space<hbm>>, %arg5: memref<10000x128xf32, #tpu.memory_space<vmem_shared>>, %arg6: memref<125x80xi32, #tpu.memory_space<vmem>>, %arg7: memref<2x80x128xf32, #tpu.memory_space<vmem>>, %arg8: memref<!tpu.dma_semaphore, #tpu.memory_space<semaphore_mem>>, %arg9: memref<!tpu.dma_semaphore, #tpu.memory_space<semaphore_mem>>) attributes {dimension_semantics = [#tpu.dimension_semantics<core_parallel>, #tpu.dimension_semantics<subcore_parallel>], iteration_bounds = array<i64: 2, 16>, scalar_prefetch = 0 : i64, scratch_operands = 5 : i64, tpu.core_type = #tpu.core_type<sc_vector_subcore>, window_params = [{transform_indices = #map}, {transform_indices = #map1}, {transform_indices = #map1}]} {
    %mul3A = arith.constant 2 : i32
    %mul3A_0 = arith.muli %arg1, %mul3A : i32
    %add3A = arith.addi %mul3A_0, %arg0 : i32
    %mul3A_1 = arith.constant 125 : i32
    %mul3A_2 = arith.muli %add3A, %mul3A_1 : i32
    %scan3A = arith.constant 0 : i32
    %scan3A_3 = arith.constant 0 : i32
    %scan3A_4 = arith.constant 80 : i32
    %scan3A_5 = arith.addi %scan3A_3, %scan3A_4 : i32
    %scan3A_6 = arith.constant 1 : i32
    scf.for %scan3A_157 = %scan3A_3 to %scan3A_5 step %scan3A_6  : i32 {
      %broadcast_in_dim3A = arith.constant 0.000000e+00 : f32
      %broadcast_in_dim3A_158 = vector.broadcast %broadcast_in_dim3A : f32 to vector<16xf32>
      %swap3A = arith.constant 0 : i32
      %swap3A_159 = arith.index_cast %swap3A : i32 to index
      %swap3A_160 = arith.index_cast %scan3A_157 : i32 to index
      %swap3A_161 = arith.constant 0 : index
      %swap3A_162 = tpu.vector_load %arg7[%swap3A_159, %swap3A_160, %swap3A_161] {strides = array<i32>} : memref<2x80x128xf32, #tpu.memory_space<vmem>>, vector<1x1x16xf32>,
      %swap3A_163 = vector.shape_cast %swap3A_162 : vector<1x1x16xf32> to vector<16xf32>
      %swap3A_164 = vector.shape_cast %broadcast_in_dim3A_158 : vector<16xf32> to vector<1x1x16xf32>
      tpu.vector_store %arg7[%swap3A_159, %swap3A_160, %swap3A_161], %swap3A_164 {strides = array<i32>} : memref<2x80x128xf32, #tpu.memory_space<vmem>>, vector<1x1x16xf32>,
      %broadcast_in_dim3A_165 = arith.constant 0.000000e+00 : f32
      %broadcast_in_dim3A_166 = vector.broadcast %broadcast_in_dim3A_165 : f32 to vector<16xf32>
      %swap3A_167 = arith.constant 0 : i32
      %swap3A_168 = arith.index_cast %swap3A_167 : i32 to index
      %swap3A_169 = arith.index_cast %scan3A_157 : i32 to index
      %swap3A_170 = arith.constant 16 : index
      %swap3A_171 = tpu.vector_load %arg7[%swap3A_168, %swap3A_169, %swap3A_170] {strides = array<i32>} : memref<2x80x128xf32, #tpu.memory_space<vmem>>, vector<1x1x16xf32>,
      %swap3A_172 = vector.shape_cast %swap3A_171 : vector<1x1x16xf32> to vector<16xf32>
      %swap3A_173 = vector.shape_cast %broadcast_in_dim3A_166 : vector<16xf32> to vector<1x1x16xf32>
      tpu.vector_store %arg7[%swap3A_168, %swap3A_169, %swap3A_170], %swap3A_173 {strides = array<i32>} : memref<2x80x128xf32, #tpu.memory_space<vmem>>, vector<1x1x16xf32>,
      %broadcast_in_dim3A_174 = arith.constant 0.000000e+00 : f32
      %broadcast_in_dim3A_175 = vector.broadcast %broadcast_in_dim3A_174 : f32 to vector<16xf32>
      %swap3A_176 = arith.constant 0 : i32
      %swap3A_177 = arith.index_cast %swap3A_176 : i32 to index
      %swap3A_178 = arith.index_cast %scan3A_157 : i32 to index
      %swap3A_179 = arith.constant 32 : index
      %swap3A_180 = tpu.vector_load %arg7[%swap3A_177, %swap3A_178, %swap3A_179] {strides = array<i32>} : memref<2x80x128xf32, #tpu.memory_space<vmem>>, vector<1x1x16xf32>,
      %swap3A_181 = vector.shape_cast %swap3A_180 : vector<1x1x16xf32> to vector<16xf32>
      %swap3A_182 = vector.shape_cast %broadcast_in_dim3A_175 : vector<16xf32> to vector<1x1x16xf32>
      tpu.vector_store %arg7[%swap3A_177, %swap3A_178, %swap3A_179], %swap3A_182 {strides = array<i32>} : memref<2x80x128xf32, #tpu.memory_space<vmem>>, vector<1x1x16xf32>,
      %broadcast_in_dim3A_183 = arith.constant 0.000000e+00 : f32
      %broadcast_in_dim3A_184 = vector.broadcast %broadcast_in_dim3A_183 : f32 to vector<16xf32>
      %swap3A_185 = arith.constant 0 : i32
      %swap3A_186 = arith.index_cast %swap3A_185 : i32 to index
      %swap3A_187 = arith.index_cast %scan3A_157 : i32 to index
      %swap3A_188 = arith.constant 48 : index
      %swap3A_189 = tpu.vector_load %arg7[%swap3A_186, %swap3A_187, %swap3A_188] {strides = array<i32>} : memref<2x80x128xf32, #tpu.memory_space<vmem>>, vector<1x1x16xf32>,
      %swap3A_190 = vector.shape_cast %swap3A_189 : vector<1x1x16xf32> to vector<16xf32>
      %swap3A_191 = vector.shape_cast %broadcast_in_dim3A_184 : vector<16xf32> to vector<1x1x16xf32>
      tpu.vector_store %arg7[%swap3A_186, %swap3A_187, %swap3A_188], %swap3A_191 {strides = array<i32>} : memref<2x80x128xf32, #tpu.memory_space<vmem>>, vector<1x1x16xf32>,
      %broadcast_in_dim3A_192 = arith.constant 0.000000e+00 : f32
      %broadcast_in_dim3A_193 = vector.broadcast %broadcast_in_dim3A_192 : f32 to vector<16xf32>
      %swap3A_194 = arith.constant 0 : i32
      %swap3A_195 = arith.index_cast %swap3A_194 : i32 to index
      %swap3A_196 = arith.index_cast %scan3A_157 : i32 to index
      %swap3A_197 = arith.constant 64 : index
      %swap3A_198 = tpu.vector_load %arg7[%swap3A_195, %swap3A_196, %swap3A_197] {strides = array<i32>} : memref<2x80x128xf32, #tpu.memory_space<vmem>>, vector<1x1x16xf32>,
      %swap3A_199 = vector.shape_cast %swap3A_198 : vector<1x1x16xf32> to vector<16xf32>
      %swap3A_200 = vector.shape_cast %broadcast_in_dim3A_193 : vector<16xf32> to vector<1x1x16xf32>
      tpu.vector_store %arg7[%swap3A_195, %swap3A_196, %swap3A_197], %swap3A_200 {strides = array<i32>} : memref<2x80x128xf32, #tpu.memory_space<vmem>>, vector<1x1x16xf32>,
      %broadcast_in_dim3A_201 = arith.constant 0.000000e+00 : f32
      %broadcast_in_dim3A_202 = vector.broadcast %broadcast_in_dim3A_201 : f32 to vector<16xf32>
      %swap3A_203 = arith.constant 0 : i32
      %swap3A_204 = arith.index_cast %swap3A_203 : i32 to index
      %swap3A_205 = arith.index_cast %scan3A_157 : i32 to index
      %swap3A_206 = arith.constant 80 : index
      %swap3A_207 = tpu.vector_load %arg7[%swap3A_204, %swap3A_205, %swap3A_206] {strides = array<i32>} : memref<2x80x128xf32, #tpu.memory_space<vmem>>, vector<1x1x16xf32>,
      %swap3A_208 = vector.shape_cast %swap3A_207 : vector<1x1x16xf32> to vector<16xf32>
      %swap3A_209 = vector.shape_cast %broadcast_in_dim3A_202 : vector<16xf32> to vector<1x1x16xf32>
      tpu.vector_store %arg7[%swap3A_204, %swap3A_205, %swap3A_206], %swap3A_209 {strides = array<i32>} : memref<2x80x128xf32, #tpu.memory_space<vmem>>, vector<1x1x16xf32>,
      %broadcast_in_dim3A_210 = arith.constant 0.000000e+00 : f32
      %broadcast_in_dim3A_211 = vector.broadcast %broadcast_in_dim3A_210 : f32 to vector<16xf32>
      %swap3A_212 = arith.constant 0 : i32
      %swap3A_213 = arith.index_cast %swap3A_212 : i32 to index
      %swap3A_214 = arith.index_cast %scan3A_157 : i32 to index
      %swap3A_215 = arith.constant 96 : index
      %swap3A_216 = tpu.vector_load %arg7[%swap3A_213, %swap3A_214, %swap3A_215] {strides = array<i32>} : memref<2x80x128xf32, #tpu.memory_space<vmem>>, vector<1x1x16xf32>,
      %swap3A_217 = vector.shape_cast %swap3A_216 : vector<1x1x16xf32> to vector<16xf32>
      %swap3A_218 = vector.shape_cast %broadcast_in_dim3A_211 : vector<16xf32> to vector<1x1x16xf32>
      tpu.vector_store %arg7[%swap3A_213, %swap3A_214, %swap3A_215], %swap3A_218 {strides = array<i32>} : memref<2x80x128xf32, #tpu.memory_space<vmem>>, vector<1x1x16xf32>,
      %broadcast_in_dim3A_219 = arith.constant 0.000000e+00 : f32
      %broadcast_in_dim3A_220 = vector.broadcast %broadcast_in_dim3A_219 : f32 to vector<16xf32>
      %swap3A_221 = arith.constant 0 : i32
      %swap3A_222 = arith.index_cast %swap3A_221 : i32 to index
      %swap3A_223 = arith.index_cast %scan3A_157 : i32 to index
      %swap3A_224 = arith.constant 112 : index
      %swap3A_225 = tpu.vector_load %arg7[%swap3A_222, %swap3A_223, %swap3A_224] {strides = array<i32>} : memref<2x80x128xf32, #tpu.memory_space<vmem>>, vector<1x1x16xf32>,
      %swap3A_226 = vector.shape_cast %swap3A_225 : vector<1x1x16xf32> to vector<16xf32>
      %swap3A_227 = vector.shape_cast %broadcast_in_dim3A_220 : vector<16xf32> to vector<1x1x16xf32>
      tpu.vector_store %arg7[%swap3A_222, %swap3A_223, %swap3A_224], %swap3A_227 {strides = array<i32>} : memref<2x80x128xf32, #tpu.memory_space<vmem>>, vector<1x1x16xf32>,
    }
    %scan3A_7 = arith.constant 80 : i32
    %add3A_8 = arith.constant 0 : i32
    %add3A_9 = arith.addi %arg1, %add3A_8 : i32
    %lt3A = arith.constant 125 : i32
    %lt3A_10 = arith.cmpi slt, %add3A_9, %lt3A : i32
    %convert_element_type3A = arith.extui %lt3A_10 : i1 to i32
    %cond3A = arith.constant 0 : i32
    %cond3A_11 = arith.cmpi ne, %convert_element_type3A, %cond3A : i32
    scf.if %cond3A_11 {
      %mul3A_157 = arith.constant 80 : i32
      %mul3A_158 = arith.muli %add3A_9, %mul3A_157 : i32
      %run_scoped3A_159 = arith.constant 0 : i32
      "tpu.region"() ({
        %run_scoped3A_160 = tpu.sem_alloc : memref<!tpu.dma_semaphore, #tpu.memory_space<semaphore_mem>>
        %dma_start3A_161 = arith.constant 0 : i32
        %dma_start3A_162 = arith.constant 0 : i32
        %dma_start3A_163 = tpu.memref_slice %arg7[%run_scoped3A_159, %dma_start3A_161, %dma_start3A_162] : memref<2x80x128xf32, #tpu.memory_space<vmem>> -> memref<1x80x128xf32, #tpu.memory_space<vmem>>
        %dma_start3A_164 = tpu.memref_squeeze %dma_start3A_163 : memref<1x80x128xf32, #tpu.memory_space<vmem>> -> memref<80x128xf32, #tpu.memory_space<vmem>>
        %dma_start3A_165 = arith.constant 0 : i32
        %dma_start3A_166 = tpu.memref_slice %arg5[%mul3A_158, %dma_start3A_165] : memref<10000x128xf32, #tpu.memory_space<vmem_shared>> -> memref<80x128xf32, #tpu.memory_space<vmem_shared>>
        %dma_start3A_167 = arith.constant 0 : i32
        %dma_start3A_168 = tpu.memref_slice %arg5[%mul3A_158, %dma_start3A_167] : memref<10000x128xf32, #tpu.memory_space<vmem_shared>> -> memref<80x128xf32, #tpu.memory_space<vmem_shared>>
        %dma_start3A_169 = arith.constant 0 : i32
        %dma_start3A_170 = arith.constant 0 : i32
        %dma_start3A_171 = tpu.memref_slice %arg7[%run_scoped3A_159, %dma_start3A_169, %dma_start3A_170] : memref<2x80x128xf32, #tpu.memory_space<vmem>> -> memref<1x80x128xf32, #tpu.memory_space<vmem>>
        %dma_start3A_172 = tpu.memref_squeeze %dma_start3A_171 : memref<1x80x128xf32, #tpu.memory_space<vmem>> -> memref<80x128xf32, #tpu.memory_space<vmem>>
        tpu.enqueue_dma source(%dma_start3A_172 : memref<80x128xf32, #tpu.memory_space<vmem>>) target(%dma_start3A_168 : memref<80x128xf32, #tpu.memory_space<vmem_shared>>) target_semaphore(%run_scoped3A_160 : memref<!tpu.dma_semaphore, #tpu.memory_space<semaphore_mem>>)
        %dma_wait3A_173 = arith.constant 0 : i32
        %dma_wait3A_174 = arith.constant 0 : i32
        %dma_wait3A_175 = tpu.memref_slice %arg7[%run_scoped3A_159, %dma_wait3A_173, %dma_wait3A_174] : memref<2x80x128xf32, #tpu.memory_space<vmem>> -> memref<1x80x128xf32, #tpu.memory_space<vmem>>
        %dma_wait3A_176 = tpu.memref_squeeze %dma_wait3A_175 : memref<1x80x128xf32, #tpu.memory_space<vmem>> -> memref<80x128xf32, #tpu.memory_space<vmem>>
        %dma_wait3A_177 = arith.constant 0 : i32
        %dma_wait3A_178 = tpu.memref_slice %arg5[%mul3A_158, %dma_wait3A_177] : memref<10000x128xf32, #tpu.memory_space<vmem_shared>> -> memref<80x128xf32, #tpu.memory_space<vmem_shared>>
        %dma_wait3A_179 = arith.constant 0 : i32
        %dma_wait3A_180 = tpu.memref_slice %arg5[%mul3A_158, %dma_wait3A_179] : memref<10000x128xf32, #tpu.memory_space<vmem_shared>> -> memref<80x128xf32, #tpu.memory_space<vmem_shared>>
        %dma_wait3A_181 = arith.constant 0 : i32
        %dma_wait3A_182 = arith.constant 0 : i32
        %dma_wait3A_183 = tpu.memref_slice %arg7[%run_scoped3A_159, %dma_wait3A_181, %dma_wait3A_182] : memref<2x80x128xf32, #tpu.memory_space<vmem>> -> memref<1x80x128xf32, #tpu.memory_space<vmem>>
        %dma_wait3A_184 = tpu.memref_squeeze %dma_wait3A_183 : memref<1x80x128xf32, #tpu.memory_space<vmem>> -> memref<80x128xf32, #tpu.memory_space<vmem>>
        tpu.wait_dma2 semaphore(%run_scoped3A_160 : memref<!tpu.dma_semaphore, #tpu.memory_space<semaphore_mem>>) src(%dma_wait3A_184 : memref<80x128xf32, #tpu.memory_space<vmem>>) dst(%dma_wait3A_180 : memref<80x128xf32, #tpu.memory_space<vmem_shared>>)
        tpu.yield
      }) : () -> ()
    } else {
    }
    %add3A_12 = arith.constant 16 : i32
    %add3A_13 = arith.addi %arg1, %add3A_12 : i32
    %lt3A_14 = arith.constant 125 : i32
    %lt3A_15 = arith.cmpi slt, %add3A_13, %lt3A_14 : i32
    %convert_element_type3A_16 = arith.extui %lt3A_15 : i1 to i32
    %cond3A_17 = arith.constant 0 : i32
    %cond3A_18 = arith.cmpi ne, %convert_element_type3A_16, %cond3A_17 : i32
    scf.if %cond3A_18 {
      %mul3A_157 = arith.constant 80 : i32
      %mul3A_158 = arith.muli %add3A_13, %mul3A_157 : i32
      %run_scoped3A_159 = arith.constant 0 : i32
      "tpu.region"() ({
        %run_scoped3A_160 = tpu.sem_alloc : memref<!tpu.dma_semaphore, #tpu.memory_space<semaphore_mem>>
        %dma_start3A_161 = arith.constant 0 : i32
        %dma_start3A_162 = arith.constant 0 : i32
        %dma_start3A_163 = tpu.memref_slice %arg7[%run_scoped3A_159, %dma_start3A_161, %dma_start3A_162] : memref<2x80x128xf32, #tpu.memory_space<vmem>> -> memref<1x80x128xf32, #tpu.memory_space<vmem>>
        %dma_start3A_164 = tpu.memref_squeeze %dma_start3A_163 : memref<1x80x128xf32, #tpu.memory_space<vmem>> -> memref<80x128xf32, #tpu.memory_space<vmem>>
        %dma_start3A_165 = arith.constant 0 : i32
        %dma_start3A_166 = tpu.memref_slice %arg5[%mul3A_158, %dma_start3A_165] : memref<10000x128xf32, #tpu.memory_space<vmem_shared>> -> memref<80x128xf32, #tpu.memory_space<vmem_shared>>
        %dma_start3A_167 = arith.constant 0 : i32
        %dma_start3A_168 = tpu.memref_slice %arg5[%mul3A_158, %dma_start3A_167] : memref<10000x128xf32, #tpu.memory_space<vmem_shared>> -> memref<80x128xf32, #tpu.memory_space<vmem_shared>>
        %dma_start3A_169 = arith.constant 0 : i32
        %dma_start3A_170 = arith.constant 0 : i32
        %dma_start3A_171 = tpu.memref_slice %arg7[%run_scoped3A_159, %dma_start3A_169, %dma_start3A_170] : memref<2x80x128xf32, #tpu.memory_space<vmem>> -> memref<1x80x128xf32, #tpu.memory_space<vmem>>
        %dma_start3A_172 = tpu.memref_squeeze %dma_start3A_171 : memref<1x80x128xf32, #tpu.memory_space<vmem>> -> memref<80x128xf32, #tpu.memory_space<vmem>>
        tpu.enqueue_dma source(%dma_start3A_172 : memref<80x128xf32, #tpu.memory_space<vmem>>) target(%dma_start3A_168 : memref<80x128xf32, #tpu.memory_space<vmem_shared>>) target_semaphore(%run_scoped3A_160 : memref<!tpu.dma_semaphore, #tpu.memory_space<semaphore_mem>>)
        %dma_wait3A_173 = arith.constant 0 : i32
        %dma_wait3A_174 = arith.constant 0 : i32
        %dma_wait3A_175 = tpu.memref_slice %arg7[%run_scoped3A_159, %dma_wait3A_173, %dma_wait3A_174] : memref<2x80x128xf32, #tpu.memory_space<vmem>> -> memref<1x80x128xf32, #tpu.memory_space<vmem>>
        %dma_wait3A_176 = tpu.memref_squeeze %dma_wait3A_175 : memref<1x80x128xf32, #tpu.memory_space<vmem>> -> memref<80x128xf32, #tpu.memory_space<vmem>>
        %dma_wait3A_177 = arith.constant 0 : i32
        %dma_wait3A_178 = tpu.memref_slice %arg5[%mul3A_158, %dma_wait3A_177] : memref<10000x128xf32, #tpu.memory_space<vmem_shared>> -> memref<80x128xf32, #tpu.memory_space<vmem_shared>>
        %dma_wait3A_179 = arith.constant 0 : i32
        %dma_wait3A_180 = tpu.memref_slice %arg5[%mul3A_158, %dma_wait3A_179] : memref<10000x128xf32, #tpu.memory_space<vmem_shared>> -> memref<80x128xf32, #tpu.memory_space<vmem_shared>>
        %dma_wait3A_181 = arith.constant 0 : i32
        %dma_wait3A_182 = arith.constant 0 : i32
        %dma_wait3A_183 = tpu.memref_slice %arg7[%run_scoped3A_159, %dma_wait3A_181, %dma_wait3A_182] : memref<2x80x128xf32, #tpu.memory_space<vmem>> -> memref<1x80x128xf32, #tpu.memory_space<vmem>>
        %dma_wait3A_184 = tpu.memref_squeeze %dma_wait3A_183 : memref<1x80x128xf32, #tpu.memory_space<vmem>> -> memref<80x128xf32, #tpu.memory_space<vmem>>
        tpu.wait_dma2 semaphore(%run_scoped3A_160 : memref<!tpu.dma_semaphore, #tpu.memory_space<semaphore_mem>>) src(%dma_wait3A_184 : memref<80x128xf32, #tpu.memory_space<vmem>>) dst(%dma_wait3A_180 : memref<80x128xf32, #tpu.memory_space<vmem_shared>>)
        tpu.yield
      }) : () -> ()
    } else {
    }
    %add3A_19 = arith.constant 32 : i32
    %add3A_20 = arith.addi %arg1, %add3A_19 : i32
    %lt3A_21 = arith.constant 125 : i32
    %lt3A_22 = arith.cmpi slt, %add3A_20, %lt3A_21 : i32
    %convert_element_type3A_23 = arith.extui %lt3A_22 : i1 to i32
    %cond3A_24 = arith.constant 0 : i32
    %cond3A_25 = arith.cmpi ne, %convert_element_type3A_23, %cond3A_24 : i32
    scf.if %cond3A_25 {
      %mul3A_157 = arith.constant 80 : i32
      %mul3A_158 = arith.muli %add3A_20, %mul3A_157 : i32
      %run_scoped3A_159 = arith.constant 0 : i32
      "tpu.region"() ({
        %run_scoped3A_160 = tpu.sem_alloc : memref<!tpu.dma_semaphore, #tpu.memory_space<semaphore_mem>>
        %dma_start3A_161 = arith.constant 0 : i32
        %dma_start3A_162 = arith.constant 0 : i32
        %dma_start3A_163 = tpu.memref_slice %arg7[%run_scoped3A_159, %dma_start3A_161, %dma_start3A_162] : memref<2x80x128xf32, #tpu.memory_space<vmem>> -> memref<1x80x128xf32, #tpu.memory_space<vmem>>
        %dma_start3A_164 = tpu.memref_squeeze %dma_start3A_163 : memref<1x80x128xf32, #tpu.memory_space<vmem>> -> memref<80x128xf32, #tpu.memory_space<vmem>>
        %dma_start3A_165 = arith.constant 0 : i32
        %dma_start3A_166 = tpu.memref_slice %arg5[%mul3A_158, %dma_start3A_165] : memref<10000x128xf32, #tpu.memory_space<vmem_shared>> -> memref<80x128xf32, #tpu.memory_space<vmem_shared>>
        %dma_start3A_167 = arith.constant 0 : i32
        %dma_start3A_168 = tpu.memref_slice %arg5[%mul3A_158, %dma_start3A_167] : memref<10000x128xf32, #tpu.memory_space<vmem_shared>> -> memref<80x128xf32, #tpu.memory_space<vmem_shared>>
        %dma_start3A_169 = arith.constant 0 : i32
        %dma_start3A_170 = arith.constant 0 : i32
        %dma_start3A_171 = tpu.memref_slice %arg7[%run_scoped3A_159, %dma_start3A_169, %dma_start3A_170] : memref<2x80x128xf32, #tpu.memory_space<vmem>> -> memref<1x80x128xf32, #tpu.memory_space<vmem>>
        %dma_start3A_172 = tpu.memref_squeeze %dma_start3A_171 : memref<1x80x128xf32, #tpu.memory_space<vmem>> -> memref<80x128xf32, #tpu.memory_space<vmem>>
        tpu.enqueue_dma source(%dma_start3A_172 : memref<80x128xf32, #tpu.memory_space<vmem>>) target(%dma_start3A_168 : memref<80x128xf32, #tpu.memory_space<vmem_shared>>) target_semaphore(%run_scoped3A_160 : memref<!tpu.dma_semaphore, #tpu.memory_space<semaphore_mem>>)
        %dma_wait3A_173 = arith.constant 0 : i32
        %dma_wait3A_174 = arith.constant 0 : i32
        %dma_wait3A_175 = tpu.memref_slice %arg7[%run_scoped3A_159, %dma_wait3A_173, %dma_wait3A_174] : memref<2x80x128xf32, #tpu.memory_space<vmem>> -> memref<1x80x128xf32, #tpu.memory_space<vmem>>
        %dma_wait3A_176 = tpu.memref_squeeze %dma_wait3A_175 : memref<1x80x128xf32, #tpu.memory_space<vmem>> -> memref<80x128xf32, #tpu.memory_space<vmem>>
        %dma_wait3A_177 = arith.constant 0 : i32
        %dma_wait3A_178 = tpu.memref_slice %arg5[%mul3A_158, %dma_wait3A_177] : memref<10000x128xf32, #tpu.memory_space<vmem_shared>> -> memref<80x128xf32, #tpu.memory_space<vmem_shared>>
        %dma_wait3A_179 = arith.constant 0 : i32
        %dma_wait3A_180 = tpu.memref_slice %arg5[%mul3A_158, %dma_wait3A_179] : memref<10000x128xf32, #tpu.memory_space<vmem_shared>> -> memref<80x128xf32, #tpu.memory_space<vmem_shared>>
        %dma_wait3A_181 = arith.constant 0 : i32
        %dma_wait3A_182 = arith.constant 0 : i32
        %dma_wait3A_183 = tpu.memref_slice %arg7[%run_scoped3A_159, %dma_wait3A_181, %dma_wait3A_182] : memref<2x80x128xf32, #tpu.memory_space<vmem>> -> memref<1x80x128xf32, #tpu.memory_space<vmem>>
        %dma_wait3A_184 = tpu.memref_squeeze %dma_wait3A_183 : memref<1x80x128xf32, #tpu.memory_space<vmem>> -> memref<80x128xf32, #tpu.memory_space<vmem>>
        tpu.wait_dma2 semaphore(%run_scoped3A_160 : memref<!tpu.dma_semaphore, #tpu.memory_space<semaphore_mem>>) src(%dma_wait3A_184 : memref<80x128xf32, #tpu.memory_space<vmem>>) dst(%dma_wait3A_180 : memref<80x128xf32, #tpu.memory_space<vmem_shared>>)
        tpu.yield
      }) : () -> ()
    } else {
    }
    %add3A_26 = arith.constant 48 : i32
    %add3A_27 = arith.addi %arg1, %add3A_26 : i32
    %lt3A_28 = arith.constant 125 : i32
    %lt3A_29 = arith.cmpi slt, %add3A_27, %lt3A_28 : i32
    %convert_element_type3A_30 = arith.extui %lt3A_29 : i1 to i32
    %cond3A_31 = arith.constant 0 : i32
    %cond3A_32 = arith.cmpi ne, %convert_element_type3A_30, %cond3A_31 : i32
    scf.if %cond3A_32 {
      %mul3A_157 = arith.constant 80 : i32
      %mul3A_158 = arith.muli %add3A_27, %mul3A_157 : i32
      %run_scoped3A_159 = arith.constant 0 : i32
      "tpu.region"() ({
        %run_scoped3A_160 = tpu.sem_alloc : memref<!tpu.dma_semaphore, #tpu.memory_space<semaphore_mem>>
        %dma_start3A_161 = arith.constant 0 : i32
        %dma_start3A_162 = arith.constant 0 : i32
        %dma_start3A_163 = tpu.memref_slice %arg7[%run_scoped3A_159, %dma_start3A_161, %dma_start3A_162] : memref<2x80x128xf32, #tpu.memory_space<vmem>> -> memref<1x80x128xf32, #tpu.memory_space<vmem>>
        %dma_start3A_164 = tpu.memref_squeeze %dma_start3A_163 : memref<1x80x128xf32, #tpu.memory_space<vmem>> -> memref<80x128xf32, #tpu.memory_space<vmem>>
        %dma_start3A_165 = arith.constant 0 : i32
        %dma_start3A_166 = tpu.memref_slice %arg5[%mul3A_158, %dma_start3A_165] : memref<10000x128xf32, #tpu.memory_space<vmem_shared>> -> memref<80x128xf32, #tpu.memory_space<vmem_shared>>
        %dma_start3A_167 = arith.constant 0 : i32
        %dma_start3A_168 = tpu.memref_slice %arg5[%mul3A_158, %dma_start3A_167] : memref<10000x128xf32, #tpu.memory_space<vmem_shared>> -> memref<80x128xf32, #tpu.memory_space<vmem_shared>>
        %dma_start3A_169 = arith.constant 0 : i32
        %dma_start3A_170 = arith.constant 0 : i32
        %dma_start3A_171 = tpu.memref_slice %arg7[%run_scoped3A_159, %dma_start3A_169, %dma_start3A_170] : memref<2x80x128xf32, #tpu.memory_space<vmem>> -> memref<1x80x128xf32, #tpu.memory_space<vmem>>
        %dma_start3A_172 = tpu.memref_squeeze %dma_start3A_171 : memref<1x80x128xf32, #tpu.memory_space<vmem>> -> memref<80x128xf32, #tpu.memory_space<vmem>>
        tpu.enqueue_dma source(%dma_start3A_172 : memref<80x128xf32, #tpu.memory_space<vmem>>) target(%dma_start3A_168 : memref<80x128xf32, #tpu.memory_space<vmem_shared>>) target_semaphore(%run_scoped3A_160 : memref<!tpu.dma_semaphore, #tpu.memory_space<semaphore_mem>>)
        %dma_wait3A_173 = arith.constant 0 : i32
        %dma_wait3A_174 = arith.constant 0 : i32
        %dma_wait3A_175 = tpu.memref_slice %arg7[%run_scoped3A_159, %dma_wait3A_173, %dma_wait3A_174] : memref<2x80x128xf32, #tpu.memory_space<vmem>> -> memref<1x80x128xf32, #tpu.memory_space<vmem>>
        %dma_wait3A_176 = tpu.memref_squeeze %dma_wait3A_175 : memref<1x80x128xf32, #tpu.memory_space<vmem>> -> memref<80x128xf32, #tpu.memory_space<vmem>>
        %dma_wait3A_177 = arith.constant 0 : i32
        %dma_wait3A_178 = tpu.memref_slice %arg5[%mul3A_158, %dma_wait3A_177] : memref<10000x128xf32, #tpu.memory_space<vmem_shared>> -> memref<80x128xf32, #tpu.memory_space<vmem_shared>>
        %dma_wait3A_179 = arith.constant 0 : i32
        %dma_wait3A_180 = tpu.memref_slice %arg5[%mul3A_158, %dma_wait3A_179] : memref<10000x128xf32, #tpu.memory_space<vmem_shared>> -> memref<80x128xf32, #tpu.memory_space<vmem_shared>>
        %dma_wait3A_181 = arith.constant 0 : i32
        %dma_wait3A_182 = arith.constant 0 : i32
        %dma_wait3A_183 = tpu.memref_slice %arg7[%run_scoped3A_159, %dma_wait3A_181, %dma_wait3A_182] : memref<2x80x128xf32, #tpu.memory_space<vmem>> -> memref<1x80x128xf32, #tpu.memory_space<vmem>>
        %dma_wait3A_184 = tpu.memref_squeeze %dma_wait3A_183 : memref<1x80x128xf32, #tpu.memory_space<vmem>> -> memref<80x128xf32, #tpu.memory_space<vmem>>
        tpu.wait_dma2 semaphore(%run_scoped3A_160 : memref<!tpu.dma_semaphore, #tpu.memory_space<semaphore_mem>>) src(%dma_wait3A_184 : memref<80x128xf32, #tpu.memory_space<vmem>>) dst(%dma_wait3A_180 : memref<80x128xf32, #tpu.memory_space<vmem_shared>>)
        tpu.yield
      }) : () -> ()
    } else {
    }
    %add3A_33 = arith.constant 64 : i32
    %add3A_34 = arith.addi %arg1, %add3A_33 : i32
    %lt3A_35 = arith.constant 125 : i32
    %lt3A_36 = arith.cmpi slt, %add3A_34, %lt3A_35 : i32
    %convert_element_type3A_37 = arith.extui %lt3A_36 : i1 to i32
    %cond3A_38 = arith.constant 0 : i32
    %cond3A_39 = arith.cmpi ne, %convert_element_type3A_37, %cond3A_38 : i32
    scf.if %cond3A_39 {
      %mul3A_157 = arith.constant 80 : i32
      %mul3A_158 = arith.muli %add3A_34, %mul3A_157 : i32
      %run_scoped3A_159 = arith.constant 0 : i32
      "tpu.region"() ({
        %run_scoped3A_160 = tpu.sem_alloc : memref<!tpu.dma_semaphore, #tpu.memory_space<semaphore_mem>>
        %dma_start3A_161 = arith.constant 0 : i32
        %dma_start3A_162 = arith.constant 0 : i32
        %dma_start3A_163 = tpu.memref_slice %arg7[%run_scoped3A_159, %dma_start3A_161, %dma_start3A_162] : memref<2x80x128xf32, #tpu.memory_space<vmem>> -> memref<1x80x128xf32, #tpu.memory_space<vmem>>
        %dma_start3A_164 = tpu.memref_squeeze %dma_start3A_163 : memref<1x80x128xf32, #tpu.memory_space<vmem>> -> memref<80x128xf32, #tpu.memory_space<vmem>>
        %dma_start3A_165 = arith.constant 0 : i32
        %dma_start3A_166 = tpu.memref_slice %arg5[%mul3A_158, %dma_start3A_165] : memref<10000x128xf32, #tpu.memory_space<vmem_shared>> -> memref<80x128xf32, #tpu.memory_space<vmem_shared>>
        %dma_start3A_167 = arith.constant 0 : i32
        %dma_start3A_168 = tpu.memref_slice %arg5[%mul3A_158, %dma_start3A_167] : memref<10000x128xf32, #tpu.memory_space<vmem_shared>> -> memref<80x128xf32, #tpu.memory_space<vmem_shared>>
        %dma_start3A_169 = arith.constant 0 : i32
        %dma_start3A_170 = arith.constant 0 : i32
        %dma_start3A_171 = tpu.memref_slice %arg7[%run_scoped3A_159, %dma_start3A_169, %dma_start3A_170] : memref<2x80x128xf32, #tpu.memory_space<vmem>> -> memref<1x80x128xf32, #tpu.memory_space<vmem>>
        %dma_start3A_172 = tpu.memref_squeeze %dma_start3A_171 : memref<1x80x128xf32, #tpu.memory_space<vmem>> -> memref<80x128xf32, #tpu.memory_space<vmem>>
        tpu.enqueue_dma source(%dma_start3A_172 : memref<80x128xf32, #tpu.memory_space<vmem>>) target(%dma_start3A_168 : memref<80x128xf32, #tpu.memory_space<vmem_shared>>) target_semaphore(%run_scoped3A_160 : memref<!tpu.dma_semaphore, #tpu.memory_space<semaphore_mem>>)
        %dma_wait3A_173 = arith.constant 0 : i32
        %dma_wait3A_174 = arith.constant 0 : i32
        %dma_wait3A_175 = tpu.memref_slice %arg7[%run_scoped3A_159, %dma_wait3A_173, %dma_wait3A_174] : memref<2x80x128xf32, #tpu.memory_space<vmem>> -> memref<1x80x128xf32, #tpu.memory_space<vmem>>
        %dma_wait3A_176 = tpu.memref_squeeze %dma_wait3A_175 : memref<1x80x128xf32, #tpu.memory_space<vmem>> -> memref<80x128xf32, #tpu.memory_space<vmem>>
        %dma_wait3A_177 = arith.constant 0 : i32
        %dma_wait3A_178 = tpu.memref_slice %arg5[%mul3A_158, %dma_wait3A_177] : memref<10000x128xf32, #tpu.memory_space<vmem_shared>> -> memref<80x128xf32, #tpu.memory_space<vmem_shared>>
        %dma_wait3A_179 = arith.constant 0 : i32
        %dma_wait3A_180 = tpu.memref_slice %arg5[%mul3A_158, %dma_wait3A_179] : memref<10000x128xf32, #tpu.memory_space<vmem_shared>> -> memref<80x128xf32, #tpu.memory_space<vmem_shared>>
        %dma_wait3A_181 = arith.constant 0 : i32
        %dma_wait3A_182 = arith.constant 0 : i32
        %dma_wait3A_183 = tpu.memref_slice %arg7[%run_scoped3A_159, %dma_wait3A_181, %dma_wait3A_182] : memref<2x80x128xf32, #tpu.memory_space<vmem>> -> memref<1x80x128xf32, #tpu.memory_space<vmem>>
        %dma_wait3A_184 = tpu.memref_squeeze %dma_wait3A_183 : memref<1x80x128xf32, #tpu.memory_space<vmem>> -> memref<80x128xf32, #tpu.memory_space<vmem>>
        tpu.wait_dma2 semaphore(%run_scoped3A_160 : memref<!tpu.dma_semaphore, #tpu.memory_space<semaphore_mem>>) src(%dma_wait3A_184 : memref<80x128xf32, #tpu.memory_space<vmem>>) dst(%dma_wait3A_180 : memref<80x128xf32, #tpu.memory_space<vmem_shared>>)
        tpu.yield
      }) : () -> ()
    } else {
    }
    %add3A_40 = arith.constant 80 : i32
    %add3A_41 = arith.addi %arg1, %add3A_40 : i32
    %lt3A_42 = arith.constant 125 : i32
    %lt3A_43 = arith.cmpi slt, %add3A_41, %lt3A_42 : i32
    %convert_element_type3A_44 = arith.extui %lt3A_43 : i1 to i32
    %cond3A_45 = arith.constant 0 : i32
    %cond3A_46 = arith.cmpi ne, %convert_element_type3A_44, %cond3A_45 : i32
    scf.if %cond3A_46 {
      %mul3A_157 = arith.constant 80 : i32
      %mul3A_158 = arith.muli %add3A_41, %mul3A_157 : i32
      %run_scoped3A_159 = arith.constant 0 : i32
      "tpu.region"() ({
        %run_scoped3A_160 = tpu.sem_alloc : memref<!tpu.dma_semaphore, #tpu.memory_space<semaphore_mem>>
        %dma_start3A_161 = arith.constant 0 : i32
        %dma_start3A_162 = arith.constant 0 : i32
        %dma_start3A_163 = tpu.memref_slice %arg7[%run_scoped3A_159, %dma_start3A_161, %dma_start3A_162] : memref<2x80x128xf32, #tpu.memory_space<vmem>> -> memref<1x80x128xf32, #tpu.memory_space<vmem>>
        %dma_start3A_164 = tpu.memref_squeeze %dma_start3A_163 : memref<1x80x128xf32, #tpu.memory_space<vmem>> -> memref<80x128xf32, #tpu.memory_space<vmem>>
        %dma_start3A_165 = arith.constant 0 : i32
        %dma_start3A_166 = tpu.memref_slice %arg5[%mul3A_158, %dma_start3A_165] : memref<10000x128xf32, #tpu.memory_space<vmem_shared>> -> memref<80x128xf32, #tpu.memory_space<vmem_shared>>
        %dma_start3A_167 = arith.constant 0 : i32
        %dma_start3A_168 = tpu.memref_slice %arg5[%mul3A_158, %dma_start3A_167] : memref<10000x128xf32, #tpu.memory_space<vmem_shared>> -> memref<80x128xf32, #tpu.memory_space<vmem_shared>>
        %dma_start3A_169 = arith.constant 0 : i32
        %dma_start3A_170 = arith.constant 0 : i32
        %dma_start3A_171 = tpu.memref_slice %arg7[%run_scoped3A_159, %dma_start3A_169, %dma_start3A_170] : memref<2x80x128xf32, #tpu.memory_space<vmem>> -> memref<1x80x128xf32, #tpu.memory_space<vmem>>
        %dma_start3A_172 = tpu.memref_squeeze %dma_start3A_171 : memref<1x80x128xf32, #tpu.memory_space<vmem>> -> memref<80x128xf32, #tpu.memory_space<vmem>>
        tpu.enqueue_dma source(%dma_start3A_172 : memref<80x128xf32, #tpu.memory_space<vmem>>) target(%dma_start3A_168 : memref<80x128xf32, #tpu.memory_space<vmem_shared>>) target_semaphore(%run_scoped3A_160 : memref<!tpu.dma_semaphore, #tpu.memory_space<semaphore_mem>>)
        %dma_wait3A_173 = arith.constant 0 : i32
        %dma_wait3A_174 = arith.constant 0 : i32
        %dma_wait3A_175 = tpu.memref_slice %arg7[%run_scoped3A_159, %dma_wait3A_173, %dma_wait3A_174] : memref<2x80x128xf32, #tpu.memory_space<vmem>> -> memref<1x80x128xf32, #tpu.memory_space<vmem>>
        %dma_wait3A_176 = tpu.memref_squeeze %dma_wait3A_175 : memref<1x80x128xf32, #tpu.memory_space<vmem>> -> memref<80x128xf32, #tpu.memory_space<vmem>>
        %dma_wait3A_177 = arith.constant 0 : i32
        %dma_wait3A_178 = tpu.memref_slice %arg5[%mul3A_158, %dma_wait3A_177] : memref<10000x128xf32, #tpu.memory_space<vmem_shared>> -> memref<80x128xf32, #tpu.memory_space<vmem_shared>>
        %dma_wait3A_179 = arith.constant 0 : i32
        %dma_wait3A_180 = tpu.memref_slice %arg5[%mul3A_158, %dma_wait3A_179] : memref<10000x128xf32, #tpu.memory_space<vmem_shared>> -> memref<80x128xf32, #tpu.memory_space<vmem_shared>>
        %dma_wait3A_181 = arith.constant 0 : i32
        %dma_wait3A_182 = arith.constant 0 : i32
        %dma_wait3A_183 = tpu.memref_slice %arg7[%run_scoped3A_159, %dma_wait3A_181, %dma_wait3A_182] : memref<2x80x128xf32, #tpu.memory_space<vmem>> -> memref<1x80x128xf32, #tpu.memory_space<vmem>>
        %dma_wait3A_184 = tpu.memref_squeeze %dma_wait3A_183 : memref<1x80x128xf32, #tpu.memory_space<vmem>> -> memref<80x128xf32, #tpu.memory_space<vmem>>
        tpu.wait_dma2 semaphore(%run_scoped3A_160 : memref<!tpu.dma_semaphore, #tpu.memory_space<semaphore_mem>>) src(%dma_wait3A_184 : memref<80x128xf32, #tpu.memory_space<vmem>>) dst(%dma_wait3A_180 : memref<80x128xf32, #tpu.memory_space<vmem_shared>>)
        tpu.yield
      }) : () -> ()
    } else {
    }
    %add3A_47 = arith.constant 96 : i32
    %add3A_48 = arith.addi %arg1, %add3A_47 : i32
    %lt3A_49 = arith.constant 125 : i32
    %lt3A_50 = arith.cmpi slt, %add3A_48, %lt3A_49 : i32
    %convert_element_type3A_51 = arith.extui %lt3A_50 : i1 to i32
    %cond3A_52 = arith.constant 0 : i32
    %cond3A_53 = arith.cmpi ne, %convert_element_type3A_51, %cond3A_52 : i32
    scf.if %cond3A_53 {
      %mul3A_157 = arith.constant 80 : i32
      %mul3A_158 = arith.muli %add3A_48, %mul3A_157 : i32
      %run_scoped3A_159 = arith.constant 0 : i32
      "tpu.region"() ({
        %run_scoped3A_160 = tpu.sem_alloc : memref<!tpu.dma_semaphore, #tpu.memory_space<semaphore_mem>>
        %dma_start3A_161 = arith.constant 0 : i32
        %dma_start3A_162 = arith.constant 0 : i32
        %dma_start3A_163 = tpu.memref_slice %arg7[%run_scoped3A_159, %dma_start3A_161, %dma_start3A_162] : memref<2x80x128xf32, #tpu.memory_space<vmem>> -> memref<1x80x128xf32, #tpu.memory_space<vmem>>
        %dma_start3A_164 = tpu.memref_squeeze %dma_start3A_163 : memref<1x80x128xf32, #tpu.memory_space<vmem>> -> memref<80x128xf32, #tpu.memory_space<vmem>>
        %dma_start3A_165 = arith.constant 0 : i32
        %dma_start3A_166 = tpu.memref_slice %arg5[%mul3A_158, %dma_start3A_165] : memref<10000x128xf32, #tpu.memory_space<vmem_shared>> -> memref<80x128xf32, #tpu.memory_space<vmem_shared>>
        %dma_start3A_167 = arith.constant 0 : i32
        %dma_start3A_168 = tpu.memref_slice %arg5[%mul3A_158, %dma_start3A_167] : memref<10000x128xf32, #tpu.memory_space<vmem_shared>> -> memref<80x128xf32, #tpu.memory_space<vmem_shared>>
        %dma_start3A_169 = arith.constant 0 : i32
        %dma_start3A_170 = arith.constant 0 : i32
        %dma_start3A_171 = tpu.memref_slice %arg7[%run_scoped3A_159, %dma_start3A_169, %dma_start3A_170] : memref<2x80x128xf32, #tpu.memory_space<vmem>> -> memref<1x80x128xf32, #tpu.memory_space<vmem>>
        %dma_start3A_172 = tpu.memref_squeeze %dma_start3A_171 : memref<1x80x128xf32, #tpu.memory_space<vmem>> -> memref<80x128xf32, #tpu.memory_space<vmem>>
        tpu.enqueue_dma source(%dma_start3A_172 : memref<80x128xf32, #tpu.memory_space<vmem>>) target(%dma_start3A_168 : memref<80x128xf32, #tpu.memory_space<vmem_shared>>) target_semaphore(%run_scoped3A_160 : memref<!tpu.dma_semaphore, #tpu.memory_space<semaphore_mem>>)
        %dma_wait3A_173 = arith.constant 0 : i32
        %dma_wait3A_174 = arith.constant 0 : i32
        %dma_wait3A_175 = tpu.memref_slice %arg7[%run_scoped3A_159, %dma_wait3A_173, %dma_wait3A_174] : memref<2x80x128xf32, #tpu.memory_space<vmem>> -> memref<1x80x128xf32, #tpu.memory_space<vmem>>
        %dma_wait3A_176 = tpu.memref_squeeze %dma_wait3A_175 : memref<1x80x128xf32, #tpu.memory_space<vmem>> -> memref<80x128xf32, #tpu.memory_space<vmem>>
        %dma_wait3A_177 = arith.constant 0 : i32
        %dma_wait3A_178 = tpu.memref_slice %arg5[%mul3A_158, %dma_wait3A_177] : memref<10000x128xf32, #tpu.memory_space<vmem_shared>> -> memref<80x128xf32, #tpu.memory_space<vmem_shared>>
        %dma_wait3A_179 = arith.constant 0 : i32
        %dma_wait3A_180 = tpu.memref_slice %arg5[%mul3A_158, %dma_wait3A_179] : memref<10000x128xf32, #tpu.memory_space<vmem_shared>> -> memref<80x128xf32, #tpu.memory_space<vmem_shared>>
        %dma_wait3A_181 = arith.constant 0 : i32
        %dma_wait3A_182 = arith.constant 0 : i32
        %dma_wait3A_183 = tpu.memref_slice %arg7[%run_scoped3A_159, %dma_wait3A_181, %dma_wait3A_182] : memref<2x80x128xf32, #tpu.memory_space<vmem>> -> memref<1x80x128xf32, #tpu.memory_space<vmem>>
        %dma_wait3A_184 = tpu.memref_squeeze %dma_wait3A_183 : memref<1x80x128xf32, #tpu.memory_space<vmem>> -> memref<80x128xf32, #tpu.memory_space<vmem>>
        tpu.wait_dma2 semaphore(%run_scoped3A_160 : memref<!tpu.dma_semaphore, #tpu.memory_space<semaphore_mem>>) src(%dma_wait3A_184 : memref<80x128xf32, #tpu.memory_space<vmem>>) dst(%dma_wait3A_180 : memref<80x128xf32, #tpu.memory_space<vmem_shared>>)
        tpu.yield
      }) : () -> ()
    } else {
    }
    %add3A_54 = arith.constant 112 : i32
    %add3A_55 = arith.addi %arg1, %add3A_54 : i32
    %lt3A_56 = arith.constant 125 : i32
    %lt3A_57 = arith.cmpi slt, %add3A_55, %lt3A_56 : i32
    %convert_element_type3A_58 = arith.extui %lt3A_57 : i1 to i32
    %cond3A_59 = arith.constant 0 : i32
    %cond3A_60 = arith.cmpi ne, %convert_element_type3A_58, %cond3A_59 : i32
    scf.if %cond3A_60 {
      %mul3A_157 = arith.constant 80 : i32
      %mul3A_158 = arith.muli %add3A_55, %mul3A_157 : i32
      %run_scoped3A_159 = arith.constant 0 : i32
      "tpu.region"() ({
        %run_scoped3A_160 = tpu.sem_alloc : memref<!tpu.dma_semaphore, #tpu.memory_space<semaphore_mem>>
        %dma_start3A_161 = arith.constant 0 : i32
        %dma_start3A_162 = arith.constant 0 : i32
        %dma_start3A_163 = tpu.memref_slice %arg7[%run_scoped3A_159, %dma_start3A_161, %dma_start3A_162] : memref<2x80x128xf32, #tpu.memory_space<vmem>> -> memref<1x80x128xf32, #tpu.memory_space<vmem>>
        %dma_start3A_164 = tpu.memref_squeeze %dma_start3A_163 : memref<1x80x128xf32, #tpu.memory_space<vmem>> -> memref<80x128xf32, #tpu.memory_space<vmem>>
        %dma_start3A_165 = arith.constant 0 : i32
        %dma_start3A_166 = tpu.memref_slice %arg5[%mul3A_158, %dma_start3A_165] : memref<10000x128xf32, #tpu.memory_space<vmem_shared>> -> memref<80x128xf32, #tpu.memory_space<vmem_shared>>
        %dma_start3A_167 = arith.constant 0 : i32
        %dma_start3A_168 = tpu.memref_slice %arg5[%mul3A_158, %dma_start3A_167] : memref<10000x128xf32, #tpu.memory_space<vmem_shared>> -> memref<80x128xf32, #tpu.memory_space<vmem_shared>>
        %dma_start3A_169 = arith.constant 0 : i32
        %dma_start3A_170 = arith.constant 0 : i32
        %dma_start3A_171 = tpu.memref_slice %arg7[%run_scoped3A_159, %dma_start3A_169, %dma_start3A_170] : memref<2x80x128xf32, #tpu.memory_space<vmem>> -> memref<1x80x128xf32, #tpu.memory_space<vmem>>
        %dma_start3A_172 = tpu.memref_squeeze %dma_start3A_171 : memref<1x80x128xf32, #tpu.memory_space<vmem>> -> memref<80x128xf32, #tpu.memory_space<vmem>>
        tpu.enqueue_dma source(%dma_start3A_172 : memref<80x128xf32, #tpu.memory_space<vmem>>) target(%dma_start3A_168 : memref<80x128xf32, #tpu.memory_space<vmem_shared>>) target_semaphore(%run_scoped3A_160 : memref<!tpu.dma_semaphore, #tpu.memory_space<semaphore_mem>>)
        %dma_wait3A_173 = arith.constant 0 : i32
        %dma_wait3A_174 = arith.constant 0 : i32
        %dma_wait3A_175 = tpu.memref_slice %arg7[%run_scoped3A_159, %dma_wait3A_173, %dma_wait3A_174] : memref<2x80x128xf32, #tpu.memory_space<vmem>> -> memref<1x80x128xf32, #tpu.memory_space<vmem>>
        %dma_wait3A_176 = tpu.memref_squeeze %dma_wait3A_175 : memref<1x80x128xf32, #tpu.memory_space<vmem>> -> memref<80x128xf32, #tpu.memory_space<vmem>>
        %dma_wait3A_177 = arith.constant 0 : i32
        %dma_wait3A_178 = tpu.memref_slice %arg5[%mul3A_158, %dma_wait3A_177] : memref<10000x128xf32, #tpu.memory_space<vmem_shared>> -> memref<80x128xf32, #tpu.memory_space<vmem_shared>>
        %dma_wait3A_179 = arith.constant 0 : i32
        %dma_wait3A_180 = tpu.memref_slice %arg5[%mul3A_158, %dma_wait3A_179] : memref<10000x128xf32, #tpu.memory_space<vmem_shared>> -> memref<80x128xf32, #tpu.memory_space<vmem_shared>>
        %dma_wait3A_181 = arith.constant 0 : i32
        %dma_wait3A_182 = arith.constant 0 : i32
        %dma_wait3A_183 = tpu.memref_slice %arg7[%run_scoped3A_159, %dma_wait3A_181, %dma_wait3A_182] : memref<2x80x128xf32, #tpu.memory_space<vmem>> -> memref<1x80x128xf32, #tpu.memory_space<vmem>>
        %dma_wait3A_184 = tpu.memref_squeeze %dma_wait3A_183 : memref<1x80x128xf32, #tpu.memory_space<vmem>> -> memref<80x128xf32, #tpu.memory_space<vmem>>
        tpu.wait_dma2 semaphore(%run_scoped3A_160 : memref<!tpu.dma_semaphore, #tpu.memory_space<semaphore_mem>>) src(%dma_wait3A_184 : memref<80x128xf32, #tpu.memory_space<vmem>>) dst(%dma_wait3A_180 : memref<80x128xf32, #tpu.memory_space<vmem_shared>>)
        tpu.yield
      }) : () -> ()
    } else {
    }
    %barrier3A = arith.constant 0 : index
    tpu.barrier barrier_id(%barrier3A)
    "tpu.region"() ({
      %run_scoped3A_157 = tpu.sem_alloc : memref<!tpu.dma_semaphore, #tpu.memory_space<semaphore_mem>>
      %dma_start3A_158 = arith.constant 0 : i32
      %dma_start3A_159 = arith.constant 0 : i32
      %dma_start3A_160 = tpu.memref_slice %arg3[%add3A, %dma_start3A_158, %dma_start3A_159] : memref<32x125x80xi32, #tpu.memory_space<hbm>> -> memref<1x125x80xi32, #tpu.memory_space<hbm>>
      %dma_start3A_161 = tpu.memref_squeeze %dma_start3A_160 : memref<1x125x80xi32, #tpu.memory_space<hbm>> -> memref<125x80xi32, #tpu.memory_space<hbm>>
      %dma_start3A_162 = arith.constant 0 : i32
      %dma_start3A_163 = arith.constant 0 : i32
      %dma_start3A_164 = tpu.memref_slice %arg3[%add3A, %dma_start3A_162, %dma_start3A_163] : memref<32x125x80xi32, #tpu.memory_space<hbm>> -> memref<1x125x80xi32, #tpu.memory_space<hbm>>
      %dma_start3A_165 = tpu.memref_squeeze %dma_start3A_164 : memref<1x125x80xi32, #tpu.memory_space<hbm>> -> memref<125x80xi32, #tpu.memory_space<hbm>>
      tpu.enqueue_dma source(%dma_start3A_165 : memref<125x80xi32, #tpu.memory_space<hbm>>) target(%arg6 : memref<125x80xi32, #tpu.memory_space<vmem>>) target_semaphore(%run_scoped3A_157 : memref<!tpu.dma_semaphore, #tpu.memory_space<semaphore_mem>>)
      %dma_wait3A_166 = arith.constant 0 : i32
      %dma_wait3A_167 = arith.constant 0 : i32
      %dma_wait3A_168 = tpu.memref_slice %arg3[%add3A, %dma_wait3A_166, %dma_wait3A_167] : memref<32x125x80xi32, #tpu.memory_space<hbm>> -> memref<1x125x80xi32, #tpu.memory_space<hbm>>
      %dma_wait3A_169 = tpu.memref_squeeze %dma_wait3A_168 : memref<1x125x80xi32, #tpu.memory_space<hbm>> -> memref<125x80xi32, #tpu.memory_space<hbm>>
      %dma_wait3A_170 = arith.constant 0 : i32
      %dma_wait3A_171 = arith.constant 0 : i32
      %dma_wait3A_172 = tpu.memref_slice %arg3[%add3A, %dma_wait3A_170, %dma_wait3A_171] : memref<32x125x80xi32, #tpu.memory_space<hbm>> -> memref<1x125x80xi32, #tpu.memory_space<hbm>>
      %dma_wait3A_173 = tpu.memref_squeeze %dma_wait3A_172 : memref<1x125x80xi32, #tpu.memory_space<hbm>> -> memref<125x80xi32, #tpu.memory_space<hbm>>
      tpu.wait_dma2 semaphore(%run_scoped3A_157 : memref<!tpu.dma_semaphore, #tpu.memory_space<semaphore_mem>>) src(%dma_wait3A_173 : memref<125x80xi32, #tpu.memory_space<hbm>>) dst(%arg6 : memref<125x80xi32, #tpu.memory_space<vmem>>)
      tpu.yield
    }) : () -> ()
    %add3A_61 = arith.constant 0 : i32
    %add3A_62 = arith.addi %mul3A_2, %add3A_61 : i32
    %mul3A_63 = arith.constant 80 : i32
    %mul3A_64 = arith.muli %add3A_62, %mul3A_63 : i32
    %dma_start3A = arith.constant 0 : i32
    %dma_start3A_65 = arith.constant 0 : i32
    %dma_start3A_66 = arith.constant 0 : i32
    %dma_start3A_67 = tpu.memref_slice %arg7[%dma_start3A, %dma_start3A_65, %dma_start3A_66] : memref<2x80x128xf32, #tpu.memory_space<vmem>> -> memref<1x80x128xf32, #tpu.memory_space<vmem>>
    %dma_start3A_68 = tpu.memref_squeeze %dma_start3A_67 : memref<1x80x128xf32, #tpu.memory_space<vmem>> -> memref<80x128xf32, #tpu.memory_space<vmem>>
    %dma_start3A_69 = arith.constant 0 : i32
    %dma_start3A_70 = tpu.memref_slice %arg2[%mul3A_64, %dma_start3A_69] : memref<320000x128xf32, #tpu.memory_space<hbm>> -> memref<80x128xf32, #tpu.memory_space<hbm>>
    %dma_start3A_71 = arith.constant 0 : i32
    %dma_start3A_72 = arith.constant 0 : i32
    %dma_start3A_73 = tpu.memref_slice %arg7[%dma_start3A, %dma_start3A_71, %dma_start3A_72] : memref<2x80x128xf32, #tpu.memory_space<vmem>> -> memref<1x80x128xf32, #tpu.memory_space<vmem>>
    %dma_start3A_74 = tpu.memref_squeeze %dma_start3A_73 : memref<1x80x128xf32, #tpu.memory_space<vmem>> -> memref<80x128xf32, #tpu.memory_space<vmem>>
    %dma_start3A_75 = arith.constant 0 : i32
    %dma_start3A_76 = tpu.memref_slice %arg2[%mul3A_64, %dma_start3A_75] : memref<320000x128xf32, #tpu.memory_space<hbm>> -> memref<80x128xf32, #tpu.memory_space<hbm>>
    tpu.enqueue_dma source(%dma_start3A_76 : memref<80x128xf32, #tpu.memory_space<hbm>>) target(%dma_start3A_74 : memref<80x128xf32, #tpu.memory_space<vmem>>) target_semaphore(%arg8 : memref<!tpu.dma_semaphore, #tpu.memory_space<semaphore_mem>>)
    %scan3A_77 = arith.constant 0 : i32
    %scan3A_78 = arith.constant 0 : i32
    %scan3A_79 = arith.constant 62 : i32
    %scan3A_80 = arith.addi %scan3A_78, %scan3A_79 : i32
    %scan3A_81 = arith.constant 1 : i32
    scf.for %scan3A_157 = %scan3A_78 to %scan3A_80 step %scan3A_81  : i32 {
      %mul3A_158 = arith.constant 2 : i32
      %mul3A_159 = arith.muli %mul3A_158, %scan3A_157 : i32
      %add3A_160 = arith.constant 1 : i32
      %add3A_161 = arith.addi %mul3A_159, %add3A_160 : i32
      %add3A_162 = arith.addi %mul3A_2, %add3A_161 : i32
      %mul3A_163 = arith.constant 80 : i32
      %mul3A_164 = arith.muli %add3A_162, %mul3A_163 : i32
      %dma_start3A_165 = arith.constant 1 : i32
      %dma_start3A_166 = arith.constant 0 : i32
      %dma_start3A_167 = arith.constant 0 : i32
      %dma_start3A_168 = tpu.memref_slice %arg7[%dma_start3A_165, %dma_start3A_166, %dma_start3A_167] : memref<2x80x128xf32, #tpu.memory_space<vmem>> -> memref<1x80x128xf32, #tpu.memory_space<vmem>>
      %dma_start3A_169 = tpu.memref_squeeze %dma_start3A_168 : memref<1x80x128xf32, #tpu.memory_space<vmem>> -> memref<80x128xf32, #tpu.memory_space<vmem>>
      %dma_start3A_170 = arith.constant 0 : i32
      %dma_start3A_171 = tpu.memref_slice %arg2[%mul3A_164, %dma_start3A_170] : memref<320000x128xf32, #tpu.memory_space<hbm>> -> memref<80x128xf32, #tpu.memory_space<hbm>>
      %dma_start3A_172 = arith.constant 0 : i32
      %dma_start3A_173 = arith.constant 0 : i32
      %dma_start3A_174 = tpu.memref_slice %arg7[%dma_start3A_165, %dma_start3A_172, %dma_start3A_173] : memref<2x80x128xf32, #tpu.memory_space<vmem>> -> memref<1x80x128xf32, #tpu.memory_space<vmem>>
      %dma_start3A_175 = tpu.memref_squeeze %dma_start3A_174 : memref<1x80x128xf32, #tpu.memory_space<vmem>> -> memref<80x128xf32, #tpu.memory_space<vmem>>
      %dma_start3A_176 = arith.constant 0 : i32
      %dma_start3A_177 = tpu.memref_slice %arg2[%mul3A_164, %dma_start3A_176] : memref<320000x128xf32, #tpu.memory_space<hbm>> -> memref<80x128xf32, #tpu.memory_space<hbm>>
      tpu.enqueue_dma source(%dma_start3A_177 : memref<80x128xf32, #tpu.memory_space<hbm>>) target(%dma_start3A_175 : memref<80x128xf32, #tpu.memory_space<vmem>>) target_semaphore(%arg9 : memref<!tpu.dma_semaphore, #tpu.memory_space<semaphore_mem>>)
      %add3A_178 = arith.addi %mul3A_2, %mul3A_159 : i32
      %mul3A_179 = arith.constant 80 : i32
      %mul3A_180 = arith.muli %add3A_178, %mul3A_179 : i32
      %dma_wait3A_181 = arith.constant 0 : i32
      %dma_wait3A_182 = arith.constant 0 : i32
      %dma_wait3A_183 = arith.constant 0 : i32
      %dma_wait3A_184 = tpu.memref_slice %arg7[%dma_wait3A_181, %dma_wait3A_182, %dma_wait3A_183] : memref<2x80x128xf32, #tpu.memory_space<vmem>> -> memref<1x80x128xf32, #tpu.memory_space<vmem>>
      %dma_wait3A_185 = tpu.memref_squeeze %dma_wait3A_184 : memref<1x80x128xf32, #tpu.memory_space<vmem>> -> memref<80x128xf32, #tpu.memory_space<vmem>>
      %dma_wait3A_186 = arith.constant 0 : i32
      %dma_wait3A_187 = tpu.memref_slice %arg2[%mul3A_180, %dma_wait3A_186] : memref<320000x128xf32, #tpu.memory_space<hbm>> -> memref<80x128xf32, #tpu.memory_space<hbm>>
      %dma_wait3A_188 = arith.constant 0 : i32
      %dma_wait3A_189 = arith.constant 0 : i32
      %dma_wait3A_190 = tpu.memref_slice %arg7[%dma_wait3A_181, %dma_wait3A_188, %dma_wait3A_189] : memref<2x80x128xf32, #tpu.memory_space<vmem>> -> memref<1x80x128xf32, #tpu.memory_space<vmem>>
      %dma_wait3A_191 = tpu.memref_squeeze %dma_wait3A_190 : memref<1x80x128xf32, #tpu.memory_space<vmem>> -> memref<80x128xf32, #tpu.memory_space<vmem>>
      %dma_wait3A_192 = arith.constant 0 : i32
      %dma_wait3A_193 = tpu.memref_slice %arg2[%mul3A_180, %dma_wait3A_192] : memref<320000x128xf32, #tpu.memory_space<hbm>> -> memref<80x128xf32, #tpu.memory_space<hbm>>
      tpu.wait_dma2 semaphore(%arg8 : memref<!tpu.dma_semaphore, #tpu.memory_space<semaphore_mem>>) src(%dma_wait3A_193 : memref<80x128xf32, #tpu.memory_space<hbm>>) dst(%dma_wait3A_191 : memref<80x128xf32, #tpu.memory_space<vmem>>)
      %run_scoped3A_194 = arith.constant 0 : i32
      "tpu.region"() ({
        %run_scoped3A_234 = tpu.sem_alloc : memref<!tpu.dma_semaphore, #tpu.memory_space<semaphore_mem>>
        %dma_start3A_235 = arith.constant 0 : i32
        %dma_start3A_236 = arith.constant 0 : i32
        %dma_start3A_237 = tpu.memref_slice %arg7[%run_scoped3A_194, %dma_start3A_235, %dma_start3A_236] : memref<2x80x128xf32, #tpu.memory_space<vmem>> -> memref<1x80x128xf32, #tpu.memory_space<vmem>>
        %dma_start3A_238 = tpu.memref_squeeze %dma_start3A_237 : memref<1x80x128xf32, #tpu.memory_space<vmem>> -> memref<80x128xf32, #tpu.memory_space<vmem>>
        %dma_start3A_239 = arith.constant 0 : i32
        %dma_start3A_240 = tpu.memref_slice %arg6[%mul3A_159, %dma_start3A_239] : memref<125x80xi32, #tpu.memory_space<vmem>> -> memref<1x80xi32, #tpu.memory_space<vmem>>
        %dma_start3A_241 = tpu.memref_squeeze %dma_start3A_240 : memref<1x80xi32, #tpu.memory_space<vmem>> -> memref<80xi32, #tpu.memory_space<vmem>>
        %dma_start3A_242 = arith.constant 0 : i32
        %dma_start3A_243 = arith.constant 0 : i32
        %dma_start3A_244 = tpu.memref_slice %arg5[%dma_start3A_242, %dma_start3A_243] : memref<10000x128xf32, #tpu.memory_space<vmem_shared>> -> memref<10000x128xf32, #tpu.memory_space<vmem_shared>>
        tpu.enqueue_indirect_dma source(%dma_start3A_238 : memref<80x128xf32, #tpu.memory_space<vmem>>) target(%dma_start3A_244 : memref<10000x128xf32, #tpu.memory_space<vmem_shared>>) offsets(%dma_start3A_241 : memref<80xi32, #tpu.memory_space<vmem>>) semaphore(%run_scoped3A_234 : memref<!tpu.dma_semaphore, #tpu.memory_space<semaphore_mem>>) {add = true}
        %dma_wait3A_245 = arith.constant 0 : i32
        %dma_wait3A_246 = arith.constant 0 : i32
        %dma_wait3A_247 = tpu.memref_slice %arg7[%run_scoped3A_194, %dma_wait3A_245, %dma_wait3A_246] : memref<2x80x128xf32, #tpu.memory_space<vmem>> -> memref<1x80x128xf32, #tpu.memory_space<vmem>>
        %dma_wait3A_248 = tpu.memref_squeeze %dma_wait3A_247 : memref<1x80x128xf32, #tpu.memory_space<vmem>> -> memref<80x128xf32, #tpu.memory_space<vmem>>
        %dma_wait3A_249 = arith.constant 0 : i32
        %dma_wait3A_250 = tpu.memref_slice %arg6[%mul3A_159, %dma_wait3A_249] : memref<125x80xi32, #tpu.memory_space<vmem>> -> memref<1x80xi32, #tpu.memory_space<vmem>>
        %dma_wait3A_251 = tpu.memref_squeeze %dma_wait3A_250 : memref<1x80xi32, #tpu.memory_space<vmem>> -> memref<80xi32, #tpu.memory_space<vmem>>
        %dma_wait3A_252 = arith.constant 0 : i32
        %dma_wait3A_253 = arith.constant 0 : i32
        %dma_wait3A_254 = tpu.memref_slice %arg5[%dma_wait3A_252, %dma_wait3A_253] : memref<10000x128xf32, #tpu.memory_space<vmem_shared>> -> memref<10000x128xf32, #tpu.memory_space<vmem_shared>>
        tpu.wait_indirect_dma semaphore(%run_scoped3A_234 : memref<!tpu.dma_semaphore, #tpu.memory_space<semaphore_mem>>) src(%dma_wait3A_248 : memref<80x128xf32, #tpu.memory_space<vmem>>) dst(%dma_wait3A_254 : memref<10000x128xf32, #tpu.memory_space<vmem_shared>>)
        tpu.yield
      }) : () -> ()
      %add3A_195 = arith.constant 2 : i32
      %add3A_196 = arith.addi %mul3A_159, %add3A_195 : i32
      %add3A_197 = arith.addi %mul3A_2, %add3A_196 : i32
      %mul3A_198 = arith.constant 80 : i32
      %mul3A_199 = arith.muli %add3A_197, %mul3A_198 : i32
      %dma_start3A_200 = arith.constant 0 : i32
      %dma_start3A_201 = arith.constant 0 : i32
      %dma_start3A_202 = arith.constant 0 : i32
      %dma_start3A_203 = tpu.memref_slice %arg7[%dma_start3A_200, %dma_start3A_201, %dma_start3A_202] : memref<2x80x128xf32, #tpu.memory_space<vmem>> -> memref<1x80x128xf32, #tpu.memory_space<vmem>>
      %dma_start3A_204 = tpu.memref_squeeze %dma_start3A_203 : memref<1x80x128xf32, #tpu.memory_space<vmem>> -> memref<80x128xf32, #tpu.memory_space<vmem>>
      %dma_start3A_205 = arith.constant 0 : i32
      %dma_start3A_206 = tpu.memref_slice %arg2[%mul3A_199, %dma_start3A_205] : memref<320000x128xf32, #tpu.memory_space<hbm>> -> memref<80x128xf32, #tpu.memory_space<hbm>>
      %dma_start3A_207 = arith.constant 0 : i32
      %dma_start3A_208 = arith.constant 0 : i32
      %dma_start3A_209 = tpu.memref_slice %arg7[%dma_start3A_200, %dma_start3A_207, %dma_start3A_208] : memref<2x80x128xf32, #tpu.memory_space<vmem>> -> memref<1x80x128xf32, #tpu.memory_space<vmem>>
      %dma_start3A_210 = tpu.memref_squeeze %dma_start3A_209 : memref<1x80x128xf32, #tpu.memory_space<vmem>> -> memref<80x128xf32, #tpu.memory_space<vmem>>
      %dma_start3A_211 = arith.constant 0 : i32
      %dma_start3A_212 = tpu.memref_slice %arg2[%mul3A_199, %dma_start3A_211] : memref<320000x128xf32, #tpu.memory_space<hbm>> -> memref<80x128xf32, #tpu.memory_space<hbm>>
      tpu.enqueue_dma source(%dma_start3A_212 : memref<80x128xf32, #tpu.memory_space<hbm>>) target(%dma_start3A_210 : memref<80x128xf32, #tpu.memory_space<vmem>>) target_semaphore(%arg8 : memref<!tpu.dma_semaphore, #tpu.memory_space<semaphore_mem>>)
      %add3A_213 = arith.constant 1 : i32
      %add3A_214 = arith.addi %mul3A_159, %add3A_213 : i32
      %add3A_215 = arith.addi %mul3A_2, %add3A_214 : i32
      %mul3A_216 = arith.constant 80 : i32
      %mul3A_217 = arith.muli %add3A_215, %mul3A_216 : i32
      %dma_wait3A_218 = arith.constant 1 : i32
      %dma_wait3A_219 = arith.constant 0 : i32
      %dma_wait3A_220 = arith.constant 0 : i32
      %dma_wait3A_221 = tpu.memref_slice %arg7[%dma_wait3A_218, %dma_wait3A_219, %dma_wait3A_220] : memref<2x80x128xf32, #tpu.memory_space<vmem>> -> memref<1x80x128xf32, #tpu.memory_space<vmem>>
      %dma_wait3A_222 = tpu.memref_squeeze %dma_wait3A_221 : memref<1x80x128xf32, #tpu.memory_space<vmem>> -> memref<80x128xf32, #tpu.memory_space<vmem>>
      %dma_wait3A_223 = arith.constant 0 : i32
      %dma_wait3A_224 = tpu.memref_slice %arg2[%mul3A_217, %dma_wait3A_223] : memref<320000x128xf32, #tpu.memory_space<hbm>> -> memref<80x128xf32, #tpu.memory_space<hbm>>
      %dma_wait3A_225 = arith.constant 0 : i32
      %dma_wait3A_226 = arith.constant 0 : i32
      %dma_wait3A_227 = tpu.memref_slice %arg7[%dma_wait3A_218, %dma_wait3A_225, %dma_wait3A_226] : memref<2x80x128xf32, #tpu.memory_space<vmem>> -> memref<1x80x128xf32, #tpu.memory_space<vmem>>
      %dma_wait3A_228 = tpu.memref_squeeze %dma_wait3A_227 : memref<1x80x128xf32, #tpu.memory_space<vmem>> -> memref<80x128xf32, #tpu.memory_space<vmem>>
      %dma_wait3A_229 = arith.constant 0 : i32
      %dma_wait3A_230 = tpu.memref_slice %arg2[%mul3A_217, %dma_wait3A_229] : memref<320000x128xf32, #tpu.memory_space<hbm>> -> memref<80x128xf32, #tpu.memory_space<hbm>>
      tpu.wait_dma2 semaphore(%arg9 : memref<!tpu.dma_semaphore, #tpu.memory_space<semaphore_mem>>) src(%dma_wait3A_230 : memref<80x128xf32, #tpu.memory_space<hbm>>) dst(%dma_wait3A_228 : memref<80x128xf32, #tpu.memory_space<vmem>>)
      %add3A_231 = arith.constant 1 : i32
      %add3A_232 = arith.addi %mul3A_159, %add3A_231 : i32
      %run_scoped3A_233 = arith.constant 1 : i32
      "tpu.region"() ({
        %run_scoped3A_234 = tpu.sem_alloc : memref<!tpu.dma_semaphore, #tpu.memory_space<semaphore_mem>>
        %dma_start3A_235 = arith.constant 0 : i32
        %dma_start3A_236 = arith.constant 0 : i32
        %dma_start3A_237 = tpu.memref_slice %arg7[%run_scoped3A_233, %dma_start3A_235, %dma_start3A_236] : memref<2x80x128xf32, #tpu.memory_space<vmem>> -> memref<1x80x128xf32, #tpu.memory_space<vmem>>
        %dma_start3A_238 = tpu.memref_squeeze %dma_start3A_237 : memref<1x80x128xf32, #tpu.memory_space<vmem>> -> memref<80x128xf32, #tpu.memory_space<vmem>>
        %dma_start3A_239 = arith.constant 0 : i32
        %dma_start3A_240 = tpu.memref_slice %arg6[%add3A_232, %dma_start3A_239] : memref<125x80xi32, #tpu.memory_space<vmem>> -> memref<1x80xi32, #tpu.memory_space<vmem>>
        %dma_start3A_241 = tpu.memref_squeeze %dma_start3A_240 : memref<1x80xi32, #tpu.memory_space<vmem>> -> memref<80xi32, #tpu.memory_space<vmem>>
        %dma_start3A_242 = arith.constant 0 : i32
        %dma_start3A_243 = arith.constant 0 : i32
        %dma_start3A_244 = tpu.memref_slice %arg5[%dma_start3A_242, %dma_start3A_243] : memref<10000x128xf32, #tpu.memory_space<vmem_shared>> -> memref<10000x128xf32, #tpu.memory_space<vmem_shared>>
        tpu.enqueue_indirect_dma source(%dma_start3A_238 : memref<80x128xf32, #tpu.memory_space<vmem>>) target(%dma_start3A_244 : memref<10000x128xf32, #tpu.memory_space<vmem_shared>>) offsets(%dma_start3A_241 : memref<80xi32, #tpu.memory_space<vmem>>) semaphore(%run_scoped3A_234 : memref<!tpu.dma_semaphore, #tpu.memory_space<semaphore_mem>>) {add = true}
        %dma_wait3A_245 = arith.constant 0 : i32
        %dma_wait3A_246 = arith.constant 0 : i32
        %dma_wait3A_247 = tpu.memref_slice %arg7[%run_scoped3A_233, %dma_wait3A_245, %dma_wait3A_246] : memref<2x80x128xf32, #tpu.memory_space<vmem>> -> memref<1x80x128xf32, #tpu.memory_space<vmem>>
        %dma_wait3A_248 = tpu.memref_squeeze %dma_wait3A_247 : memref<1x80x128xf32, #tpu.memory_space<vmem>> -> memref<80x128xf32, #tpu.memory_space<vmem>>
        %dma_wait3A_249 = arith.constant 0 : i32
        %dma_wait3A_250 = tpu.memref_slice %arg6[%add3A_232, %dma_wait3A_249] : memref<125x80xi32, #tpu.memory_space<vmem>> -> memref<1x80xi32, #tpu.memory_space<vmem>>
        %dma_wait3A_251 = tpu.memref_squeeze %dma_wait3A_250 : memref<1x80xi32, #tpu.memory_space<vmem>> -> memref<80xi32, #tpu.memory_space<vmem>>
        %dma_wait3A_252 = arith.constant 0 : i32
        %dma_wait3A_253 = arith.constant 0 : i32
        %dma_wait3A_254 = tpu.memref_slice %arg5[%dma_wait3A_252, %dma_wait3A_253] : memref<10000x128xf32, #tpu.memory_space<vmem_shared>> -> memref<10000x128xf32, #tpu.memory_space<vmem_shared>>
        tpu.wait_indirect_dma semaphore(%run_scoped3A_234 : memref<!tpu.dma_semaphore, #tpu.memory_space<semaphore_mem>>) src(%dma_wait3A_248 : memref<80x128xf32, #tpu.memory_space<vmem>>) dst(%dma_wait3A_254 : memref<10000x128xf32, #tpu.memory_space<vmem_shared>>)
        tpu.yield
      }) : () -> ()
    }
    %scan3A_82 = arith.constant 62 : i32
    %add3A_83 = arith.constant 124 : i32
    %add3A_84 = arith.addi %mul3A_2, %add3A_83 : i32
    %mul3A_85 = arith.constant 80 : i32
    %mul3A_86 = arith.muli %add3A_84, %mul3A_85 : i32
    %dma_wait3A = arith.constant 0 : i32
    %dma_wait3A_87 = arith.constant 0 : i32
    %dma_wait3A_88 = arith.constant 0 : i32
    %dma_wait3A_89 = tpu.memref_slice %arg7[%dma_wait3A, %dma_wait3A_87, %dma_wait3A_88] : memref<2x80x128xf32, #tpu.memory_space<vmem>> -> memref<1x80x128xf32, #tpu.memory_space<vmem>>
    %dma_wait3A_90 = tpu.memref_squeeze %dma_wait3A_89 : memref<1x80x128xf32, #tpu.memory_space<vmem>> -> memref<80x128xf32, #tpu.memory_space<vmem>>
    %dma_wait3A_91 = arith.constant 0 : i32
    %dma_wait3A_92 = tpu.memref_slice %arg2[%mul3A_86, %dma_wait3A_91] : memref<320000x128xf32, #tpu.memory_space<hbm>> -> memref<80x128xf32, #tpu.memory_space<hbm>>
    %dma_wait3A_93 = arith.constant 0 : i32
    %dma_wait3A_94 = arith.constant 0 : i32
    %dma_wait3A_95 = tpu.memref_slice %arg7[%dma_wait3A, %dma_wait3A_93, %dma_wait3A_94] : memref<2x80x128xf32, #tpu.memory_space<vmem>> -> memref<1x80x128xf32, #tpu.memory_space<vmem>>
    %dma_wait3A_96 = tpu.memref_squeeze %dma_wait3A_95 : memref<1x80x128xf32, #tpu.memory_space<vmem>> -> memref<80x128xf32, #tpu.memory_space<vmem>>
    %dma_wait3A_97 = arith.constant 0 : i32
    %dma_wait3A_98 = tpu.memref_slice %arg2[%mul3A_86, %dma_wait3A_97] : memref<320000x128xf32, #tpu.memory_space<hbm>> -> memref<80x128xf32, #tpu.memory_space<hbm>>
    tpu.wait_dma2 semaphore(%arg8 : memref<!tpu.dma_semaphore, #tpu.memory_space<semaphore_mem>>) src(%dma_wait3A_98 : memref<80x128xf32, #tpu.memory_space<hbm>>) dst(%dma_wait3A_96 : memref<80x128xf32, #tpu.memory_space<vmem>>)
    %run_scoped3A = arith.constant 0 : i32
    %run_scoped3A_99 = arith.constant 124 : i32
    "tpu.region"() ({
      %run_scoped3A_157 = tpu.sem_alloc : memref<!tpu.dma_semaphore, #tpu.memory_space<semaphore_mem>>
      %dma_start3A_158 = arith.constant 0 : i32
      %dma_start3A_159 = arith.constant 0 : i32
      %dma_start3A_160 = tpu.memref_slice %arg7[%run_scoped3A, %dma_start3A_158, %dma_start3A_159] : memref<2x80x128xf32, #tpu.memory_space<vmem>> -> memref<1x80x128xf32, #tpu.memory_space<vmem>>
      %dma_start3A_161 = tpu.memref_squeeze %dma_start3A_160 : memref<1x80x128xf32, #tpu.memory_space<vmem>> -> memref<80x128xf32, #tpu.memory_space<vmem>>
      %dma_start3A_162 = arith.constant 0 : i32
      %dma_start3A_163 = tpu.memref_slice %arg6[%run_scoped3A_99, %dma_start3A_162] : memref<125x80xi32, #tpu.memory_space<vmem>> -> memref<1x80xi32, #tpu.memory_space<vmem>>
      %dma_start3A_164 = tpu.memref_squeeze %dma_start3A_163 : memref<1x80xi32, #tpu.memory_space<vmem>> -> memref<80xi32, #tpu.memory_space<vmem>>
      %dma_start3A_165 = arith.constant 0 : i32
      %dma_start3A_166 = arith.constant 0 : i32
      %dma_start3A_167 = tpu.memref_slice %arg5[%dma_start3A_165, %dma_start3A_166] : memref<10000x128xf32, #tpu.memory_space<vmem_shared>> -> memref<10000x128xf32, #tpu.memory_space<vmem_shared>>
      tpu.enqueue_indirect_dma source(%dma_start3A_161 : memref<80x128xf32, #tpu.memory_space<vmem>>) target(%dma_start3A_167 : memref<10000x128xf32, #tpu.memory_space<vmem_shared>>) offsets(%dma_start3A_164 : memref<80xi32, #tpu.memory_space<vmem>>) semaphore(%run_scoped3A_157 : memref<!tpu.dma_semaphore, #tpu.memory_space<semaphore_mem>>) {add = true}
      %dma_wait3A_168 = arith.constant 0 : i32
      %dma_wait3A_169 = arith.constant 0 : i32
      %dma_wait3A_170 = tpu.memref_slice %arg7[%run_scoped3A, %dma_wait3A_168, %dma_wait3A_169] : memref<2x80x128xf32, #tpu.memory_space<vmem>> -> memref<1x80x128xf32, #tpu.memory_space<vmem>>
      %dma_wait3A_171 = tpu.memref_squeeze %dma_wait3A_170 : memref<1x80x128xf32, #tpu.memory_space<vmem>> -> memref<80x128xf32, #tpu.memory_space<vmem>>
      %dma_wait3A_172 = arith.constant 0 : i32
      %dma_wait3A_173 = tpu.memref_slice %arg6[%run_scoped3A_99, %dma_wait3A_172] : memref<125x80xi32, #tpu.memory_space<vmem>> -> memref<1x80xi32, #tpu.memory_space<vmem>>
      %dma_wait3A_174 = tpu.memref_squeeze %dma_wait3A_173 : memref<1x80xi32, #tpu.memory_space<vmem>> -> memref<80xi32, #tpu.memory_space<vmem>>
      %dma_wait3A_175 = arith.constant 0 : i32
      %dma_wait3A_176 = arith.constant 0 : i32
      %dma_wait3A_177 = tpu.memref_slice %arg5[%dma_wait3A_175, %dma_wait3A_176] : memref<10000x128xf32, #tpu.memory_space<vmem_shared>> -> memref<10000x128xf32, #tpu.memory_space<vmem_shared>>
      tpu.wait_indirect_dma semaphore(%run_scoped3A_157 : memref<!tpu.dma_semaphore, #tpu.memory_space<semaphore_mem>>) src(%dma_wait3A_171 : memref<80x128xf32, #tpu.memory_space<vmem>>) dst(%dma_wait3A_177 : memref<10000x128xf32, #tpu.memory_space<vmem_shared>>)
      tpu.yield
    }) : () -> ()
    %barrier3A_100 = arith.constant 0 : index
    tpu.barrier barrier_id(%barrier3A_100)
    %add3A_101 = arith.constant 0 : i32
    %add3A_102 = arith.addi %arg1, %add3A_101 : i32
    %lt3A_103 = arith.constant 125 : i32
    %lt3A_104 = arith.cmpi slt, %add3A_102, %lt3A_103 : i32
    %convert_element_type3A_105 = arith.extui %lt3A_104 : i1 to i32
    %cond3A_106 = arith.constant 0 : i32
    %cond3A_107 = arith.cmpi ne, %convert_element_type3A_105, %cond3A_106 : i32
    scf.if %cond3A_107 {
      %mul3A_157 = arith.constant 80 : i32
      %mul3A_158 = arith.muli %add3A_102, %mul3A_157 : i32
      %run_scoped3A_159 = arith.constant 0 : i32
      "tpu.region"() ({
        %run_scoped3A_163 = tpu.sem_alloc : memref<!tpu.dma_semaphore, #tpu.memory_space<semaphore_mem>>
        %dma_start3A_164 = arith.constant 0 : i32
        %dma_start3A_165 = arith.constant 0 : i32
        %dma_start3A_166 = tpu.memref_slice %arg7[%run_scoped3A_159, %dma_start3A_164, %dma_start3A_165] : memref<2x80x128xf32, #tpu.memory_space<vmem>> -> memref<1x80x128xf32, #tpu.memory_space<vmem>>
        %dma_start3A_167 = tpu.memref_squeeze %dma_start3A_166 : memref<1x80x128xf32, #tpu.memory_space<vmem>> -> memref<80x128xf32, #tpu.memory_space<vmem>>
        %dma_start3A_168 = arith.constant 0 : i32
        %dma_start3A_169 = tpu.memref_slice %arg5[%mul3A_158, %dma_start3A_168] : memref<10000x128xf32, #tpu.memory_space<vmem_shared>> -> memref<80x128xf32, #tpu.memory_space<vmem_shared>>
        %dma_start3A_170 = arith.constant 0 : i32
        %dma_start3A_171 = arith.constant 0 : i32
        %dma_start3A_172 = tpu.memref_slice %arg7[%run_scoped3A_159, %dma_start3A_170, %dma_start3A_171] : memref<2x80x128xf32, #tpu.memory_space<vmem>> -> memref<1x80x128xf32, #tpu.memory_space<vmem>>
        %dma_start3A_173 = tpu.memref_squeeze %dma_start3A_172 : memref<1x80x128xf32, #tpu.memory_space<vmem>> -> memref<80x128xf32, #tpu.memory_space<vmem>>
        %dma_start3A_174 = arith.constant 0 : i32
        %dma_start3A_175 = tpu.memref_slice %arg5[%mul3A_158, %dma_start3A_174] : memref<10000x128xf32, #tpu.memory_space<vmem_shared>> -> memref<80x128xf32, #tpu.memory_space<vmem_shared>>
        tpu.enqueue_dma source(%dma_start3A_175 : memref<80x128xf32, #tpu.memory_space<vmem_shared>>) target(%dma_start3A_173 : memref<80x128xf32, #tpu.memory_space<vmem>>) target_semaphore(%run_scoped3A_163 : memref<!tpu.dma_semaphore, #tpu.memory_space<semaphore_mem>>)
        %dma_wait3A_176 = arith.constant 0 : i32
        %dma_wait3A_177 = arith.constant 0 : i32
        %dma_wait3A_178 = tpu.memref_slice %arg7[%run_scoped3A_159, %dma_wait3A_176, %dma_wait3A_177] : memref<2x80x128xf32, #tpu.memory_space<vmem>> -> memref<1x80x128xf32, #tpu.memory_space<vmem>>
        %dma_wait3A_179 = tpu.memref_squeeze %dma_wait3A_178 : memref<1x80x128xf32, #tpu.memory_space<vmem>> -> memref<80x128xf32, #tpu.memory_space<vmem>>
        %dma_wait3A_180 = arith.constant 0 : i32
        %dma_wait3A_181 = tpu.memref_slice %arg5[%mul3A_158, %dma_wait3A_180] : memref<10000x128xf32, #tpu.memory_space<vmem_shared>> -> memref<80x128xf32, #tpu.memory_space<vmem_shared>>
        %dma_wait3A_182 = arith.constant 0 : i32
        %dma_wait3A_183 = arith.constant 0 : i32
        %dma_wait3A_184 = tpu.memref_slice %arg7[%run_scoped3A_159, %dma_wait3A_182, %dma_wait3A_183] : memref<2x80x128xf32, #tpu.memory_space<vmem>> -> memref<1x80x128xf32, #tpu.memory_space<vmem>>
        %dma_wait3A_185 = tpu.memref_squeeze %dma_wait3A_184 : memref<1x80x128xf32, #tpu.memory_space<vmem>> -> memref<80x128xf32, #tpu.memory_space<vmem>>
        %dma_wait3A_186 = arith.constant 0 : i32
        %dma_wait3A_187 = tpu.memref_slice %arg5[%mul3A_158, %dma_wait3A_186] : memref<10000x128xf32, #tpu.memory_space<vmem_shared>> -> memref<80x128xf32, #tpu.memory_space<vmem_shared>>
        tpu.wait_dma2 semaphore(%run_scoped3A_163 : memref<!tpu.dma_semaphore, #tpu.memory_space<semaphore_mem>>) src(%dma_wait3A_187 : memref<80x128xf32, #tpu.memory_space<vmem_shared>>) dst(%dma_wait3A_185 : memref<80x128xf32, #tpu.memory_space<vmem>>)
        tpu.yield
      }) : () -> ()
      %mul3A_160 = arith.constant 80 : i32
      %mul3A_161 = arith.muli %add3A_102, %mul3A_160 : i32
      %run_scoped3A_162 = arith.constant 0 : i32
      "tpu.region"() ({
        %run_scoped3A_163 = tpu.sem_alloc : memref<!tpu.dma_semaphore, #tpu.memory_space<semaphore_mem>>
        %dma_start3A_164 = arith.constant 0 : i32
        %dma_start3A_165 = arith.constant 0 : i32
        %dma_start3A_166 = tpu.memref_slice %arg7[%run_scoped3A_162, %dma_start3A_164, %dma_start3A_165] : memref<2x80x128xf32, #tpu.memory_space<vmem>> -> memref<1x80x128xf32, #tpu.memory_space<vmem>>
        %dma_start3A_167 = tpu.memref_squeeze %dma_start3A_166 : memref<1x80x128xf32, #tpu.memory_space<vmem>> -> memref<80x128xf32, #tpu.memory_space<vmem>>
        %dma_start3A_168 = arith.constant 0 : i32
        %dma_start3A_169 = tpu.memref_slice %arg4[%arg0, %mul3A_161, %dma_start3A_168] : memref<2x10000x128xf32, #tpu.memory_space<hbm>> -> memref<1x80x128xf32, #tpu.memory_space<hbm>>
        %dma_start3A_170 = tpu.memref_squeeze %dma_start3A_169 : memref<1x80x128xf32, #tpu.memory_space<hbm>> -> memref<80x128xf32, #tpu.memory_space<hbm>>
        %dma_start3A_171 = arith.constant 0 : i32
        %dma_start3A_172 = tpu.memref_slice %arg4[%arg0, %mul3A_161, %dma_start3A_171] : memref<2x10000x128xf32, #tpu.memory_space<hbm>> -> memref<1x80x128xf32, #tpu.memory_space<hbm>>
        %dma_start3A_173 = tpu.memref_squeeze %dma_start3A_172 : memref<1x80x128xf32, #tpu.memory_space<hbm>> -> memref<80x128xf32, #tpu.memory_space<hbm>>
        %dma_start3A_174 = arith.constant 0 : i32
        %dma_start3A_175 = arith.constant 0 : i32
        %dma_start3A_176 = tpu.memref_slice %arg7[%run_scoped3A_162, %dma_start3A_174, %dma_start3A_175] : memref<2x80x128xf32, #tpu.memory_space<vmem>> -> memref<1x80x128xf32, #tpu.memory_space<vmem>>
        %dma_start3A_177 = tpu.memref_squeeze %dma_start3A_176 : memref<1x80x128xf32, #tpu.memory_space<vmem>> -> memref<80x128xf32, #tpu.memory_space<vmem>>
        tpu.enqueue_dma source(%dma_start3A_177 : memref<80x128xf32, #tpu.memory_space<vmem>>) target(%dma_start3A_173 : memref<80x128xf32, #tpu.memory_space<hbm>>) target_semaphore(%run_scoped3A_163 : memref<!tpu.dma_semaphore, #tpu.memory_space<semaphore_mem>>)
        %dma_wait3A_178 = arith.constant 0 : i32
        %dma_wait3A_179 = arith.constant 0 : i32
        %dma_wait3A_180 = tpu.memref_slice %arg7[%run_scoped3A_162, %dma_wait3A_178, %dma_wait3A_179] : memref<2x80x128xf32, #tpu.memory_space<vmem>> -> memref<1x80x128xf32, #tpu.memory_space<vmem>>
        %dma_wait3A_181 = tpu.memref_squeeze %dma_wait3A_180 : memref<1x80x128xf32, #tpu.memory_space<vmem>> -> memref<80x128xf32, #tpu.memory_space<vmem>>
        %dma_wait3A_182 = arith.constant 0 : i32
        %dma_wait3A_183 = tpu.memref_slice %arg4[%arg0, %mul3A_161, %dma_wait3A_182] : memref<2x10000x128xf32, #tpu.memory_space<hbm>> -> memref<1x80x128xf32, #tpu.memory_space<hbm>>
        %dma_wait3A_184 = tpu.memref_squeeze %dma_wait3A_183 : memref<1x80x128xf32, #tpu.memory_space<hbm>> -> memref<80x128xf32, #tpu.memory_space<hbm>>
        %dma_wait3A_185 = arith.constant 0 : i32
        %dma_wait3A_186 = tpu.memref_slice %arg4[%arg0, %mul3A_161, %dma_wait3A_185] : memref<2x10000x128xf32, #tpu.memory_space<hbm>> -> memref<1x80x128xf32, #tpu.memory_space<hbm>>
        %dma_wait3A_187 = tpu.memref_squeeze %dma_wait3A_186 : memref<1x80x128xf32, #tpu.memory_space<hbm>> -> memref<80x128xf32, #tpu.memory_space<hbm>>
        %dma_wait3A_188 = arith.constant 0 : i32
        %dma_wait3A_189 = arith.constant 0 : i32
        %dma_wait3A_190 = tpu.memref_slice %arg7[%run_scoped3A_162, %dma_wait3A_188, %dma_wait3A_189] : memref<2x80x128xf32, #tpu.memory_space<vmem>> -> memref<1x80x128xf32, #tpu.memory_space<vmem>>
        %dma_wait3A_191 = tpu.memref_squeeze %dma_wait3A_190 : memref<1x80x128xf32, #tpu.memory_space<vmem>> -> memref<80x128xf32, #tpu.memory_space<vmem>>
        tpu.wait_dma2 semaphore(%run_scoped3A_163 : memref<!tpu.dma_semaphore, #tpu.memory_space<semaphore_mem>>) src(%dma_wait3A_191 : memref<80x128xf32, #tpu.memory_space<vmem>>) dst(%dma_wait3A_187 : memref<80x128xf32, #tpu.memory_space<hbm>>)
        tpu.yield
      }) : () -> ()
    } else {
    }
    %add3A_108 = arith.constant 16 : i32
    %add3A_109 = arith.addi %arg1, %add3A_108 : i32
    %lt3A_110 = arith.constant 125 : i32
    %lt3A_111 = arith.cmpi slt, %add3A_109, %lt3A_110 : i32
    %convert_element_type3A_112 = arith.extui %lt3A_111 : i1 to i32
    %cond3A_113 = arith.constant 0 : i32
    %cond3A_114 = arith.cmpi ne, %convert_element_type3A_112, %cond3A_113 : i32
    scf.if %cond3A_114 {
      %mul3A_157 = arith.constant 80 : i32
      %mul3A_158 = arith.muli %add3A_109, %mul3A_157 : i32
      %run_scoped3A_159 = arith.constant 0 : i32
      "tpu.region"() ({
        %run_scoped3A_163 = tpu.sem_alloc : memref<!tpu.dma_semaphore, #tpu.memory_space<semaphore_mem>>
        %dma_start3A_164 = arith.constant 0 : i32
        %dma_start3A_165 = arith.constant 0 : i32
        %dma_start3A_166 = tpu.memref_slice %arg7[%run_scoped3A_159, %dma_start3A_164, %dma_start3A_165] : memref<2x80x128xf32, #tpu.memory_space<vmem>> -> memref<1x80x128xf32, #tpu.memory_space<vmem>>
        %dma_start3A_167 = tpu.memref_squeeze %dma_start3A_166 : memref<1x80x128xf32, #tpu.memory_space<vmem>> -> memref<80x128xf32, #tpu.memory_space<vmem>>
        %dma_start3A_168 = arith.constant 0 : i32
        %dma_start3A_169 = tpu.memref_slice %arg5[%mul3A_158, %dma_start3A_168] : memref<10000x128xf32, #tpu.memory_space<vmem_shared>> -> memref<80x128xf32, #tpu.memory_space<vmem_shared>>
        %dma_start3A_170 = arith.constant 0 : i32
        %dma_start3A_171 = arith.constant 0 : i32
        %dma_start3A_172 = tpu.memref_slice %arg7[%run_scoped3A_159, %dma_start3A_170, %dma_start3A_171] : memref<2x80x128xf32, #tpu.memory_space<vmem>> -> memref<1x80x128xf32, #tpu.memory_space<vmem>>
        %dma_start3A_173 = tpu.memref_squeeze %dma_start3A_172 : memref<1x80x128xf32, #tpu.memory_space<vmem>> -> memref<80x128xf32, #tpu.memory_space<vmem>>
        %dma_start3A_174 = arith.constant 0 : i32
        %dma_start3A_175 = tpu.memref_slice %arg5[%mul3A_158, %dma_start3A_174] : memref<10000x128xf32, #tpu.memory_space<vmem_shared>> -> memref<80x128xf32, #tpu.memory_space<vmem_shared>>
        tpu.enqueue_dma source(%dma_start3A_175 : memref<80x128xf32, #tpu.memory_space<vmem_shared>>) target(%dma_start3A_173 : memref<80x128xf32, #tpu.memory_space<vmem>>) target_semaphore(%run_scoped3A_163 : memref<!tpu.dma_semaphore, #tpu.memory_space<semaphore_mem>>)
        %dma_wait3A_176 = arith.constant 0 : i32
        %dma_wait3A_177 = arith.constant 0 : i32
        %dma_wait3A_178 = tpu.memref_slice %arg7[%run_scoped3A_159, %dma_wait3A_176, %dma_wait3A_177] : memref<2x80x128xf32, #tpu.memory_space<vmem>> -> memref<1x80x128xf32, #tpu.memory_space<vmem>>
        %dma_wait3A_179 = tpu.memref_squeeze %dma_wait3A_178 : memref<1x80x128xf32, #tpu.memory_space<vmem>> -> memref<80x128xf32, #tpu.memory_space<vmem>>
        %dma_wait3A_180 = arith.constant 0 : i32
        %dma_wait3A_181 = tpu.memref_slice %arg5[%mul3A_158, %dma_wait3A_180] : memref<10000x128xf32, #tpu.memory_space<vmem_shared>> -> memref<80x128xf32, #tpu.memory_space<vmem_shared>>
        %dma_wait3A_182 = arith.constant 0 : i32
        %dma_wait3A_183 = arith.constant 0 : i32
        %dma_wait3A_184 = tpu.memref_slice %arg7[%run_scoped3A_159, %dma_wait3A_182, %dma_wait3A_183] : memref<2x80x128xf32, #tpu.memory_space<vmem>> -> memref<1x80x128xf32, #tpu.memory_space<vmem>>
        %dma_wait3A_185 = tpu.memref_squeeze %dma_wait3A_184 : memref<1x80x128xf32, #tpu.memory_space<vmem>> -> memref<80x128xf32, #tpu.memory_space<vmem>>
        %dma_wait3A_186 = arith.constant 0 : i32
        %dma_wait3A_187 = tpu.memref_slice %arg5[%mul3A_158, %dma_wait3A_186] : memref<10000x128xf32, #tpu.memory_space<vmem_shared>> -> memref<80x128xf32, #tpu.memory_space<vmem_shared>>
        tpu.wait_dma2 semaphore(%run_scoped3A_163 : memref<!tpu.dma_semaphore, #tpu.memory_space<semaphore_mem>>) src(%dma_wait3A_187 : memref<80x128xf32, #tpu.memory_space<vmem_shared>>) dst(%dma_wait3A_185 : memref<80x128xf32, #tpu.memory_space<vmem>>)
        tpu.yield
      }) : () -> ()
      %mul3A_160 = arith.constant 80 : i32
      %mul3A_161 = arith.muli %add3A_109, %mul3A_160 : i32
      %run_scoped3A_162 = arith.constant 0 : i32
      "tpu.region"() ({
        %run_scoped3A_163 = tpu.sem_alloc : memref<!tpu.dma_semaphore, #tpu.memory_space<semaphore_mem>>
        %dma_start3A_164 = arith.constant 0 : i32
        %dma_start3A_165 = arith.constant 0 : i32
        %dma_start3A_166 = tpu.memref_slice %arg7[%run_scoped3A_162, %dma_start3A_164, %dma_start3A_165] : memref<2x80x128xf32, #tpu.memory_space<vmem>> -> memref<1x80x128xf32, #tpu.memory_space<vmem>>
        %dma_start3A_167 = tpu.memref_squeeze %dma_start3A_166 : memref<1x80x128xf32, #tpu.memory_space<vmem>> -> memref<80x128xf32, #tpu.memory_space<vmem>>
        %dma_start3A_168 = arith.constant 0 : i32
        %dma_start3A_169 = tpu.memref_slice %arg4[%arg0, %mul3A_161, %dma_start3A_168] : memref<2x10000x128xf32, #tpu.memory_space<hbm>> -> memref<1x80x128xf32, #tpu.memory_space<hbm>>
        %dma_start3A_170 = tpu.memref_squeeze %dma_start3A_169 : memref<1x80x128xf32, #tpu.memory_space<hbm>> -> memref<80x128xf32, #tpu.memory_space<hbm>>
        %dma_start3A_171 = arith.constant 0 : i32
        %dma_start3A_172 = tpu.memref_slice %arg4[%arg0, %mul3A_161, %dma_start3A_171] : memref<2x10000x128xf32, #tpu.memory_space<hbm>> -> memref<1x80x128xf32, #tpu.memory_space<hbm>>
        %dma_start3A_173 = tpu.memref_squeeze %dma_start3A_172 : memref<1x80x128xf32, #tpu.memory_space<hbm>> -> memref<80x128xf32, #tpu.memory_space<hbm>>
        %dma_start3A_174 = arith.constant 0 : i32
        %dma_start3A_175 = arith.constant 0 : i32
        %dma_start3A_176 = tpu.memref_slice %arg7[%run_scoped3A_162, %dma_start3A_174, %dma_start3A_175] : memref<2x80x128xf32, #tpu.memory_space<vmem>> -> memref<1x80x128xf32, #tpu.memory_space<vmem>>
        %dma_start3A_177 = tpu.memref_squeeze %dma_start3A_176 : memref<1x80x128xf32, #tpu.memory_space<vmem>> -> memref<80x128xf32, #tpu.memory_space<vmem>>
        tpu.enqueue_dma source(%dma_start3A_177 : memref<80x128xf32, #tpu.memory_space<vmem>>) target(%dma_start3A_173 : memref<80x128xf32, #tpu.memory_space<hbm>>) target_semaphore(%run_scoped3A_163 : memref<!tpu.dma_semaphore, #tpu.memory_space<semaphore_mem>>)
        %dma_wait3A_178 = arith.constant 0 : i32
        %dma_wait3A_179 = arith.constant 0 : i32
        %dma_wait3A_180 = tpu.memref_slice %arg7[%run_scoped3A_162, %dma_wait3A_178, %dma_wait3A_179] : memref<2x80x128xf32, #tpu.memory_space<vmem>> -> memref<1x80x128xf32, #tpu.memory_space<vmem>>
        %dma_wait3A_181 = tpu.memref_squeeze %dma_wait3A_180 : memref<1x80x128xf32, #tpu.memory_space<vmem>> -> memref<80x128xf32, #tpu.memory_space<vmem>>
        %dma_wait3A_182 = arith.constant 0 : i32
        %dma_wait3A_183 = tpu.memref_slice %arg4[%arg0, %mul3A_161, %dma_wait3A_182] : memref<2x10000x128xf32, #tpu.memory_space<hbm>> -> memref<1x80x128xf32, #tpu.memory_space<hbm>>
        %dma_wait3A_184 = tpu.memref_squeeze %dma_wait3A_183 : memref<1x80x128xf32, #tpu.memory_space<hbm>> -> memref<80x128xf32, #tpu.memory_space<hbm>>
        %dma_wait3A_185 = arith.constant 0 : i32
        %dma_wait3A_186 = tpu.memref_slice %arg4[%arg0, %mul3A_161, %dma_wait3A_185] : memref<2x10000x128xf32, #tpu.memory_space<hbm>> -> memref<1x80x128xf32, #tpu.memory_space<hbm>>
        %dma_wait3A_187 = tpu.memref_squeeze %dma_wait3A_186 : memref<1x80x128xf32, #tpu.memory_space<hbm>> -> memref<80x128xf32, #tpu.memory_space<hbm>>
        %dma_wait3A_188 = arith.constant 0 : i32
        %dma_wait3A_189 = arith.constant 0 : i32
        %dma_wait3A_190 = tpu.memref_slice %arg7[%run_scoped3A_162, %dma_wait3A_188, %dma_wait3A_189] : memref<2x80x128xf32, #tpu.memory_space<vmem>> -> memref<1x80x128xf32, #tpu.memory_space<vmem>>
        %dma_wait3A_191 = tpu.memref_squeeze %dma_wait3A_190 : memref<1x80x128xf32, #tpu.memory_space<vmem>> -> memref<80x128xf32, #tpu.memory_space<vmem>>
        tpu.wait_dma2 semaphore(%run_scoped3A_163 : memref<!tpu.dma_semaphore, #tpu.memory_space<semaphore_mem>>) src(%dma_wait3A_191 : memref<80x128xf32, #tpu.memory_space<vmem>>) dst(%dma_wait3A_187 : memref<80x128xf32, #tpu.memory_space<hbm>>)
        tpu.yield
      }) : () -> ()
    } else {
    }
    %add3A_115 = arith.constant 32 : i32
    %add3A_116 = arith.addi %arg1, %add3A_115 : i32
    %lt3A_117 = arith.constant 125 : i32
    %lt3A_118 = arith.cmpi slt, %add3A_116, %lt3A_117 : i32
    %convert_element_type3A_119 = arith.extui %lt3A_118 : i1 to i32
    %cond3A_120 = arith.constant 0 : i32
    %cond3A_121 = arith.cmpi ne, %convert_element_type3A_119, %cond3A_120 : i32
    scf.if %cond3A_121 {
      %mul3A_157 = arith.constant 80 : i32
      %mul3A_158 = arith.muli %add3A_116, %mul3A_157 : i32
      %run_scoped3A_159 = arith.constant 0 : i32
      "tpu.region"() ({
        %run_scoped3A_163 = tpu.sem_alloc : memref<!tpu.dma_semaphore, #tpu.memory_space<semaphore_mem>>
        %dma_start3A_164 = arith.constant 0 : i32
        %dma_start3A_165 = arith.constant 0 : i32
        %dma_start3A_166 = tpu.memref_slice %arg7[%run_scoped3A_159, %dma_start3A_164, %dma_start3A_165] : memref<2x80x128xf32, #tpu.memory_space<vmem>> -> memref<1x80x128xf32, #tpu.memory_space<vmem>>
        %dma_start3A_167 = tpu.memref_squeeze %dma_start3A_166 : memref<1x80x128xf32, #tpu.memory_space<vmem>> -> memref<80x128xf32, #tpu.memory_space<vmem>>
        %dma_start3A_168 = arith.constant 0 : i32
        %dma_start3A_169 = tpu.memref_slice %arg5[%mul3A_158, %dma_start3A_168] : memref<10000x128xf32, #tpu.memory_space<vmem_shared>> -> memref<80x128xf32, #tpu.memory_space<vmem_shared>>
        %dma_start3A_170 = arith.constant 0 : i32
        %dma_start3A_171 = arith.constant 0 : i32
        %dma_start3A_172 = tpu.memref_slice %arg7[%run_scoped3A_159, %dma_start3A_170, %dma_start3A_171] : memref<2x80x128xf32, #tpu.memory_space<vmem>> -> memref<1x80x128xf32, #tpu.memory_space<vmem>>
        %dma_start3A_173 = tpu.memref_squeeze %dma_start3A_172 : memref<1x80x128xf32, #tpu.memory_space<vmem>> -> memref<80x128xf32, #tpu.memory_space<vmem>>
        %dma_start3A_174 = arith.constant 0 : i32
        %dma_start3A_175 = tpu.memref_slice %arg5[%mul3A_158, %dma_start3A_174] : memref<10000x128xf32, #tpu.memory_space<vmem_shared>> -> memref<80x128xf32, #tpu.memory_space<vmem_shared>>
        tpu.enqueue_dma source(%dma_start3A_175 : memref<80x128xf32, #tpu.memory_space<vmem_shared>>) target(%dma_start3A_173 : memref<80x128xf32, #tpu.memory_space<vmem>>) target_semaphore(%run_scoped3A_163 : memref<!tpu.dma_semaphore, #tpu.memory_space<semaphore_mem>>)
        %dma_wait3A_176 = arith.constant 0 : i32
        %dma_wait3A_177 = arith.constant 0 : i32
        %dma_wait3A_178 = tpu.memref_slice %arg7[%run_scoped3A_159, %dma_wait3A_176, %dma_wait3A_177] : memref<2x80x128xf32, #tpu.memory_space<vmem>> -> memref<1x80x128xf32, #tpu.memory_space<vmem>>
        %dma_wait3A_179 = tpu.memref_squeeze %dma_wait3A_178 : memref<1x80x128xf32, #tpu.memory_space<vmem>> -> memref<80x128xf32, #tpu.memory_space<vmem>>
        %dma_wait3A_180 = arith.constant 0 : i32
        %dma_wait3A_181 = tpu.memref_slice %arg5[%mul3A_158, %dma_wait3A_180] : memref<10000x128xf32, #tpu.memory_space<vmem_shared>> -> memref<80x128xf32, #tpu.memory_space<vmem_shared>>
        %dma_wait3A_182 = arith.constant 0 : i32
        %dma_wait3A_183 = arith.constant 0 : i32
        %dma_wait3A_184 = tpu.memref_slice %arg7[%run_scoped3A_159, %dma_wait3A_182, %dma_wait3A_183] : memref<2x80x128xf32, #tpu.memory_space<vmem>> -> memref<1x80x128xf32, #tpu.memory_space<vmem>>
        %dma_wait3A_185 = tpu.memref_squeeze %dma_wait3A_184 : memref<1x80x128xf32, #tpu.memory_space<vmem>> -> memref<80x128xf32, #tpu.memory_space<vmem>>
        %dma_wait3A_186 = arith.constant 0 : i32
        %dma_wait3A_187 = tpu.memref_slice %arg5[%mul3A_158, %dma_wait3A_186] : memref<10000x128xf32, #tpu.memory_space<vmem_shared>> -> memref<80x128xf32, #tpu.memory_space<vmem_shared>>
        tpu.wait_dma2 semaphore(%run_scoped3A_163 : memref<!tpu.dma_semaphore, #tpu.memory_space<semaphore_mem>>) src(%dma_wait3A_187 : memref<80x128xf32, #tpu.memory_space<vmem_shared>>) dst(%dma_wait3A_185 : memref<80x128xf32, #tpu.memory_space<vmem>>)
        tpu.yield
      }) : () -> ()
      %mul3A_160 = arith.constant 80 : i32
      %mul3A_161 = arith.muli %add3A_116, %mul3A_160 : i32
      %run_scoped3A_162 = arith.constant 0 : i32
      "tpu.region"() ({
        %run_scoped3A_163 = tpu.sem_alloc : memref<!tpu.dma_semaphore, #tpu.memory_space<semaphore_mem>>
        %dma_start3A_164 = arith.constant 0 : i32
        %dma_start3A_165 = arith.constant 0 : i32
        %dma_start3A_166 = tpu.memref_slice %arg7[%run_scoped3A_162, %dma_start3A_164, %dma_start3A_165] : memref<2x80x128xf32, #tpu.memory_space<vmem>> -> memref<1x80x128xf32, #tpu.memory_space<vmem>>
        %dma_start3A_167 = tpu.memref_squeeze %dma_start3A_166 : memref<1x80x128xf32, #tpu.memory_space<vmem>> -> memref<80x128xf32, #tpu.memory_space<vmem>>
        %dma_start3A_168 = arith.constant 0 : i32
        %dma_start3A_169 = tpu.memref_slice %arg4[%arg0, %mul3A_161, %dma_start3A_168] : memref<2x10000x128xf32, #tpu.memory_space<hbm>> -> memref<1x80x128xf32, #tpu.memory_space<hbm>>
        %dma_start3A_170 = tpu.memref_squeeze %dma_start3A_169 : memref<1x80x128xf32, #tpu.memory_space<hbm>> -> memref<80x128xf32, #tpu.memory_space<hbm>>
        %dma_start3A_171 = arith.constant 0 : i32
        %dma_start3A_172 = tpu.memref_slice %arg4[%arg0, %mul3A_161, %dma_start3A_171] : memref<2x10000x128xf32, #tpu.memory_space<hbm>> -> memref<1x80x128xf32, #tpu.memory_space<hbm>>
        %dma_start3A_173 = tpu.memref_squeeze %dma_start3A_172 : memref<1x80x128xf32, #tpu.memory_space<hbm>> -> memref<80x128xf32, #tpu.memory_space<hbm>>
        %dma_start3A_174 = arith.constant 0 : i32
        %dma_start3A_175 = arith.constant 0 : i32
        %dma_start3A_176 = tpu.memref_slice %arg7[%run_scoped3A_162, %dma_start3A_174, %dma_start3A_175] : memref<2x80x128xf32, #tpu.memory_space<vmem>> -> memref<1x80x128xf32, #tpu.memory_space<vmem>>
        %dma_start3A_177 = tpu.memref_squeeze %dma_start3A_176 : memref<1x80x128xf32, #tpu.memory_space<vmem>> -> memref<80x128xf32, #tpu.memory_space<vmem>>
        tpu.enqueue_dma source(%dma_start3A_177 : memref<80x128xf32, #tpu.memory_space<vmem>>) target(%dma_start3A_173 : memref<80x128xf32, #tpu.memory_space<hbm>>) target_semaphore(%run_scoped3A_163 : memref<!tpu.dma_semaphore, #tpu.memory_space<semaphore_mem>>)
        %dma_wait3A_178 = arith.constant 0 : i32
        %dma_wait3A_179 = arith.constant 0 : i32
        %dma_wait3A_180 = tpu.memref_slice %arg7[%run_scoped3A_162, %dma_wait3A_178, %dma_wait3A_179] : memref<2x80x128xf32, #tpu.memory_space<vmem>> -> memref<1x80x128xf32, #tpu.memory_space<vmem>>
        %dma_wait3A_181 = tpu.memref_squeeze %dma_wait3A_180 : memref<1x80x128xf32, #tpu.memory_space<vmem>> -> memref<80x128xf32, #tpu.memory_space<vmem>>
        %dma_wait3A_182 = arith.constant 0 : i32
        %dma_wait3A_183 = tpu.memref_slice %arg4[%arg0, %mul3A_161, %dma_wait3A_182] : memref<2x10000x128xf32, #tpu.memory_space<hbm>> -> memref<1x80x128xf32, #tpu.memory_space<hbm>>
        %dma_wait3A_184 = tpu.memref_squeeze %dma_wait3A_183 : memref<1x80x128xf32, #tpu.memory_space<hbm>> -> memref<80x128xf32, #tpu.memory_space<hbm>>
        %dma_wait3A_185 = arith.constant 0 : i32
        %dma_wait3A_186 = tpu.memref_slice %arg4[%arg0, %mul3A_161, %dma_wait3A_185] : memref<2x10000x128xf32, #tpu.memory_space<hbm>> -> memref<1x80x128xf32, #tpu.memory_space<hbm>>
        %dma_wait3A_187 = tpu.memref_squeeze %dma_wait3A_186 : memref<1x80x128xf32, #tpu.memory_space<hbm>> -> memref<80x128xf32, #tpu.memory_space<hbm>>
        %dma_wait3A_188 = arith.constant 0 : i32
        %dma_wait3A_189 = arith.constant 0 : i32
        %dma_wait3A_190 = tpu.memref_slice %arg7[%run_scoped3A_162, %dma_wait3A_188, %dma_wait3A_189] : memref<2x80x128xf32, #tpu.memory_space<vmem>> -> memref<1x80x128xf32, #tpu.memory_space<vmem>>
        %dma_wait3A_191 = tpu.memref_squeeze %dma_wait3A_190 : memref<1x80x128xf32, #tpu.memory_space<vmem>> -> memref<80x128xf32, #tpu.memory_space<vmem>>
        tpu.wait_dma2 semaphore(%run_scoped3A_163 : memref<!tpu.dma_semaphore, #tpu.memory_space<semaphore_mem>>) src(%dma_wait3A_191 : memref<80x128xf32, #tpu.memory_space<vmem>>) dst(%dma_wait3A_187 : memref<80x128xf32, #tpu.memory_space<hbm>>)
        tpu.yield
      }) : () -> ()
    } else {
    }
    %add3A_122 = arith.constant 48 : i32
    %add3A_123 = arith.addi %arg1, %add3A_122 : i32
    %lt3A_124 = arith.constant 125 : i32
    %lt3A_125 = arith.cmpi slt, %add3A_123, %lt3A_124 : i32
    %convert_element_type3A_126 = arith.extui %lt3A_125 : i1 to i32
    %cond3A_127 = arith.constant 0 : i32
    %cond3A_128 = arith.cmpi ne, %convert_element_type3A_126, %cond3A_127 : i32
    scf.if %cond3A_128 {
      %mul3A_157 = arith.constant 80 : i32
      %mul3A_158 = arith.muli %add3A_123, %mul3A_157 : i32
      %run_scoped3A_159 = arith.constant 0 : i32
      "tpu.region"() ({
        %run_scoped3A_163 = tpu.sem_alloc : memref<!tpu.dma_semaphore, #tpu.memory_space<semaphore_mem>>
        %dma_start3A_164 = arith.constant 0 : i32
        %dma_start3A_165 = arith.constant 0 : i32
        %dma_start3A_166 = tpu.memref_slice %arg7[%run_scoped3A_159, %dma_start3A_164, %dma_start3A_165] : memref<2x80x128xf32, #tpu.memory_space<vmem>> -> memref<1x80x128xf32, #tpu.memory_space<vmem>>
        %dma_start3A_167 = tpu.memref_squeeze %dma_start3A_166 : memref<1x80x128xf32, #tpu.memory_space<vmem>> -> memref<80x128xf32, #tpu.memory_space<vmem>>
        %dma_start3A_168 = arith.constant 0 : i32
        %dma_start3A_169 = tpu.memref_slice %arg5[%mul3A_158, %dma_start3A_168] : memref<10000x128xf32, #tpu.memory_space<vmem_shared>> -> memref<80x128xf32, #tpu.memory_space<vmem_shared>>
        %dma_start3A_170 = arith.constant 0 : i32
        %dma_start3A_171 = arith.constant 0 : i32
        %dma_start3A_172 = tpu.memref_slice %arg7[%run_scoped3A_159, %dma_start3A_170, %dma_start3A_171] : memref<2x80x128xf32, #tpu.memory_space<vmem>> -> memref<1x80x128xf32, #tpu.memory_space<vmem>>
        %dma_start3A_173 = tpu.memref_squeeze %dma_start3A_172 : memref<1x80x128xf32, #tpu.memory_space<vmem>> -> memref<80x128xf32, #tpu.memory_space<vmem>>
        %dma_start3A_174 = arith.constant 0 : i32
        %dma_start3A_175 = tpu.memref_slice %arg5[%mul3A_158, %dma_start3A_174] : memref<10000x128xf32, #tpu.memory_space<vmem_shared>> -> memref<80x128xf32, #tpu.memory_space<vmem_shared>>
        tpu.enqueue_dma source(%dma_start3A_175 : memref<80x128xf32, #tpu.memory_space<vmem_shared>>) target(%dma_start3A_173 : memref<80x128xf32, #tpu.memory_space<vmem>>) target_semaphore(%run_scoped3A_163 : memref<!tpu.dma_semaphore, #tpu.memory_space<semaphore_mem>>)
        %dma_wait3A_176 = arith.constant 0 : i32
        %dma_wait3A_177 = arith.constant 0 : i32
        %dma_wait3A_178 = tpu.memref_slice %arg7[%run_scoped3A_159, %dma_wait3A_176, %dma_wait3A_177] : memref<2x80x128xf32, #tpu.memory_space<vmem>> -> memref<1x80x128xf32, #tpu.memory_space<vmem>>
        %dma_wait3A_179 = tpu.memref_squeeze %dma_wait3A_178 : memref<1x80x128xf32, #tpu.memory_space<vmem>> -> memref<80x128xf32, #tpu.memory_space<vmem>>
        %dma_wait3A_180 = arith.constant 0 : i32
        %dma_wait3A_181 = tpu.memref_slice %arg5[%mul3A_158, %dma_wait3A_180] : memref<10000x128xf32, #tpu.memory_space<vmem_shared>> -> memref<80x128xf32, #tpu.memory_space<vmem_shared>>
        %dma_wait3A_182 = arith.constant 0 : i32
        %dma_wait3A_183 = arith.constant 0 : i32
        %dma_wait3A_184 = tpu.memref_slice %arg7[%run_scoped3A_159, %dma_wait3A_182, %dma_wait3A_183] : memref<2x80x128xf32, #tpu.memory_space<vmem>> -> memref<1x80x128xf32, #tpu.memory_space<vmem>>
        %dma_wait3A_185 = tpu.memref_squeeze %dma_wait3A_184 : memref<1x80x128xf32, #tpu.memory_space<vmem>> -> memref<80x128xf32, #tpu.memory_space<vmem>>
        %dma_wait3A_186 = arith.constant 0 : i32
        %dma_wait3A_187 = tpu.memref_slice %arg5[%mul3A_158, %dma_wait3A_186] : memref<10000x128xf32, #tpu.memory_space<vmem_shared>> -> memref<80x128xf32, #tpu.memory_space<vmem_shared>>
        tpu.wait_dma2 semaphore(%run_scoped3A_163 : memref<!tpu.dma_semaphore, #tpu.memory_space<semaphore_mem>>) src(%dma_wait3A_187 : memref<80x128xf32, #tpu.memory_space<vmem_shared>>) dst(%dma_wait3A_185 : memref<80x128xf32, #tpu.memory_space<vmem>>)
        tpu.yield
      }) : () -> ()
      %mul3A_160 = arith.constant 80 : i32
      %mul3A_161 = arith.muli %add3A_123, %mul3A_160 : i32
      %run_scoped3A_162 = arith.constant 0 : i32
      "tpu.region"() ({
        %run_scoped3A_163 = tpu.sem_alloc : memref<!tpu.dma_semaphore, #tpu.memory_space<semaphore_mem>>
        %dma_start3A_164 = arith.constant 0 : i32
        %dma_start3A_165 = arith.constant 0 : i32
        %dma_start3A_166 = tpu.memref_slice %arg7[%run_scoped3A_162, %dma_start3A_164, %dma_start3A_165] : memref<2x80x128xf32, #tpu.memory_space<vmem>> -> memref<1x80x128xf32, #tpu.memory_space<vmem>>
        %dma_start3A_167 = tpu.memref_squeeze %dma_start3A_166 : memref<1x80x128xf32, #tpu.memory_space<vmem>> -> memref<80x128xf32, #tpu.memory_space<vmem>>
        %dma_start3A_168 = arith.constant 0 : i32
        %dma_start3A_169 = tpu.memref_slice %arg4[%arg0, %mul3A_161, %dma_start3A_168] : memref<2x10000x128xf32, #tpu.memory_space<hbm>> -> memref<1x80x128xf32, #tpu.memory_space<hbm>>
        %dma_start3A_170 = tpu.memref_squeeze %dma_start3A_169 : memref<1x80x128xf32, #tpu.memory_space<hbm>> -> memref<80x128xf32, #tpu.memory_space<hbm>>
        %dma_start3A_171 = arith.constant 0 : i32
        %dma_start3A_172 = tpu.memref_slice %arg4[%arg0, %mul3A_161, %dma_start3A_171] : memref<2x10000x128xf32, #tpu.memory_space<hbm>> -> memref<1x80x128xf32, #tpu.memory_space<hbm>>
        %dma_start3A_173 = tpu.memref_squeeze %dma_start3A_172 : memref<1x80x128xf32, #tpu.memory_space<hbm>> -> memref<80x128xf32, #tpu.memory_space<hbm>>
        %dma_start3A_174 = arith.constant 0 : i32
        %dma_start3A_175 = arith.constant 0 : i32
        %dma_start3A_176 = tpu.memref_slice %arg7[%run_scoped3A_162, %dma_start3A_174, %dma_start3A_175] : memref<2x80x128xf32, #tpu.memory_space<vmem>> -> memref<1x80x128xf32, #tpu.memory_space<vmem>>
        %dma_start3A_177 = tpu.memref_squeeze %dma_start3A_176 : memref<1x80x128xf32, #tpu.memory_space<vmem>> -> memref<80x128xf32, #tpu.memory_space<vmem>>
        tpu.enqueue_dma source(%dma_start3A_177 : memref<80x128xf32, #tpu.memory_space<vmem>>) target(%dma_start3A_173 : memref<80x128xf32, #tpu.memory_space<hbm>>) target_semaphore(%run_scoped3A_163 : memref<!tpu.dma_semaphore, #tpu.memory_space<semaphore_mem>>)
        %dma_wait3A_178 = arith.constant 0 : i32
        %dma_wait3A_179 = arith.constant 0 : i32
        %dma_wait3A_180 = tpu.memref_slice %arg7[%run_scoped3A_162, %dma_wait3A_178, %dma_wait3A_179] : memref<2x80x128xf32, #tpu.memory_space<vmem>> -> memref<1x80x128xf32, #tpu.memory_space<vmem>>
        %dma_wait3A_181 = tpu.memref_squeeze %dma_wait3A_180 : memref<1x80x128xf32, #tpu.memory_space<vmem>> -> memref<80x128xf32, #tpu.memory_space<vmem>>
        %dma_wait3A_182 = arith.constant 0 : i32
        %dma_wait3A_183 = tpu.memref_slice %arg4[%arg0, %mul3A_161, %dma_wait3A_182] : memref<2x10000x128xf32, #tpu.memory_space<hbm>> -> memref<1x80x128xf32, #tpu.memory_space<hbm>>
        %dma_wait3A_184 = tpu.memref_squeeze %dma_wait3A_183 : memref<1x80x128xf32, #tpu.memory_space<hbm>> -> memref<80x128xf32, #tpu.memory_space<hbm>>
        %dma_wait3A_185 = arith.constant 0 : i32
        %dma_wait3A_186 = tpu.memref_slice %arg4[%arg0, %mul3A_161, %dma_wait3A_185] : memref<2x10000x128xf32, #tpu.memory_space<hbm>> -> memref<1x80x128xf32, #tpu.memory_space<hbm>>
        %dma_wait3A_187 = tpu.memref_squeeze %dma_wait3A_186 : memref<1x80x128xf32, #tpu.memory_space<hbm>> -> memref<80x128xf32, #tpu.memory_space<hbm>>
        %dma_wait3A_188 = arith.constant 0 : i32
        %dma_wait3A_189 = arith.constant 0 : i32
        %dma_wait3A_190 = tpu.memref_slice %arg7[%run_scoped3A_162, %dma_wait3A_188, %dma_wait3A_189] : memref<2x80x128xf32, #tpu.memory_space<vmem>> -> memref<1x80x128xf32, #tpu.memory_space<vmem>>
        %dma_wait3A_191 = tpu.memref_squeeze %dma_wait3A_190 : memref<1x80x128xf32, #tpu.memory_space<vmem>> -> memref<80x128xf32, #tpu.memory_space<vmem>>
        tpu.wait_dma2 semaphore(%run_scoped3A_163 : memref<!tpu.dma_semaphore, #tpu.memory_space<semaphore_mem>>) src(%dma_wait3A_191 : memref<80x128xf32, #tpu.memory_space<vmem>>) dst(%dma_wait3A_187 : memref<80x128xf32, #tpu.memory_space<hbm>>)
        tpu.yield
      }) : () -> ()
    } else {
    }
    %add3A_129 = arith.constant 64 : i32
    %add3A_130 = arith.addi %arg1, %add3A_129 : i32
    %lt3A_131 = arith.constant 125 : i32
    %lt3A_132 = arith.cmpi slt, %add3A_130, %lt3A_131 : i32
    %convert_element_type3A_133 = arith.extui %lt3A_132 : i1 to i32
    %cond3A_134 = arith.constant 0 : i32
    %cond3A_135 = arith.cmpi ne, %convert_element_type3A_133, %cond3A_134 : i32
    scf.if %cond3A_135 {
      %mul3A_157 = arith.constant 80 : i32
      %mul3A_158 = arith.muli %add3A_130, %mul3A_157 : i32
      %run_scoped3A_159 = arith.constant 0 : i32
      "tpu.region"() ({
        %run_scoped3A_163 = tpu.sem_alloc : memref<!tpu.dma_semaphore, #tpu.memory_space<semaphore_mem>>
        %dma_start3A_164 = arith.constant 0 : i32
        %dma_start3A_165 = arith.constant 0 : i32
        %dma_start3A_166 = tpu.memref_slice %arg7[%run_scoped3A_159, %dma_start3A_164, %dma_start3A_165] : memref<2x80x128xf32, #tpu.memory_space<vmem>> -> memref<1x80x128xf32, #tpu.memory_space<vmem>>
        %dma_start3A_167 = tpu.memref_squeeze %dma_start3A_166 : memref<1x80x128xf32, #tpu.memory_space<vmem>> -> memref<80x128xf32, #tpu.memory_space<vmem>>
        %dma_start3A_168 = arith.constant 0 : i32
        %dma_start3A_169 = tpu.memref_slice %arg5[%mul3A_158, %dma_start3A_168] : memref<10000x128xf32, #tpu.memory_space<vmem_shared>> -> memref<80x128xf32, #tpu.memory_space<vmem_shared>>
        %dma_start3A_170 = arith.constant 0 : i32
        %dma_start3A_171 = arith.constant 0 : i32
        %dma_start3A_172 = tpu.memref_slice %arg7[%run_scoped3A_159, %dma_start3A_170, %dma_start3A_171] : memref<2x80x128xf32, #tpu.memory_space<vmem>> -> memref<1x80x128xf32, #tpu.memory_space<vmem>>
        %dma_start3A_173 = tpu.memref_squeeze %dma_start3A_172 : memref<1x80x128xf32, #tpu.memory_space<vmem>> -> memref<80x128xf32, #tpu.memory_space<vmem>>
        %dma_start3A_174 = arith.constant 0 : i32
        %dma_start3A_175 = tpu.memref_slice %arg5[%mul3A_158, %dma_start3A_174] : memref<10000x128xf32, #tpu.memory_space<vmem_shared>> -> memref<80x128xf32, #tpu.memory_space<vmem_shared>>
        tpu.enqueue_dma source(%dma_start3A_175 : memref<80x128xf32, #tpu.memory_space<vmem_shared>>) target(%dma_start3A_173 : memref<80x128xf32, #tpu.memory_space<vmem>>) target_semaphore(%run_scoped3A_163 : memref<!tpu.dma_semaphore, #tpu.memory_space<semaphore_mem>>)
        %dma_wait3A_176 = arith.constant 0 : i32
        %dma_wait3A_177 = arith.constant 0 : i32
        %dma_wait3A_178 = tpu.memref_slice %arg7[%run_scoped3A_159, %dma_wait3A_176, %dma_wait3A_177] : memref<2x80x128xf32, #tpu.memory_space<vmem>> -> memref<1x80x128xf32, #tpu.memory_space<vmem>>
        %dma_wait3A_179 = tpu.memref_squeeze %dma_wait3A_178 : memref<1x80x128xf32, #tpu.memory_space<vmem>> -> memref<80x128xf32, #tpu.memory_space<vmem>>
        %dma_wait3A_180 = arith.constant 0 : i32
        %dma_wait3A_181 = tpu.memref_slice %arg5[%mul3A_158, %dma_wait3A_180] : memref<10000x128xf32, #tpu.memory_space<vmem_shared>> -> memref<80x128xf32, #tpu.memory_space<vmem_shared>>
        %dma_wait3A_182 = arith.constant 0 : i32
        %dma_wait3A_183 = arith.constant 0 : i32
        %dma_wait3A_184 = tpu.memref_slice %arg7[%run_scoped3A_159, %dma_wait3A_182, %dma_wait3A_183] : memref<2x80x128xf32, #tpu.memory_space<vmem>> -> memref<1x80x128xf32, #tpu.memory_space<vmem>>
        %dma_wait3A_185 = tpu.memref_squeeze %dma_wait3A_184 : memref<1x80x128xf32, #tpu.memory_space<vmem>> -> memref<80x128xf32, #tpu.memory_space<vmem>>
        %dma_wait3A_186 = arith.constant 0 : i32
        %dma_wait3A_187 = tpu.memref_slice %arg5[%mul3A_158, %dma_wait3A_186] : memref<10000x128xf32, #tpu.memory_space<vmem_shared>> -> memref<80x128xf32, #tpu.memory_space<vmem_shared>>
        tpu.wait_dma2 semaphore(%run_scoped3A_163 : memref<!tpu.dma_semaphore, #tpu.memory_space<semaphore_mem>>) src(%dma_wait3A_187 : memref<80x128xf32, #tpu.memory_space<vmem_shared>>) dst(%dma_wait3A_185 : memref<80x128xf32, #tpu.memory_space<vmem>>)
        tpu.yield
      }) : () -> ()
      %mul3A_160 = arith.constant 80 : i32
      %mul3A_161 = arith.muli %add3A_130, %mul3A_160 : i32
      %run_scoped3A_162 = arith.constant 0 : i32
      "tpu.region"() ({
        %run_scoped3A_163 = tpu.sem_alloc : memref<!tpu.dma_semaphore, #tpu.memory_space<semaphore_mem>>
        %dma_start3A_164 = arith.constant 0 : i32
        %dma_start3A_165 = arith.constant 0 : i32
        %dma_start3A_166 = tpu.memref_slice %arg7[%run_scoped3A_162, %dma_start3A_164, %dma_start3A_165] : memref<2x80x128xf32, #tpu.memory_space<vmem>> -> memref<1x80x128xf32, #tpu.memory_space<vmem>>
        %dma_start3A_167 = tpu.memref_squeeze %dma_start3A_166 : memref<1x80x128xf32, #tpu.memory_space<vmem>> -> memref<80x128xf32, #tpu.memory_space<vmem>>
        %dma_start3A_168 = arith.constant 0 : i32
        %dma_start3A_169 = tpu.memref_slice %arg4[%arg0, %mul3A_161, %dma_start3A_168] : memref<2x10000x128xf32, #tpu.memory_space<hbm>> -> memref<1x80x128xf32, #tpu.memory_space<hbm>>
        %dma_start3A_170 = tpu.memref_squeeze %dma_start3A_169 : memref<1x80x128xf32, #tpu.memory_space<hbm>> -> memref<80x128xf32, #tpu.memory_space<hbm>>
        %dma_start3A_171 = arith.constant 0 : i32
        %dma_start3A_172 = tpu.memref_slice %arg4[%arg0, %mul3A_161, %dma_start3A_171] : memref<2x10000x128xf32, #tpu.memory_space<hbm>> -> memref<1x80x128xf32, #tpu.memory_space<hbm>>
        %dma_start3A_173 = tpu.memref_squeeze %dma_start3A_172 : memref<1x80x128xf32, #tpu.memory_space<hbm>> -> memref<80x128xf32, #tpu.memory_space<hbm>>
        %dma_start3A_174 = arith.constant 0 : i32
        %dma_start3A_175 = arith.constant 0 : i32
        %dma_start3A_176 = tpu.memref_slice %arg7[%run_scoped3A_162, %dma_start3A_174, %dma_start3A_175] : memref<2x80x128xf32, #tpu.memory_space<vmem>> -> memref<1x80x128xf32, #tpu.memory_space<vmem>>
        %dma_start3A_177 = tpu.memref_squeeze %dma_start3A_176 : memref<1x80x128xf32, #tpu.memory_space<vmem>> -> memref<80x128xf32, #tpu.memory_space<vmem>>
        tpu.enqueue_dma source(%dma_start3A_177 : memref<80x128xf32, #tpu.memory_space<vmem>>) target(%dma_start3A_173 : memref<80x128xf32, #tpu.memory_space<hbm>>) target_semaphore(%run_scoped3A_163 : memref<!tpu.dma_semaphore, #tpu.memory_space<semaphore_mem>>)
        %dma_wait3A_178 = arith.constant 0 : i32
        %dma_wait3A_179 = arith.constant 0 : i32
        %dma_wait3A_180 = tpu.memref_slice %arg7[%run_scoped3A_162, %dma_wait3A_178, %dma_wait3A_179] : memref<2x80x128xf32, #tpu.memory_space<vmem>> -> memref<1x80x128xf32, #tpu.memory_space<vmem>>
        %dma_wait3A_181 = tpu.memref_squeeze %dma_wait3A_180 : memref<1x80x128xf32, #tpu.memory_space<vmem>> -> memref<80x128xf32, #tpu.memory_space<vmem>>
        %dma_wait3A_182 = arith.constant 0 : i32
        %dma_wait3A_183 = tpu.memref_slice %arg4[%arg0, %mul3A_161, %dma_wait3A_182] : memref<2x10000x128xf32, #tpu.memory_space<hbm>> -> memref<1x80x128xf32, #tpu.memory_space<hbm>>
        %dma_wait3A_184 = tpu.memref_squeeze %dma_wait3A_183 : memref<1x80x128xf32, #tpu.memory_space<hbm>> -> memref<80x128xf32, #tpu.memory_space<hbm>>
        %dma_wait3A_185 = arith.constant 0 : i32
        %dma_wait3A_186 = tpu.memref_slice %arg4[%arg0, %mul3A_161, %dma_wait3A_185] : memref<2x10000x128xf32, #tpu.memory_space<hbm>> -> memref<1x80x128xf32, #tpu.memory_space<hbm>>
        %dma_wait3A_187 = tpu.memref_squeeze %dma_wait3A_186 : memref<1x80x128xf32, #tpu.memory_space<hbm>> -> memref<80x128xf32, #tpu.memory_space<hbm>>
        %dma_wait3A_188 = arith.constant 0 : i32
        %dma_wait3A_189 = arith.constant 0 : i32
        %dma_wait3A_190 = tpu.memref_slice %arg7[%run_scoped3A_162, %dma_wait3A_188, %dma_wait3A_189] : memref<2x80x128xf32, #tpu.memory_space<vmem>> -> memref<1x80x128xf32, #tpu.memory_space<vmem>>
        %dma_wait3A_191 = tpu.memref_squeeze %dma_wait3A_190 : memref<1x80x128xf32, #tpu.memory_space<vmem>> -> memref<80x128xf32, #tpu.memory_space<vmem>>
        tpu.wait_dma2 semaphore(%run_scoped3A_163 : memref<!tpu.dma_semaphore, #tpu.memory_space<semaphore_mem>>) src(%dma_wait3A_191 : memref<80x128xf32, #tpu.memory_space<vmem>>) dst(%dma_wait3A_187 : memref<80x128xf32, #tpu.memory_space<hbm>>)
        tpu.yield
      }) : () -> ()
    } else {
    }
    %add3A_136 = arith.constant 80 : i32
    %add3A_137 = arith.addi %arg1, %add3A_136 : i32
    %lt3A_138 = arith.constant 125 : i32
    %lt3A_139 = arith.cmpi slt, %add3A_137, %lt3A_138 : i32
    %convert_element_type3A_140 = arith.extui %lt3A_139 : i1 to i32
    %cond3A_141 = arith.constant 0 : i32
    %cond3A_142 = arith.cmpi ne, %convert_element_type3A_140, %cond3A_141 : i32
    scf.if %cond3A_142 {
      %mul3A_157 = arith.constant 80 : i32
      %mul3A_158 = arith.muli %add3A_137, %mul3A_157 : i32
      %run_scoped3A_159 = arith.constant 0 : i32
      "tpu.region"() ({
        %run_scoped3A_163 = tpu.sem_alloc : memref<!tpu.dma_semaphore, #tpu.memory_space<semaphore_mem>>
        %dma_start3A_164 = arith.constant 0 : i32
        %dma_start3A_165 = arith.constant 0 : i32
        %dma_start3A_166 = tpu.memref_slice %arg7[%run_scoped3A_159, %dma_start3A_164, %dma_start3A_165] : memref<2x80x128xf32, #tpu.memory_space<vmem>> -> memref<1x80x128xf32, #tpu.memory_space<vmem>>
        %dma_start3A_167 = tpu.memref_squeeze %dma_start3A_166 : memref<1x80x128xf32, #tpu.memory_space<vmem>> -> memref<80x128xf32, #tpu.memory_space<vmem>>
        %dma_start3A_168 = arith.constant 0 : i32
        %dma_start3A_169 = tpu.memref_slice %arg5[%mul3A_158, %dma_start3A_168] : memref<10000x128xf32, #tpu.memory_space<vmem_shared>> -> memref<80x128xf32, #tpu.memory_space<vmem_shared>>
        %dma_start3A_170 = arith.constant 0 : i32
        %dma_start3A_171 = arith.constant 0 : i32
        %dma_start3A_172 = tpu.memref_slice %arg7[%run_scoped3A_159, %dma_start3A_170, %dma_start3A_171] : memref<2x80x128xf32, #tpu.memory_space<vmem>> -> memref<1x80x128xf32, #tpu.memory_space<vmem>>
        %dma_start3A_173 = tpu.memref_squeeze %dma_start3A_172 : memref<1x80x128xf32, #tpu.memory_space<vmem>> -> memref<80x128xf32, #tpu.memory_space<vmem>>
        %dma_start3A_174 = arith.constant 0 : i32
        %dma_start3A_175 = tpu.memref_slice %arg5[%mul3A_158, %dma_start3A_174] : memref<10000x128xf32, #tpu.memory_space<vmem_shared>> -> memref<80x128xf32, #tpu.memory_space<vmem_shared>>
        tpu.enqueue_dma source(%dma_start3A_175 : memref<80x128xf32, #tpu.memory_space<vmem_shared>>) target(%dma_start3A_173 : memref<80x128xf32, #tpu.memory_space<vmem>>) target_semaphore(%run_scoped3A_163 : memref<!tpu.dma_semaphore, #tpu.memory_space<semaphore_mem>>)
        %dma_wait3A_176 = arith.constant 0 : i32
        %dma_wait3A_177 = arith.constant 0 : i32
        %dma_wait3A_178 = tpu.memref_slice %arg7[%run_scoped3A_159, %dma_wait3A_176, %dma_wait3A_177] : memref<2x80x128xf32, #tpu.memory_space<vmem>> -> memref<1x80x128xf32, #tpu.memory_space<vmem>>
        %dma_wait3A_179 = tpu.memref_squeeze %dma_wait3A_178 : memref<1x80x128xf32, #tpu.memory_space<vmem>> -> memref<80x128xf32, #tpu.memory_space<vmem>>
        %dma_wait3A_180 = arith.constant 0 : i32
        %dma_wait3A_181 = tpu.memref_slice %arg5[%mul3A_158, %dma_wait3A_180] : memref<10000x128xf32, #tpu.memory_space<vmem_shared>> -> memref<80x128xf32, #tpu.memory_space<vmem_shared>>
        %dma_wait3A_182 = arith.constant 0 : i32
        %dma_wait3A_183 = arith.constant 0 : i32
        %dma_wait3A_184 = tpu.memref_slice %arg7[%run_scoped3A_159, %dma_wait3A_182, %dma_wait3A_183] : memref<2x80x128xf32, #tpu.memory_space<vmem>> -> memref<1x80x128xf32, #tpu.memory_space<vmem>>
        %dma_wait3A_185 = tpu.memref_squeeze %dma_wait3A_184 : memref<1x80x128xf32, #tpu.memory_space<vmem>> -> memref<80x128xf32, #tpu.memory_space<vmem>>
        %dma_wait3A_186 = arith.constant 0 : i32
        %dma_wait3A_187 = tpu.memref_slice %arg5[%mul3A_158, %dma_wait3A_186] : memref<10000x128xf32, #tpu.memory_space<vmem_shared>> -> memref<80x128xf32, #tpu.memory_space<vmem_shared>>
        tpu.wait_dma2 semaphore(%run_scoped3A_163 : memref<!tpu.dma_semaphore, #tpu.memory_space<semaphore_mem>>) src(%dma_wait3A_187 : memref<80x128xf32, #tpu.memory_space<vmem_shared>>) dst(%dma_wait3A_185 : memref<80x128xf32, #tpu.memory_space<vmem>>)
        tpu.yield
      }) : () -> ()
      %mul3A_160 = arith.constant 80 : i32
      %mul3A_161 = arith.muli %add3A_137, %mul3A_160 : i32
      %run_scoped3A_162 = arith.constant 0 : i32
      "tpu.region"() ({
        %run_scoped3A_163 = tpu.sem_alloc : memref<!tpu.dma_semaphore, #tpu.memory_space<semaphore_mem>>
        %dma_start3A_164 = arith.constant 0 : i32
        %dma_start3A_165 = arith.constant 0 : i32
        %dma_start3A_166 = tpu.memref_slice %arg7[%run_scoped3A_162, %dma_start3A_164, %dma_start3A_165] : memref<2x80x128xf32, #tpu.memory_space<vmem>> -> memref<1x80x128xf32, #tpu.memory_space<vmem>>
        %dma_start3A_167 = tpu.memref_squeeze %dma_start3A_166 : memref<1x80x128xf32, #tpu.memory_space<vmem>> -> memref<80x128xf32, #tpu.memory_space<vmem>>
        %dma_start3A_168 = arith.constant 0 : i32
        %dma_start3A_169 = tpu.memref_slice %arg4[%arg0, %mul3A_161, %dma_start3A_168] : memref<2x10000x128xf32, #tpu.memory_space<hbm>> -> memref<1x80x128xf32, #tpu.memory_space<hbm>>
        %dma_start3A_170 = tpu.memref_squeeze %dma_start3A_169 : memref<1x80x128xf32, #tpu.memory_space<hbm>> -> memref<80x128xf32, #tpu.memory_space<hbm>>
        %dma_start3A_171 = arith.constant 0 : i32
        %dma_start3A_172 = tpu.memref_slice %arg4[%arg0, %mul3A_161, %dma_start3A_171] : memref<2x10000x128xf32, #tpu.memory_space<hbm>> -> memref<1x80x128xf32, #tpu.memory_space<hbm>>
        %dma_start3A_173 = tpu.memref_squeeze %dma_start3A_172 : memref<1x80x128xf32, #tpu.memory_space<hbm>> -> memref<80x128xf32, #tpu.memory_space<hbm>>
        %dma_start3A_174 = arith.constant 0 : i32
        %dma_start3A_175 = arith.constant 0 : i32
        %dma_start3A_176 = tpu.memref_slice %arg7[%run_scoped3A_162, %dma_start3A_174, %dma_start3A_175] : memref<2x80x128xf32, #tpu.memory_space<vmem>> -> memref<1x80x128xf32, #tpu.memory_space<vmem>>
        %dma_start3A_177 = tpu.memref_squeeze %dma_start3A_176 : memref<1x80x128xf32, #tpu.memory_space<vmem>> -> memref<80x128xf32, #tpu.memory_space<vmem>>
        tpu.enqueue_dma source(%dma_start3A_177 : memref<80x128xf32, #tpu.memory_space<vmem>>) target(%dma_start3A_173 : memref<80x128xf32, #tpu.memory_space<hbm>>) target_semaphore(%run_scoped3A_163 : memref<!tpu.dma_semaphore, #tpu.memory_space<semaphore_mem>>)
        %dma_wait3A_178 = arith.constant 0 : i32
        %dma_wait3A_179 = arith.constant 0 : i32
        %dma_wait3A_180 = tpu.memref_slice %arg7[%run_scoped3A_162, %dma_wait3A_178, %dma_wait3A_179] : memref<2x80x128xf32, #tpu.memory_space<vmem>> -> memref<1x80x128xf32, #tpu.memory_space<vmem>>
        %dma_wait3A_181 = tpu.memref_squeeze %dma_wait3A_180 : memref<1x80x128xf32, #tpu.memory_space<vmem>> -> memref<80x128xf32, #tpu.memory_space<vmem>>
        %dma_wait3A_182 = arith.constant 0 : i32
        %dma_wait3A_183 = tpu.memref_slice %arg4[%arg0, %mul3A_161, %dma_wait3A_182] : memref<2x10000x128xf32, #tpu.memory_space<hbm>> -> memref<1x80x128xf32, #tpu.memory_space<hbm>>
        %dma_wait3A_184 = tpu.memref_squeeze %dma_wait3A_183 : memref<1x80x128xf32, #tpu.memory_space<hbm>> -> memref<80x128xf32, #tpu.memory_space<hbm>>
        %dma_wait3A_185 = arith.constant 0 : i32
        %dma_wait3A_186 = tpu.memref_slice %arg4[%arg0, %mul3A_161, %dma_wait3A_185] : memref<2x10000x128xf32, #tpu.memory_space<hbm>> -> memref<1x80x128xf32, #tpu.memory_space<hbm>>
        %dma_wait3A_187 = tpu.memref_squeeze %dma_wait3A_186 : memref<1x80x128xf32, #tpu.memory_space<hbm>> -> memref<80x128xf32, #tpu.memory_space<hbm>>
        %dma_wait3A_188 = arith.constant 0 : i32
        %dma_wait3A_189 = arith.constant 0 : i32
        %dma_wait3A_190 = tpu.memref_slice %arg7[%run_scoped3A_162, %dma_wait3A_188, %dma_wait3A_189] : memref<2x80x128xf32, #tpu.memory_space<vmem>> -> memref<1x80x128xf32, #tpu.memory_space<vmem>>
        %dma_wait3A_191 = tpu.memref_squeeze %dma_wait3A_190 : memref<1x80x128xf32, #tpu.memory_space<vmem>> -> memref<80x128xf32, #tpu.memory_space<vmem>>
        tpu.wait_dma2 semaphore(%run_scoped3A_163 : memref<!tpu.dma_semaphore, #tpu.memory_space<semaphore_mem>>) src(%dma_wait3A_191 : memref<80x128xf32, #tpu.memory_space<vmem>>) dst(%dma_wait3A_187 : memref<80x128xf32, #tpu.memory_space<hbm>>)
        tpu.yield
      }) : () -> ()
    } else {
    }
    %add3A_143 = arith.constant 96 : i32
    %add3A_144 = arith.addi %arg1, %add3A_143 : i32
    %lt3A_145 = arith.constant 125 : i32
    %lt3A_146 = arith.cmpi slt, %add3A_144, %lt3A_145 : i32
    %convert_element_type3A_147 = arith.extui %lt3A_146 : i1 to i32
    %cond3A_148 = arith.constant 0 : i32
    %cond3A_149 = arith.cmpi ne, %convert_element_type3A_147, %cond3A_148 : i32
    scf.if %cond3A_149 {
      %mul3A_157 = arith.constant 80 : i32
      %mul3A_158 = arith.muli %add3A_144, %mul3A_157 : i32
      %run_scoped3A_159 = arith.constant 0 : i32
      "tpu.region"() ({
        %run_scoped3A_163 = tpu.sem_alloc : memref<!tpu.dma_semaphore, #tpu.memory_space<semaphore_mem>>
        %dma_start3A_164 = arith.constant 0 : i32
        %dma_start3A_165 = arith.constant 0 : i32
        %dma_start3A_166 = tpu.memref_slice %arg7[%run_scoped3A_159, %dma_start3A_164, %dma_start3A_165] : memref<2x80x128xf32, #tpu.memory_space<vmem>> -> memref<1x80x128xf32, #tpu.memory_space<vmem>>
        %dma_start3A_167 = tpu.memref_squeeze %dma_start3A_166 : memref<1x80x128xf32, #tpu.memory_space<vmem>> -> memref<80x128xf32, #tpu.memory_space<vmem>>
        %dma_start3A_168 = arith.constant 0 : i32
        %dma_start3A_169 = tpu.memref_slice %arg5[%mul3A_158, %dma_start3A_168] : memref<10000x128xf32, #tpu.memory_space<vmem_shared>> -> memref<80x128xf32, #tpu.memory_space<vmem_shared>>
        %dma_start3A_170 = arith.constant 0 : i32
        %dma_start3A_171 = arith.constant 0 : i32
        %dma_start3A_172 = tpu.memref_slice %arg7[%run_scoped3A_159, %dma_start3A_170, %dma_start3A_171] : memref<2x80x128xf32, #tpu.memory_space<vmem>> -> memref<1x80x128xf32, #tpu.memory_space<vmem>>
        %dma_start3A_173 = tpu.memref_squeeze %dma_start3A_172 : memref<1x80x128xf32, #tpu.memory_space<vmem>> -> memref<80x128xf32, #tpu.memory_space<vmem>>
        %dma_start3A_174 = arith.constant 0 : i32
        %dma_start3A_175 = tpu.memref_slice %arg5[%mul3A_158, %dma_start3A_174] : memref<10000x128xf32, #tpu.memory_space<vmem_shared>> -> memref<80x128xf32, #tpu.memory_space<vmem_shared>>
        tpu.enqueue_dma source(%dma_start3A_175 : memref<80x128xf32, #tpu.memory_space<vmem_shared>>) target(%dma_start3A_173 : memref<80x128xf32, #tpu.memory_space<vmem>>) target_semaphore(%run_scoped3A_163 : memref<!tpu.dma_semaphore, #tpu.memory_space<semaphore_mem>>)
        %dma_wait3A_176 = arith.constant 0 : i32
        %dma_wait3A_177 = arith.constant 0 : i32
        %dma_wait3A_178 = tpu.memref_slice %arg7[%run_scoped3A_159, %dma_wait3A_176, %dma_wait3A_177] : memref<2x80x128xf32, #tpu.memory_space<vmem>> -> memref<1x80x128xf32, #tpu.memory_space<vmem>>
        %dma_wait3A_179 = tpu.memref_squeeze %dma_wait3A_178 : memref<1x80x128xf32, #tpu.memory_space<vmem>> -> memref<80x128xf32, #tpu.memory_space<vmem>>
        %dma_wait3A_180 = arith.constant 0 : i32
        %dma_wait3A_181 = tpu.memref_slice %arg5[%mul3A_158, %dma_wait3A_180] : memref<10000x128xf32, #tpu.memory_space<vmem_shared>> -> memref<80x128xf32, #tpu.memory_space<vmem_shared>>
        %dma_wait3A_182 = arith.constant 0 : i32
        %dma_wait3A_183 = arith.constant 0 : i32
        %dma_wait3A_184 = tpu.memref_slice %arg7[%run_scoped3A_159, %dma_wait3A_182, %dma_wait3A_183] : memref<2x80x128xf32, #tpu.memory_space<vmem>> -> memref<1x80x128xf32, #tpu.memory_space<vmem>>
        %dma_wait3A_185 = tpu.memref_squeeze %dma_wait3A_184 : memref<1x80x128xf32, #tpu.memory_space<vmem>> -> memref<80x128xf32, #tpu.memory_space<vmem>>
        %dma_wait3A_186 = arith.constant 0 : i32
        %dma_wait3A_187 = tpu.memref_slice %arg5[%mul3A_158, %dma_wait3A_186] : memref<10000x128xf32, #tpu.memory_space<vmem_shared>> -> memref<80x128xf32, #tpu.memory_space<vmem_shared>>
        tpu.wait_dma2 semaphore(%run_scoped3A_163 : memref<!tpu.dma_semaphore, #tpu.memory_space<semaphore_mem>>) src(%dma_wait3A_187 : memref<80x128xf32, #tpu.memory_space<vmem_shared>>) dst(%dma_wait3A_185 : memref<80x128xf32, #tpu.memory_space<vmem>>)
        tpu.yield
      }) : () -> ()
      %mul3A_160 = arith.constant 80 : i32
      %mul3A_161 = arith.muli %add3A_144, %mul3A_160 : i32
      %run_scoped3A_162 = arith.constant 0 : i32
      "tpu.region"() ({
        %run_scoped3A_163 = tpu.sem_alloc : memref<!tpu.dma_semaphore, #tpu.memory_space<semaphore_mem>>
        %dma_start3A_164 = arith.constant 0 : i32
        %dma_start3A_165 = arith.constant 0 : i32
        %dma_start3A_166 = tpu.memref_slice %arg7[%run_scoped3A_162, %dma_start3A_164, %dma_start3A_165] : memref<2x80x128xf32, #tpu.memory_space<vmem>> -> memref<1x80x128xf32, #tpu.memory_space<vmem>>
        %dma_start3A_167 = tpu.memref_squeeze %dma_start3A_166 : memref<1x80x128xf32, #tpu.memory_space<vmem>> -> memref<80x128xf32, #tpu.memory_space<vmem>>
        %dma_start3A_168 = arith.constant 0 : i32
        %dma_start3A_169 = tpu.memref_slice %arg4[%arg0, %mul3A_161, %dma_start3A_168] : memref<2x10000x128xf32, #tpu.memory_space<hbm>> -> memref<1x80x128xf32, #tpu.memory_space<hbm>>
        %dma_start3A_170 = tpu.memref_squeeze %dma_start3A_169 : memref<1x80x128xf32, #tpu.memory_space<hbm>> -> memref<80x128xf32, #tpu.memory_space<hbm>>
        %dma_start3A_171 = arith.constant 0 : i32
        %dma_start3A_172 = tpu.memref_slice %arg4[%arg0, %mul3A_161, %dma_start3A_171] : memref<2x10000x128xf32, #tpu.memory_space<hbm>> -> memref<1x80x128xf32, #tpu.memory_space<hbm>>
        %dma_start3A_173 = tpu.memref_squeeze %dma_start3A_172 : memref<1x80x128xf32, #tpu.memory_space<hbm>> -> memref<80x128xf32, #tpu.memory_space<hbm>>
        %dma_start3A_174 = arith.constant 0 : i32
        %dma_start3A_175 = arith.constant 0 : i32
        %dma_start3A_176 = tpu.memref_slice %arg7[%run_scoped3A_162, %dma_start3A_174, %dma_start3A_175] : memref<2x80x128xf32, #tpu.memory_space<vmem>> -> memref<1x80x128xf32, #tpu.memory_space<vmem>>
        %dma_start3A_177 = tpu.memref_squeeze %dma_start3A_176 : memref<1x80x128xf32, #tpu.memory_space<vmem>> -> memref<80x128xf32, #tpu.memory_space<vmem>>
        tpu.enqueue_dma source(%dma_start3A_177 : memref<80x128xf32, #tpu.memory_space<vmem>>) target(%dma_start3A_173 : memref<80x128xf32, #tpu.memory_space<hbm>>) target_semaphore(%run_scoped3A_163 : memref<!tpu.dma_semaphore, #tpu.memory_space<semaphore_mem>>)
        %dma_wait3A_178 = arith.constant 0 : i32
        %dma_wait3A_179 = arith.constant 0 : i32
        %dma_wait3A_180 = tpu.memref_slice %arg7[%run_scoped3A_162, %dma_wait3A_178, %dma_wait3A_179] : memref<2x80x128xf32, #tpu.memory_space<vmem>> -> memref<1x80x128xf32, #tpu.memory_space<vmem>>
        %dma_wait3A_181 = tpu.memref_squeeze %dma_wait3A_180 : memref<1x80x128xf32, #tpu.memory_space<vmem>> -> memref<80x128xf32, #tpu.memory_space<vmem>>
        %dma_wait3A_182 = arith.constant 0 : i32
        %dma_wait3A_183 = tpu.memref_slice %arg4[%arg0, %mul3A_161, %dma_wait3A_182] : memref<2x10000x128xf32, #tpu.memory_space<hbm>> -> memref<1x80x128xf32, #tpu.memory_space<hbm>>
        %dma_wait3A_184 = tpu.memref_squeeze %dma_wait3A_183 : memref<1x80x128xf32, #tpu.memory_space<hbm>> -> memref<80x128xf32, #tpu.memory_space<hbm>>
        %dma_wait3A_185 = arith.constant 0 : i32
        %dma_wait3A_186 = tpu.memref_slice %arg4[%arg0, %mul3A_161, %dma_wait3A_185] : memref<2x10000x128xf32, #tpu.memory_space<hbm>> -> memref<1x80x128xf32, #tpu.memory_space<hbm>>
        %dma_wait3A_187 = tpu.memref_squeeze %dma_wait3A_186 : memref<1x80x128xf32, #tpu.memory_space<hbm>> -> memref<80x128xf32, #tpu.memory_space<hbm>>
        %dma_wait3A_188 = arith.constant 0 : i32
        %dma_wait3A_189 = arith.constant 0 : i32
        %dma_wait3A_190 = tpu.memref_slice %arg7[%run_scoped3A_162, %dma_wait3A_188, %dma_wait3A_189] : memref<2x80x128xf32, #tpu.memory_space<vmem>> -> memref<1x80x128xf32, #tpu.memory_space<vmem>>
        %dma_wait3A_191 = tpu.memref_squeeze %dma_wait3A_190 : memref<1x80x128xf32, #tpu.memory_space<vmem>> -> memref<80x128xf32, #tpu.memory_space<vmem>>
        tpu.wait_dma2 semaphore(%run_scoped3A_163 : memref<!tpu.dma_semaphore, #tpu.memory_space<semaphore_mem>>) src(%dma_wait3A_191 : memref<80x128xf32, #tpu.memory_space<vmem>>) dst(%dma_wait3A_187 : memref<80x128xf32, #tpu.memory_space<hbm>>)
        tpu.yield
      }) : () -> ()
    } else {
    }
    %add3A_150 = arith.constant 112 : i32
    %add3A_151 = arith.addi %arg1, %add3A_150 : i32
    %lt3A_152 = arith.constant 125 : i32
    %lt3A_153 = arith.cmpi slt, %add3A_151, %lt3A_152 : i32
    %convert_element_type3A_154 = arith.extui %lt3A_153 : i1 to i32
    %cond3A_155 = arith.constant 0 : i32
    %cond3A_156 = arith.cmpi ne, %convert_element_type3A_154, %cond3A_155 : i32
    scf.if %cond3A_156 {
      %mul3A_157 = arith.constant 80 : i32
      %mul3A_158 = arith.muli %add3A_151, %mul3A_157 : i32
      %run_scoped3A_159 = arith.constant 0 : i32
      "tpu.region"() ({
        %run_scoped3A_163 = tpu.sem_alloc : memref<!tpu.dma_semaphore, #tpu.memory_space<semaphore_mem>>
        %dma_start3A_164 = arith.constant 0 : i32
        %dma_start3A_165 = arith.constant 0 : i32
        %dma_start3A_166 = tpu.memref_slice %arg7[%run_scoped3A_159, %dma_start3A_164, %dma_start3A_165] : memref<2x80x128xf32, #tpu.memory_space<vmem>> -> memref<1x80x128xf32, #tpu.memory_space<vmem>>
        %dma_start3A_167 = tpu.memref_squeeze %dma_start3A_166 : memref<1x80x128xf32, #tpu.memory_space<vmem>> -> memref<80x128xf32, #tpu.memory_space<vmem>>
        %dma_start3A_168 = arith.constant 0 : i32
        %dma_start3A_169 = tpu.memref_slice %arg5[%mul3A_158, %dma_start3A_168] : memref<10000x128xf32, #tpu.memory_space<vmem_shared>> -> memref<80x128xf32, #tpu.memory_space<vmem_shared>>
        %dma_start3A_170 = arith.constant 0 : i32
        %dma_start3A_171 = arith.constant 0 : i32
        %dma_start3A_172 = tpu.memref_slice %arg7[%run_scoped3A_159, %dma_start3A_170, %dma_start3A_171] : memref<2x80x128xf32, #tpu.memory_space<vmem>> -> memref<1x80x128xf32, #tpu.memory_space<vmem>>
        %dma_start3A_173 = tpu.memref_squeeze %dma_start3A_172 : memref<1x80x128xf32, #tpu.memory_space<vmem>> -> memref<80x128xf32, #tpu.memory_space<vmem>>
        %dma_start3A_174 = arith.constant 0 : i32
        %dma_start3A_175 = tpu.memref_slice %arg5[%mul3A_158, %dma_start3A_174] : memref<10000x128xf32, #tpu.memory_space<vmem_shared>> -> memref<80x128xf32, #tpu.memory_space<vmem_shared>>
        tpu.enqueue_dma source(%dma_start3A_175 : memref<80x128xf32, #tpu.memory_space<vmem_shared>>) target(%dma_start3A_173 : memref<80x128xf32, #tpu.memory_space<vmem>>) target_semaphore(%run_scoped3A_163 : memref<!tpu.dma_semaphore, #tpu.memory_space<semaphore_mem>>)
        %dma_wait3A_176 = arith.constant 0 : i32
        %dma_wait3A_177 = arith.constant 0 : i32
        %dma_wait3A_178 = tpu.memref_slice %arg7[%run_scoped3A_159, %dma_wait3A_176, %dma_wait3A_177] : memref<2x80x128xf32, #tpu.memory_space<vmem>> -> memref<1x80x128xf32, #tpu.memory_space<vmem>>
        %dma_wait3A_179 = tpu.memref_squeeze %dma_wait3A_178 : memref<1x80x128xf32, #tpu.memory_space<vmem>> -> memref<80x128xf32, #tpu.memory_space<vmem>>
        %dma_wait3A_180 = arith.constant 0 : i32
        %dma_wait3A_181 = tpu.memref_slice %arg5[%mul3A_158, %dma_wait3A_180] : memref<10000x128xf32, #tpu.memory_space<vmem_shared>> -> memref<80x128xf32, #tpu.memory_space<vmem_shared>>
        %dma_wait3A_182 = arith.constant 0 : i32
        %dma_wait3A_183 = arith.constant 0 : i32
        %dma_wait3A_184 = tpu.memref_slice %arg7[%run_scoped3A_159, %dma_wait3A_182, %dma_wait3A_183] : memref<2x80x128xf32, #tpu.memory_space<vmem>> -> memref<1x80x128xf32, #tpu.memory_space<vmem>>
        %dma_wait3A_185 = tpu.memref_squeeze %dma_wait3A_184 : memref<1x80x128xf32, #tpu.memory_space<vmem>> -> memref<80x128xf32, #tpu.memory_space<vmem>>
        %dma_wait3A_186 = arith.constant 0 : i32
        %dma_wait3A_187 = tpu.memref_slice %arg5[%mul3A_158, %dma_wait3A_186] : memref<10000x128xf32, #tpu.memory_space<vmem_shared>> -> memref<80x128xf32, #tpu.memory_space<vmem_shared>>
        tpu.wait_dma2 semaphore(%run_scoped3A_163 : memref<!tpu.dma_semaphore, #tpu.memory_space<semaphore_mem>>) src(%dma_wait3A_187 : memref<80x128xf32, #tpu.memory_space<vmem_shared>>) dst(%dma_wait3A_185 : memref<80x128xf32, #tpu.memory_space<vmem>>)
        tpu.yield
      }) : () -> ()
      %mul3A_160 = arith.constant 80 : i32
      %mul3A_161 = arith.muli %add3A_151, %mul3A_160 : i32
      %run_scoped3A_162 = arith.constant 0 : i32
      "tpu.region"() ({
        %run_scoped3A_163 = tpu.sem_alloc : memref<!tpu.dma_semaphore, #tpu.memory_space<semaphore_mem>>
        %dma_start3A_164 = arith.constant 0 : i32
        %dma_start3A_165 = arith.constant 0 : i32
        %dma_start3A_166 = tpu.memref_slice %arg7[%run_scoped3A_162, %dma_start3A_164, %dma_start3A_165] : memref<2x80x128xf32, #tpu.memory_space<vmem>> -> memref<1x80x128xf32, #tpu.memory_space<vmem>>
        %dma_start3A_167 = tpu.memref_squeeze %dma_start3A_166 : memref<1x80x128xf32, #tpu.memory_space<vmem>> -> memref<80x128xf32, #tpu.memory_space<vmem>>
        %dma_start3A_168 = arith.constant 0 : i32
        %dma_start3A_169 = tpu.memref_slice %arg4[%arg0, %mul3A_161, %dma_start3A_168] : memref<2x10000x128xf32, #tpu.memory_space<hbm>> -> memref<1x80x128xf32, #tpu.memory_space<hbm>>
        %dma_start3A_170 = tpu.memref_squeeze %dma_start3A_169 : memref<1x80x128xf32, #tpu.memory_space<hbm>> -> memref<80x128xf32, #tpu.memory_space<hbm>>
        %dma_start3A_171 = arith.constant 0 : i32
        %dma_start3A_172 = tpu.memref_slice %arg4[%arg0, %mul3A_161, %dma_start3A_171] : memref<2x10000x128xf32, #tpu.memory_space<hbm>> -> memref<1x80x128xf32, #tpu.memory_space<hbm>>
        %dma_start3A_173 = tpu.memref_squeeze %dma_start3A_172 : memref<1x80x128xf32, #tpu.memory_space<hbm>> -> memref<80x128xf32, #tpu.memory_space<hbm>>
        %dma_start3A_174 = arith.constant 0 : i32
        %dma_start3A_175 = arith.constant 0 : i32
        %dma_start3A_176 = tpu.memref_slice %arg7[%run_scoped3A_162, %dma_start3A_174, %dma_start3A_175] : memref<2x80x128xf32, #tpu.memory_space<vmem>> -> memref<1x80x128xf32, #tpu.memory_space<vmem>>
        %dma_start3A_177 = tpu.memref_squeeze %dma_start3A_176 : memref<1x80x128xf32, #tpu.memory_space<vmem>> -> memref<80x128xf32, #tpu.memory_space<vmem>>
        tpu.enqueue_dma source(%dma_start3A_177 : memref<80x128xf32, #tpu.memory_space<vmem>>) target(%dma_start3A_173 : memref<80x128xf32, #tpu.memory_space<hbm>>) target_semaphore(%run_scoped3A_163 : memref<!tpu.dma_semaphore, #tpu.memory_space<semaphore_mem>>)
        %dma_wait3A_178 = arith.constant 0 : i32
        %dma_wait3A_179 = arith.constant 0 : i32
        %dma_wait3A_180 = tpu.memref_slice %arg7[%run_scoped3A_162, %dma_wait3A_178, %dma_wait3A_179] : memref<2x80x128xf32, #tpu.memory_space<vmem>> -> memref<1x80x128xf32, #tpu.memory_space<vmem>>
        %dma_wait3A_181 = tpu.memref_squeeze %dma_wait3A_180 : memref<1x80x128xf32, #tpu.memory_space<vmem>> -> memref<80x128xf32, #tpu.memory_space<vmem>>
        %dma_wait3A_182 = arith.constant 0 : i32
        %dma_wait3A_183 = tpu.memref_slice %arg4[%arg0, %mul3A_161, %dma_wait3A_182] : memref<2x10000x128xf32, #tpu.memory_space<hbm>> -> memref<1x80x128xf32, #tpu.memory_space<hbm>>
        %dma_wait3A_184 = tpu.memref_squeeze %dma_wait3A_183 : memref<1x80x128xf32, #tpu.memory_space<hbm>> -> memref<80x128xf32, #tpu.memory_space<hbm>>
        %dma_wait3A_185 = arith.constant 0 : i32
        %dma_wait3A_186 = tpu.memref_slice %arg4[%arg0, %mul3A_161, %dma_wait3A_185] : memref<2x10000x128xf32, #tpu.memory_space<hbm>> -> memref<1x80x128xf32, #tpu.memory_space<hbm>>
        %dma_wait3A_187 = tpu.memref_squeeze %dma_wait3A_186 : memref<1x80x128xf32, #tpu.memory_space<hbm>> -> memref<80x128xf32, #tpu.memory_space<hbm>>
        %dma_wait3A_188 = arith.constant 0 : i32
        %dma_wait3A_189 = arith.constant 0 : i32
        %dma_wait3A_190 = tpu.memref_slice %arg7[%run_scoped3A_162, %dma_wait3A_188, %dma_wait3A_189] : memref<2x80x128xf32, #tpu.memory_space<vmem>> -> memref<1x80x128xf32, #tpu.memory_space<vmem>>
        %dma_wait3A_191 = tpu.memref_squeeze %dma_wait3A_190 : memref<1x80x128xf32, #tpu.memory_space<vmem>> -> memref<80x128xf32, #tpu.memory_space<vmem>>
        tpu.wait_dma2 semaphore(%run_scoped3A_163 : memref<!tpu.dma_semaphore, #tpu.memory_space<semaphore_mem>>) src(%dma_wait3A_191 : memref<80x128xf32, #tpu.memory_space<vmem>>) dst(%dma_wait3A_187 : memref<80x128xf32, #tpu.memory_space<hbm>>)
        tpu.yield
      }) : () -> ()
    } else {
    }
    return
  }
}

module attributes {stable_mosaic.version = 14 : i64} {
  func.func @body(%arg0: i32, %arg1: memref<2000x128xf32, #tpu.memory_space<vmem>>, %arg2: memref<128x128xf32, #tpu.memory_space<vmem>>, %arg3: memref<1x128xf32, #tpu.memory_space<vmem>>, %arg4: memref<2000x128xf32, #tpu.memory_space<vmem>>) attributes {dimension_semantics = [#tpu.dimension_semantics<arbitrary>], iteration_bounds = array<i64: 5>, scalar_prefetch = 0 : i64, scratch_operands = 0 : i64, tpu.core_type = #tpu.core_type<tc>, window_params = [{transform_indices = @transform_0, window_bounds = array<i64: 2000, 128>}, {pipeline_mode = #tpu.pipeline_mode<synchronous>, transform_indices = @transform_1, window_bounds = array<i64: 128, 128>}, {pipeline_mode = #tpu.pipeline_mode<synchronous>, transform_indices = @transform_2, window_bounds = array<i64: 1, 128>}, {transform_indices = @transform_3, window_bounds = array<i64: 2000, 128>}]} {
    %get3A = arith.constant 0 : index
    %get3A_0 = arith.constant 0 : index
    %get3A_1 = vector.load %arg1[%get3A, %get3A_0] : memref<2000x128xf32, #tpu.memory_space<vmem>>, vector<2000x128xf32>
    %get3A_2 = arith.constant 0 : index
    %get3A_3 = arith.constant 0 : index
    %get3A_4 = vector.load %arg2[%get3A_2, %get3A_3] : memref<128x128xf32, #tpu.memory_space<vmem>>, vector<128x128xf32>
    %dot_general3A = arith.constant dense<0.000000e+00> : vector<2000x128xf32>
    %dot_general3A_5 = tpu.matmul %get3A_1, %get3A_4, %dot_general3A {dimension_numbers = #tpu.dot_dimension_numbers<[1], [0], [0], [1], [0, 0, 1, 1], [], []>, transpose_lhs_hint = false} : vector<2000x128xf32>, vector<128x128xf32>, vector<2000x128xf32> -> vector<2000x128xf32>
    %get3A_6 = arith.constant 0 : index
    %get3A_7 = arith.constant 0 : index
    %get3A_8 = vector.load %arg3[%get3A_6, %get3A_7] : memref<1x128xf32, #tpu.memory_space<vmem>>, vector<1x128xf32>
    %add3A = vector.broadcast %get3A_8 : vector<1x128xf32> to vector<2000x128xf32>
    %add3A_9 = arith.addf %dot_general3A_5, %add3A : vector<2000x128xf32>
    %max3A = arith.constant 0.000000e+00 : f32
    %max3A_10 = vector.broadcast %max3A : f32 to vector<2000x128xf32>
    %max3A_11 = arith.maximumf %add3A_9, %max3A_10 : vector<2000x128xf32>
    %swap3A = arith.constant 0 : index
    %swap3A_12 = arith.constant 0 : index
    %swap3A_13 = vector.load %arg4[%swap3A, %swap3A_12] : memref<2000x128xf32, #tpu.memory_space<vmem>>, vector<2000x128xf32>
    tpu.vector_store %arg4[%swap3A, %swap3A_12], %max3A_11 {strides = array<i32>} : memref<2000x128xf32, #tpu.memory_space<vmem>>, vector<2000x128xf32>,
    return
  }
  func.func @transform_0(%arg0: i32) -> (i32, i32) {
    %c0_i32 = arith.constant 0 : i32
    %c0_i32_0 = arith.constant 0 : i32
    return %arg0, %c0_i32 : i32, i32
  }
  func.func @transform_1(%arg0: i32) -> (i32, i32) {
    %c0_i32 = arith.constant 0 : i32
    %c0_i32_0 = arith.constant 0 : i32
    %c0_i32_1 = arith.constant 0 : i32
    return %c0_i32, %c0_i32_0 : i32, i32
  }
  func.func @transform_2(%arg0: i32) -> (i32, i32) {
    %c0_i32 = arith.constant 0 : i32
    %c0_i32_0 = arith.constant 0 : i32
    %c0_i32_1 = arith.constant 0 : i32
    return %c0_i32, %c0_i32_0 : i32, i32
  }
  func.func @transform_3(%arg0: i32) -> (i32, i32) {
    %c0_i32 = arith.constant 0 : i32
    %c0_i32_0 = arith.constant 0 : i32
    return %arg0, %c0_i32 : i32, i32
  }
}

module attributes {stable_mosaic.version = 14 : i64} {
  func.func @body(%arg0: memref<64x1024xf32, #tpu.memory_space<vmem>>, %arg1: memref<1024x256xf32, #tpu.memory_space<vmem>>, %arg2: memref<1x256xf32, #tpu.memory_space<vmem>>, %arg3: memref<10000x1xi32, #tpu.memory_space<vmem>>, %arg4: memref<64x128xf32, #tpu.memory_space<vmem>>, %arg5: memref<64x128xf32, #tpu.memory_space<vmem>>, %arg6: memref<1x64xi32, #tpu.memory_space<vmem>>, %arg7: memref<1x64xi32, #tpu.memory_space<vmem>>) attributes {dimension_semantics = [], scalar_prefetch = 0 : i64, scratch_operands = 0 : i64, tpu.core_type = #tpu.core_type<tc>} {
    %get3A = arith.constant 0 : index
    %get3A_0 = arith.constant 0 : index
    %get3A_1 = vector.load %arg0[%get3A, %get3A_0] : memref<64x1024xf32, #tpu.memory_space<vmem>>, vector<64x1024xf32>
    %get3A_2 = arith.constant 0 : index
    %get3A_3 = arith.constant 0 : index
    %get3A_4 = vector.load %arg1[%get3A_2, %get3A_3] : memref<1024x256xf32, #tpu.memory_space<vmem>>, vector<1024x256xf32>
    %dot_general3A = arith.constant dense<0.000000e+00> : vector<64x256xf32>
    %dot_general3A_5 = tpu.matmul %get3A_1, %get3A_4, %dot_general3A {dimension_numbers = #tpu.dot_dimension_numbers<[1], [0], [0], [1], [0, 0, 1, 1], [], []>, transpose_lhs_hint = false} : vector<64x1024xf32>, vector<1024x256xf32>, vector<64x256xf32> -> vector<64x256xf32>
    %get3A_6 = arith.constant 0 : index
    %get3A_7 = arith.constant 0 : index
    %get3A_8 = vector.load %arg2[%get3A_6, %get3A_7] : memref<1x256xf32, #tpu.memory_space<vmem>>, vector<1x256xf32>
    %add3A = vector.broadcast %get3A_8 : vector<1x256xf32> to vector<64x256xf32>
    %add3A_9 = arith.addf %dot_general3A_5, %add3A : vector<64x256xf32>
    %slice3A = vector.extract_strided_slice %add3A_9 {offsets = [0, 0], sizes = [64, 128], strides = [1, 1]} : vector<64x256xf32> to vector<64x128xf32>
    %add3A_10 = arith.constant 1.000000e+00 : f32
    %add3A_11 = vector.broadcast %add3A_10 : f32 to vector<64x128xf32>
    %add3A_12 = arith.addf %slice3A, %add3A_11 : vector<64x128xf32>
    %swap3A = arith.constant 0 : index
    %swap3A_13 = arith.constant 0 : index
    %swap3A_14 = vector.load %arg4[%swap3A, %swap3A_13] : memref<64x128xf32, #tpu.memory_space<vmem>>, vector<64x128xf32>
    tpu.vector_store %arg4[%swap3A, %swap3A_13], %add3A_12 {strides = array<i32>} : memref<64x128xf32, #tpu.memory_space<vmem>>, vector<64x128xf32>,
    %slice3A_15 = vector.extract_strided_slice %add3A_9 {offsets = [0, 128], sizes = [64, 128], strides = [1, 1]} : vector<64x256xf32> to vector<64x128xf32>
    %swap3A_16 = arith.constant 0 : index
    %swap3A_17 = arith.constant 0 : index
    %swap3A_18 = vector.load %arg5[%swap3A_16, %swap3A_17] : memref<64x128xf32, #tpu.memory_space<vmem>>, vector<64x128xf32>
    tpu.vector_store %arg5[%swap3A_16, %swap3A_17], %slice3A_15 {strides = array<i32>} : memref<64x128xf32, #tpu.memory_space<vmem>>, vector<64x128xf32>,
    %iota3A = tpu.iota {dimensions = array<i32: 1>} : vector<1x64xi32>
    %get3A_19 = arith.constant 0 : index
    %get3A_20 = arith.constant 0 : index
    %get3A_21 = vector.load %arg3[%get3A_19, %get3A_20] : memref<10000x1xi32, #tpu.memory_space<vmem>>, vector<10000x1xi32>
    %lt3A = vector.broadcast %get3A_21 : vector<10000x1xi32> to vector<10000x64xi32>
    %lt3A_22 = vector.broadcast %iota3A : vector<1x64xi32> to vector<10000x64xi32>
    %lt3A_23 = arith.cmpi slt, %lt3A, %lt3A_22 : vector<10000x64xi32>
    %convert_element_type3A = arith.extui %lt3A_23 : vector<10000x64xi1> to vector<10000x64xi32>
    %reduce_sum3A = arith.constant dense<0> : vector<64xi32>
    %reduce_sum3A_24 = vector.multi_reduction <add>, %convert_element_type3A, %reduce_sum3A [0] : vector<10000x64xi32> to vector<64xi32>
    %broadcast_in_dim3A = vector.shape_cast %reduce_sum3A_24 : vector<64xi32> to vector<1x64xi32>
    %swap3A_25 = arith.constant 0 : index
    %swap3A_26 = arith.constant 0 : index
    %swap3A_27 = vector.load %arg6[%swap3A_25, %swap3A_26] : memref<1x64xi32, #tpu.memory_space<vmem>>, vector<1x64xi32>
    tpu.vector_store %arg6[%swap3A_25, %swap3A_26], %broadcast_in_dim3A {strides = array<i32>} : memref<1x64xi32, #tpu.memory_space<vmem>>, vector<1x64xi32>,
    %add3A_28 = arith.constant 1 : i32
    %add3A_29 = vector.broadcast %add3A_28 : i32 to vector<1x64xi32>
    %add3A_30 = arith.addi %iota3A, %add3A_29 : vector<1x64xi32>
    %lt3A_31 = vector.broadcast %get3A_21 : vector<10000x1xi32> to vector<10000x64xi32>
    %lt3A_32 = vector.broadcast %add3A_30 : vector<1x64xi32> to vector<10000x64xi32>
    %lt3A_33 = arith.cmpi slt, %lt3A_31, %lt3A_32 : vector<10000x64xi32>
    %convert_element_type3A_34 = arith.extui %lt3A_33 : vector<10000x64xi1> to vector<10000x64xi32>
    %reduce_sum3A_35 = arith.constant dense<0> : vector<64xi32>
    %reduce_sum3A_36 = vector.multi_reduction <add>, %convert_element_type3A_34, %reduce_sum3A_35 [0] : vector<10000x64xi32> to vector<64xi32>
    %broadcast_in_dim3A_37 = vector.shape_cast %reduce_sum3A_36 : vector<64xi32> to vector<1x64xi32>
    %swap3A_38 = arith.constant 0 : index
    %swap3A_39 = arith.constant 0 : index
    %swap3A_40 = vector.load %arg7[%swap3A_38, %swap3A_39] : memref<1x64xi32, #tpu.memory_space<vmem>>, vector<1x64xi32>
    tpu.vector_store %arg7[%swap3A_38, %swap3A_39], %broadcast_in_dim3A_37 {strides = array<i32>} : memref<1x64xi32, #tpu.memory_space<vmem>>, vector<1x64xi32>,
    return
  }
}

module attributes {stable_mosaic.version = 14 : i64} {
  func.func @body(%arg0: i32, %arg1: memref<4000x64xi32, #tpu.memory_space<vmem>>, %arg2: memref<4000x8xf32, #tpu.memory_space<vmem>>, %arg3: memref<4000x1xi32, #tpu.memory_space<vmem>>, %arg4: memref<1x64xi32, #tpu.memory_space<vmem>>, %arg5: memref<1x64xi32, #tpu.memory_space<vmem>>, %arg6: memref<64x128xf32, #tpu.memory_space<vmem>>, %arg7: memref<64x128xf32, #tpu.memory_space<vmem>>, %arg8: memref<8x30xf32, #tpu.memory_space<vmem>>, %arg9: memref<1x30xf32, #tpu.memory_space<vmem>>, %arg10: memref<64x128xf32, #tpu.memory_space<vmem>>, %arg11: memref<64x128xf32, #tpu.memory_space<vmem>>, %arg12: memref<30x128xf32, #tpu.memory_space<vmem>>, %arg13: memref<4000x128xf32, #tpu.memory_space<vmem>>) attributes {dimension_semantics = [#tpu.dimension_semantics<arbitrary>], iteration_bounds = array<i64: 80>, scalar_prefetch = 0 : i64, scratch_operands = 0 : i64, tpu.core_type = #tpu.core_type<tc>, window_params = [{transform_indices = @transform_0, window_bounds = array<i64: 4000, 64>}, {transform_indices = @transform_1, window_bounds = array<i64: 4000, 8>}, {transform_indices = @transform_2, window_bounds = array<i64: 4000, 1>}, {pipeline_mode = #tpu.pipeline_mode<synchronous>, transform_indices = @transform_3, window_bounds = array<i64: 1, 64>}, {pipeline_mode = #tpu.pipeline_mode<synchronous>, transform_indices = @transform_4, window_bounds = array<i64: 1, 64>}, {pipeline_mode = #tpu.pipeline_mode<synchronous>, transform_indices = @transform_5, window_bounds = array<i64: 64, 128>}, {pipeline_mode = #tpu.pipeline_mode<synchronous>, transform_indices = @transform_6, window_bounds = array<i64: 64, 128>}, {pipeline_mode = #tpu.pipeline_mode<synchronous>, transform_indices = @transform_7, window_bounds = array<i64: 8, 30>}, {pipeline_mode = #tpu.pipeline_mode<synchronous>, transform_indices = @transform_8, window_bounds = array<i64: 1, 30>}, {pipeline_mode = #tpu.pipeline_mode<synchronous>, transform_indices = @transform_9, window_bounds = array<i64: 64, 128>}, {pipeline_mode = #tpu.pipeline_mode<synchronous>, transform_indices = @transform_10, window_bounds = array<i64: 64, 128>}, {pipeline_mode = #tpu.pipeline_mode<synchronous>, transform_indices = @transform_11, window_bounds = array<i64: 30, 128>}, {transform_indices = @transform_12, window_bounds = array<i64: 4000, 128>}]} {
    %get3A = arith.constant 0 : index
    %get3A_0 = arith.constant 0 : index
    %get3A_1 = vector.load %arg2[%get3A, %get3A_0] : memref<4000x8xf32, #tpu.memory_space<vmem>>, vector<4000x8xf32>
    %get3A_2 = arith.constant 0 : index
    %get3A_3 = arith.constant 0 : index
    %get3A_4 = vector.load %arg8[%get3A_2, %get3A_3] : memref<8x30xf32, #tpu.memory_space<vmem>>, vector<8x30xf32>
    %dot_general3A = arith.constant dense<0.000000e+00> : vector<4000x30xf32>
    %dot_general3A_5 = tpu.matmul %get3A_1, %get3A_4, %dot_general3A {dimension_numbers = #tpu.dot_dimension_numbers<[1], [0], [0], [1], [0, 0, 1, 1], [], []>, transpose_lhs_hint = false} : vector<4000x8xf32>, vector<8x30xf32>, vector<4000x30xf32> -> vector<4000x30xf32>
    %get3A_6 = arith.constant 0 : index
    %get3A_7 = arith.constant 0 : index
    %get3A_8 = vector.load %arg9[%get3A_6, %get3A_7] : memref<1x30xf32, #tpu.memory_space<vmem>>, vector<1x30xf32>
    %add3A = vector.broadcast %get3A_8 : vector<1x30xf32> to vector<4000x30xf32>
    %add3A_9 = arith.addf %dot_general3A_5, %add3A : vector<4000x30xf32>
    %max3A = arith.constant 0.000000e+00 : f32
    %max3A_10 = vector.broadcast %max3A : f32 to vector<4000x30xf32>
    %max3A_11 = arith.maximumf %add3A_9, %max3A_10 : vector<4000x30xf32>
    %get3A_12 = arith.constant 0 : index
    %get3A_13 = arith.constant 0 : index
    %get3A_14 = vector.load %arg1[%get3A_12, %get3A_13] : memref<4000x64xi32, #tpu.memory_space<vmem>>, vector<4000x64xi32>
    %bitcast_convert_type3A = tpu.bitcast %get3A_14 : vector<4000x64xi32> -> vector<4000x64xi32>
    %shift_left3A = arith.constant 16 : i32
    %shift_left3A_15 = vector.broadcast %shift_left3A : i32 to vector<4000x64xi32>
    %shift_left3A_16 = arith.shli %bitcast_convert_type3A, %shift_left3A_15 : vector<4000x64xi32>
    %bitcast_convert_type3A_17 = tpu.bitcast %shift_left3A_16 : vector<4000x64xi32> -> vector<4000x64xf32>
    %and3A = arith.constant -65536 : i32
    %and3A_18 = vector.broadcast %and3A : i32 to vector<4000x64xi32>
    %and3A_19 = arith.andi %bitcast_convert_type3A, %and3A_18 : vector<4000x64xi32>
    %bitcast_convert_type3A_20 = tpu.bitcast %and3A_19 : vector<4000x64xi32> -> vector<4000x64xf32>
    %get3A_21 = arith.constant 0 : index
    %get3A_22 = arith.constant 0 : index
    %get3A_23 = vector.load %arg10[%get3A_21, %get3A_22] : memref<64x128xf32, #tpu.memory_space<vmem>>, vector<64x128xf32>
    %dot_general3A_24 = arith.constant dense<0.000000e+00> : vector<4000x128xf32>
    %dot_general3A_25 = tpu.matmul %bitcast_convert_type3A_17, %get3A_23, %dot_general3A_24 {dimension_numbers = #tpu.dot_dimension_numbers<[1], [0], [0], [1], [0, 0, 1, 1], [], []>, transpose_lhs_hint = false} : vector<4000x64xf32>, vector<64x128xf32>, vector<4000x128xf32> -> vector<4000x128xf32>
    %get3A_26 = arith.constant 0 : index
    %get3A_27 = arith.constant 0 : index
    %get3A_28 = vector.load %arg11[%get3A_26, %get3A_27] : memref<64x128xf32, #tpu.memory_space<vmem>>, vector<64x128xf32>
    %dot_general3A_29 = arith.constant dense<0.000000e+00> : vector<4000x128xf32>
    %dot_general3A_30 = tpu.matmul %bitcast_convert_type3A_20, %get3A_28, %dot_general3A_29 {dimension_numbers = #tpu.dot_dimension_numbers<[1], [0], [0], [1], [0, 0, 1, 1], [], []>, transpose_lhs_hint = false} : vector<4000x64xf32>, vector<64x128xf32>, vector<4000x128xf32> -> vector<4000x128xf32>
    %add3A_31 = arith.addf %dot_general3A_25, %dot_general3A_30 : vector<4000x128xf32>
    %get3A_32 = arith.constant 0 : index
    %get3A_33 = arith.constant 0 : index
    %get3A_34 = vector.load %arg12[%get3A_32, %get3A_33] : memref<30x128xf32, #tpu.memory_space<vmem>>, vector<30x128xf32>
    %dot_general3A_35 = arith.constant dense<0.000000e+00> : vector<4000x128xf32>
    %dot_general3A_36 = tpu.matmul %max3A_11, %get3A_34, %dot_general3A_35 {dimension_numbers = #tpu.dot_dimension_numbers<[1], [0], [0], [1], [0, 0, 1, 1], [], []>, transpose_lhs_hint = false} : vector<4000x30xf32>, vector<30x128xf32>, vector<4000x128xf32> -> vector<4000x128xf32>
    %add3A_37 = arith.addf %add3A_31, %dot_general3A_36 : vector<4000x128xf32>
    %reduce_sum3A = arith.constant dense<0.000000e+00> : vector<4000xf32>
    %reduce_sum3A_38 = vector.multi_reduction <add>, %add3A_37, %reduce_sum3A [1] : vector<4000x128xf32> to vector<4000xf32>
    %broadcast_in_dim3A = vector.shape_cast %reduce_sum3A_38 : vector<4000xf32> to vector<4000x1xf32>
    %div3A = arith.constant 1.280000e+02 : f32
    %div3A_39 = vector.broadcast %div3A : f32 to vector<4000x1xf32>
    %div3A_40 = arith.divf %broadcast_in_dim3A, %div3A_39 : vector<4000x1xf32>
    %sub3A = vector.broadcast %div3A_40 : vector<4000x1xf32> to vector<4000x128xf32>
    %sub3A_41 = arith.subf %add3A_37, %sub3A : vector<4000x128xf32>
    %mul3A = arith.mulf %sub3A_41, %sub3A_41 : vector<4000x128xf32>
    %reduce_sum3A_42 = arith.constant dense<0.000000e+00> : vector<4000xf32>
    %reduce_sum3A_43 = vector.multi_reduction <add>, %mul3A, %reduce_sum3A_42 [1] : vector<4000x128xf32> to vector<4000xf32>
    %broadcast_in_dim3A_44 = vector.shape_cast %reduce_sum3A_43 : vector<4000xf32> to vector<4000x1xf32>
    %div3A_45 = arith.constant 1.280000e+02 : f32
    %div3A_46 = vector.broadcast %div3A_45 : f32 to vector<4000x1xf32>
    %div3A_47 = arith.divf %broadcast_in_dim3A_44, %div3A_46 : vector<4000x1xf32>
    %add3A_48 = arith.constant 9.99999974E-6 : f32
    %add3A_49 = vector.broadcast %add3A_48 : f32 to vector<4000x1xf32>
    %add3A_50 = arith.addf %div3A_47, %add3A_49 : vector<4000x1xf32>
    %rsqrt3A = math.rsqrt %add3A_50 : vector<4000x1xf32>
    %mul3A_51 = vector.broadcast %rsqrt3A : vector<4000x1xf32> to vector<4000x128xf32>
    %mul3A_52 = arith.mulf %sub3A_41, %mul3A_51 : vector<4000x128xf32>
    %get3A_53 = arith.constant 0 : index
    %get3A_54 = arith.constant 0 : index
    %get3A_55 = vector.load %arg3[%get3A_53, %get3A_54] : memref<4000x1xi32, #tpu.memory_space<vmem>>, vector<4000x1xi32>
    %get3A_56 = arith.constant 0 : index
    %get3A_57 = arith.constant 0 : index
    %get3A_58 = vector.load %arg4[%get3A_56, %get3A_57] : memref<1x64xi32, #tpu.memory_space<vmem>>, vector<1x64xi32>
    %ge3A = vector.broadcast %get3A_55 : vector<4000x1xi32> to vector<4000x64xi32>
    %ge3A_59 = vector.broadcast %get3A_58 : vector<1x64xi32> to vector<4000x64xi32>
    %ge3A_60 = arith.cmpi sge, %ge3A, %ge3A_59 : vector<4000x64xi32>
    %get3A_61 = arith.constant 0 : index
    %get3A_62 = arith.constant 0 : index
    %get3A_63 = vector.load %arg5[%get3A_61, %get3A_62] : memref<1x64xi32, #tpu.memory_space<vmem>>, vector<1x64xi32>
    %lt3A = vector.broadcast %get3A_55 : vector<4000x1xi32> to vector<4000x64xi32>
    %lt3A_64 = vector.broadcast %get3A_63 : vector<1x64xi32> to vector<4000x64xi32>
    %lt3A_65 = arith.cmpi slt, %lt3A, %lt3A_64 : vector<4000x64xi32>
    %and3A_66 = arith.andi %ge3A_60, %lt3A_65 : vector<4000x64xi1>
    %convert_element_type3A = arith.extui %and3A_66 : vector<4000x64xi1> to vector<4000x64xi32>
    %convert_element_type3A_67 = arith.sitofp %convert_element_type3A : vector<4000x64xi32> to vector<4000x64xf32>
    %get3A_68 = arith.constant 0 : index
    %get3A_69 = arith.constant 0 : index
    %get3A_70 = vector.load %arg6[%get3A_68, %get3A_69] : memref<64x128xf32, #tpu.memory_space<vmem>>, vector<64x128xf32>
    %dot_general3A_71 = arith.constant dense<0.000000e+00> : vector<4000x128xf32>
    %dot_general3A_72 = tpu.matmul %convert_element_type3A_67, %get3A_70, %dot_general3A_71 {dimension_numbers = #tpu.dot_dimension_numbers<[1], [0], [0], [1], [0, 0, 1, 1], [], []>, transpose_lhs_hint = false} : vector<4000x64xf32>, vector<64x128xf32>, vector<4000x128xf32> -> vector<4000x128xf32>
    %get3A_73 = arith.constant 0 : index
    %get3A_74 = arith.constant 0 : index
    %get3A_75 = vector.load %arg7[%get3A_73, %get3A_74] : memref<64x128xf32, #tpu.memory_space<vmem>>, vector<64x128xf32>
    %dot_general3A_76 = arith.constant dense<0.000000e+00> : vector<4000x128xf32>
    %dot_general3A_77 = tpu.matmul %convert_element_type3A_67, %get3A_75, %dot_general3A_76 {dimension_numbers = #tpu.dot_dimension_numbers<[1], [0], [0], [1], [0, 0, 1, 1], [], []>, transpose_lhs_hint = false} : vector<4000x64xf32>, vector<64x128xf32>, vector<4000x128xf32> -> vector<4000x128xf32>
    %mul3A_78 = arith.mulf %mul3A_52, %dot_general3A_72 : vector<4000x128xf32>
    %add3A_79 = arith.addf %mul3A_78, %dot_general3A_77 : vector<4000x128xf32>
    %max3A_80 = arith.constant 0.000000e+00 : f32
    %max3A_81 = vector.broadcast %max3A_80 : f32 to vector<4000x128xf32>
    %max3A_82 = arith.maximumf %add3A_79, %max3A_81 : vector<4000x128xf32>
    %swap3A = arith.constant 0 : index
    %swap3A_83 = arith.constant 0 : index
    %swap3A_84 = vector.load %arg13[%swap3A, %swap3A_83] : memref<4000x128xf32, #tpu.memory_space<vmem>>, vector<4000x128xf32>
    tpu.vector_store %arg13[%swap3A, %swap3A_83], %max3A_82 {strides = array<i32>} : memref<4000x128xf32, #tpu.memory_space<vmem>>, vector<4000x128xf32>,
    return
  }
  func.func @transform_0(%arg0: i32) -> (i32, i32) {
    %c0_i32 = arith.constant 0 : i32
    %c0_i32_0 = arith.constant 0 : i32
    return %arg0, %c0_i32 : i32, i32
  }
  func.func @transform_1(%arg0: i32) -> (i32, i32) {
    %c0_i32 = arith.constant 0 : i32
    %c0_i32_0 = arith.constant 0 : i32
    return %arg0, %c0_i32 : i32, i32
  }
  func.func @transform_2(%arg0: i32) -> (i32, i32) {
    %c0_i32 = arith.constant 0 : i32
    %c0_i32_0 = arith.constant 0 : i32
    return %arg0, %c0_i32 : i32, i32
  }
  func.func @transform_3(%arg0: i32) -> (i32, i32) {
    %c0_i32 = arith.constant 0 : i32
    %c0_i32_0 = arith.constant 0 : i32
    %c0_i32_1 = arith.constant 0 : i32
    return %c0_i32, %c0_i32_0 : i32, i32
  }
  func.func @transform_4(%arg0: i32) -> (i32, i32) {
    %c0_i32 = arith.constant 0 : i32
    %c0_i32_0 = arith.constant 0 : i32
    %c0_i32_1 = arith.constant 0 : i32
    return %c0_i32, %c0_i32_0 : i32, i32
  }
  func.func @transform_5(%arg0: i32) -> (i32, i32) {
    %c0_i32 = arith.constant 0 : i32
    %c0_i32_0 = arith.constant 0 : i32
    %c0_i32_1 = arith.constant 0 : i32
    return %c0_i32, %c0_i32_0 : i32, i32
  }
  func.func @transform_6(%arg0: i32) -> (i32, i32) {
    %c0_i32 = arith.constant 0 : i32
    %c0_i32_0 = arith.constant 0 : i32
    %c0_i32_1 = arith.constant 0 : i32
    return %c0_i32, %c0_i32_0 : i32, i32
  }
  func.func @transform_7(%arg0: i32) -> (i32, i32) {
    %c0_i32 = arith.constant 0 : i32
    %c0_i32_0 = arith.constant 0 : i32
    %c0_i32_1 = arith.constant 0 : i32
    return %c0_i32, %c0_i32_0 : i32, i32
  }
  func.func @transform_8(%arg0: i32) -> (i32, i32) {
    %c0_i32 = arith.constant 0 : i32
    %c0_i32_0 = arith.constant 0 : i32
    %c0_i32_1 = arith.constant 0 : i32
    return %c0_i32, %c0_i32_0 : i32, i32
  }
  func.func @transform_9(%arg0: i32) -> (i32, i32) {
    %c0_i32 = arith.constant 0 : i32
    %c0_i32_0 = arith.constant 0 : i32
    %c0_i32_1 = arith.constant 0 : i32
    return %c0_i32, %c0_i32_0 : i32, i32
  }
  func.func @transform_10(%arg0: i32) -> (i32, i32) {
    %c0_i32 = arith.constant 0 : i32
    %c0_i32_0 = arith.constant 0 : i32
    %c0_i32_1 = arith.constant 0 : i32
    return %c0_i32, %c0_i32_0 : i32, i32
  }
  func.func @transform_11(%arg0: i32) -> (i32, i32) {
    %c0_i32 = arith.constant 0 : i32
    %c0_i32_0 = arith.constant 0 : i32
    %c0_i32_1 = arith.constant 0 : i32
    return %c0_i32, %c0_i32_0 : i32, i32
  }
  func.func @transform_12(%arg0: i32) -> (i32, i32) {
    %c0_i32 = arith.constant 0 : i32
    %c0_i32_0 = arith.constant 0 : i32
    return %arg0, %c0_i32 : i32, i32
  }
}

</mosaic_0001>

<sc_bundles>
// kernel: kernel.10.cloned.1.call-start
scs
__scs_entry_jumppad:
0x0: {  	(pc) =	sbr.rel $0x88, $3  }
0x1: {  	(tag) =	ssettag $0x0;
	lr =	simm.s32 $0x1  }
0x2: {  	[smem:$0x3F95] =	sst lr;
	_ =	strace $0xD0000000  }
0x3: {  	_ = 	snop  }
0x4: {  	_ = 	snop  }
0x5: {  	_ = 	snop  }
0x6: {  	_ = 	snop  }
0x7: {  	_ = 	snop  }
__scs_overlays_trampoline_lowered:
0x8: {  	[smem:$0x3FA4] =	sst s0  }
0x9: {  	[smem:$0x3FA5] =	sst s1  }
0xa: {  	[smem:$0x3FA6] =	sst s2  }
0xb: {  	[smem:$0x3FA7] =	sst s3  }
0xc: {  	[smem:$0x3FA8] =	sst s4  }
0xd: {  	[smem:$0x3FA9] =	sst s5  }
0xe: {  	[smem:$0x3FAA] =	sst s6  }
0xf: {  	[smem:$0x3FAB] =	sst s7  }
0x10: {  	[smem:$0x3FAC] =	sst s8  }
0x11: {  	[smem:$0x3FAD] =	sst s9;
	s0 =	simm.s32 @!p0 $0x0  }
0x12: {  	s1 =	sld [smem:$0x3F93];
	s0 =	simm.s32 @p0 $0x1  }
0x13: {  	[smem:$0x3FAE] =	sst s0;
	s0 =	simm.s32 @!p1 $0x0  }
0x14: {  	s2 =	sld [smem:$0x3F92];
	s0 =	simm.s32 @p1 $0x1  }
0x15: {  	[smem:$0x3FAF] =	sst s0;
	s0 =	simm.s32 @!p2 $0x0  }
0x16: {  	s3 =	sld [smem:$0x3FDB];
	s0 =	simm.s32 @p2 $0x1  }
0x17: {  	s4 =	simm.s32 $0x1BF5;
	[smem:$0x3FB1] =	sst s0  }
0x18: {  	s0 =	sld [smem:$0x3F94];
	_ =	swait.ge [sflag:s4], $0x0  }
0x19: {  	s7 =	sld [smem:$0x3F95]  }
0x1a: {  	s8 =	sadd.s32 $0xFFFFE003, lr  }
0x1b: {  	s9 =	sadd.s32 $0xFFFFFEF7, lr;
	s5 =	simm.s32 $0xFFFFFFFF;
	p2 =	slt.u32 s8, $0xFFFFF086  }
0x1c: {  	p1 =	slt.u32 s9, $0xF7A;
	s5 =	simm.s32 @!p2 $0x0  }
0x1d: {  	s5 =	simm.s32 @p1 $0x1;
	p0 =	seq.s32 s7, s2  }
0x1e: {  	s7 =	smul.u32 @!p0 $0xF7A, s2;
	p2 =	seq.s32 @!p0 s5, $0x0  }
0x1f: {  	s9 =	smul.u32 $0xF7A, s1;
	s8 =	simm.s32 @!p0 $0x1BF5;
	p2 =	por !p2, p0  }
0x20: {  	[sflag:s8] =	ssyncset.s32 @!p0 $0xFFFFF086;
	s6 =	sadd.s32 @!p0 s3, s7;
	s7 =	simm.s32 @!p0 $0x108  }
0x21: {  	s3 =	sadd.s32 s3, s9;
	s6 =	sadd.s32 @!p0 $0x88, s6;
	s7 =	simm.s32 @p2 $0x1082  }
0x22: {  	[simem:s7], [sflag:s8] =	dma.local @!p0 [hbm:s6], $0xF7A  }
0x23: {  	s9 =	sor.u32 $0xD0000000, s2;
	s6 =	simm.s32 $0x108;
	_ =	swait.ge @!p0 [sflag:s8], $0x0  }
0x24: {  	s3 =	sadd.s32 $0x88, s3;
	s6 =	simm.s32 @!p1 $0x1082;
	[sflag:s4] =	ssyncset.s32 $0xFFFFF086  }
0x25: {  	[simem:s6], [sflag:s4] =	dma.local [hbm:s3], $0xF7A  }
0x26: {  	[smem:$0x3F95] =	sst s1;
	(tag) =	ssettag s2;
	_ =	strace s9  }
0x27: {  	s1 =	sld [smem:$0x3FA5]  }
0x28: {  	s2 =	sld [smem:$0x3FA6]  }
0x29: {  	s4 =	sld [smem:$0x3FA8]  }
0x2a: {  	p0 =	seq.s32 s5, $0x0;
	s5 =	sld [smem:$0x3FA9]  }
0x2b: {  	s6 =	sld [smem:$0x3FAA]  }
0x2c: {  	s7 =	sld [smem:$0x3FAB]  }
0x2d: {  	s3 =	simm.s32 $0x108;
	s8 =	sld [smem:$0x3FAC]  }
0x2e: {  	s3 =	simm.s32 @!p0 $0x1082;
	s9 =	sld [smem:$0x3FAD]  }
0x2f: {  	lr =	sadd.s32 s0, s3;
	s0 =	sld [smem:$0x3FA4]  }
0x30: {  	s3 =	sld [smem:$0x3FA7]  }
0x31: {  	[smem:$0x3FB0] =	sst s10  }
0x32: {  	s10 =	sld [smem:$0x3FAE];
	_ =	sdelay $0x3  }
0x33: {  	p0 =	seq.s32 s10, $0x1;
	s10 =	sld [smem:$0x3FB0];
	_ =	sdelay $0x3  }
0x34: {  	[smem:$0x3FB0] =	sst s10  }
0x35: {  	s10 =	sld [smem:$0x3FAF];
	_ =	sdelay $0x3  }
0x36: {  	p1 =	seq.s32 s10, $0x1;
	s10 =	sld [smem:$0x3FB0];
	_ =	sdelay $0x3  }
0x37: {  	[smem:$0x3FB0] =	sst s10  }
0x38: {  	s10 =	sld [smem:$0x3FB1]  }
0x39: {  	_ = 	snop;
	(pc) =	sbr.ind lr, $3  }
0x3a: {  	_ = 	snop  }
0x3b: {  	_ = 	snop  }
0x3c: {  	p2 =	seq.s32 s10, $0x1;
	s10 =	sld [smem:$0x3FB0]  }
0x3d: {  	_ =	shalt  }
0x3e: {  	_ =	shalt  }
0x3f: {  	_ =	shalt  }
0x40: {  	_ =	shalt  }
0x41: {  	_ =	shalt  }
0x42: {  	_ =	shalt  }
0x43: {  	_ =	shalt  }
0x44: {  	_ =	shalt  }
0x45: {  	_ =	shalt  }
0x46: {  	_ =	shalt  }
0x47: {  	_ =	shalt  }
0x48: {  	_ =	shalt  }
0x49: {  	_ =	shalt  }
0x4a: {  	_ =	shalt  }
0x4b: {  	_ =	shalt  }
0x4c: {  	_ =	shalt  }
0x4d: {  	_ =	shalt  }
0x4e: {  	_ =	shalt  }
0x4f: {  	_ =	shalt  }
0x50: {  	_ =	shalt  }
0x51: {  	_ =	shalt  }
0x52: {  	_ =	shalt  }
0x53: {  	_ =	shalt  }
0x54: {  	_ =	shalt  }
0x55: {  	_ =	shalt  }
0x56: {  	_ =	shalt  }
0x57: {  	_ =	shalt  }
0x58: {  	_ =	shalt  }
0x59: {  	_ =	shalt  }
0x5a: {  	_ =	shalt  }
0x5b: {  	_ =	shalt  }
0x5c: {  	_ =	shalt  }
0x5d: {  	_ =	shalt  }
0x5e: {  	_ =	shalt  }
0x5f: {  	_ =	shalt  }
0x60: {  	_ =	shalt  }
0x61: {  	_ =	shalt  }
0x62: {  	_ =	shalt  }
0x63: {  	_ =	shalt  }
0x64: {  	_ =	shalt  }
0x65: {  	_ =	shalt  }
0x66: {  	_ =	shalt  }
0x67: {  	_ =	shalt  }
0x68: {  	_ =	shalt  }
0x69: {  	_ =	shalt  }
0x6a: {  	_ =	shalt  }
0x6b: {  	_ =	shalt  }
0x6c: {  	_ =	shalt  }
0x6d: {  	_ =	shalt  }
0x6e: {  	_ =	shalt  }
0x6f: {  	_ =	shalt  }
0x70: {  	_ =	shalt  }
0x71: {  	_ =	shalt  }
0x72: {  	_ =	shalt  }
0x73: {  	_ =	shalt  }
0x74: {  	_ =	shalt  }
0x75: {  	_ =	shalt  }
0x76: {  	_ =	shalt  }
0x77: {  	_ =	shalt  }
0x78: {  	_ =	shalt  }
0x79: {  	_ =	shalt  }
0x7a: {  	_ =	shalt  }
0x7b: {  	_ =	shalt  }
0x7c: {  	_ =	shalt  }
0x7d: {  	_ =	shalt  }
0x7e: {  	_ =	shalt  }
0x7f: {  	_ =	shalt  }
0x80: {  	_ =	shalt  }
0x81: {  	_ =	shalt  }
0x82: {  	_ =	shalt  }
0x83: {  	_ =	shalt  }
0x84: {  	_ =	shalt  }
0x85: {  	_ =	shalt  }
0x86: {  	_ =	shalt  }
0x87: {  	_ =	shalt  }
.Lfunc_end0:
.L_simem_size_0:
called_computation.1_lowered:
.L_overlay_start_0:
0x88: {  	s2 =	sld [smem:$0x3FD9]  }
0x89: {  	s3 =	sld [smem:$0x3FFE];
	_ =	sdelay $0x1  }
0x8a: {  	s1 =	srdreg.scid  }
0x8b: {  	s0 =	sand.u32 $0x1, s1  }
0x8c: {  	s16 =	sshll.u32 s0, $0xA;
	s2 =	sadd.s32 s3, s2  }
0x8d: {  	s2 =	sadd.s32 s2, s16  }
0x8e: {  	[smem:$0x3FBC] =	sst s2  }
0x8f: {  	_ = 	snop  }
0x90: {  	(tm) =	ssettm $0x1  }
0x91: {  	s17 =	sld [smem:$0x3FFB];
	_ =	sdelay $0x3  }
0x92: {  	_ =	strace s17  }
0x93: {  	s2 =	sld [smem:$0x3FFC];
	_ =	sdelay $0x3  }
0x94: {  	_ =	strace s2  }
0x95: {  	s2 =	sld [smem:$0x3FFD];
	_ =	sdelay $0x3  }
0x96: {  	_ =	strace s2  }
0x97: {  	_ =	strace $0x8FFFFFFF  }
0x98: {  	s18 =	sld [smem:$0x3FDB];
	_ =	sdelay $0x1  }
0x99: {  	s19 =	simm.s32 $_scs_section_size  }
0x9a: {  	s4 =	simm.s32 $_size__tile_overlayer_lowered;
	s5 =	simm.s32 $_tile_overlayer_lowered  }
0x9b: {  	s22 =	simm.s32 $0x1BFF;
	s21 =	sshll.u32 s5, $0x1;
	s2 =	sadd.s32 s19, s18  }
0x9c: {  	s6 =	simm.s32 $0x0;
	s20 =	sshll.u32 s4, $0x1;
	s4 =	sadd.s32 s21, s2  }
0x9d: {  	[timem:s6], [sflag:s22] =	dma.local [hbm:s4], s20  }
0x9e: {  	_ =	swait.ge [sflag:s22], s20  }
0x9f: {  	s3 =	ssub.s32 $0x0, s20;
	[sflag:s22] =	ssyncset.done $0x0  }
0xa0: {  	[sflag:s22] =	ssyncadd.s32 s3;
	_ =	sdelay $0x1  }
0xa1: {  	s23 =	simm.s32 $0x1B8B  }
0xa2: {  	_ =	swait.ge [sflag:s23], $0x1  }
0xa3: {  	[sflag:s23] =	ssyncset.done $0x0  }
0xa4: {  	s25 =	simm.s32 $0x1B8E;
	s24 =	sld [smem:$0x3FFE];
	[sflag:s23] =	ssyncadd.s32 $0xFFFFFFFF  }
0xa5: {  	s26 =	simm.s32 $execute0_lowered;
	[smem:$0x3FD2] =	sst s25  }
0xa6: {  	s4 =	sshll.u32 s26, $0x1;
	_ =	strace $0x80000049;
	[dreg:$0x1] =	wrdreg $0xFFFFFFFF  }
0xa7: {  	s28 =	simm.s32 $_size_execute0_lowered;
	s2 =	sadd.s32 s2, s4;
	[dreg:$0x0] =	wrdreg $0x0  }
0xa8: {  	s4 =	sshll.u32 s28, $0x1;
	[dreg:$0x2] =	wrdreg s2  }
0xa9: {  	[dreg:$0x3] =	wrdreg s4  }
0xaa: {  	[dreg:$0x4] =	wrdreg $0xC0  }
0xab: {  	_ =	task [dreg:s6], $0x5FFFF  }
0xac: {  	[dreg:$0x1] =	wrdreg $0xFFFFFFFF  }
0xad: {  	[dreg:$0x0] =	wrdreg $0x60  }
0xae: {  	[dreg:$0x2] =	wrdreg s24  }
0xaf: {  	[dreg:$0x3] =	wrdreg $0x0  }
0xb0: {  	[dreg:$0x4] =	wrdreg $0x9  }
0xb1: {  	_ =	task.clear_ibuf [dreg:s6], $0x5FFFF;
	_ =	strace $0x90000049  }
0xb2: {  	s29 =	simm.s32 $0x9;
	_ =	strace $0x8000004B  }
0xb3: {  	_ =	swait.ge [sflag:s29], $0x1  }
0xb4: {  	[sflag:s29] =	ssyncadd.s32 $0xFFFFFFFF  }
0xb5: {  	_ =	strace $0x9000004B  }
0xb6: {  	_ =	sfence  }
0xb7: {  	s30 =	sld [smem:$0x0];
	_ =	sdelay $0x2  }
0xb8: {  	s31 =	sshll.u32 s1, $0xD;
	s1 =	sshrl.u32 s1, $0x2  }
0xb9: {  	s3 =	sand.u32 $0x4000, s31;
	s1 =	sadd.s32 s1, s30  }
0xba: {  	s0 =	sor.u32 s3, s0;
	s1 =	sshll.u32 s1, $0x11  }
0xbb: {  	s0 =	sor.u32 s1, s0  }
0xbc: {  	s0 =	sadd.s32 $0x8F2B, s0  }
0xbd: {  	[sflag:s0] =	ssyncadd.remote.s32 $0x1  }
0xbe: {  	_ =	sfence.sel $0xFFFF  }
0xbf: {  	[dreg:$0x0] =	wrdreg $0xFFFFFFFF;
	(pc) =	sbr.abs _section_cstart, $3  }
0xc0: {  	[dreg:$0x1] =	wrdreg $0xFFFFFFFF  }
0xc1: {  	_ =	task.clear_ibuf [dreg:s6], $0x2FFFF;
	_ =	strace $0x9FFFFFFF  }
0xc2: {  	(tm) =	ssettm $0x7FFFFFFF  }
0xc3: {  	_ =	shalt  }
tec
execute0_lowered:
.L_overlay_start_1:
0x0: {  	(tag) =	ssettag $0x1  }
0x1: {  	s0 =	srdreg.scid;
	s30 =	stileid.u32  }
0x2: {  	s0 =	sand.u32 $0x1, s0;
	s8 =	smul.u32 $0x2800, s30  }
0x3: {  	s7 =	sor.u32 $0x10, s30;
	s3 =	smul.u32 $0x138800, s0  }
0x4: {  	s9 =	sor.u32 $0x20, s30;
	s10 =	smul.u32 $0x2800, s7  }
0x5: {  	s12 =	sor.u32 $0x30, s30;
	s13 =	smul.u32 $0x2800, s9  }
0x6: {  	s14 =	sor.u32 $0x40, s30;
	s15 =	smul.u32 $0x2800, s12  }
0x7: {  	s17 =	sor.u32 $0x50, s30;
	s18 =	smul.u32 $0x2800, s14  }
0x8: {  	s20 =	sor.u32 $0x70, s30;
	s19 =	smul.u32 $0x2800, s17  }
0x9: {  	s6 =	rddreg [dreg:$0x0];
	s26 =	smul.u32 $0x2800, s20  }
0xa: {  	s2 =	rddreg [dreg:$0x1];
	s7 =	smul.u32 $0xA000, s7  }
0xb: {  	s31 =	simm.s32 $0x2;
	s1 =	sshll.u32 s30, $0x1;
	s9 =	smul.u32 $0xA000, s9  }
0xc: {  	s11 =	sadd.s32 $0xED2400, s6;
	s29 =	sadd.s32 $0x1C400, s6;
	s20 =	smul.u32 $0xA000, s20  }
0xd: {  	s4 =	sor.u32 s0, s1;
	s24 =	ssub.s32 $0x2, s0;
	s0 =	smul.u32 $0x27100, s0  }
0xe: {  	p0 =	sgt.u32 s30, $0xC;
	s5 =	smul.u32 $0x27100, s4;
	s16 =	sshrl.u32 s24, $0x1  }
0xf: {  	s4 =	sshll.u32 s4, $0xB;
	s1 =	ssub.s32 s24, s16;
	s16 =	sor.u32 $0x60, s30  }
0x10: {  	s21 =	sadd.s32 s8, s3;
	s22 =	sadd.s32 s3, s10;
	s23 =	sadd.s32 s3, s13  }
0x11: {  	s24 =	sadd.s32 s3, s15;
	s18 =	sadd.s32 s3, s18;
	s13 =	smul.u32 $0x4E200, s30  }
0x12: {  	s19 =	sadd.s32 s3, s19;
	s26 =	sadd.s32 s3, s26;
	s15 =	smul.u32 $0xA000, s30  }
0x13: {  	s4 =	sadd.s32 s4, s6;
	s10 =	smul.u32 $0xA000, s12;
	s12 =	sshrl.u32 s7, $0x2  }
0x14: {  	s30 =	simm.s32 $0x50;
	s25 =	smul.u32 $0x2800, s16;
	s5 =	sadd.s32 s11, s5  }
0x15: {  	s6 =	sadd.s32 s12, s2;
	s4 =	sadd.s32 $0xC400, s4;
	s26 =	sshrl.u32 s26, $0x3  }
0x16: {  	[dreg:$0x3] =	wrdreg s5;
	s28 =	sadd.s32 s13, s11;
	s11 =	smul.u32 $0xA000, s14  }
0x17: {  	s5 =	sshrl.u32 s15, $0x2;
	s13 =	sshrl.u32 s9, $0x2;
	s14 =	smul.u32 $0xA000, s17  }
0x18: {  	s15 =	smul.u32 $0xA000, s16;
	s16 =	sshrl.u32 s10, $0x2;
	s25 =	sadd.s32 s3, s25  }
0x19: {  	s3 =	simm.s32 $0x0;
	s5 =	sadd.s32 s5, s2;
	s7 =	sadd.s32 s13, s2  }
0x1a: {  	s8 =	sadd.s32 s16, s2;
	s16 =	sshrl.u32 s21, $0x3;
	s21 =	sshrl.u32 s23, $0x3  }
0x1b: {  	s23 =	sshrl.u32 s18, $0x3;
	s0 =	sadd.s32 s0, s28;
	s28 =	simm.s32 $0x1A080  }
0x1c: {  	[smem:$0x7FF] =	sst s3;
	s17 =	sshrl.u32 s11, $0x2;
	s11 =	sshrl.u32 s14, $0x2  }
0x1d: {  	s14 =	sshrl.u32 s15, $0x2;
	s15 =	sshrl.u32 s20, $0x2;
	s20 =	sshrl.u32 s22, $0x3  }
0x1e: {  	s22 =	sshrl.u32 s24, $0x3;
	s18 =	sadd.s32 s29, s23;
	s24 =	sshrl.u32 s19, $0x3  }
0x1f: {  	s25 =	sshrl.u32 s25, $0x3;
	s23 =	sadd.s32 $0xA00, s0;
	s0 =	simm.s32 $0x0  }
0x20: {  	_ =	strace $0x8000004A;
	s9 =	sadd.s32 s17, s2;
	s10 =	sadd.s32 s11, s2  }
0x21: {  	s11 =	sadd.s32 s14, s2;
	s12 =	sadd.s32 s15, s2;
	[dreg:$0x4] =	wrdreg s4  }
0x22: {  	s17 =	sadd.s32 s29, s16;
	s15 =	sadd.s32 s29, s20;
	s16 =	sadd.s32 s29, s21  }
0x23: {  	s19 =	sadd.s32 s29, s24;
	s20 =	sadd.s32 s29, s25;
	s21 =	sadd.s32 s29, s26  }
0x24: {  	s24 =	simm.s32 $0x17880;
	s25 =	simm.s32 $0x3;
	[dreg:$0x5] =	wrdreg s17  }
0x25: {  	v0 =	vimm.f32 $0.0e+00;
	s17 =	sadd.s32 s29, s22;
	s22 =	smax.u32 s1, $0x1;
	s29 =	simm.s32 $0x1  }
.LBB2_1:
0x26: {  	s1 =	simm.s32 $0x0;
	s4 =	simm.s32 $0x200  }
.LBB2_2:
0x27: {  	p1 =	sne.s32 s4, $0x9E00;
	[tilespmem:s1+$0x178F0] =	vst v0  }
0x28: {  	[tilespmem:s1+$0x17880] =	vst v0  }
0x29: {  	[tilespmem:s1+$0x17890] =	vst v0  }
.Ltmp0:
0x2a: {  	[tilespmem:s1+$0x178A0] =	vst v0;
	(pc) =	sbr.rel @p1 .LBB2_2-.Ltmp0, $4  }
0x2b: {  	[tilespmem:s1+$0x178B0] =	vst v0  }
0x2c: {  	[tilespmem:s1+$0x178C0] =	vst v0  }
0x2d: {  	[tilespmem:s1+$0x178D0] =	vst v0  }
0x2e: {  	[tilespmem:s1+$0x178E0] =	vst v0;
	s1 =	sshra.s32 s4, $0x2;
	s4 =	sadd.s32 $0x200, s4  }
0x2f: {  	[tilespmem:s1+$0x178F0] =	vst v0  }
0x30: {  	[tilespmem:s1+$0x17880] =	vst v0  }
0x31: {  	[tilespmem:s1+$0x17890] =	vst v0  }
0x32: {  	[tilespmem:s1+$0x178A0] =	vst v0  }
0x33: {  	[tilespmem:s1+$0x178B0] =	vst v0  }
0x34: {  	[tilespmem:s1+$0x178C0] =	vst v0  }
0x35: {  	[tilespmem:s1+$0x178D0] =	vst v0  }
0x36: {  	[tilespmem:s1+$0x178E0] =	vst v0  }
0x37: {  	[spmem:s5] =	stream.linear.scatter [tilespmem:s24], [sflag:$0x3], $0x2800, $0x38;
	[tilespmem:$0x1C880] =	vst v63  }
0x38: {  	_ =	swait.ge [sflag:s25], $0x2800  }
0x39: {  	[sflag:s25] =	ssyncset.done $0x0  }
0x3a: {  	[sflag:s25] =	ssyncadd.s32 $0xFFFFD800  }
0x3b: {  	[spmem:s6] =	stream.linear.scatter [tilespmem:s24], [sflag:$0x3], $0x2800, $0x38;
	[tilespmem:$0x1C880] =	vst v63  }
0x3c: {  	_ =	swait.ge [sflag:s25], $0x2800  }
0x3d: {  	[sflag:s25] =	ssyncset.done $0x0  }
0x3e: {  	[sflag:s25] =	ssyncadd.s32 $0xFFFFD800  }
0x3f: {  	[spmem:s7] =	stream.linear.scatter [tilespmem:s24], [sflag:$0x3], $0x2800, $0x38;
	[tilespmem:$0x1C880] =	vst v63  }
0x40: {  	_ =	swait.ge [sflag:s25], $0x2800  }
0x41: {  	[sflag:s25] =	ssyncset.done $0x0  }
0x42: {  	[sflag:s25] =	ssyncadd.s32 $0xFFFFD800  }
0x43: {  	[spmem:s8] =	stream.linear.scatter [tilespmem:s24], [sflag:$0x3], $0x2800, $0x38;
	[tilespmem:$0x1C880] =	vst v63  }
0x44: {  	_ =	swait.ge [sflag:s25], $0x2800  }
0x45: {  	[sflag:s25] =	ssyncset.done $0x0  }
0x46: {  	[sflag:s25] =	ssyncadd.s32 $0xFFFFD800  }
0x47: {  	[spmem:s9] =	stream.linear.scatter [tilespmem:s24], [sflag:$0x3], $0x2800, $0x38;
	[tilespmem:$0x1C880] =	vst v63  }
0x48: {  	_ =	swait.ge [sflag:s25], $0x2800  }
0x49: {  	[sflag:s25] =	ssyncset.done $0x0  }
0x4a: {  	[sflag:s25] =	ssyncadd.s32 $0xFFFFD800  }
0x4b: {  	[spmem:s10] =	stream.linear.scatter [tilespmem:s24], [sflag:$0x3], $0x2800, $0x38;
	[tilespmem:$0x1C880] =	vst v63  }
0x4c: {  	_ =	swait.ge [sflag:s25], $0x2800  }
0x4d: {  	[sflag:s25] =	ssyncset.done $0x0  }
0x4e: {  	[sflag:s25] =	ssyncadd.s32 $0xFFFFD800  }
0x4f: {  	[spmem:s11] =	stream.linear.scatter [tilespmem:s24], [sflag:$0x3], $0x2800, $0x38;
	[tilespmem:$0x1C880] =	vst v63  }
0x50: {  	_ =	swait.ge [sflag:s25], $0x2800  }
0x51: {  	[sflag:s25] =	ssyncset.done $0x0  }
0x52: {  	s1 =	simm.s32 @!p0 $0x17880;
	[sflag:s25] =	ssyncadd.s32 $0xFFFFD800  }
0x53: {  	[spmem:s12] =	stream.linear.scatter @!p0 [tilespmem:s1], [sflag:$0x3], $0x2800, $0x38;
	[tilespmem:$0x1C880] =	vst v63  }
0x54: {  	s1 =	simm.s32 @!p0 $0x3  }
0x55: {  	_ =	swait.ge @!p0 [sflag:s1], $0x2800  }
0x56: {  	[sflag:s1] =	ssyncset.done @!p0 $0x0  }
0x57: {  	[sflag:s1] =	ssyncadd.s32 @!p0 $0xFFFFD800  }
0x58: {  	[bflag:$0x0] =	sbarrier.arrive $0xFFFF  }
0x59: {  	s14 =	simm.s32 $0x0;
	s13 =	simm.s32 $0x13880;
	s4 =	rddreg [dreg:$0x4]  }
0x5a: {  	[tilespmem:s13], [sflag:$0x3] =	stream.linear.gather [hbm4b:s4+s14], $0x3E80, $0x38;
	[tilespmem:$0x1C880] =	vst v63  }
0x5b: {  	_ =	swait.ge [sflag:s25], $0x3E80  }
0x5c: {  	[sflag:s25] =	ssyncset.done $0x0  }
0x5d: {  	s26 =	rddreg [dreg:$0x3];
	[sflag:s25] =	ssyncadd.s32 $0xFFFFC180  }
0x5e: {  	[tilespmem:s24], [sflag:$0x1] =	stream.linear.gather [hbm4b:s26+s14], $0x2800, $0x38;
	[tilespmem:$0x1C880] =	vst v63  }
0x5f: {  	s13 =	sadd.s32 $0xFFFFFB00, s23  }
0x60: {  	[tilespmem:s28], [sflag:$0x2] =	stream.linear.gather [hbm4b:s13+s3], $0x2800, $0x38;
	[tilespmem:$0x1C880] =	vst v63  }
0x61: {  	_ =	swait.ge [sflag:s29], $0x2800  }
0x62: {  	[sflag:s29] =	ssyncset.done $0x0  }
0x63: {  	s14 =	simm.s32 $0x13880;
	[sflag:s29] =	ssyncadd.s32 $0xFFFFD800  }
0x64: {  	[spmem:s2] =	stream.indirect.scatter.add.f32 [tilespmem:s24], [sflag:$0x3], $0x80, s14, s30, $0xb8;
	[tilespmem:$0x1C880] =	vst v63  }
0x65: {  	_ =	swait.ge [sflag:s25], $0x2800  }
0x66: {  	[sflag:s25] =	ssyncset.done $0x0  }
0x67: {  	[sflag:s25] =	ssyncadd.s32 $0xFFFFD800  }
0x68: {  	[tilespmem:s24], [sflag:$0x1] =	stream.linear.gather [hbm4b:s23+s3], $0x2800, $0x38;
	[tilespmem:$0x1C880] =	vst v63  }
0x69: {  	_ =	swait.ge [sflag:s31], $0x2800  }
0x6a: {  	[sflag:s31] =	ssyncset.done $0x0  }
0x6b: {  	s26 =	simm.s32 $0x13900;
	[sflag:s31] =	ssyncadd.s32 $0xFFFFD800  }
0x6c: {  	[spmem:s2] =	stream.indirect.scatter.add.f32 [tilespmem:s28], [sflag:$0x3], $0x80, s26, s30, $0xb8;
	[tilespmem:$0x1C880] =	vst v63  }
0x6d: {  	s1 =	simm.s32 $0x400;
	_ =	swait.ge [sflag:s25], $0x2800  }
0x6e: {  	s4 =	simm.s32 $0x800;
	s26 =	sadd.s32 $0xA00, s23;
	[sflag:s25] =	ssyncset.done $0x0  }
.LBB2_4:
0x6f: {  	p1 =	sne.s32 s4, $0xF400;
	s13 =	sadd.s32 $0xFFFFFB00, s26;
	[sflag:s25] =	ssyncadd.s32 $0xFFFFD800  }
0x70: {  	[tilespmem:s28], [sflag:$0x2] =	stream.linear.gather [hbm4b:s13+s3], $0x2800, $0x38;
	[tilespmem:$0x1C880] =	vst v63  }
0x71: {  	s13 =	smov.u32 s4;
	s4 =	sadd.s32 $0x400, s4;
	_ =	swait.ge [sflag:s29], $0x2800  }
0x72: {  	s14 =	sshra.s32 s1, $0x2;
	s1 =	smov.u32 s13;
	[sflag:s29] =	ssyncset.done $0x0  }
0x73: {  	s13 =	sadd.s32 $0x13880, s14;
	[sflag:s29] =	ssyncadd.s32 $0xFFFFD800  }
0x74: {  	[spmem:s2] =	stream.indirect.scatter.add.f32 [tilespmem:s24], [sflag:$0x3], $0x80, s13, s30, $0xb8;
	[tilespmem:$0x1C880] =	vst v63  }
0x75: {  	_ =	swait.ge [sflag:s25], $0x2800  }
0x76: {  	[sflag:s25] =	ssyncset.done $0x0  }
0x77: {  	[sflag:s25] =	ssyncadd.s32 $0xFFFFD800  }
0x78: {  	[tilespmem:s24], [sflag:$0x1] =	stream.linear.gather [hbm4b:s26+s3], $0x2800, $0x38;
	[tilespmem:$0x1C880] =	vst v63  }
0x79: {  	_ =	swait.ge [sflag:s31], $0x2800  }
.Ltmp1:
0x7a: {  	[sflag:s31] =	ssyncset.done $0x0;
	(pc) =	sbr.rel @p1 .LBB2_4-.Ltmp1, $4  }
0x7b: {  	s13 =	sadd.s32 $0x13900, s14;
	[sflag:s31] =	ssyncadd.s32 $0xFFFFD800  }
0x7c: {  	[spmem:s2] =	stream.indirect.scatter.add.f32 [tilespmem:s28], [sflag:$0x3], $0x80, s13, s30, $0xb8;
	[tilespmem:$0x1C880] =	vst v63  }
0x7d: {  	_ =	swait.ge [sflag:s25], $0x2800  }
0x7e: {  	s26 =	sadd.s32 $0xA00, s26;
	[sflag:s25] =	ssyncset.done $0x0  }
0x7f: {  	s4 =	sadd.s32 $0xFFFFFB00, s26;
	[sflag:s25] =	ssyncadd.s32 $0xFFFFD800  }
0x80: {  	[tilespmem:s28], [sflag:$0x2] =	stream.linear.gather [hbm4b:s4+s3], $0x2800, $0x38;
	[tilespmem:$0x1C880] =	vst v63  }
0x81: {  	_ =	swait.ge [sflag:s29], $0x2800  }
0x82: {  	s1 =	sshra.s32 s1, $0x2;
	[sflag:s29] =	ssyncset.done $0x0  }
0x83: {  	s13 =	sadd.s32 $0x13880, s1;
	[sflag:s29] =	ssyncadd.s32 $0xFFFFD800  }
0x84: {  	[spmem:s2] =	stream.indirect.scatter.add.f32 [tilespmem:s24], [sflag:$0x3], $0x80, s13, s30, $0xb8;
	[tilespmem:$0x1C880] =	vst v63  }
0x85: {  	_ =	swait.ge [sflag:s25], $0x2800  }
0x86: {  	[sflag:s25] =	ssyncset.done $0x0  }
0x87: {  	[sflag:s25] =	ssyncadd.s32 $0xFFFFD800  }
0x88: {  	[tilespmem:s24], [sflag:$0x1] =	stream.linear.gather [hbm4b:s26+s3], $0x2800, $0x38;
	[tilespmem:$0x1C880] =	vst v63  }
0x89: {  	_ =	swait.ge [sflag:s31], $0x2800  }
0x8a: {  	[sflag:s31] =	ssyncset.done $0x0  }
0x8b: {  	s1 =	sadd.s32 $0x13900, s1;
	[sflag:s31] =	ssyncadd.s32 $0xFFFFD800  }
0x8c: {  	[spmem:s2] =	stream.indirect.scatter.add.f32 [tilespmem:s28], [sflag:$0x3], $0x80, s1, s30, $0xb8;
	[tilespmem:$0x1C880] =	vst v63  }
0x8d: {  	_ =	swait.ge [sflag:s25], $0x2800  }
0x8e: {  	[sflag:s25] =	ssyncset.done $0x0  }
0x8f: {  	[sflag:s25] =	ssyncadd.s32 $0xFFFFD800  }
0x90: {  	_ =	swait.ge [sflag:s29], $0x2800  }
0x91: {  	[sflag:s29] =	ssyncset.done $0x0  }
0x92: {  	s14 =	simm.s32 $0x17680;
	[sflag:s29] =	ssyncadd.s32 $0xFFFFD800  }
0x93: {  	[spmem:s2] =	stream.indirect.scatter.add.f32 [tilespmem:s24], [sflag:$0x3], $0x80, s14, s30, $0xb8;
	[tilespmem:$0x1C880] =	vst v63  }
0x94: {  	_ =	swait.ge [sflag:s25], $0x2800  }
0x95: {  	[sflag:s25] =	ssyncset.done $0x0  }
0x96: {  	[sflag:s25] =	ssyncadd.s32 $0xFFFFD800  }
0x97: {  	[bflag:$0x0] =	sbarrier.arrive $0xFFFF  }
0x98: {  	[tilespmem:s24], [sflag:$0x3] =	stream.linear.gather [spmem:s5], $0x2800, $0x38;
	[tilespmem:$0x1C880] =	vst v63  }
0x99: {  	_ =	swait.ge [sflag:s25], $0x2800  }
0x9a: {  	[sflag:s25] =	ssyncset.done $0x0  }
0x9b: {  	s26 =	rddreg [dreg:$0x5];
	[sflag:s25] =	ssyncadd.s32 $0xFFFFD800  }
0x9c: {  	[hbm4b:s26+s3] =	stream.linear.scatter [tilespmem:s24], [sflag:$0x3], $0x2800, $0x38;
	[tilespmem:$0x1C880] =	vst v63  }
0x9d: {  	_ =	swait.ge [sflag:s25], $0x2800  }
0x9e: {  	[sflag:s25] =	ssyncset.done $0x0  }
0x9f: {  	[sflag:s25] =	ssyncadd.s32 $0xFFFFD800  }
0xa0: {  	[tilespmem:s24], [sflag:$0x3] =	stream.linear.gather [spmem:s6], $0x2800, $0x38;
	[tilespmem:$0x1C880] =	vst v63  }
0xa1: {  	_ =	swait.ge [sflag:s25], $0x2800  }
0xa2: {  	[sflag:s25] =	ssyncset.done $0x0  }
0xa3: {  	[sflag:s25] =	ssyncadd.s32 $0xFFFFD800  }
0xa4: {  	[hbm4b:s15+s3] =	stream.linear.scatter [tilespmem:s24], [sflag:$0x3], $0x2800, $0x38;
	[tilespmem:$0x1C880] =	vst v63  }
0xa5: {  	_ =	swait.ge [sflag:s25], $0x2800  }
0xa6: {  	[sflag:s25] =	ssyncset.done $0x0  }
0xa7: {  	[sflag:s25] =	ssyncadd.s32 $0xFFFFD800  }
0xa8: {  	[tilespmem:s24], [sflag:$0x3] =	stream.linear.gather [spmem:s7], $0x2800, $0x38;
	[tilespmem:$0x1C880] =	vst v63  }
0xa9: {  	_ =	swait.ge [sflag:s25], $0x2800  }
0xaa: {  	[sflag:s25] =	ssyncset.done $0x0  }
0xab: {  	[sflag:s25] =	ssyncadd.s32 $0xFFFFD800  }
0xac: {  	[hbm4b:s16+s3] =	stream.linear.scatter [tilespmem:s24], [sflag:$0x3], $0x2800, $0x38;
	[tilespmem:$0x1C880] =	vst v63  }
0xad: {  	_ =	swait.ge [sflag:s25], $0x2800  }
0xae: {  	[sflag:s25] =	ssyncset.done $0x0  }
0xaf: {  	[sflag:s25] =	ssyncadd.s32 $0xFFFFD800  }
0xb0: {  	[tilespmem:s24], [sflag:$0x3] =	stream.linear.gather [spmem:s8], $0x2800, $0x38;
	[tilespmem:$0x1C880] =	vst v63  }
0xb1: {  	_ =	swait.ge [sflag:s25], $0x2800  }
0xb2: {  	[sflag:s25] =	ssyncset.done $0x0  }
0xb3: {  	[sflag:s25] =	ssyncadd.s32 $0xFFFFD800  }
0xb4: {  	[hbm4b:s17+s3] =	stream.linear.scatter [tilespmem:s24], [sflag:$0x3], $0x2800, $0x38;
	[tilespmem:$0x1C880] =	vst v63  }
0xb5: {  	_ =	swait.ge [sflag:s25], $0x2800  }
0xb6: {  	[sflag:s25] =	ssyncset.done $0x0  }
0xb7: {  	[sflag:s25] =	ssyncadd.s32 $0xFFFFD800  }
0xb8: {  	[tilespmem:s24], [sflag:$0x3] =	stream.linear.gather [spmem:s9], $0x2800, $0x38;
	[tilespmem:$0x1C880] =	vst v63  }
0xb9: {  	_ =	swait.ge [sflag:s25], $0x2800  }
0xba: {  	[sflag:s25] =	ssyncset.done $0x0  }
0xbb: {  	[sflag:s25] =	ssyncadd.s32 $0xFFFFD800  }
0xbc: {  	[hbm4b:s18+s3] =	stream.linear.scatter [tilespmem:s24], [sflag:$0x3], $0x2800, $0x38;
	[tilespmem:$0x1C880] =	vst v63  }
0xbd: {  	_ =	swait.ge [sflag:s25], $0x2800  }
0xbe: {  	[sflag:s25] =	ssyncset.done $0x0  }
0xbf: {  	[sflag:s25] =	ssyncadd.s32 $0xFFFFD800  }
0xc0: {  	[tilespmem:s24], [sflag:$0x3] =	stream.linear.gather [spmem:s10], $0x2800, $0x38;
	[tilespmem:$0x1C880] =	vst v63  }
0xc1: {  	_ =	swait.ge [sflag:s25], $0x2800  }
0xc2: {  	[sflag:s25] =	ssyncset.done $0x0  }
0xc3: {  	[sflag:s25] =	ssyncadd.s32 $0xFFFFD800  }
0xc4: {  	[hbm4b:s19+s3] =	stream.linear.scatter [tilespmem:s24], [sflag:$0x3], $0x2800, $0x38;
	[tilespmem:$0x1C880] =	vst v63  }
0xc5: {  	_ =	swait.ge [sflag:s25], $0x2800  }
0xc6: {  	[sflag:s25] =	ssyncset.done $0x0  }
0xc7: {  	[sflag:s25] =	ssyncadd.s32 $0xFFFFD800  }
0xc8: {  	[tilespmem:s24], [sflag:$0x3] =	stream.linear.gather [spmem:s11], $0x2800, $0x38;
	[tilespmem:$0x1C880] =	vst v63  }
0xc9: {  	_ =	swait.ge [sflag:s25], $0x2800  }
0xca: {  	[sflag:s25] =	ssyncset.done $0x0  }
0xcb: {  	[sflag:s25] =	ssyncadd.s32 $0xFFFFD800  }
0xcc: {  	[hbm4b:s20+s3] =	stream.linear.scatter [tilespmem:s24], [sflag:$0x3], $0x2800, $0x38;
	[tilespmem:$0x1C880] =	vst v63  }
0xcd: {  	_ =	swait.ge [sflag:s25], $0x2800  }
0xce: {  	[sflag:s25] =	ssyncset.done $0x0  }
0xcf: {  	s4 =	simm.s32 @!p0 $0x3;
	s1 =	simm.s32 @!p0 $0x17880;
	[sflag:s25] =	ssyncadd.s32 $0xFFFFD800  }
0xd0: {  	[tilespmem:s1], [sflag:$0x3] =	stream.linear.gather @!p0 [spmem:s12], $0x2800, $0x38;
	[tilespmem:$0x1C880] =	vst v63  }
0xd1: {  	s0 =	sadd.s32 $0x1, s0;
	_ =	swait.ge @!p0 [sflag:s4], $0x2800  }
0xd2: {  	p1 =	sne.s32 s0, s22;
	[sflag:s4] =	ssyncset.done @!p0 $0x0  }
.Ltmp2:
0xd3: {  	s13 =	simm.s32 @!p0 $0x0;
	[sflag:s4] =	ssyncadd.s32 @!p0 $0xFFFFD800;
	(pc) =	sbr.rel @p1 .LBB2_1-.Ltmp2, $4  }
0xd4: {  	[hbm4b:s21+s13] =	stream.linear.scatter @!p0 [tilespmem:s1], [sflag:$0x3], $0x2800, $0x38;
	[tilespmem:$0x1C880] =	vst v63  }
0xd5: {  	_ =	swait.ge @!p0 [sflag:s4], $0x2800  }
0xd6: {  	[sflag:s4] =	ssyncset.done @!p0 $0x0  }
0xd7: {  	[sflag:s4] =	ssyncadd.s32 @!p0 $0xFFFFD800  }
0xd8: {  	_ =	sfence.sel $0x180000  }
0xd9: {  	[bflag:$0x0] =	sbarrier.arrive $0xFFFF  }
0xda: {  	_ =	strace $0x9000004A  }
0xdb: {  	s0 =	stileid.u32;
	[bflag:$0x2] =	sbarrier.arrive $0xFFFF  }
0xdc: {  	p0 =	sne.s32 s0, $0x0;
	s0 =	rddreg [dreg:$0x2]  }
0xdd: {  	s0 =	sadd.s32 @!p0 $0x100000, s0  }
0xde: {  	[sflag:s0] =	ssyncadd.tile.s32 @!p0 $0x1;
	_ =	shalt  }
.Lfunc_end2:
_tile_overlayer_lowered:
.L_overlay_start_2:
0xdf: {  	(tag) =	ssettag $0x2  }
0xe0: {  	s0 =	rddreg [dreg:$0x0];
	s2 =	stileid.u32  }
0xe1: {  	s1 =	rddreg [dreg:$0x1];
	p0 =	sne.s32 s2, $0x0  }
0xe2: {  	s3 =	rddreg [dreg:$0x2];
	[bflag:$0x3] =	sbarrier.arrive $0xFFFF;
	s2 =	simm.s32 @!p0 $0x1C03  }
0xe3: {  	[timem:s3], [sflag:s2] =	dma.local @!p0 [hbm:s0], s1  }
0xe4: {  	s0 =	simm.s32 @!p0 $0x3  }
0xe5: {  	_ =	swait.ge @!p0 [sflag:s0], s1  }
0xe6: {  	s1 =	ssub.s32 @!p0 $0x0, s1;
	[sflag:s0] =	ssyncset.done @!p0 $0x0  }
0xe7: {  	[sflag:s0] =	ssyncadd.s32 @!p0 s1  }
0xe8: {  	[bflag:$0x3] =	sbarrier.arrive $0xFFFF  }
0xe9: {  	_ =	shalt  }

// kernel: kernel.7.cloned.1.call-start
scs
__scs_entry_jumppad:
0x0: {  	(pc) =	sbr.rel $0x88, $3  }
0x1: {  	(tag) =	ssettag $0x0;
	lr =	simm.s32 $0x1  }
0x2: {  	[smem:$0x3F95] =	sst lr;
	_ =	strace $0xD0000000  }
0x3: {  	_ = 	snop  }
0x4: {  	_ = 	snop  }
0x5: {  	_ = 	snop  }
0x6: {  	_ = 	snop  }
0x7: {  	_ = 	snop  }
__scs_overlays_trampoline_lowered:
0x8: {  	[smem:$0x3FA4] =	sst s0  }
0x9: {  	[smem:$0x3FA5] =	sst s1  }
0xa: {  	[smem:$0x3FA6] =	sst s2  }
0xb: {  	[smem:$0x3FA7] =	sst s3  }
0xc: {  	[smem:$0x3FA8] =	sst s4  }
0xd: {  	[smem:$0x3FA9] =	sst s5  }
0xe: {  	[smem:$0x3FAA] =	sst s6  }
0xf: {  	[smem:$0x3FAB] =	sst s7  }
0x10: {  	[smem:$0x3FAC] =	sst s8  }
0x11: {  	[smem:$0x3FAD] =	sst s9;
	s0 =	simm.s32 @!p0 $0x0  }
0x12: {  	s1 =	sld [smem:$0x3F93];
	s0 =	simm.s32 @p0 $0x1  }
0x13: {  	[smem:$0x3FAE] =	sst s0;
	s0 =	simm.s32 @!p1 $0x0  }
0x14: {  	s2 =	sld [smem:$0x3F92];
	s0 =	simm.s32 @p1 $0x1  }
0x15: {  	[smem:$0x3FAF] =	sst s0;
	s0 =	simm.s32 @!p2 $0x0  }
0x16: {  	s3 =	sld [smem:$0x3FDB];
	s0 =	simm.s32 @p2 $0x1  }
0x17: {  	s4 =	simm.s32 $0x1BF5;
	[smem:$0x3FB1] =	sst s0  }
0x18: {  	s0 =	sld [smem:$0x3F94];
	_ =	swait.ge [sflag:s4], $0x0  }
0x19: {  	s7 =	sld [smem:$0x3F95]  }
0x1a: {  	s8 =	sadd.s32 $0xFFFFE003, lr  }
0x1b: {  	s9 =	sadd.s32 $0xFFFFFEF7, lr;
	s5 =	simm.s32 $0xFFFFFFFF;
	p2 =	slt.u32 s8, $0xFFFFF086  }
0x1c: {  	p1 =	slt.u32 s9, $0xF7A;
	s5 =	simm.s32 @!p2 $0x0  }
0x1d: {  	s5 =	simm.s32 @p1 $0x1;
	p0 =	seq.s32 s7, s2  }
0x1e: {  	s7 =	smul.u32 @!p0 $0xF7A, s2;
	p2 =	seq.s32 @!p0 s5, $0x0  }
0x1f: {  	s9 =	smul.u32 $0xF7A, s1;
	s8 =	simm.s32 @!p0 $0x1BF5;
	p2 =	por !p2, p0  }
0x20: {  	[sflag:s8] =	ssyncset.s32 @!p0 $0xFFFFF086;
	s6 =	sadd.s32 @!p0 s3, s7;
	s7 =	simm.s32 @!p0 $0x108  }
0x21: {  	s3 =	sadd.s32 s3, s9;
	s6 =	sadd.s32 @!p0 $0x88, s6;
	s7 =	simm.s32 @p2 $0x1082  }
0x22: {  	[simem:s7], [sflag:s8] =	dma.local @!p0 [hbm:s6], $0xF7A  }
0x23: {  	s9 =	sor.u32 $0xD0000000, s2;
	s6 =	simm.s32 $0x108;
	_ =	swait.ge @!p0 [sflag:s8], $0x0  }
0x24: {  	s3 =	sadd.s32 $0x88, s3;
	s6 =	simm.s32 @!p1 $0x1082;
	[sflag:s4] =	ssyncset.s32 $0xFFFFF086  }
0x25: {  	[simem:s6], [sflag:s4] =	dma.local [hbm:s3], $0xF7A  }
0x26: {  	[smem:$0x3F95] =	sst s1;
	(tag) =	ssettag s2;
	_ =	strace s9  }
0x27: {  	s1 =	sld [smem:$0x3FA5]  }
0x28: {  	s2 =	sld [smem:$0x3FA6]  }
0x29: {  	s4 =	sld [smem:$0x3FA8]  }
0x2a: {  	p0 =	seq.s32 s5, $0x0;
	s5 =	sld [smem:$0x3FA9]  }
0x2b: {  	s6 =	sld [smem:$0x3FAA]  }
0x2c: {  	s7 =	sld [smem:$0x3FAB]  }
0x2d: {  	s3 =	simm.s32 $0x108;
	s8 =	sld [smem:$0x3FAC]  }
0x2e: {  	s3 =	simm.s32 @!p0 $0x1082;
	s9 =	sld [smem:$0x3FAD]  }
0x2f: {  	lr =	sadd.s32 s0, s3;
	s0 =	sld [smem:$0x3FA4]  }
0x30: {  	s3 =	sld [smem:$0x3FA7]  }
0x31: {  	[smem:$0x3FB0] =	sst s10  }
0x32: {  	s10 =	sld [smem:$0x3FAE];
	_ =	sdelay $0x3  }
0x33: {  	p0 =	seq.s32 s10, $0x1;
	s10 =	sld [smem:$0x3FB0];
	_ =	sdelay $0x3  }
0x34: {  	[smem:$0x3FB0] =	sst s10  }
0x35: {  	s10 =	sld [smem:$0x3FAF];
	_ =	sdelay $0x3  }
0x36: {  	p1 =	seq.s32 s10, $0x1;
	s10 =	sld [smem:$0x3FB0];
	_ =	sdelay $0x3  }
0x37: {  	[smem:$0x3FB0] =	sst s10  }
0x38: {  	s10 =	sld [smem:$0x3FB1]  }
0x39: {  	_ = 	snop;
	(pc) =	sbr.ind lr, $3  }
0x3a: {  	_ = 	snop  }
0x3b: {  	_ = 	snop  }
0x3c: {  	p2 =	seq.s32 s10, $0x1;
	s10 =	sld [smem:$0x3FB0]  }
0x3d: {  	_ =	shalt  }
0x3e: {  	_ =	shalt  }
0x3f: {  	_ =	shalt  }
0x40: {  	_ =	shalt  }
0x41: {  	_ =	shalt  }
0x42: {  	_ =	shalt  }
0x43: {  	_ =	shalt  }
0x44: {  	_ =	shalt  }
0x45: {  	_ =	shalt  }
0x46: {  	_ =	shalt  }
0x47: {  	_ =	shalt  }
0x48: {  	_ =	shalt  }
0x49: {  	_ =	shalt  }
0x4a: {  	_ =	shalt  }
0x4b: {  	_ =	shalt  }
0x4c: {  	_ =	shalt  }
0x4d: {  	_ =	shalt  }
0x4e: {  	_ =	shalt  }
0x4f: {  	_ =	shalt  }
0x50: {  	_ =	shalt  }
0x51: {  	_ =	shalt  }
0x52: {  	_ =	shalt  }
0x53: {  	_ =	shalt  }
0x54: {  	_ =	shalt  }
0x55: {  	_ =	shalt  }
0x56: {  	_ =	shalt  }
0x57: {  	_ =	shalt  }
0x58: {  	_ =	shalt  }
0x59: {  	_ =	shalt  }
0x5a: {  	_ =	shalt  }
0x5b: {  	_ =	shalt  }
0x5c: {  	_ =	shalt  }
0x5d: {  	_ =	shalt  }
0x5e: {  	_ =	shalt  }
0x5f: {  	_ =	shalt  }
0x60: {  	_ =	shalt  }
0x61: {  	_ =	shalt  }
0x62: {  	_ =	shalt  }
0x63: {  	_ =	shalt  }
0x64: {  	_ =	shalt  }
0x65: {  	_ =	shalt  }
0x66: {  	_ =	shalt  }
0x67: {  	_ =	shalt  }
0x68: {  	_ =	shalt  }
0x69: {  	_ =	shalt  }
0x6a: {  	_ =	shalt  }
0x6b: {  	_ =	shalt  }
0x6c: {  	_ =	shalt  }
0x6d: {  	_ =	shalt  }
0x6e: {  	_ =	shalt  }
0x6f: {  	_ =	shalt  }
0x70: {  	_ =	shalt  }
0x71: {  	_ =	shalt  }
0x72: {  	_ =	shalt  }
0x73: {  	_ =	shalt  }
0x74: {  	_ =	shalt  }
0x75: {  	_ =	shalt  }
0x76: {  	_ =	shalt  }
0x77: {  	_ =	shalt  }
0x78: {  	_ =	shalt  }
0x79: {  	_ =	shalt  }
0x7a: {  	_ =	shalt  }
0x7b: {  	_ =	shalt  }
0x7c: {  	_ =	shalt  }
0x7d: {  	_ =	shalt  }
0x7e: {  	_ =	shalt  }
0x7f: {  	_ =	shalt  }
0x80: {  	_ =	shalt  }
0x81: {  	_ =	shalt  }
0x82: {  	_ =	shalt  }
0x83: {  	_ =	shalt  }
0x84: {  	_ =	shalt  }
0x85: {  	_ =	shalt  }
0x86: {  	_ =	shalt  }
0x87: {  	_ =	shalt  }
.Lfunc_end0:
.L_simem_size_0:
called_computation_lowered:
.L_overlay_start_0:
0x88: {  	s2 =	sld [smem:$0x3FD9]  }
0x89: {  	s3 =	sld [smem:$0x3FFE];
	_ =	sdelay $0x1  }
0x8a: {  	s1 =	srdreg.scid  }
0x8b: {  	s0 =	sand.u32 $0x1, s1  }
0x8c: {  	s17 =	sshll.u32 s0, $0xA;
	s2 =	sadd.s32 s3, s2  }
0x8d: {  	s2 =	sadd.s32 s2, s17  }
0x8e: {  	[smem:$0x3FBC] =	sst s2  }
0x8f: {  	_ = 	snop  }
0x90: {  	s2 =	sld [smem:$0x3FD0];
	(tm) =	ssettm $0x1  }
0x91: {  	s18 =	sld [smem:$0x3FFB];
	_ =	sdelay $0x3  }
0x92: {  	_ =	strace s18  }
0x93: {  	s3 =	sld [smem:$0x3FFC];
	_ =	sdelay $0x3  }
0x94: {  	_ =	strace s3  }
0x95: {  	s3 =	sld [smem:$0x3FFD];
	_ =	sdelay $0x3  }
0x96: {  	_ =	strace s3  }
0x97: {  	_ =	strace $0x8FFFFFFF  }
0x98: {  	s19 =	sld [smem:$0x3FDB];
	_ =	sdelay $0x1  }
0x99: {  	s4 =	simm.s32 $_scs_section_size  }
0x9a: {  	s5 =	simm.s32 $_size__tile_overlayer_lowered;
	s6 =	simm.s32 $_tile_overlayer_lowered  }
0x9b: {  	s22 =	simm.s32 $0x1BFF;
	s21 =	sshll.u32 s6, $0x1;
	s3 =	sadd.s32 s4, s19  }
0x9c: {  	s7 =	simm.s32 $0x0;
	s20 =	sshll.u32 s5, $0x1;
	s5 =	sadd.s32 s21, s3  }
0x9d: {  	[timem:s7], [sflag:s22] =	dma.local [hbm:s5], s20  }
0x9e: {  	_ =	swait.ge [sflag:s22], s20  }
0x9f: {  	s4 =	ssub.s32 $0x0, s20;
	[sflag:s22] =	ssyncset.done $0x0  }
0xa0: {  	[sflag:s22] =	ssyncadd.s32 s4;
	_ =	sdelay $0x1  }
0xa1: {  	s23 =	simm.s32 $0x1B8B  }
0xa2: {  	_ =	swait.ge [sflag:s23], $0x1  }
0xa3: {  	[sflag:s23] =	ssyncset.done $0x0  }
0xa4: {  	s25 =	simm.s32 $0x1B8E;
	s24 =	sld [smem:$0x3FFE];
	[sflag:s23] =	ssyncadd.s32 $0xFFFFFFFF  }
0xa5: {  	s26 =	simm.s32 $execute0_lowered;
	[smem:$0x3FD2] =	sst s25  }
0xa6: {  	s5 =	sshll.u32 s26, $0x1;
	_ =	strace $0x80000046;
	[dreg:$0x1] =	wrdreg $0xFFFFFFFF  }
0xa7: {  	s28 =	simm.s32 $_size_execute0_lowered;
	s3 =	sadd.s32 s3, s5;
	[dreg:$0x0] =	wrdreg $0x0  }
0xa8: {  	s5 =	sshll.u32 s28, $0x1;
	[dreg:$0x2] =	wrdreg s3  }
0xa9: {  	[dreg:$0x3] =	wrdreg s5  }
0xaa: {  	[dreg:$0x4] =	wrdreg $0xC0  }
0xab: {  	_ =	task [dreg:s7], $0x5FFFF  }
0xac: {  	[dreg:$0x1] =	wrdreg $0xFFFFFFFF  }
0xad: {  	[dreg:$0x0] =	wrdreg $0x60  }
0xae: {  	[dreg:$0x2] =	wrdreg s2  }
0xaf: {  	[dreg:$0x3] =	wrdreg s24  }
0xb0: {  	[dreg:$0x4] =	wrdreg $0x9  }
0xb1: {  	_ =	task.clear_ibuf [dreg:s7], $0x5FFFF;
	_ =	strace $0x90000046  }
0xb2: {  	s29 =	simm.s32 $0x9;
	_ =	strace $0x80000048  }
0xb3: {  	_ =	swait.ge [sflag:s29], $0x1  }
0xb4: {  	[sflag:s29] =	ssyncadd.s32 $0xFFFFFFFF  }
0xb5: {  	_ =	strace $0x90000048  }
0xb6: {  	_ =	sfence  }
0xb7: {  	s30 =	sld [smem:$0x0];
	_ =	sdelay $0x2  }
0xb8: {  	s31 =	sshll.u32 s1, $0xD;
	s1 =	sshrl.u32 s1, $0x2  }
0xb9: {  	s3 =	sand.u32 $0x4000, s31;
	s1 =	sadd.s32 s1, s30  }
0xba: {  	s0 =	sor.u32 s3, s0;
	s1 =	sshll.u32 s1, $0x11  }
0xbb: {  	s0 =	sor.u32 s1, s0  }
0xbc: {  	s0 =	sadd.s32 $0x8F2B, s0  }
0xbd: {  	[sflag:s0] =	ssyncadd.remote.s32 $0x1  }
0xbe: {  	_ =	sfence.sel $0xFFFF  }
0xbf: {  	[dreg:$0x0] =	wrdreg $0xFFFFFFFF;
	(pc) =	sbr.abs _section_cstart, $3  }
0xc0: {  	[dreg:$0x1] =	wrdreg $0xFFFFFFFF  }
0xc1: {  	_ =	task.clear_ibuf [dreg:s7], $0x2FFFF;
	_ =	strace $0x9FFFFFFF  }
0xc2: {  	(tm) =	ssettm $0x7FFFFFFF  }
0xc3: {  	_ =	shalt  }
tec
execute0_lowered:
.L_overlay_start_1:
0x0: {  	(tag) =	ssettag $0x1  }
0x1: {  	s2 =	rddreg [dreg:$0x0]  }
0x2: {  	s0 =	rddreg [dreg:$0x1];
	s1 =	srdreg.scid  }
0x3: {  	s4 =	stileid.u32;
	s3 =	simm.s32 $0x0;
	s15 =	simm.s32 $0x5  }
0x4: {  	s17 =	simm.s32 $0x50;
	s18 =	simm.s32 $0x8000;
	s19 =	simm.s32 $0xD000  }
0x5: {  	s21 =	simm.s32 $0xA800;
	s23 =	simm.s32 $0xF800;
	s29 =	simm.s32 $0x2  }
0x6: {  	s30 =	simm.s32 $0x14800;
	s1 =	sand.u32 $0x1, s1;
	s4 =	sshll.u32 s4, $0x1  }
0x7: {  	s20 =	simm.s32 $0x4;
	[smem:$0x7FF] =	sst s3;
	s5 =	sor.u32 s1, s4  }
0x8: {  	s28 =	simm.s32 $0x0;
	_ =	strace $0x80000047;
	s7 =	smul.u32 $0x138800, s5  }
0x9: {  	s1 =	ssub.s32 $0x2, s1;
	s4 =	sshll.u32 s5, $0xB;
	s10 =	smul.u32 $0x7D, s5  }
0xa: {  	s24 =	sshrl.u32 s1, $0x1;
	s25 =	smul.u32 $0x27100, s5;
	s6 =	sadd.s32 s4, s0  }
0xb: {  	s4 =	sadd.s32 $0x2C400, s0;
	s0 =	ssub.s32 s1, s24;
	s24 =	simm.s32 $0x1  }
0xc: {  	s1 =	simm.s32 $0x3;
	s26 =	sshrl.u32 s7, $0x3;
	s31 =	sadd.s32 $0x1C400, s6  }
0xd: {  	s6 =	sadd.s32 $0xC400, s6;
	s7 =	sadd.s32 s4, s25;
	s9 =	sadd.s32 $0x2, s10  }
0xe: {  	s10 =	sadd.s32 $0x3, s10;
	s14 =	smax.u32 s0, $0x1;
	s5 =	sadd.s32 s4, s26  }
0xf: {  	s25 =	simm.s32 $0x12000;
	[dreg:$0x3] =	wrdreg s31;
	s8 =	sadd.s32 $0x500, s5  }
0x10: {  	s11 =	sadd.s32 $0x26200, s5;
	s12 =	sadd.s32 $0x26700, s5;
	s13 =	sadd.s32 $0x26C00, s5  }
.LBB2_1:
0x11: {  	s0 =	rddreg [dreg:$0x3]  }
0x12: {  	[tilespmem:s3], [sflag:$0x5] =	stream.linear.gather [hbm4b:s0+s3], $0x3E80, $0x38;
	[tilespmem:$0x17000] =	vst v63  }
0x13: {  	_ =	swait.ge [sflag:s15], $0x3E80  }
0x14: {  	[sflag:s15] =	ssyncset.done $0x0  }
0x15: {  	s22 =	simm.s32 $0x4000;
	[sflag:s15] =	ssyncadd.s32 $0xFFFFC180  }
0x16: {  	[tilespmem:s22], [sflag:$0x5] =	stream.linear.gather [hbm4b:s6+s3], $0x3E80, $0x38;
	[tilespmem:$0x17000] =	vst v63  }
0x17: {  	_ =	swait.ge [sflag:s15], $0x3E80  }
0x18: {  	[sflag:s15] =	ssyncset.done $0x0  }
0x19: {  	[sflag:s15] =	ssyncadd.s32 $0xFFFFC180  }
0x1a: {  	[tilespmem:s18], [sflag:$0x1] =	stream.indirect.gather [hbm4b:s2+s17], $0x80, s3, s17, $0xb8;
	[tilespmem:$0x17000] =	vst v63  }
0x1b: {  	_ = 	snop  }
0x1c: {  	[tilespmem:s19], [sflag:$0x1] =	stream.indirect.gather [hbm4b:s2+s17], $0x80, s22, s17, $0xb8;
	[tilespmem:$0x17000] =	vst v63  }
0x1d: {  	s26 =	simm.s32 $0x80  }
0x1e: {  	[tilespmem:s21], [sflag:$0x2] =	stream.indirect.gather [hbm4b:s2+s17], $0x80, s26, s17, $0xb8;
	[tilespmem:$0x17000] =	vst v63  }
0x1f: {  	s31 =	simm.s32 $0x4080  }
0x20: {  	[tilespmem:s23], [sflag:$0x2] =	stream.indirect.gather [hbm4b:s2+s17], $0x80, s31, s17, $0xb8;
	[tilespmem:$0x17000] =	vst v63  }
0x21: {  	_ =	swait.ge [sflag:s24], $0x2800  }
0x22: {  	[sflag:s24] =	ssyncset.done $0x0  }
0x23: {  	[sflag:s24] =	ssyncadd.s32 $0xFFFFD800  }
0x24: {  	_ =	swait.ge [sflag:s24], $0x2800  }
0x25: {  	[sflag:s24] =	ssyncset.done $0x0  }
0x26: {  	s0 =	simm.s32 $0x0;
	[sflag:s24] =	ssyncadd.s32 $0xFFFFD800  }
0x27: {  	v0 =	vld [tilespmem:s0+$0x8030]  }
0x28: {  	v1 =	vld [tilespmem:s0+$0xD030]  }
0x29: {  	v2 =	vld [tilespmem:s0+$0x8070]  }
0x2a: {  	v3 =	vld [tilespmem:s0+$0xD070]  }
0x2b: {  	v4 =	vld [tilespmem:s0+$0x8000]  }
0x2c: {  	v5 =	vld [tilespmem:s0+$0xD000]  }
0x2d: {  	v6 =	vld [tilespmem:s0+$0x8040]  }
0x2e: {  	v7 =	vld [tilespmem:s0+$0xD040]  }
0x2f: {  	v8 =	vld [tilespmem:s0+$0x8010]  }
0x30: {  	v0 =	vmul.f32 v1, v0;
	v1 =	vmul.f32 v3, v2;
	v2 =	vld [tilespmem:s0+$0xD010]  }
0x31: {  	v3 =	vld [tilespmem:s0+$0x8050]  }
0x32: {  	v4 =	vmul.f32 v5, v4;
	v5 =	vld [tilespmem:s0+$0xD050];
	v9 =	vshrl.u32 v0, $0x10;
	v10 =	vshrl.u32 v1, $0x10  }
0x33: {  	v9 =	vand.u32 $0x1, v9;
	v10 =	vand.u32 $0x1, v10  }
0x34: {  	v6 =	vmul.f32 v7, v6;
	v7 =	vld [tilespmem:s0+$0x8020];
	v0 =	vadd.s32 v9, v0;
	v1 =	vadd.s32 v10, v1  }
0x35: {  	v9 =	vshrl.u32 v4, $0x10;
	v10 =	vld [tilespmem:s0+$0xD020];
	v0 =	vadd.s32 $0x7FFF, v0;
	v1 =	vadd.s32 $0x7FFF, v1  }
0x36: {  	v11 =	vld [tilespmem:s0+$0x8060];
	v2 =	vmul.f32 v2, v8;
	v8 =	vand.u32 $0x1, v9;
	v9 =	vshrl.u32 v6, $0x10  }
0x37: {  	v12 =	vld [tilespmem:s0+$0xD060];
	v3 =	vmul.f32 v5, v3;
	v0 =	vshrl.u32 v0, $0x10;
	v1 =	vand.u32 $0xFFFF0000, v1  }
0x38: {  	v0 =	vor.u32 v0, v1;
	v1 =	vand.u32 $0x1, v9;
	v5 =	vshrl.u32 v2, $0x10  }
0x39: {  	s16 =	simm.s32 $0x80;
	v8 =	vadd.s32 v8, v4;
	[tilespmem:s0+$0x12030] =	vst v0;
	v9 =	vadd.s32 v1, v6;
	v1 =	vand.u32 $0x1, v5  }
0x3a: {  	v0 =	vld [tilespmem:s16+$0x8030];
	v6 =	vadd.s32 v1, v2;
	v2 =	vshrl.u32 v3, $0x10;
	v4 =	vmul.f32 v10, v7  }
0x3b: {  	v1 =	vld [tilespmem:s16+$0xD030];
	v7 =	vadd.s32 $0x7FFF, v8;
	v5 =	vadd.s32 $0x7FFF, v9;
	v8 =	vand.u32 $0x1, v2  }
0x3c: {  	s22 =	simm.s32 $0x400;
	v2 =	vld [tilespmem:s16+$0x8070];
	v8 =	vadd.s32 v8, v3;
	v3 =	vmul.f32 v12, v11;
	v9 =	vshrl.u32 v4, $0x10  }
.LBB2_2:
0x3d: {  	p0 =	sne.s32 s22, $0x9E00;
	v10 =	vld [tilespmem:s16+$0xD070];
	v6 =	vadd.s32 $0x7FFF, v6;
	v8 =	vadd.s32 $0x7FFF, v8;
	v9 =	vand.u32 $0x1, v9  }
0x3e: {  	v7 =	vshrl.u32 v7, $0x10;
	v11 =	vld [tilespmem:s16+$0x8000];
	v4 =	vadd.s32 v9, v4;
	v9 =	vshrl.u32 v3, $0x10  }
0x3f: {  	v5 =	vand.u32 $0xFFFF0000, v5;
	v12 =	vld [tilespmem:s16+$0xD000];
	v4 =	vadd.s32 $0x7FFF, v4;
	v9 =	vand.u32 $0x1, v9  }
0x40: {  	v6 =	vshrl.u32 v6, $0x10;
	v8 =	vand.u32 $0xFFFF0000, v8;
	v13 =	vld [tilespmem:s16+$0x8040];
	v3 =	vadd.s32 v9, v3  }
0x41: {  	v5 =	vor.u32 v7, v5;
	v4 =	vshrl.u32 v4, $0x10;
	v9 =	vld [tilespmem:s16+$0xD040];
	v3 =	vadd.s32 $0x7FFF, v3  }
0x42: {  	v0 =	vmul.f32 v1, v0;
	v7 =	vld [tilespmem:s16+$0x8010];
	v1 =	vmul.f32 v10, v2;
	[tilespmem:s0+$0x12000] =	vst v5;
	v2 =	vand.u32 $0xFFFF0000, v3  }
0x43: {  	v5 =	vor.u32 v6, v8;
	v3 =	vld [tilespmem:s16+$0xD010];
	v2 =	vor.u32 v4, v2  }
0x44: {  	v8 =	vshrl.u32 v0, $0x10;
	v4 =	vmul.f32 v12, v11;
	v6 =	vld [tilespmem:s16+$0x8050];
	v10 =	vshrl.u32 v1, $0x10;
	[tilespmem:s0+$0x12010] =	vst v5  }
0x45: {  	v8 =	vand.u32 $0x1, v8;
	v5 =	vld [tilespmem:s16+$0xD050];
	v10 =	vand.u32 $0x1, v10;
	[tilespmem:s0+$0x12020] =	vst v2;
	s0 =	smov.u32 s16  }
0x46: {  	v0 =	vadd.s32 v8, v0;
	v2 =	vmul.f32 v9, v13;
	v9 =	vld [tilespmem:s0+$0x8020];
	v1 =	vadd.s32 v10, v1  }
0x47: {  	v0 =	vadd.s32 $0x7FFF, v0;
	v8 =	vshrl.u32 v4, $0x10;
	v10 =	vld [tilespmem:s0+$0xD020];
	v1 =	vadd.s32 $0x7FFF, v1  }
0x48: {  	v0 =	vshrl.u32 v0, $0x10;
	v3 =	vmul.f32 v3, v7;
	v11 =	vld [tilespmem:s0+$0x8060];
	v1 =	vand.u32 $0xFFFF0000, v1  }
0x49: {  	v7 =	vand.u32 $0x1, v8;
	v8 =	vshrl.u32 v2, $0x10;
	v12 =	vld [tilespmem:s0+$0xD060];
	v0 =	vor.u32 v0, v1  }
.Ltmp0:
0x4a: {  	v1 =	vand.u32 $0x1, v8;
	v8 =	vmul.f32 v5, v6;
	v5 =	vshrl.u32 v3, $0x10;
	[tilespmem:s0+$0x12030] =	vst v0;
	(pc) =	sbr.rel @p0 .LBB2_2-.Ltmp0, $4  }
0x4b: {  	s16 =	sshra.s32 s22, $0x2;
	v7 =	vadd.s32 v7, v4;
	v2 =	vadd.s32 v1, v2;
	v1 =	vand.u32 $0x1, v5  }
0x4c: {  	v0 =	vld [tilespmem:s16+$0x8030];
	v6 =	vadd.s32 v1, v3;
	v3 =	vshrl.u32 v8, $0x10;
	v4 =	vmul.f32 v10, v9  }
0x4d: {  	v7 =	vadd.s32 $0x7FFF, v7;
	v5 =	vadd.s32 $0x7FFF, v2;
	v1 =	vld [tilespmem:s16+$0xD030];
	v3 =	vand.u32 $0x1, v3  }
0x4e: {  	s22 =	sadd.s32 $0x200, s22;
	v2 =	vld [tilespmem:s16+$0x8070];
	v8 =	vadd.s32 v3, v8;
	v3 =	vmul.f32 v12, v11;
	v9 =	vshrl.u32 v4, $0x10  }
0x4f: {  	v10 =	vld [tilespmem:s16+$0xD070]  }
0x50: {  	v11 =	vld [tilespmem:s16+$0x8000]  }
0x51: {  	v12 =	vld [tilespmem:s16+$0xD000];
	v6 =	vadd.s32 $0x7FFF, v6  }
0x52: {  	v13 =	vld [tilespmem:s16+$0x8040];
	v9 =	vand.u32 $0x1, v9;
	v7 =	vshrl.u32 v7, $0x10;
	v5 =	vand.u32 $0xFFFF0000, v5  }
0x53: {  	v14 =	vld [tilespmem:s16+$0xD040];
	v4 =	vadd.s32 v9, v4;
	v9 =	vshrl.u32 v3, $0x10;
	v5 =	vor.u32 v7, v5  }
0x54: {  	v7 =	vld [tilespmem:s16+$0x8010];
	v6 =	vshrl.u32 v6, $0x10;
	[tilespmem:s0+$0x12000] =	vst v5;
	v5 =	vadd.s32 $0x7FFF, v8;
	v8 =	vand.u32 $0x1, v9  }
0x55: {  	v4 =	vadd.s32 $0x7FFF, v4;
	v5 =	vand.u32 $0xFFFF0000, v5;
	v3 =	vadd.s32 v8, v3  }
0x56: {  	v8 =	vld [tilespmem:s16+$0xD010];
	v0 =	vmul.f32 v1, v0;
	v4 =	vshrl.u32 v4, $0x10;
	v3 =	vadd.s32 $0x7FFF, v3  }
0x57: {  	v1 =	vor.u32 v6, v5;
	v2 =	vmul.f32 v10, v2;
	v3 =	vand.u32 $0xFFFF0000, v3  }
0x58: {  	v5 =	vld [tilespmem:s16+$0x8050];
	[tilespmem:s0+$0x12010] =	vst v1;
	v1 =	vor.u32 v4, v3;
	v3 =	vshrl.u32 v0, $0x10  }
0x59: {  	v6 =	vmul.f32 v12, v11;
	v4 =	vld [tilespmem:s16+$0xD050];
	v9 =	vshrl.u32 v2, $0x10;
	v3 =	vand.u32 $0x1, v3;
	[tilespmem:s0+$0x12020] =	vst v1  }
0x5a: {  	v1 =	vand.u32 $0x1, v9;
	v9 =	vmul.f32 v14, v13;
	v10 =	vld [tilespmem:s16+$0x8020];
	v0 =	vadd.s32 v3, v0  }
0x5b: {  	v3 =	vld [tilespmem:s16+$0xD020];
	v7 =	vmul.f32 v8, v7;
	v1 =	vadd.s32 v1, v2;
	v0 =	vadd.s32 $0x7FFF, v0  }
0x5c: {  	v8 =	vld [tilespmem:s16+$0x8060];
	v2 =	vshrl.u32 v6, $0x10;
	v1 =	vadd.s32 $0x7FFF, v1;
	v0 =	vshrl.u32 v0, $0x10  }
0x5d: {  	v62 =	vld [tilespmem:s16+$0xD060];
	v2 =	vand.u32 $0x1, v2;
	v11 =	vshrl.u32 v9, $0x10;
	v1 =	vand.u32 $0xFFFF0000, v1  }
0x5e: {  	v2 =	vadd.s32 v2, v6;
	v0 =	vor.u32 v0, v1;
	v1 =	vmul.f32 v4, v5  }
0x5f: {  	v4 =	vshrl.u32 v7, $0x10;
	v5 =	vand.u32 $0x1, v11;
	v2 =	vadd.s32 $0x7FFF, v2  }
0x60: {  	v4 =	vand.u32 $0x1, v4;
	v5 =	vadd.s32 v5, v9;
	v6 =	vshrl.u32 v1, $0x10  }
0x61: {  	v3 =	vmul.f32 v3, v10;
	v2 =	vshrl.u32 v2, $0x10;
	v6 =	vand.u32 $0x1, v6  }
0x62: {  	v4 =	vadd.s32 v4, v7;
	v1 =	vadd.s32 v6, v1;
	v6 =	vmul.f32 v62, v8  }
0x63: {  	v5 =	vadd.s32 $0x7FFF, v5;
	v7 =	vshrl.u32 v3, $0x10;
	v4 =	vadd.s32 $0x7FFF, v4  }
0x64: {  	v5 =	vand.u32 $0xFFFF0000, v5;
	v7 =	vand.u32 $0x1, v7;
	v8 =	vshrl.u32 v6, $0x10  }
0x65: {  	v4 =	vshrl.u32 v4, $0x10;
	v3 =	vadd.s32 v7, v3;
	v7 =	vand.u32 $0x1, v8  }
0x66: {  	v1 =	vadd.s32 $0x7FFF, v1;
	v3 =	vadd.s32 $0x7FFF, v3;
	v6 =	vadd.s32 v7, v6  }
0x67: {  	[tilespmem:s16+$0x12030] =	vst v0;
	v0 =	vand.u32 $0xFFFF0000, v1;
	v1 =	vor.u32 v2, v5;
	v2 =	vadd.s32 $0x7FFF, v6  }
0x68: {  	v3 =	vshrl.u32 v3, $0x10;
	[tilespmem:s16+$0x12000] =	vst v1;
	v0 =	vor.u32 v4, v0;
	v1 =	vand.u32 $0xFFFF0000, v2  }
0x69: {  	[tilespmem:s16+$0x12010] =	vst v0;
	v1 =	vor.u32 v3, v1  }
0x6a: {  	s22 =	simm.s32 $0x0;
	[tilespmem:s16+$0x12020] =	vst v1  }
0x6b: {  	[hbm4b:s7+s22] =	stream.linear.scatter [tilespmem:s25], [sflag:$0x3], $0x2800, $0x38;
	[tilespmem:$0x17000] =	vst v63  }
0x6c: {  	s26 =	simm.s32 $0x100  }
0x6d: {  	[tilespmem:s18], [sflag:$0x1] =	stream.indirect.gather [hbm4b:s2+s17], $0x80, s26, s17, $0xb8;
	[tilespmem:$0x17000] =	vst v63  }
0x6e: {  	s31 =	simm.s32 $0x4100  }
0x6f: {  	[tilespmem:s19], [sflag:$0x1] =	stream.indirect.gather [hbm4b:s2+s17], $0x80, s31, s17, $0xb8;
	[tilespmem:$0x17000] =	vst v63  }
0x70: {  	_ =	swait.ge [sflag:s29], $0x2800  }
0x71: {  	[sflag:s29] =	ssyncset.done $0x0  }
0x72: {  	[sflag:s29] =	ssyncadd.s32 $0xFFFFD800  }
0x73: {  	_ =	swait.ge [sflag:s29], $0x2800  }
0x74: {  	[sflag:s29] =	ssyncset.done $0x0  }
0x75: {  	s0 =	simm.s32 $0x0;
	[sflag:s29] =	ssyncadd.s32 $0xFFFFD800  }
0x76: {  	v0 =	vld [tilespmem:s0+$0xA830]  }
0x77: {  	v1 =	vld [tilespmem:s0+$0xF830]  }
0x78: {  	v2 =	vld [tilespmem:s0+$0xA870]  }
0x79: {  	v3 =	vld [tilespmem:s0+$0xF870]  }
0x7a: {  	v4 =	vld [tilespmem:s0+$0xA800]  }
0x7b: {  	v5 =	vld [tilespmem:s0+$0xF800]  }
0x7c: {  	v6 =	vld [tilespmem:s0+$0xA840]  }
0x7d: {  	v7 =	vld [tilespmem:s0+$0xF840]  }
0x7e: {  	v8 =	vld [tilespmem:s0+$0xA810]  }
0x7f: {  	v0 =	vmul.f32 v1, v0;
	v1 =	vmul.f32 v3, v2;
	v2 =	vld [tilespmem:s0+$0xF810]  }
0x80: {  	v3 =	vld [tilespmem:s0+$0xA850]  }
0x81: {  	v4 =	vmul.f32 v5, v4;
	v5 =	vld [tilespmem:s0+$0xF850];
	v9 =	vshrl.u32 v0, $0x10;
	v10 =	vshrl.u32 v1, $0x10  }
0x82: {  	v9 =	vand.u32 $0x1, v9;
	v10 =	vand.u32 $0x1, v10  }
0x83: {  	v6 =	vmul.f32 v7, v6;
	v7 =	vld [tilespmem:s0+$0xA820];
	v0 =	vadd.s32 v9, v0;
	v1 =	vadd.s32 v10, v1  }
0x84: {  	v9 =	vshrl.u32 v4, $0x10;
	v10 =	vld [tilespmem:s0+$0xF820];
	v0 =	vadd.s32 $0x7FFF, v0;
	v1 =	vadd.s32 $0x7FFF, v1  }
0x85: {  	v11 =	vld [tilespmem:s0+$0xA860];
	v2 =	vmul.f32 v2, v8;
	v8 =	vand.u32 $0x1, v9;
	v9 =	vshrl.u32 v6, $0x10  }
0x86: {  	v63 =	vld [tilespmem:s0+$0xF860];
	v3 =	vmul.f32 v5, v3;
	v0 =	vshrl.u32 v0, $0x10;
	v1 =	vand.u32 $0xFFFF0000, v1  }
0x87: {  	v0 =	vor.u32 v0, v1;
	v1 =	vand.u32 $0x1, v9;
	v5 =	vshrl.u32 v2, $0x10  }
0x88: {  	s16 =	simm.s32 $0x80;
	v8 =	vadd.s32 v8, v4;
	[tilespmem:s0+$0x14830] =	vst v0;
	v9 =	vadd.s32 v1, v6;
	v1 =	vand.u32 $0x1, v5  }
0x89: {  	v0 =	vld [tilespmem:s16+$0xA830];
	v6 =	vadd.s32 v1, v2;
	v2 =	vshrl.u32 v3, $0x10;
	v4 =	vmul.f32 v10, v7  }
0x8a: {  	v1 =	vld [tilespmem:s16+$0xF830];
	v7 =	vadd.s32 $0x7FFF, v8;
	v5 =	vadd.s32 $0x7FFF, v9;
	v8 =	vand.u32 $0x1, v2  }
0x8b: {  	s22 =	simm.s32 $0x400;
	v2 =	vld [tilespmem:s16+$0xA870];
	v8 =	vadd.s32 v8, v3;
	v3 =	vmul.f32 v63, v11;
	v9 =	vshrl.u32 v4, $0x10  }
.LBB2_4:
0x8c: {  	p0 =	sne.s32 s22, $0x9E00;
	v10 =	vld [tilespmem:s16+$0xF870];
	v6 =	vadd.s32 $0x7FFF, v6;
	v8 =	vadd.s32 $0x7FFF, v8;
	v9 =	vand.u32 $0x1, v9  }
0x8d: {  	v7 =	vshrl.u32 v7, $0x10;
	v11 =	vld [tilespmem:s16+$0xA800];
	v4 =	vadd.s32 v9, v4;
	v9 =	vshrl.u32 v3, $0x10  }
0x8e: {  	v5 =	vand.u32 $0xFFFF0000, v5;
	v12 =	vld [tilespmem:s16+$0xF800];
	v4 =	vadd.s32 $0x7FFF, v4;
	v9 =	vand.u32 $0x1, v9  }
0x8f: {  	v6 =	vshrl.u32 v6, $0x10;
	v8 =	vand.u32 $0xFFFF0000, v8;
	v13 =	vld [tilespmem:s16+$0xA840];
	v3 =	vadd.s32 v9, v3  }
0x90: {  	v5 =	vor.u32 v7, v5;
	v4 =	vshrl.u32 v4, $0x10;
	v9 =	vld [tilespmem:s16+$0xF840];
	v3 =	vadd.s32 $0x7FFF, v3  }
0x91: {  	v0 =	vmul.f32 v1, v0;
	v7 =	vld [tilespmem:s16+$0xA810];
	v1 =	vmul.f32 v10, v2;
	[tilespmem:s0+$0x14800] =	vst v5;
	v2 =	vand.u32 $0xFFFF0000, v3  }
0x92: {  	v5 =	vor.u32 v6, v8;
	v3 =	vld [tilespmem:s16+$0xF810];
	v2 =	vor.u32 v4, v2  }
0x93: {  	v8 =	vshrl.u32 v0, $0x10;
	v4 =	vmul.f32 v12, v11;
	v6 =	vld [tilespmem:s16+$0xA850];
	v10 =	vshrl.u32 v1, $0x10;
	[tilespmem:s0+$0x14810] =	vst v5  }
0x94: {  	v8 =	vand.u32 $0x1, v8;
	v5 =	vld [tilespmem:s16+$0xF850];
	v10 =	vand.u32 $0x1, v10;
	[tilespmem:s0+$0x14820] =	vst v2;
	s0 =	smov.u32 s16  }
0x95: {  	v0 =	vadd.s32 v8, v0;
	v2 =	vmul.f32 v9, v13;
	v9 =	vld [tilespmem:s0+$0xA820];
	v1 =	vadd.s32 v10, v1  }
0x96: {  	v0 =	vadd.s32 $0x7FFF, v0;
	v8 =	vshrl.u32 v4, $0x10;
	v10 =	vld [tilespmem:s0+$0xF820];
	v1 =	vadd.s32 $0x7FFF, v1  }
0x97: {  	v0 =	vshrl.u32 v0, $0x10;
	v3 =	vmul.f32 v3, v7;
	v11 =	vld [tilespmem:s0+$0xA860];
	v1 =	vand.u32 $0xFFFF0000, v1  }
0x98: {  	v7 =	vand.u32 $0x1, v8;
	v8 =	vshrl.u32 v2, $0x10;
	v12 =	vld [tilespmem:s0+$0xF860];
	v0 =	vor.u32 v0, v1  }
.Ltmp1:
0x99: {  	v1 =	vand.u32 $0x1, v8;
	v8 =	vmul.f32 v5, v6;
	v5 =	vshrl.u32 v3, $0x10;
	[tilespmem:s0+$0x14830] =	vst v0;
	(pc) =	sbr.rel @p0 .LBB2_4-.Ltmp1, $4  }
0x9a: {  	s16 =	sshra.s32 s22, $0x2;
	v7 =	vadd.s32 v7, v4;
	v2 =	vadd.s32 v1, v2;
	v1 =	vand.u32 $0x1, v5  }
0x9b: {  	v0 =	vld [tilespmem:s16+$0xA830];
	v6 =	vadd.s32 v1, v3;
	v3 =	vshrl.u32 v8, $0x10;
	v4 =	vmul.f32 v10, v9  }
0x9c: {  	v7 =	vadd.s32 $0x7FFF, v7;
	v5 =	vadd.s32 $0x7FFF, v2;
	v1 =	vld [tilespmem:s16+$0xF830];
	v3 =	vand.u32 $0x1, v3  }
0x9d: {  	s22 =	sadd.s32 $0x200, s22;
	v2 =	vld [tilespmem:s16+$0xA870];
	v8 =	vadd.s32 v3, v8;
	v3 =	vmul.f32 v12, v11;
	v9 =	vshrl.u32 v4, $0x10  }
0x9e: {  	v10 =	vld [tilespmem:s16+$0xF870]  }
0x9f: {  	v11 =	vld [tilespmem:s16+$0xA800];
	v6 =	vadd.s32 $0x7FFF, v6  }
0xa0: {  	v12 =	vld [tilespmem:s16+$0xF800];
	v9 =	vand.u32 $0x1, v9;
	v7 =	vshrl.u32 v7, $0x10;
	v5 =	vand.u32 $0xFFFF0000, v5  }
0xa1: {  	v13 =	vld [tilespmem:s16+$0xA840];
	v34 =	vadd.s32 $0x7FFF, v8;
	v4 =	vadd.s32 v9, v4;
	v32 =	vshrl.u32 v3, $0x10  }
0xa2: {  	v14 =	vld [tilespmem:s16+$0xF840];
	v5 =	vor.u32 v7, v5;
	v6 =	vshrl.u32 v6, $0x10;
	v35 =	vand.u32 $0x1, v32  }
0xa3: {  	v33 =	vld [tilespmem:s16+$0xA810];
	[tilespmem:s0+$0x14800] =	vst v5;
	v4 =	vadd.s32 $0x7FFF, v4;
	v5 =	vand.u32 $0xFFFF0000, v34;
	v36 =	vadd.s32 v35, v3  }
0xa4: {  	v0 =	vmul.f32 v1, v0;
	v38 =	vor.u32 v6, v5;
	v3 =	vadd.s32 $0x7FFF, v36  }
0xa5: {  	v37 =	vld [tilespmem:s16+$0xF810];
	v4 =	vshrl.u32 v4, $0x10;
	v2 =	vmul.f32 v10, v2;
	v3 =	vand.u32 $0xFFFF0000, v3  }
0xa6: {  	v39 =	vld [tilespmem:s16+$0xA850];
	[tilespmem:s0+$0x14810] =	vst v38;
	v41 =	vshrl.u32 v0, $0x10;
	v43 =	vmul.f32 v12, v11;
	v40 =	vor.u32 v4, v3  }
0xa7: {  	v42 =	vld [tilespmem:s16+$0xF850];
	v46 =	vmul.f32 v14, v13;
	v3 =	vand.u32 $0x1, v41;
	[tilespmem:s0+$0x14820] =	vst v40  }
0xa8: {  	v44 =	vshrl.u32 v2, $0x10;
	v0 =	vadd.s32 v3, v0;
	v48 =	vshrl.u32 v43, $0x10;
	v47 =	vld [tilespmem:s16+$0xA820]  }
0xa9: {  	v51 =	vshrl.u32 v46, $0x10;
	v45 =	vand.u32 $0x1, v44;
	v49 =	vld [tilespmem:s16+$0xF820];
	v0 =	vadd.s32 $0x7FFF, v0  }
0xaa: {  	v7 =	vmul.f32 v37, v33;
	v50 =	vld [tilespmem:s16+$0xA860];
	v55 =	vand.u32 $0x1, v51;
	v1 =	vadd.s32 v45, v2  }
0xab: {  	v52 =	vld [tilespmem:s16+$0xF860];
	v0 =	vshrl.u32 v0, $0x10;
	v2 =	vand.u32 $0x1, v48;
	v5 =	vadd.s32 v55, v46  }
0xac: {  	v1 =	vadd.s32 $0x7FFF, v1;
	v53 =	vmul.f32 v42, v39;
	v54 =	vshrl.u32 v7, $0x10  }
0xad: {  	v2 =	vadd.s32 v2, v43;
	v5 =	vadd.s32 $0x7FFF, v5;
	v1 =	vand.u32 $0xFFFF0000, v1  }
0xae: {  	v4 =	vand.u32 $0x1, v54;
	v2 =	vadd.s32 $0x7FFF, v2;
	v5 =	vand.u32 $0xFFFF0000, v5  }
0xaf: {  	v0 =	vor.u32 v0, v1;
	v4 =	vadd.s32 v4, v7;
	v56 =	vshrl.u32 v53, $0x10  }
0xb0: {  	v2 =	vshrl.u32 v2, $0x10;
	v3 =	vmul.f32 v49, v47;
	v57 =	vmul.f32 v52, v50  }
0xb1: {  	v6 =	vand.u32 $0x1, v56;
	v4 =	vadd.s32 $0x7FFF, v4;
	v61 =	vor.u32 v2, v5  }
0xb2: {  	v1 =	vadd.s32 v6, v53;
	v58 =	vshrl.u32 v3, $0x10;
	v8 =	vshrl.u32 v57, $0x10  }
0xb3: {  	v4 =	vshrl.u32 v4, $0x10;
	v7 =	vand.u32 $0x1, v58;
	v59 =	vand.u32 $0x1, v8  }
0xb4: {  	v1 =	vadd.s32 $0x7FFF, v1;
	v3 =	vadd.s32 v7, v3;
	v6 =	vadd.s32 v59, v57  }
0xb5: {  	[tilespmem:s16+$0x14830] =	vst v0;
	v60 =	vand.u32 $0xFFFF0000, v1;
	v3 =	vadd.s32 $0x7FFF, v3;
	v62 =	vadd.s32 $0x7FFF, v6  }
0xb6: {  	[tilespmem:s16+$0x14800] =	vst v61;
	v0 =	vor.u32 v4, v60;
	v3 =	vshrl.u32 v3, $0x10;
	v63 =	vand.u32 $0xFFFF0000, v62  }
0xb7: {  	[tilespmem:s16+$0x14810] =	vst v0;
	v1 =	vor.u32 v3, v63  }
0xb8: {  	s31 =	simm.s32 $0x0;
	[tilespmem:s16+$0x14820] =	vst v1  }
0xb9: {  	[hbm4b:s8+s31] =	stream.linear.scatter [tilespmem:s30], [sflag:$0x4], $0x2800, $0x38;
	[tilespmem:$0x17000] =	vst v63  }
0xba: {  	s22 =	simm.s32 $0x180  }
0xbb: {  	[tilespmem:s21], [sflag:$0x2] =	stream.indirect.gather [hbm4b:s2+s17], $0x80, s22, s17, $0xb8;
	[tilespmem:$0x17000] =	vst v63  }
0xbc: {  	s26 =	simm.s32 $0x4180  }
0xbd: {  	[tilespmem:s23], [sflag:$0x2] =	stream.indirect.gather [hbm4b:s2+s17], $0x80, s26, s17, $0xb8;
	[tilespmem:$0x17000] =	vst v63  }
.LBB2_6:
0xbe: {  	_ =	swait.ge [sflag:s24], $0x2800  }
0xbf: {  	[sflag:s24] =	ssyncset.done $0x0  }
0xc0: {  	[sflag:s24] =	ssyncadd.s32 $0xFFFFD800  }
0xc1: {  	_ =	swait.ge [sflag:s24], $0x2800  }
0xc2: {  	[sflag:s24] =	ssyncset.done $0x0  }
0xc3: {  	[sflag:s24] =	ssyncadd.s32 $0xFFFFD800  }
0xc4: {  	_ =	swait.ge [sflag:s1], $0x2800  }
0xc5: {  	[sflag:s1] =	ssyncset.done $0x0  }
0xc6: {  	s0 =	simm.s32 $0x0;
	[sflag:s1] =	ssyncadd.s32 $0xFFFFD800  }
0xc7: {  	v0 =	vld [tilespmem:s0+$0x8030]  }
0xc8: {  	v1 =	vld [tilespmem:s0+$0xD030]  }
0xc9: {  	v2 =	vld [tilespmem:s0+$0x8070]  }
0xca: {  	v3 =	vld [tilespmem:s0+$0xD070]  }
0xcb: {  	v4 =	vld [tilespmem:s0+$0x8000]  }
0xcc: {  	v5 =	vld [tilespmem:s0+$0xD000]  }
0xcd: {  	v6 =	vld [tilespmem:s0+$0x8040]  }
0xce: {  	v7 =	vld [tilespmem:s0+$0xD040]  }
0xcf: {  	v8 =	vld [tilespmem:s0+$0x8010]  }
0xd0: {  	v0 =	vmul.f32 v1, v0;
	v1 =	vmul.f32 v3, v2;
	v2 =	vld [tilespmem:s0+$0xD010]  }
0xd1: {  	v3 =	vld [tilespmem:s0+$0x8050]  }
0xd2: {  	v4 =	vmul.f32 v5, v4;
	v5 =	vld [tilespmem:s0+$0xD050];
	v9 =	vshrl.u32 v0, $0x10;
	v10 =	vshrl.u32 v1, $0x10  }
0xd3: {  	v9 =	vand.u32 $0x1, v9;
	v10 =	vand.u32 $0x1, v10  }
0xd4: {  	v6 =	vmul.f32 v7, v6;
	v7 =	vld [tilespmem:s0+$0x8020];
	v0 =	vadd.s32 v9, v0;
	v1 =	vadd.s32 v10, v1  }
0xd5: {  	v9 =	vshrl.u32 v4, $0x10;
	v10 =	vld [tilespmem:s0+$0xD020];
	v0 =	vadd.s32 $0x7FFF, v0;
	v1 =	vadd.s32 $0x7FFF, v1  }
0xd6: {  	v11 =	vld [tilespmem:s0+$0x8060];
	v2 =	vmul.f32 v2, v8;
	v8 =	vand.u32 $0x1, v9;
	v9 =	vshrl.u32 v6, $0x10  }
0xd7: {  	v12 =	vld [tilespmem:s0+$0xD060];
	v3 =	vmul.f32 v5, v3;
	v0 =	vshrl.u32 v0, $0x10;
	v1 =	vand.u32 $0xFFFF0000, v1  }
0xd8: {  	v0 =	vor.u32 v0, v1;
	v1 =	vand.u32 $0x1, v9;
	v5 =	vshrl.u32 v2, $0x10  }
0xd9: {  	s22 =	simm.s32 $0x80;
	v8 =	vadd.s32 v8, v4;
	[tilespmem:s0+$0x12030] =	vst v0;
	v9 =	vadd.s32 v1, v6;
	v1 =	vand.u32 $0x1, v5  }
0xda: {  	v0 =	vld [tilespmem:s22+$0x8030];
	v6 =	vadd.s32 v1, v2;
	v2 =	vshrl.u32 v3, $0x10;
	v4 =	vmul.f32 v10, v7  }
0xdb: {  	v1 =	vld [tilespmem:s22+$0xD030];
	v7 =	vadd.s32 $0x7FFF, v8;
	v5 =	vadd.s32 $0x7FFF, v9;
	v8 =	vand.u32 $0x1, v2  }
0xdc: {  	s16 =	simm.s32 $0x400;
	v2 =	vld [tilespmem:s22+$0x8070];
	v8 =	vadd.s32 v8, v3;
	v3 =	vmul.f32 v12, v11;
	v9 =	vshrl.u32 v4, $0x10  }
.LBB2_7:
0xdd: {  	p0 =	sne.s32 s16, $0x9E00;
	v10 =	vld [tilespmem:s22+$0xD070];
	v6 =	vadd.s32 $0x7FFF, v6;
	v8 =	vadd.s32 $0x7FFF, v8;
	v9 =	vand.u32 $0x1, v9  }
0xde: {  	v7 =	vshrl.u32 v7, $0x10;
	v11 =	vld [tilespmem:s22+$0x8000];
	v4 =	vadd.s32 v9, v4;
	v9 =	vshrl.u32 v3, $0x10  }
0xdf: {  	v5 =	vand.u32 $0xFFFF0000, v5;
	v12 =	vld [tilespmem:s22+$0xD000];
	v4 =	vadd.s32 $0x7FFF, v4;
	v9 =	vand.u32 $0x1, v9  }
0xe0: {  	v6 =	vshrl.u32 v6, $0x10;
	v8 =	vand.u32 $0xFFFF0000, v8;
	v13 =	vld [tilespmem:s22+$0x8040];
	v3 =	vadd.s32 v9, v3  }
0xe1: {  	v5 =	vor.u32 v7, v5;
	v4 =	vshrl.u32 v4, $0x10;
	v9 =	vld [tilespmem:s22+$0xD040];
	v3 =	vadd.s32 $0x7FFF, v3  }
0xe2: {  	v0 =	vmul.f32 v1, v0;
	v7 =	vld [tilespmem:s22+$0x8010];
	v1 =	vmul.f32 v10, v2;
	[tilespmem:s0+$0x12000] =	vst v5;
	v2 =	vand.u32 $0xFFFF0000, v3  }
0xe3: {  	v5 =	vor.u32 v6, v8;
	v3 =	vld [tilespmem:s22+$0xD010];
	v2 =	vor.u32 v4, v2  }
0xe4: {  	v8 =	vshrl.u32 v0, $0x10;
	v4 =	vmul.f32 v12, v11;
	v6 =	vld [tilespmem:s22+$0x8050];
	v10 =	vshrl.u32 v1, $0x10;
	[tilespmem:s0+$0x12010] =	vst v5  }
0xe5: {  	v8 =	vand.u32 $0x1, v8;
	v5 =	vld [tilespmem:s22+$0xD050];
	v10 =	vand.u32 $0x1, v10;
	[tilespmem:s0+$0x12020] =	vst v2;
	s0 =	smov.u32 s22  }
0xe6: {  	v0 =	vadd.s32 v8, v0;
	v2 =	vmul.f32 v9, v13;
	v9 =	vld [tilespmem:s0+$0x8020];
	v1 =	vadd.s32 v10, v1  }
0xe7: {  	v0 =	vadd.s32 $0x7FFF, v0;
	v8 =	vshrl.u32 v4, $0x10;
	v10 =	vld [tilespmem:s0+$0xD020];
	v1 =	vadd.s32 $0x7FFF, v1  }
0xe8: {  	v0 =	vshrl.u32 v0, $0x10;
	v3 =	vmul.f32 v3, v7;
	v11 =	vld [tilespmem:s0+$0x8060];
	v1 =	vand.u32 $0xFFFF0000, v1  }
0xe9: {  	v7 =	vand.u32 $0x1, v8;
	v8 =	vshrl.u32 v2, $0x10;
	v12 =	vld [tilespmem:s0+$0xD060];
	v0 =	vor.u32 v0, v1  }
.Ltmp2:
0xea: {  	v1 =	vand.u32 $0x1, v8;
	v8 =	vmul.f32 v5, v6;
	v5 =	vshrl.u32 v3, $0x10;
	[tilespmem:s0+$0x12030] =	vst v0;
	(pc) =	sbr.rel @p0 .LBB2_7-.Ltmp2, $4  }
0xeb: {  	s22 =	sshra.s32 s16, $0x2;
	v7 =	vadd.s32 v7, v4;
	v2 =	vadd.s32 v1, v2;
	v1 =	vand.u32 $0x1, v5  }
0xec: {  	v0 =	vld [tilespmem:s22+$0x8030];
	v6 =	vadd.s32 v1, v3;
	v3 =	vshrl.u32 v8, $0x10;
	v4 =	vmul.f32 v10, v9  }
0xed: {  	v7 =	vadd.s32 $0x7FFF, v7;
	v5 =	vadd.s32 $0x7FFF, v2;
	v1 =	vld [tilespmem:s22+$0xD030];
	v3 =	vand.u32 $0x1, v3  }
0xee: {  	s16 =	sadd.s32 $0x200, s16;
	v2 =	vld [tilespmem:s22+$0x8070];
	v8 =	vadd.s32 v3, v8;
	v3 =	vmul.f32 v12, v11;
	v9 =	vshrl.u32 v4, $0x10  }
0xef: {  	v10 =	vld [tilespmem:s22+$0xD070]  }
0xf0: {  	v11 =	vld [tilespmem:s22+$0x8000]  }
0xf1: {  	v12 =	vld [tilespmem:s22+$0xD000];
	v6 =	vadd.s32 $0x7FFF, v6  }
0xf2: {  	v13 =	vld [tilespmem:s22+$0x8040];
	v9 =	vand.u32 $0x1, v9;
	v7 =	vshrl.u32 v7, $0x10;
	v5 =	vand.u32 $0xFFFF0000, v5  }
0xf3: {  	v14 =	vld [tilespmem:s22+$0xD040];
	v4 =	vadd.s32 v9, v4;
	v9 =	vshrl.u32 v3, $0x10;
	v5 =	vor.u32 v7, v5  }
0xf4: {  	v7 =	vld [tilespmem:s22+$0x8010];
	v6 =	vshrl.u32 v6, $0x10;
	[tilespmem:s0+$0x12000] =	vst v5;
	v5 =	vadd.s32 $0x7FFF, v8;
	v8 =	vand.u32 $0x1, v9  }
0xf5: {  	v4 =	vadd.s32 $0x7FFF, v4;
	v5 =	vand.u32 $0xFFFF0000, v5;
	v3 =	vadd.s32 v8, v3  }
0xf6: {  	v8 =	vld [tilespmem:s22+$0xD010];
	v0 =	vmul.f32 v1, v0;
	v4 =	vshrl.u32 v4, $0x10;
	v3 =	vadd.s32 $0x7FFF, v3  }
0xf7: {  	v1 =	vor.u32 v6, v5;
	v2 =	vmul.f32 v10, v2;
	v3 =	vand.u32 $0xFFFF0000, v3  }
0xf8: {  	v5 =	vld [tilespmem:s22+$0x8050];
	[tilespmem:s0+$0x12010] =	vst v1;
	v1 =	vor.u32 v4, v3;
	v3 =	vshrl.u32 v0, $0x10  }
0xf9: {  	v6 =	vmul.f32 v12, v11;
	v4 =	vld [tilespmem:s22+$0xD050];
	v9 =	vshrl.u32 v2, $0x10;
	v3 =	vand.u32 $0x1, v3;
	[tilespmem:s0+$0x12020] =	vst v1  }
0xfa: {  	v1 =	vand.u32 $0x1, v9;
	v9 =	vmul.f32 v14, v13;
	v10 =	vld [tilespmem:s22+$0x8020];
	v0 =	vadd.s32 v3, v0  }
0xfb: {  	v3 =	vld [tilespmem:s22+$0xD020];
	v7 =	vmul.f32 v8, v7;
	v1 =	vadd.s32 v1, v2;
	v0 =	vadd.s32 $0x7FFF, v0  }
0xfc: {  	v8 =	vld [tilespmem:s22+$0x8060];
	v2 =	vshrl.u32 v6, $0x10;
	v1 =	vadd.s32 $0x7FFF, v1;
	v0 =	vshrl.u32 v0, $0x10  }
0xfd: {  	v62 =	vld [tilespmem:s22+$0xD060];
	v2 =	vand.u32 $0x1, v2;
	v11 =	vshrl.u32 v9, $0x10;
	v1 =	vand.u32 $0xFFFF0000, v1  }
0xfe: {  	v2 =	vadd.s32 v2, v6;
	v0 =	vor.u32 v0, v1;
	v1 =	vmul.f32 v4, v5  }
0xff: {  	v4 =	vshrl.u32 v7, $0x10;
	v5 =	vand.u32 $0x1, v11;
	v2 =	vadd.s32 $0x7FFF, v2  }
0x100: {  	v4 =	vand.u32 $0x1, v4;
	v5 =	vadd.s32 v5, v9;
	v6 =	vshrl.u32 v1, $0x10  }
0x101: {  	v3 =	vmul.f32 v3, v10;
	v2 =	vshrl.u32 v2, $0x10;
	v6 =	vand.u32 $0x1, v6  }
0x102: {  	v4 =	vadd.s32 v4, v7;
	v1 =	vadd.s32 v6, v1;
	v6 =	vmul.f32 v62, v8  }
0x103: {  	v5 =	vadd.s32 $0x7FFF, v5;
	v7 =	vshrl.u32 v3, $0x10;
	v4 =	vadd.s32 $0x7FFF, v4  }
0x104: {  	v5 =	vand.u32 $0xFFFF0000, v5;
	v7 =	vand.u32 $0x1, v7;
	v8 =	vshrl.u32 v6, $0x10  }
0x105: {  	v4 =	vshrl.u32 v4, $0x10;
	v3 =	vadd.s32 v7, v3;
	v7 =	vand.u32 $0x1, v8  }
0x106: {  	s0 =	sshll.u32 s31, $0x1;
	v1 =	vadd.s32 $0x7FFF, v1;
	v3 =	vadd.s32 $0x7FFF, v3;
	v6 =	vadd.s32 v7, v6  }
0x107: {  	s5 =	sadd.s32 s0, s9;
	[tilespmem:s22+$0x12030] =	vst v0;
	v0 =	vand.u32 $0xFFFF0000, v1;
	v1 =	vor.u32 v2, v5;
	v2 =	vadd.s32 $0x7FFF, v6  }
0x108: {  	s5 =	smul.u32 $0x500, s5;
	v3 =	vshrl.u32 v3, $0x10;
	[tilespmem:s22+$0x12000] =	vst v1;
	v0 =	vor.u32 v4, v0;
	v1 =	vand.u32 $0xFFFF0000, v2  }
0x109: {  	[tilespmem:s22+$0x12010] =	vst v0;
	v1 =	vor.u32 v3, v1  }
0x10a: {  	s16 =	simm.s32 $0x0;
	s5 =	sadd.s32 s4, s5;
	[tilespmem:s22+$0x12020] =	vst v1;
	s22 =	sshll.u32 s31, $0x8  }
0x10b: {  	[hbm4b:s5+s16] =	stream.linear.scatter [tilespmem:s25], [sflag:$0x3], $0x2800, $0x38;
	[tilespmem:$0x17000] =	vst v63  }
0x10c: {  	s16 =	sadd.s32 $0x200, s22  }
0x10d: {  	[tilespmem:s18], [sflag:$0x1] =	stream.indirect.gather [hbm4b:s2+s17], $0x80, s16, s17, $0xb8;
	[tilespmem:$0x17000] =	vst v63  }
0x10e: {  	s26 =	sadd.s32 $0x4200, s22  }
0x10f: {  	[tilespmem:s19], [sflag:$0x1] =	stream.indirect.gather [hbm4b:s2+s17], $0x80, s26, s17, $0xb8;
	[tilespmem:$0x17000] =	vst v63  }
0x110: {  	_ =	swait.ge [sflag:s29], $0x2800  }
0x111: {  	[sflag:s29] =	ssyncset.done $0x0  }
0x112: {  	[sflag:s29] =	ssyncadd.s32 $0xFFFFD800  }
0x113: {  	_ =	swait.ge [sflag:s29], $0x2800  }
0x114: {  	[sflag:s29] =	ssyncset.done $0x0  }
0x115: {  	[sflag:s29] =	ssyncadd.s32 $0xFFFFD800  }
0x116: {  	_ =	swait.ge [sflag:s20], $0x2800  }
0x117: {  	[sflag:s20] =	ssyncset.done $0x0  }
0x118: {  	s26 =	simm.s32 $0x0;
	[sflag:s20] =	ssyncadd.s32 $0xFFFFD800  }
0x119: {  	v0 =	vld [tilespmem:s26+$0xA830]  }
0x11a: {  	v1 =	vld [tilespmem:s26+$0xF830]  }
0x11b: {  	v2 =	vld [tilespmem:s26+$0xA870]  }
0x11c: {  	v3 =	vld [tilespmem:s26+$0xF870]  }
0x11d: {  	v4 =	vld [tilespmem:s26+$0xA800]  }
0x11e: {  	v5 =	vld [tilespmem:s26+$0xF800]  }
0x11f: {  	v6 =	vld [tilespmem:s26+$0xA840]  }
0x120: {  	v7 =	vld [tilespmem:s26+$0xF840]  }
0x121: {  	v8 =	vld [tilespmem:s26+$0xA810]  }
0x122: {  	v0 =	vmul.f32 v1, v0;
	v1 =	vmul.f32 v3, v2;
	v2 =	vld [tilespmem:s26+$0xF810]  }
0x123: {  	v3 =	vld [tilespmem:s26+$0xA850]  }
0x124: {  	v4 =	vmul.f32 v5, v4;
	v5 =	vld [tilespmem:s26+$0xF850];
	v9 =	vshrl.u32 v0, $0x10;
	v10 =	vshrl.u32 v1, $0x10  }
0x125: {  	v9 =	vand.u32 $0x1, v9;
	v10 =	vand.u32 $0x1, v10  }
0x126: {  	v6 =	vmul.f32 v7, v6;
	v7 =	vld [tilespmem:s26+$0xA820];
	v0 =	vadd.s32 v9, v0;
	v1 =	vadd.s32 v10, v1  }
0x127: {  	v9 =	vshrl.u32 v4, $0x10;
	v10 =	vld [tilespmem:s26+$0xF820];
	v0 =	vadd.s32 $0x7FFF, v0;
	v1 =	vadd.s32 $0x7FFF, v1  }
0x128: {  	v11 =	vld [tilespmem:s26+$0xA860];
	v2 =	vmul.f32 v2, v8;
	v8 =	vand.u32 $0x1, v9;
	v9 =	vshrl.u32 v6, $0x10  }
0x129: {  	v63 =	vld [tilespmem:s26+$0xF860];
	v3 =	vmul.f32 v5, v3;
	v0 =	vshrl.u32 v0, $0x10;
	v1 =	vand.u32 $0xFFFF0000, v1  }
0x12a: {  	v0 =	vor.u32 v0, v1;
	v1 =	vand.u32 $0x1, v9;
	v5 =	vshrl.u32 v2, $0x10  }
0x12b: {  	s16 =	simm.s32 $0x80;
	v8 =	vadd.s32 v8, v4;
	[tilespmem:s26+$0x14830] =	vst v0;
	v9 =	vadd.s32 v1, v6;
	v1 =	vand.u32 $0x1, v5  }
0x12c: {  	v0 =	vld [tilespmem:s16+$0xA830];
	v6 =	vadd.s32 v1, v2;
	v2 =	vshrl.u32 v3, $0x10;
	v4 =	vmul.f32 v10, v7  }
0x12d: {  	v1 =	vld [tilespmem:s16+$0xF830];
	v7 =	vadd.s32 $0x7FFF, v8;
	v5 =	vadd.s32 $0x7FFF, v9;
	v8 =	vand.u32 $0x1, v2  }
0x12e: {  	s5 =	simm.s32 $0x400;
	v2 =	vld [tilespmem:s16+$0xA870];
	v8 =	vadd.s32 v8, v3;
	v3 =	vmul.f32 v63, v11;
	v9 =	vshrl.u32 v4, $0x10  }
.LBB2_9:
0x12f: {  	p0 =	sne.s32 s5, $0x9E00;
	v10 =	vld [tilespmem:s16+$0xF870];
	v6 =	vadd.s32 $0x7FFF, v6;
	v8 =	vadd.s32 $0x7FFF, v8;
	v9 =	vand.u32 $0x1, v9  }
0x130: {  	v7 =	vshrl.u32 v7, $0x10;
	v11 =	vld [tilespmem:s16+$0xA800];
	v4 =	vadd.s32 v9, v4;
	v9 =	vshrl.u32 v3, $0x10  }
0x131: {  	v5 =	vand.u32 $0xFFFF0000, v5;
	v12 =	vld [tilespmem:s16+$0xF800];
	v4 =	vadd.s32 $0x7FFF, v4;
	v9 =	vand.u32 $0x1, v9  }
0x132: {  	v6 =	vshrl.u32 v6, $0x10;
	v8 =	vand.u32 $0xFFFF0000, v8;
	v13 =	vld [tilespmem:s16+$0xA840];
	v3 =	vadd.s32 v9, v3  }
0x133: {  	v5 =	vor.u32 v7, v5;
	v4 =	vshrl.u32 v4, $0x10;
	v9 =	vld [tilespmem:s16+$0xF840];
	v3 =	vadd.s32 $0x7FFF, v3  }
0x134: {  	v0 =	vmul.f32 v1, v0;
	v7 =	vld [tilespmem:s16+$0xA810];
	v1 =	vmul.f32 v10, v2;
	[tilespmem:s26+$0x14800] =	vst v5;
	v2 =	vand.u32 $0xFFFF0000, v3  }
0x135: {  	v5 =	vor.u32 v6, v8;
	v3 =	vld [tilespmem:s16+$0xF810];
	v2 =	vor.u32 v4, v2  }
0x136: {  	v8 =	vshrl.u32 v0, $0x10;
	v4 =	vmul.f32 v12, v11;
	v6 =	vld [tilespmem:s16+$0xA850];
	v10 =	vshrl.u32 v1, $0x10;
	[tilespmem:s26+$0x14810] =	vst v5  }
0x137: {  	v8 =	vand.u32 $0x1, v8;
	v5 =	vld [tilespmem:s16+$0xF850];
	v10 =	vand.u32 $0x1, v10;
	[tilespmem:s26+$0x14820] =	vst v2;
	s26 =	smov.u32 s16  }
0x138: {  	v0 =	vadd.s32 v8, v0;
	v2 =	vmul.f32 v9, v13;
	v9 =	vld [tilespmem:s26+$0xA820];
	v1 =	vadd.s32 v10, v1  }
0x139: {  	v0 =	vadd.s32 $0x7FFF, v0;
	v8 =	vshrl.u32 v4, $0x10;
	v10 =	vld [tilespmem:s26+$0xF820];
	v1 =	vadd.s32 $0x7FFF, v1  }
0x13a: {  	v0 =	vshrl.u32 v0, $0x10;
	v3 =	vmul.f32 v3, v7;
	v11 =	vld [tilespmem:s26+$0xA860];
	v1 =	vand.u32 $0xFFFF0000, v1  }
0x13b: {  	v7 =	vand.u32 $0x1, v8;
	v8 =	vshrl.u32 v2, $0x10;
	v12 =	vld [tilespmem:s26+$0xF860];
	v0 =	vor.u32 v0, v1  }
.Ltmp3:
0x13c: {  	v1 =	vand.u32 $0x1, v8;
	v8 =	vmul.f32 v5, v6;
	v5 =	vshrl.u32 v3, $0x10;
	[tilespmem:s26+$0x14830] =	vst v0;
	(pc) =	sbr.rel @p0 .LBB2_9-.Ltmp3, $4  }
0x13d: {  	s16 =	sshra.s32 s5, $0x2;
	v7 =	vadd.s32 v7, v4;
	v2 =	vadd.s32 v1, v2;
	v1 =	vand.u32 $0x1, v5  }
0x13e: {  	v0 =	vld [tilespmem:s16+$0xA830];
	v6 =	vadd.s32 v1, v3;
	v3 =	vshrl.u32 v8, $0x10;
	v4 =	vmul.f32 v10, v9  }
0x13f: {  	v7 =	vadd.s32 $0x7FFF, v7;
	v5 =	vadd.s32 $0x7FFF, v2;
	v1 =	vld [tilespmem:s16+$0xF830];
	v3 =	vand.u32 $0x1, v3  }
0x140: {  	s5 =	sadd.s32 $0x200, s5;
	v2 =	vld [tilespmem:s16+$0xA870];
	v8 =	vadd.s32 v3, v8;
	v3 =	vmul.f32 v12, v11;
	v9 =	vshrl.u32 v4, $0x10  }
0x141: {  	v10 =	vld [tilespmem:s16+$0xF870]  }
0x142: {  	v11 =	vld [tilespmem:s16+$0xA800];
	v6 =	vadd.s32 $0x7FFF, v6  }
0x143: {  	v12 =	vld [tilespmem:s16+$0xF800];
	v9 =	vand.u32 $0x1, v9;
	v7 =	vshrl.u32 v7, $0x10;
	v5 =	vand.u32 $0xFFFF0000, v5  }
0x144: {  	v13 =	vld [tilespmem:s16+$0xA840];
	v34 =	vadd.s32 $0x7FFF, v8;
	v4 =	vadd.s32 v9, v4;
	v32 =	vshrl.u32 v3, $0x10  }
0x145: {  	v14 =	vld [tilespmem:s16+$0xF840];
	v5 =	vor.u32 v7, v5;
	v6 =	vshrl.u32 v6, $0x10;
	v35 =	vand.u32 $0x1, v32  }
0x146: {  	v33 =	vld [tilespmem:s16+$0xA810];
	[tilespmem:s26+$0x14800] =	vst v5;
	v4 =	vadd.s32 $0x7FFF, v4;
	v5 =	vand.u32 $0xFFFF0000, v34;
	v36 =	vadd.s32 v35, v3  }
0x147: {  	v0 =	vmul.f32 v1, v0;
	v38 =	vor.u32 v6, v5;
	v3 =	vadd.s32 $0x7FFF, v36  }
0x148: {  	v37 =	vld [tilespmem:s16+$0xF810];
	v4 =	vshrl.u32 v4, $0x10;
	v2 =	vmul.f32 v10, v2;
	v3 =	vand.u32 $0xFFFF0000, v3  }
0x149: {  	v39 =	vld [tilespmem:s16+$0xA850];
	[tilespmem:s26+$0x14810] =	vst v38;
	v41 =	vshrl.u32 v0, $0x10;
	v43 =	vmul.f32 v12, v11;
	v40 =	vor.u32 v4, v3  }
0x14a: {  	v42 =	vld [tilespmem:s16+$0xF850];
	v46 =	vmul.f32 v14, v13;
	v3 =	vand.u32 $0x1, v41;
	[tilespmem:s26+$0x14820] =	vst v40  }
0x14b: {  	v44 =	vshrl.u32 v2, $0x10;
	v0 =	vadd.s32 v3, v0;
	v48 =	vshrl.u32 v43, $0x10;
	v47 =	vld [tilespmem:s16+$0xA820]  }
0x14c: {  	v51 =	vshrl.u32 v46, $0x10;
	v45 =	vand.u32 $0x1, v44;
	v49 =	vld [tilespmem:s16+$0xF820];
	v0 =	vadd.s32 $0x7FFF, v0  }
0x14d: {  	v7 =	vmul.f32 v37, v33;
	v50 =	vld [tilespmem:s16+$0xA860];
	v55 =	vand.u32 $0x1, v51;
	v1 =	vadd.s32 v45, v2  }
0x14e: {  	v52 =	vld [tilespmem:s16+$0xF860];
	v0 =	vshrl.u32 v0, $0x10;
	v2 =	vand.u32 $0x1, v48;
	v5 =	vadd.s32 v55, v46  }
0x14f: {  	v1 =	vadd.s32 $0x7FFF, v1;
	v53 =	vmul.f32 v42, v39;
	v54 =	vshrl.u32 v7, $0x10  }
0x150: {  	v2 =	vadd.s32 v2, v43;
	v5 =	vadd.s32 $0x7FFF, v5;
	v1 =	vand.u32 $0xFFFF0000, v1  }
0x151: {  	v4 =	vand.u32 $0x1, v54;
	v2 =	vadd.s32 $0x7FFF, v2;
	v5 =	vand.u32 $0xFFFF0000, v5  }
0x152: {  	v0 =	vor.u32 v0, v1;
	v4 =	vadd.s32 v4, v7;
	v56 =	vshrl.u32 v53, $0x10  }
0x153: {  	v2 =	vshrl.u32 v2, $0x10;
	v3 =	vmul.f32 v49, v47;
	v57 =	vmul.f32 v52, v50  }
0x154: {  	v6 =	vand.u32 $0x1, v56;
	v4 =	vadd.s32 $0x7FFF, v4;
	v61 =	vor.u32 v2, v5  }
0x155: {  	v1 =	vadd.s32 v6, v53;
	v58 =	vshrl.u32 v3, $0x10;
	v8 =	vshrl.u32 v57, $0x10  }
0x156: {  	v4 =	vshrl.u32 v4, $0x10;
	v7 =	vand.u32 $0x1, v58;
	v59 =	vand.u32 $0x1, v8  }
0x157: {  	v1 =	vadd.s32 $0x7FFF, v1;
	v3 =	vadd.s32 v7, v3;
	v6 =	vadd.s32 v59, v57  }
0x158: {  	s0 =	sadd.s32 s0, s10;
	[tilespmem:s16+$0x14830] =	vst v0;
	v60 =	vand.u32 $0xFFFF0000, v1;
	v3 =	vadd.s32 $0x7FFF, v3;
	v62 =	vadd.s32 $0x7FFF, v6  }
0x159: {  	s0 =	smul.u32 $0x500, s0;
	[tilespmem:s16+$0x14800] =	vst v61;
	v0 =	vor.u32 v4, v60;
	v3 =	vshrl.u32 v3, $0x10;
	v63 =	vand.u32 $0xFFFF0000, v62  }
0x15a: {  	s31 =	sadd.s32 $0x1, s31;
	[tilespmem:s16+$0x14810] =	vst v0;
	v1 =	vor.u32 v3, v63  }
0x15b: {  	p0 =	sne.s32 s31, $0x3C;
	s0 =	sadd.s32 s4, s0;
	[tilespmem:s16+$0x14820] =	vst v1  }
0x15c: {  	[hbm4b:s0+s3] =	stream.linear.scatter [tilespmem:s30], [sflag:$0x4], $0x2800, $0x38;
	[tilespmem:$0x17000] =	vst v63  }
.Ltmp4:
0x15d: {  	_ = 	snop;
	(pc) =	sbr.rel @p0 .LBB2_6-.Ltmp4, $4  }
0x15e: {  	s16 =	sadd.s32 $0x280, s22  }
0x15f: {  	[tilespmem:s21], [sflag:$0x2] =	stream.indirect.gather [hbm4b:s2+s17], $0x80, s16, s17, $0xb8;
	[tilespmem:$0x17000] =	vst v63  }
0x160: {  	s26 =	sadd.s32 $0x4280, s22  }
0x161: {  	[tilespmem:s23], [sflag:$0x2] =	stream.indirect.gather [hbm4b:s2+s17], $0x80, s26, s17, $0xb8;
	[tilespmem:$0x17000] =	vst v63  }
0x162: {  	_ =	swait.ge [sflag:s24], $0x2800  }
0x163: {  	[sflag:s24] =	ssyncset.done $0x0  }
0x164: {  	[sflag:s24] =	ssyncadd.s32 $0xFFFFD800  }
0x165: {  	_ =	swait.ge [sflag:s24], $0x2800  }
0x166: {  	[sflag:s24] =	ssyncset.done $0x0  }
0x167: {  	[sflag:s24] =	ssyncadd.s32 $0xFFFFD800  }
0x168: {  	_ =	swait.ge [sflag:s1], $0x2800  }
0x169: {  	[sflag:s1] =	ssyncset.done $0x0  }
0x16a: {  	s0 =	simm.s32 $0x0;
	[sflag:s1] =	ssyncadd.s32 $0xFFFFD800  }
0x16b: {  	v0 =	vld [tilespmem:s0+$0x8030]  }
0x16c: {  	v1 =	vld [tilespmem:s0+$0xD030]  }
0x16d: {  	v2 =	vld [tilespmem:s0+$0x8070]  }
0x16e: {  	v3 =	vld [tilespmem:s0+$0xD070]  }
0x16f: {  	v4 =	vld [tilespmem:s0+$0x8000]  }
0x170: {  	v5 =	vld [tilespmem:s0+$0xD000]  }
0x171: {  	v6 =	vld [tilespmem:s0+$0x8040]  }
0x172: {  	v7 =	vld [tilespmem:s0+$0xD040]  }
0x173: {  	v8 =	vld [tilespmem:s0+$0x8010]  }
0x174: {  	v0 =	vmul.f32 v1, v0;
	v1 =	vmul.f32 v3, v2;
	v2 =	vld [tilespmem:s0+$0xD010]  }
0x175: {  	v3 =	vld [tilespmem:s0+$0x8050]  }
0x176: {  	v4 =	vmul.f32 v5, v4;
	v5 =	vld [tilespmem:s0+$0xD050];
	v9 =	vshrl.u32 v0, $0x10;
	v10 =	vshrl.u32 v1, $0x10  }
0x177: {  	v9 =	vand.u32 $0x1, v9;
	v10 =	vand.u32 $0x1, v10  }
0x178: {  	v6 =	vmul.f32 v7, v6;
	v7 =	vld [tilespmem:s0+$0x8020];
	v0 =	vadd.s32 v9, v0;
	v1 =	vadd.s32 v10, v1  }
0x179: {  	v9 =	vshrl.u32 v4, $0x10;
	v10 =	vld [tilespmem:s0+$0xD020];
	v0 =	vadd.s32 $0x7FFF, v0;
	v1 =	vadd.s32 $0x7FFF, v1  }
0x17a: {  	v11 =	vld [tilespmem:s0+$0x8060];
	v2 =	vmul.f32 v2, v8;
	v8 =	vand.u32 $0x1, v9;
	v9 =	vshrl.u32 v6, $0x10  }
0x17b: {  	v12 =	vld [tilespmem:s0+$0xD060];
	v3 =	vmul.f32 v5, v3;
	v0 =	vshrl.u32 v0, $0x10;
	v1 =	vand.u32 $0xFFFF0000, v1  }
0x17c: {  	v0 =	vor.u32 v0, v1;
	v1 =	vand.u32 $0x1, v9;
	v5 =	vshrl.u32 v2, $0x10  }
0x17d: {  	s16 =	simm.s32 $0x80;
	v8 =	vadd.s32 v8, v4;
	[tilespmem:s0+$0x12030] =	vst v0;
	v9 =	vadd.s32 v1, v6;
	v1 =	vand.u32 $0x1, v5  }
0x17e: {  	v0 =	vld [tilespmem:s16+$0x8030];
	v6 =	vadd.s32 v1, v2;
	v2 =	vshrl.u32 v3, $0x10;
	v4 =	vmul.f32 v10, v7  }
0x17f: {  	v1 =	vld [tilespmem:s16+$0xD030];
	v7 =	vadd.s32 $0x7FFF, v8;
	v5 =	vadd.s32 $0x7FFF, v9;
	v8 =	vand.u32 $0x1, v2  }
0x180: {  	s5 =	simm.s32 $0x400;
	v2 =	vld [tilespmem:s16+$0x8070];
	v8 =	vadd.s32 v8, v3;
	v3 =	vmul.f32 v12, v11;
	v9 =	vshrl.u32 v4, $0x10  }
.LBB2_12:
0x181: {  	p0 =	sne.s32 s5, $0x9E00;
	v10 =	vld [tilespmem:s16+$0xD070];
	v6 =	vadd.s32 $0x7FFF, v6;
	v8 =	vadd.s32 $0x7FFF, v8;
	v9 =	vand.u32 $0x1, v9  }
0x182: {  	v7 =	vshrl.u32 v7, $0x10;
	v11 =	vld [tilespmem:s16+$0x8000];
	v4 =	vadd.s32 v9, v4;
	v9 =	vshrl.u32 v3, $0x10  }
0x183: {  	v5 =	vand.u32 $0xFFFF0000, v5;
	v12 =	vld [tilespmem:s16+$0xD000];
	v4 =	vadd.s32 $0x7FFF, v4;
	v9 =	vand.u32 $0x1, v9  }
0x184: {  	v6 =	vshrl.u32 v6, $0x10;
	v8 =	vand.u32 $0xFFFF0000, v8;
	v13 =	vld [tilespmem:s16+$0x8040];
	v3 =	vadd.s32 v9, v3  }
0x185: {  	v5 =	vor.u32 v7, v5;
	v4 =	vshrl.u32 v4, $0x10;
	v9 =	vld [tilespmem:s16+$0xD040];
	v3 =	vadd.s32 $0x7FFF, v3  }
0x186: {  	v0 =	vmul.f32 v1, v0;
	v7 =	vld [tilespmem:s16+$0x8010];
	v1 =	vmul.f32 v10, v2;
	[tilespmem:s0+$0x12000] =	vst v5;
	v2 =	vand.u32 $0xFFFF0000, v3  }
0x187: {  	v5 =	vor.u32 v6, v8;
	v3 =	vld [tilespmem:s16+$0xD010];
	v2 =	vor.u32 v4, v2  }
0x188: {  	v8 =	vshrl.u32 v0, $0x10;
	v4 =	vmul.f32 v12, v11;
	v6 =	vld [tilespmem:s16+$0x8050];
	v10 =	vshrl.u32 v1, $0x10;
	[tilespmem:s0+$0x12010] =	vst v5  }
0x189: {  	v8 =	vand.u32 $0x1, v8;
	v5 =	vld [tilespmem:s16+$0xD050];
	v10 =	vand.u32 $0x1, v10;
	[tilespmem:s0+$0x12020] =	vst v2;
	s0 =	smov.u32 s16  }
0x18a: {  	v0 =	vadd.s32 v8, v0;
	v2 =	vmul.f32 v9, v13;
	v9 =	vld [tilespmem:s0+$0x8020];
	v1 =	vadd.s32 v10, v1  }
0x18b: {  	v0 =	vadd.s32 $0x7FFF, v0;
	v8 =	vshrl.u32 v4, $0x10;
	v10 =	vld [tilespmem:s0+$0xD020];
	v1 =	vadd.s32 $0x7FFF, v1  }
0x18c: {  	v0 =	vshrl.u32 v0, $0x10;
	v3 =	vmul.f32 v3, v7;
	v11 =	vld [tilespmem:s0+$0x8060];
	v1 =	vand.u32 $0xFFFF0000, v1  }
0x18d: {  	v7 =	vand.u32 $0x1, v8;
	v8 =	vshrl.u32 v2, $0x10;
	v12 =	vld [tilespmem:s0+$0xD060];
	v0 =	vor.u32 v0, v1  }
.Ltmp5:
0x18e: {  	v1 =	vand.u32 $0x1, v8;
	v8 =	vmul.f32 v5, v6;
	v5 =	vshrl.u32 v3, $0x10;
	[tilespmem:s0+$0x12030] =	vst v0;
	(pc) =	sbr.rel @p0 .LBB2_12-.Ltmp5, $4  }
0x18f: {  	s16 =	sshra.s32 s5, $0x2;
	v7 =	vadd.s32 v7, v4;
	v2 =	vadd.s32 v1, v2;
	v1 =	vand.u32 $0x1, v5  }
0x190: {  	v0 =	vld [tilespmem:s16+$0x8030];
	v6 =	vadd.s32 v1, v3;
	v3 =	vshrl.u32 v8, $0x10;
	v4 =	vmul.f32 v10, v9  }
0x191: {  	v7 =	vadd.s32 $0x7FFF, v7;
	v5 =	vadd.s32 $0x7FFF, v2;
	v1 =	vld [tilespmem:s16+$0xD030];
	v3 =	vand.u32 $0x1, v3  }
0x192: {  	s5 =	sadd.s32 $0x200, s5;
	v2 =	vld [tilespmem:s16+$0x8070];
	v8 =	vadd.s32 v3, v8;
	v3 =	vmul.f32 v12, v11;
	v9 =	vshrl.u32 v4, $0x10  }
0x193: {  	v10 =	vld [tilespmem:s16+$0xD070]  }
0x194: {  	v11 =	vld [tilespmem:s16+$0x8000]  }
0x195: {  	v12 =	vld [tilespmem:s16+$0xD000];
	v6 =	vadd.s32 $0x7FFF, v6  }
0x196: {  	v13 =	vld [tilespmem:s16+$0x8040];
	v9 =	vand.u32 $0x1, v9;
	v7 =	vshrl.u32 v7, $0x10;
	v5 =	vand.u32 $0xFFFF0000, v5  }
0x197: {  	v14 =	vld [tilespmem:s16+$0xD040];
	v4 =	vadd.s32 v9, v4;
	v9 =	vshrl.u32 v3, $0x10;
	v5 =	vor.u32 v7, v5  }
0x198: {  	v7 =	vld [tilespmem:s16+$0x8010];
	v6 =	vshrl.u32 v6, $0x10;
	[tilespmem:s0+$0x12000] =	vst v5;
	v5 =	vadd.s32 $0x7FFF, v8;
	v8 =	vand.u32 $0x1, v9  }
0x199: {  	v4 =	vadd.s32 $0x7FFF, v4;
	v5 =	vand.u32 $0xFFFF0000, v5;
	v3 =	vadd.s32 v8, v3  }
0x19a: {  	v8 =	vld [tilespmem:s16+$0xD010];
	v0 =	vmul.f32 v1, v0;
	v4 =	vshrl.u32 v4, $0x10;
	v3 =	vadd.s32 $0x7FFF, v3  }
0x19b: {  	v1 =	vor.u32 v6, v5;
	v2 =	vmul.f32 v10, v2;
	v3 =	vand.u32 $0xFFFF0000, v3  }
0x19c: {  	v5 =	vld [tilespmem:s16+$0x8050];
	[tilespmem:s0+$0x12010] =	vst v1;
	v1 =	vor.u32 v4, v3;
	v3 =	vshrl.u32 v0, $0x10  }
0x19d: {  	v6 =	vmul.f32 v12, v11;
	v4 =	vld [tilespmem:s16+$0xD050];
	v9 =	vshrl.u32 v2, $0x10;
	v3 =	vand.u32 $0x1, v3;
	[tilespmem:s0+$0x12020] =	vst v1  }
0x19e: {  	v1 =	vand.u32 $0x1, v9;
	v9 =	vmul.f32 v14, v13;
	v10 =	vld [tilespmem:s16+$0x8020];
	v0 =	vadd.s32 v3, v0  }
0x19f: {  	v3 =	vld [tilespmem:s16+$0xD020];
	v7 =	vmul.f32 v8, v7;
	v1 =	vadd.s32 v1, v2;
	v0 =	vadd.s32 $0x7FFF, v0  }
0x1a0: {  	v8 =	vld [tilespmem:s16+$0x8060];
	v2 =	vshrl.u32 v6, $0x10;
	v1 =	vadd.s32 $0x7FFF, v1;
	v0 =	vshrl.u32 v0, $0x10  }
0x1a1: {  	v62 =	vld [tilespmem:s16+$0xD060];
	v2 =	vand.u32 $0x1, v2;
	v11 =	vshrl.u32 v9, $0x10;
	v1 =	vand.u32 $0xFFFF0000, v1  }
0x1a2: {  	v2 =	vadd.s32 v2, v6;
	v0 =	vor.u32 v0, v1;
	v1 =	vmul.f32 v4, v5  }
0x1a3: {  	v4 =	vshrl.u32 v7, $0x10;
	v5 =	vand.u32 $0x1, v11;
	v2 =	vadd.s32 $0x7FFF, v2  }
0x1a4: {  	v4 =	vand.u32 $0x1, v4;
	v5 =	vadd.s32 v5, v9;
	v6 =	vshrl.u32 v1, $0x10  }
0x1a5: {  	v3 =	vmul.f32 v3, v10;
	v2 =	vshrl.u32 v2, $0x10;
	v6 =	vand.u32 $0x1, v6  }
0x1a6: {  	v4 =	vadd.s32 v4, v7;
	v1 =	vadd.s32 v6, v1;
	v6 =	vmul.f32 v62, v8  }
0x1a7: {  	v5 =	vadd.s32 $0x7FFF, v5;
	v7 =	vshrl.u32 v3, $0x10;
	v4 =	vadd.s32 $0x7FFF, v4  }
0x1a8: {  	v5 =	vand.u32 $0xFFFF0000, v5;
	v7 =	vand.u32 $0x1, v7;
	v8 =	vshrl.u32 v6, $0x10  }
0x1a9: {  	v4 =	vshrl.u32 v4, $0x10;
	v3 =	vadd.s32 v7, v3;
	v7 =	vand.u32 $0x1, v8  }
0x1aa: {  	v1 =	vadd.s32 $0x7FFF, v1;
	v3 =	vadd.s32 $0x7FFF, v3;
	v6 =	vadd.s32 v7, v6  }
0x1ab: {  	[tilespmem:s16+$0x12030] =	vst v0;
	v0 =	vand.u32 $0xFFFF0000, v1;
	v1 =	vor.u32 v2, v5;
	v2 =	vadd.s32 $0x7FFF, v6  }
0x1ac: {  	v3 =	vshrl.u32 v3, $0x10;
	[tilespmem:s16+$0x12000] =	vst v1;
	v0 =	vor.u32 v4, v0;
	v1 =	vand.u32 $0xFFFF0000, v2  }
0x1ad: {  	[tilespmem:s16+$0x12010] =	vst v0;
	v1 =	vor.u32 v3, v1  }
0x1ae: {  	s22 =	simm.s32 $0x0;
	[tilespmem:s16+$0x12020] =	vst v1  }
0x1af: {  	[hbm4b:s11+s22] =	stream.linear.scatter [tilespmem:s25], [sflag:$0x3], $0x2800, $0x38;
	[tilespmem:$0x17000] =	vst v63  }
0x1b0: {  	s26 =	simm.s32 $0x3E00  }
0x1b1: {  	[tilespmem:s18], [sflag:$0x1] =	stream.indirect.gather [hbm4b:s2+s17], $0x80, s26, s17, $0xb8;
	[tilespmem:$0x17000] =	vst v63  }
0x1b2: {  	s31 =	simm.s32 $0x7E00  }
0x1b3: {  	[tilespmem:s19], [sflag:$0x1] =	stream.indirect.gather [hbm4b:s2+s17], $0x80, s31, s17, $0xb8;
	[tilespmem:$0x17000] =	vst v63  }
0x1b4: {  	_ =	swait.ge [sflag:s29], $0x2800  }
0x1b5: {  	[sflag:s29] =	ssyncset.done $0x0  }
0x1b6: {  	[sflag:s29] =	ssyncadd.s32 $0xFFFFD800  }
0x1b7: {  	_ =	swait.ge [sflag:s29], $0x2800  }
0x1b8: {  	[sflag:s29] =	ssyncset.done $0x0  }
0x1b9: {  	[sflag:s29] =	ssyncadd.s32 $0xFFFFD800  }
0x1ba: {  	_ =	swait.ge [sflag:s20], $0x2800  }
0x1bb: {  	[sflag:s20] =	ssyncset.done $0x0  }
0x1bc: {  	s0 =	simm.s32 $0x0;
	[sflag:s20] =	ssyncadd.s32 $0xFFFFD800  }
0x1bd: {  	v0 =	vld [tilespmem:s0+$0xA830]  }
0x1be: {  	v1 =	vld [tilespmem:s0+$0xF830]  }
0x1bf: {  	v2 =	vld [tilespmem:s0+$0xA870]  }
0x1c0: {  	v3 =	vld [tilespmem:s0+$0xF870]  }
0x1c1: {  	v4 =	vld [tilespmem:s0+$0xA800]  }
0x1c2: {  	v5 =	vld [tilespmem:s0+$0xF800]  }
0x1c3: {  	v6 =	vld [tilespmem:s0+$0xA840]  }
0x1c4: {  	v7 =	vld [tilespmem:s0+$0xF840]  }
0x1c5: {  	v8 =	vld [tilespmem:s0+$0xA810]  }
0x1c6: {  	v0 =	vmul.f32 v1, v0;
	v1 =	vmul.f32 v3, v2;
	v2 =	vld [tilespmem:s0+$0xF810]  }
0x1c7: {  	v3 =	vld [tilespmem:s0+$0xA850]  }
0x1c8: {  	v4 =	vmul.f32 v5, v4;
	v5 =	vld [tilespmem:s0+$0xF850];
	v9 =	vshrl.u32 v0, $0x10;
	v10 =	vshrl.u32 v1, $0x10  }
0x1c9: {  	v9 =	vand.u32 $0x1, v9;
	v10 =	vand.u32 $0x1, v10  }
0x1ca: {  	v6 =	vmul.f32 v7, v6;
	v7 =	vld [tilespmem:s0+$0xA820];
	v0 =	vadd.s32 v9, v0;
	v1 =	vadd.s32 v10, v1  }
0x1cb: {  	v9 =	vshrl.u32 v4, $0x10;
	v10 =	vld [tilespmem:s0+$0xF820];
	v0 =	vadd.s32 $0x7FFF, v0;
	v1 =	vadd.s32 $0x7FFF, v1  }
0x1cc: {  	v11 =	vld [tilespmem:s0+$0xA860];
	v2 =	vmul.f32 v2, v8;
	v8 =	vand.u32 $0x1, v9;
	v9 =	vshrl.u32 v6, $0x10  }
0x1cd: {  	v63 =	vld [tilespmem:s0+$0xF860];
	v3 =	vmul.f32 v5, v3;
	v0 =	vshrl.u32 v0, $0x10;
	v1 =	vand.u32 $0xFFFF0000, v1  }
0x1ce: {  	v0 =	vor.u32 v0, v1;
	v1 =	vand.u32 $0x1, v9;
	v5 =	vshrl.u32 v2, $0x10  }
0x1cf: {  	s16 =	simm.s32 $0x80;
	v8 =	vadd.s32 v8, v4;
	[tilespmem:s0+$0x14830] =	vst v0;
	v9 =	vadd.s32 v1, v6;
	v1 =	vand.u32 $0x1, v5  }
0x1d0: {  	v0 =	vld [tilespmem:s16+$0xA830];
	v6 =	vadd.s32 v1, v2;
	v2 =	vshrl.u32 v3, $0x10;
	v4 =	vmul.f32 v10, v7  }
0x1d1: {  	v1 =	vld [tilespmem:s16+$0xF830];
	v7 =	vadd.s32 $0x7FFF, v8;
	v5 =	vadd.s32 $0x7FFF, v9;
	v8 =	vand.u32 $0x1, v2  }
0x1d2: {  	s5 =	simm.s32 $0x400;
	v2 =	vld [tilespmem:s16+$0xA870];
	v8 =	vadd.s32 v8, v3;
	v3 =	vmul.f32 v63, v11;
	v9 =	vshrl.u32 v4, $0x10  }
.LBB2_14:
0x1d3: {  	p0 =	sne.s32 s5, $0x9E00;
	v10 =	vld [tilespmem:s16+$0xF870];
	v6 =	vadd.s32 $0x7FFF, v6;
	v8 =	vadd.s32 $0x7FFF, v8;
	v9 =	vand.u32 $0x1, v9  }
0x1d4: {  	v7 =	vshrl.u32 v7, $0x10;
	v11 =	vld [tilespmem:s16+$0xA800];
	v4 =	vadd.s32 v9, v4;
	v9 =	vshrl.u32 v3, $0x10  }
0x1d5: {  	v5 =	vand.u32 $0xFFFF0000, v5;
	v12 =	vld [tilespmem:s16+$0xF800];
	v4 =	vadd.s32 $0x7FFF, v4;
	v9 =	vand.u32 $0x1, v9  }
0x1d6: {  	v6 =	vshrl.u32 v6, $0x10;
	v8 =	vand.u32 $0xFFFF0000, v8;
	v13 =	vld [tilespmem:s16+$0xA840];
	v3 =	vadd.s32 v9, v3  }
0x1d7: {  	v5 =	vor.u32 v7, v5;
	v4 =	vshrl.u32 v4, $0x10;
	v9 =	vld [tilespmem:s16+$0xF840];
	v3 =	vadd.s32 $0x7FFF, v3  }
0x1d8: {  	v0 =	vmul.f32 v1, v0;
	v7 =	vld [tilespmem:s16+$0xA810];
	v1 =	vmul.f32 v10, v2;
	[tilespmem:s0+$0x14800] =	vst v5;
	v2 =	vand.u32 $0xFFFF0000, v3  }
0x1d9: {  	v5 =	vor.u32 v6, v8;
	v3 =	vld [tilespmem:s16+$0xF810];
	v2 =	vor.u32 v4, v2  }
0x1da: {  	v8 =	vshrl.u32 v0, $0x10;
	v4 =	vmul.f32 v12, v11;
	v6 =	vld [tilespmem:s16+$0xA850];
	v10 =	vshrl.u32 v1, $0x10;
	[tilespmem:s0+$0x14810] =	vst v5  }
0x1db: {  	v8 =	vand.u32 $0x1, v8;
	v5 =	vld [tilespmem:s16+$0xF850];
	v10 =	vand.u32 $0x1, v10;
	[tilespmem:s0+$0x14820] =	vst v2;
	s0 =	smov.u32 s16  }
0x1dc: {  	v0 =	vadd.s32 v8, v0;
	v2 =	vmul.f32 v9, v13;
	v9 =	vld [tilespmem:s0+$0xA820];
	v1 =	vadd.s32 v10, v1  }
0x1dd: {  	v0 =	vadd.s32 $0x7FFF, v0;
	v8 =	vshrl.u32 v4, $0x10;
	v10 =	vld [tilespmem:s0+$0xF820];
	v1 =	vadd.s32 $0x7FFF, v1  }
0x1de: {  	v0 =	vshrl.u32 v0, $0x10;
	v3 =	vmul.f32 v3, v7;
	v11 =	vld [tilespmem:s0+$0xA860];
	v1 =	vand.u32 $0xFFFF0000, v1  }
0x1df: {  	v7 =	vand.u32 $0x1, v8;
	v8 =	vshrl.u32 v2, $0x10;
	v12 =	vld [tilespmem:s0+$0xF860];
	v0 =	vor.u32 v0, v1  }
.Ltmp6:
0x1e0: {  	v1 =	vand.u32 $0x1, v8;
	v8 =	vmul.f32 v5, v6;
	v5 =	vshrl.u32 v3, $0x10;
	[tilespmem:s0+$0x14830] =	vst v0;
	(pc) =	sbr.rel @p0 .LBB2_14-.Ltmp6, $4  }
0x1e1: {  	s16 =	sshra.s32 s5, $0x2;
	v7 =	vadd.s32 v7, v4;
	v2 =	vadd.s32 v1, v2;
	v1 =	vand.u32 $0x1, v5  }
0x1e2: {  	v0 =	vld [tilespmem:s16+$0xA830];
	v6 =	vadd.s32 v1, v3;
	v3 =	vshrl.u32 v8, $0x10;
	v4 =	vmul.f32 v10, v9  }
0x1e3: {  	v7 =	vadd.s32 $0x7FFF, v7;
	v5 =	vadd.s32 $0x7FFF, v2;
	v1 =	vld [tilespmem:s16+$0xF830];
	v3 =	vand.u32 $0x1, v3  }
0x1e4: {  	s5 =	sadd.s32 $0x200, s5;
	v2 =	vld [tilespmem:s16+$0xA870];
	v8 =	vadd.s32 v3, v8;
	v3 =	vmul.f32 v12, v11;
	v9 =	vshrl.u32 v4, $0x10  }
0x1e5: {  	v10 =	vld [tilespmem:s16+$0xF870]  }
0x1e6: {  	v11 =	vld [tilespmem:s16+$0xA800]  }
0x1e7: {  	v12 =	vld [tilespmem:s16+$0xF800];
	v6 =	vadd.s32 $0x7FFF, v6  }
0x1e8: {  	v13 =	vld [tilespmem:s16+$0xA840];
	v9 =	vand.u32 $0x1, v9;
	v7 =	vshrl.u32 v7, $0x10;
	v5 =	vand.u32 $0xFFFF0000, v5  }
0x1e9: {  	v14 =	vld [tilespmem:s16+$0xF840];
	v4 =	vadd.s32 v9, v4;
	v9 =	vshrl.u32 v3, $0x10;
	v5 =	vor.u32 v7, v5  }
0x1ea: {  	v7 =	vld [tilespmem:s16+$0xA810];
	v6 =	vshrl.u32 v6, $0x10;
	[tilespmem:s0+$0x14800] =	vst v5;
	v5 =	vadd.s32 $0x7FFF, v8;
	v8 =	vand.u32 $0x1, v9  }
0x1eb: {  	v4 =	vadd.s32 $0x7FFF, v4;
	v5 =	vand.u32 $0xFFFF0000, v5;
	v3 =	vadd.s32 v8, v3  }
0x1ec: {  	v8 =	vld [tilespmem:s16+$0xF810];
	v0 =	vmul.f32 v1, v0;
	v4 =	vshrl.u32 v4, $0x10;
	v3 =	vadd.s32 $0x7FFF, v3  }
0x1ed: {  	v1 =	vor.u32 v6, v5;
	v2 =	vmul.f32 v10, v2;
	v3 =	vand.u32 $0xFFFF0000, v3  }
0x1ee: {  	v5 =	vld [tilespmem:s16+$0xA850];
	[tilespmem:s0+$0x14810] =	vst v1;
	v1 =	vor.u32 v4, v3;
	v3 =	vshrl.u32 v0, $0x10  }
0x1ef: {  	v6 =	vmul.f32 v12, v11;
	v4 =	vld [tilespmem:s16+$0xF850];
	v9 =	vshrl.u32 v2, $0x10;
	v3 =	vand.u32 $0x1, v3;
	[tilespmem:s0+$0x14820] =	vst v1  }
0x1f0: {  	v1 =	vand.u32 $0x1, v9;
	v9 =	vmul.f32 v14, v13;
	v10 =	vld [tilespmem:s16+$0xA820];
	v0 =	vadd.s32 v3, v0  }
0x1f1: {  	v3 =	vld [tilespmem:s16+$0xF820];
	v7 =	vmul.f32 v8, v7;
	v1 =	vadd.s32 v1, v2;
	v0 =	vadd.s32 $0x7FFF, v0  }
0x1f2: {  	v8 =	vld [tilespmem:s16+$0xA860];
	v2 =	vshrl.u32 v6, $0x10;
	v1 =	vadd.s32 $0x7FFF, v1;
	v0 =	vshrl.u32 v0, $0x10  }
0x1f3: {  	v62 =	vld [tilespmem:s16+$0xF860];
	v2 =	vand.u32 $0x1, v2;
	v11 =	vshrl.u32 v9, $0x10;
	v1 =	vand.u32 $0xFFFF0000, v1  }
0x1f4: {  	v2 =	vadd.s32 v2, v6;
	v0 =	vor.u32 v0, v1;
	v1 =	vmul.f32 v4, v5  }
0x1f5: {  	v4 =	vshrl.u32 v7, $0x10;
	v5 =	vand.u32 $0x1, v11;
	v2 =	vadd.s32 $0x7FFF, v2  }
0x1f6: {  	v4 =	vand.u32 $0x1, v4;
	v5 =	vadd.s32 v5, v9;
	v6 =	vshrl.u32 v1, $0x10  }
0x1f7: {  	v3 =	vmul.f32 v3, v10;
	v2 =	vshrl.u32 v2, $0x10;
	v6 =	vand.u32 $0x1, v6  }
0x1f8: {  	v4 =	vadd.s32 v4, v7;
	v1 =	vadd.s32 v6, v1;
	v6 =	vmul.f32 v62, v8  }
0x1f9: {  	v5 =	vadd.s32 $0x7FFF, v5;
	v7 =	vshrl.u32 v3, $0x10;
	v4 =	vadd.s32 $0x7FFF, v4  }
0x1fa: {  	v5 =	vand.u32 $0xFFFF0000, v5;
	v7 =	vand.u32 $0x1, v7;
	v8 =	vshrl.u32 v6, $0x10  }
0x1fb: {  	v4 =	vshrl.u32 v4, $0x10;
	v3 =	vadd.s32 v7, v3;
	v7 =	vand.u32 $0x1, v8  }
0x1fc: {  	v1 =	vadd.s32 $0x7FFF, v1;
	v3 =	vadd.s32 $0x7FFF, v3;
	v6 =	vadd.s32 v7, v6  }
0x1fd: {  	[tilespmem:s16+$0x14830] =	vst v0;
	v0 =	vand.u32 $0xFFFF0000, v1;
	v1 =	vor.u32 v2, v5;
	v2 =	vadd.s32 $0x7FFF, v6  }
0x1fe: {  	v3 =	vshrl.u32 v3, $0x10;
	[tilespmem:s16+$0x14800] =	vst v1;
	v0 =	vor.u32 v4, v0;
	v1 =	vand.u32 $0xFFFF0000, v2  }
0x1ff: {  	[tilespmem:s16+$0x14810] =	vst v0;
	v1 =	vor.u32 v3, v1  }
0x200: {  	s31 =	simm.s32 $0x0;
	[tilespmem:s16+$0x14820] =	vst v1  }
0x201: {  	[hbm4b:s12+s31] =	stream.linear.scatter [tilespmem:s30], [sflag:$0x4], $0x2800, $0x38;
	[tilespmem:$0x17000] =	vst v63  }
0x202: {  	_ =	swait.ge [sflag:s24], $0x2800  }
0x203: {  	[sflag:s24] =	ssyncset.done $0x0  }
0x204: {  	[sflag:s24] =	ssyncadd.s32 $0xFFFFD800  }
0x205: {  	_ =	swait.ge [sflag:s24], $0x2800  }
0x206: {  	[sflag:s24] =	ssyncset.done $0x0  }
0x207: {  	[sflag:s24] =	ssyncadd.s32 $0xFFFFD800  }
0x208: {  	_ =	swait.ge [sflag:s1], $0x2800  }
0x209: {  	[sflag:s1] =	ssyncset.done $0x0  }
0x20a: {  	s0 =	simm.s32 $0x0;
	[sflag:s1] =	ssyncadd.s32 $0xFFFFD800  }
0x20b: {  	v0 =	vld [tilespmem:s0+$0x8030]  }
0x20c: {  	v1 =	vld [tilespmem:s0+$0xD030]  }
0x20d: {  	v2 =	vld [tilespmem:s0+$0x8070]  }
0x20e: {  	v3 =	vld [tilespmem:s0+$0xD070]  }
0x20f: {  	v4 =	vld [tilespmem:s0+$0x8000]  }
0x210: {  	v5 =	vld [tilespmem:s0+$0xD000]  }
0x211: {  	v6 =	vld [tilespmem:s0+$0x8040]  }
0x212: {  	v7 =	vld [tilespmem:s0+$0xD040]  }
0x213: {  	v8 =	vld [tilespmem:s0+$0x8010]  }
0x214: {  	v0 =	vmul.f32 v1, v0;
	v1 =	vmul.f32 v3, v2;
	v2 =	vld [tilespmem:s0+$0xD010]  }
0x215: {  	v3 =	vld [tilespmem:s0+$0x8050]  }
0x216: {  	v4 =	vmul.f32 v5, v4;
	v5 =	vld [tilespmem:s0+$0xD050];
	v9 =	vshrl.u32 v0, $0x10;
	v10 =	vshrl.u32 v1, $0x10  }
0x217: {  	v9 =	vand.u32 $0x1, v9;
	v10 =	vand.u32 $0x1, v10  }
0x218: {  	v6 =	vmul.f32 v7, v6;
	v7 =	vld [tilespmem:s0+$0x8020];
	v0 =	vadd.s32 v9, v0;
	v1 =	vadd.s32 v10, v1  }
0x219: {  	v9 =	vshrl.u32 v4, $0x10;
	v10 =	vld [tilespmem:s0+$0xD020];
	v0 =	vadd.s32 $0x7FFF, v0;
	v1 =	vadd.s32 $0x7FFF, v1  }
0x21a: {  	v11 =	vld [tilespmem:s0+$0x8060];
	v2 =	vmul.f32 v2, v8;
	v8 =	vand.u32 $0x1, v9;
	v9 =	vshrl.u32 v6, $0x10  }
0x21b: {  	v63 =	vld [tilespmem:s0+$0xD060];
	v3 =	vmul.f32 v5, v3;
	v0 =	vshrl.u32 v0, $0x10;
	v1 =	vand.u32 $0xFFFF0000, v1  }
0x21c: {  	v0 =	vor.u32 v0, v1;
	v1 =	vand.u32 $0x1, v9;
	v5 =	vshrl.u32 v2, $0x10  }
0x21d: {  	s16 =	simm.s32 $0x80;
	v8 =	vadd.s32 v8, v4;
	[tilespmem:s0+$0x12030] =	vst v0;
	v9 =	vadd.s32 v1, v6;
	v1 =	vand.u32 $0x1, v5  }
0x21e: {  	v0 =	vld [tilespmem:s16+$0x8030];
	v6 =	vadd.s32 v1, v2;
	v2 =	vshrl.u32 v3, $0x10;
	v4 =	vmul.f32 v10, v7  }
0x21f: {  	v1 =	vld [tilespmem:s16+$0xD030];
	v7 =	vadd.s32 $0x7FFF, v8;
	v5 =	vadd.s32 $0x7FFF, v9;
	v8 =	vand.u32 $0x1, v2  }
0x220: {  	s5 =	simm.s32 $0x400;
	v2 =	vld [tilespmem:s16+$0x8070];
	v8 =	vadd.s32 v8, v3;
	v3 =	vmul.f32 v63, v11;
	v9 =	vshrl.u32 v4, $0x10  }
.LBB2_16:
0x221: {  	p0 =	sne.s32 s5, $0x9E00;
	v10 =	vld [tilespmem:s16+$0xD070];
	v6 =	vadd.s32 $0x7FFF, v6;
	v8 =	vadd.s32 $0x7FFF, v8;
	v9 =	vand.u32 $0x1, v9  }
0x222: {  	v7 =	vshrl.u32 v7, $0x10;
	v11 =	vld [tilespmem:s16+$0x8000];
	v4 =	vadd.s32 v9, v4;
	v9 =	vshrl.u32 v3, $0x10  }
0x223: {  	v5 =	vand.u32 $0xFFFF0000, v5;
	v12 =	vld [tilespmem:s16+$0xD000];
	v4 =	vadd.s32 $0x7FFF, v4;
	v9 =	vand.u32 $0x1, v9  }
0x224: {  	v6 =	vshrl.u32 v6, $0x10;
	v8 =	vand.u32 $0xFFFF0000, v8;
	v13 =	vld [tilespmem:s16+$0x8040];
	v3 =	vadd.s32 v9, v3  }
0x225: {  	v5 =	vor.u32 v7, v5;
	v4 =	vshrl.u32 v4, $0x10;
	v9 =	vld [tilespmem:s16+$0xD040];
	v3 =	vadd.s32 $0x7FFF, v3  }
0x226: {  	v0 =	vmul.f32 v1, v0;
	v7 =	vld [tilespmem:s16+$0x8010];
	v1 =	vmul.f32 v10, v2;
	[tilespmem:s0+$0x12000] =	vst v5;
	v2 =	vand.u32 $0xFFFF0000, v3  }
0x227: {  	v5 =	vor.u32 v6, v8;
	v3 =	vld [tilespmem:s16+$0xD010];
	v2 =	vor.u32 v4, v2  }
0x228: {  	v8 =	vshrl.u32 v0, $0x10;
	v4 =	vmul.f32 v12, v11;
	v6 =	vld [tilespmem:s16+$0x8050];
	v10 =	vshrl.u32 v1, $0x10;
	[tilespmem:s0+$0x12010] =	vst v5  }
0x229: {  	v8 =	vand.u32 $0x1, v8;
	v5 =	vld [tilespmem:s16+$0xD050];
	v10 =	vand.u32 $0x1, v10;
	[tilespmem:s0+$0x12020] =	vst v2;
	s0 =	smov.u32 s16  }
0x22a: {  	v0 =	vadd.s32 v8, v0;
	v2 =	vmul.f32 v9, v13;
	v9 =	vld [tilespmem:s0+$0x8020];
	v1 =	vadd.s32 v10, v1  }
0x22b: {  	v0 =	vadd.s32 $0x7FFF, v0;
	v8 =	vshrl.u32 v4, $0x10;
	v10 =	vld [tilespmem:s0+$0xD020];
	v1 =	vadd.s32 $0x7FFF, v1  }
0x22c: {  	v0 =	vshrl.u32 v0, $0x10;
	v3 =	vmul.f32 v3, v7;
	v11 =	vld [tilespmem:s0+$0x8060];
	v1 =	vand.u32 $0xFFFF0000, v1  }
0x22d: {  	v7 =	vand.u32 $0x1, v8;
	v8 =	vshrl.u32 v2, $0x10;
	v12 =	vld [tilespmem:s0+$0xD060];
	v0 =	vor.u32 v0, v1  }
.Ltmp7:
0x22e: {  	v1 =	vand.u32 $0x1, v8;
	v8 =	vmul.f32 v5, v6;
	v5 =	vshrl.u32 v3, $0x10;
	[tilespmem:s0+$0x12030] =	vst v0;
	(pc) =	sbr.rel @p0 .LBB2_16-.Ltmp7, $4  }
0x22f: {  	s16 =	sshra.s32 s5, $0x2;
	v7 =	vadd.s32 v7, v4;
	v2 =	vadd.s32 v1, v2;
	v1 =	vand.u32 $0x1, v5  }
0x230: {  	v0 =	vld [tilespmem:s16+$0x8030];
	v6 =	vadd.s32 v1, v3;
	v3 =	vshrl.u32 v8, $0x10;
	v4 =	vmul.f32 v10, v9  }
0x231: {  	v7 =	vadd.s32 $0x7FFF, v7;
	v5 =	vadd.s32 $0x7FFF, v2;
	v1 =	vld [tilespmem:s16+$0xD030];
	v3 =	vand.u32 $0x1, v3  }
0x232: {  	s5 =	sadd.s32 $0x200, s5;
	v2 =	vld [tilespmem:s16+$0x8070];
	v8 =	vadd.s32 v3, v8;
	v3 =	vmul.f32 v12, v11;
	v9 =	vshrl.u32 v4, $0x10  }
0x233: {  	v10 =	vld [tilespmem:s16+$0xD070]  }
0x234: {  	v11 =	vld [tilespmem:s16+$0x8000];
	v6 =	vadd.s32 $0x7FFF, v6  }
0x235: {  	v12 =	vld [tilespmem:s16+$0xD000];
	v9 =	vand.u32 $0x1, v9;
	v7 =	vshrl.u32 v7, $0x10;
	v5 =	vand.u32 $0xFFFF0000, v5  }
0x236: {  	v13 =	vld [tilespmem:s16+$0x8040];
	v34 =	vadd.s32 $0x7FFF, v8;
	v4 =	vadd.s32 v9, v4;
	v32 =	vshrl.u32 v3, $0x10  }
0x237: {  	v14 =	vld [tilespmem:s16+$0xD040];
	v5 =	vor.u32 v7, v5;
	v6 =	vshrl.u32 v6, $0x10;
	v35 =	vand.u32 $0x1, v32  }
0x238: {  	v33 =	vld [tilespmem:s16+$0x8010];
	[tilespmem:s0+$0x12000] =	vst v5;
	v4 =	vadd.s32 $0x7FFF, v4;
	v5 =	vand.u32 $0xFFFF0000, v34;
	v36 =	vadd.s32 v35, v3  }
0x239: {  	v0 =	vmul.f32 v1, v0;
	v38 =	vor.u32 v6, v5;
	v3 =	vadd.s32 $0x7FFF, v36  }
0x23a: {  	v37 =	vld [tilespmem:s16+$0xD010];
	v4 =	vshrl.u32 v4, $0x10;
	v2 =	vmul.f32 v10, v2;
	v3 =	vand.u32 $0xFFFF0000, v3  }
0x23b: {  	v39 =	vld [tilespmem:s16+$0x8050];
	[tilespmem:s0+$0x12010] =	vst v38;
	v41 =	vshrl.u32 v0, $0x10;
	v43 =	vmul.f32 v12, v11;
	v40 =	vor.u32 v4, v3  }
0x23c: {  	v42 =	vld [tilespmem:s16+$0xD050];
	v46 =	vmul.f32 v14, v13;
	v3 =	vand.u32 $0x1, v41;
	[tilespmem:s0+$0x12020] =	vst v40  }
0x23d: {  	v44 =	vshrl.u32 v2, $0x10;
	v0 =	vadd.s32 v3, v0;
	v48 =	vshrl.u32 v43, $0x10;
	v47 =	vld [tilespmem:s16+$0x8020]  }
0x23e: {  	v51 =	vshrl.u32 v46, $0x10;
	v45 =	vand.u32 $0x1, v44;
	v49 =	vld [tilespmem:s16+$0xD020];
	v0 =	vadd.s32 $0x7FFF, v0  }
0x23f: {  	v7 =	vmul.f32 v37, v33;
	v50 =	vld [tilespmem:s16+$0x8060];
	v55 =	vand.u32 $0x1, v51;
	v1 =	vadd.s32 v45, v2  }
0x240: {  	v52 =	vld [tilespmem:s16+$0xD060];
	v0 =	vshrl.u32 v0, $0x10;
	v2 =	vand.u32 $0x1, v48;
	v5 =	vadd.s32 v55, v46  }
0x241: {  	v1 =	vadd.s32 $0x7FFF, v1;
	v53 =	vmul.f32 v42, v39;
	v54 =	vshrl.u32 v7, $0x10  }
0x242: {  	v2 =	vadd.s32 v2, v43;
	v5 =	vadd.s32 $0x7FFF, v5;
	v1 =	vand.u32 $0xFFFF0000, v1  }
0x243: {  	v4 =	vand.u32 $0x1, v54;
	v2 =	vadd.s32 $0x7FFF, v2;
	v5 =	vand.u32 $0xFFFF0000, v5  }
0x244: {  	v0 =	vor.u32 v0, v1;
	v4 =	vadd.s32 v4, v7;
	v56 =	vshrl.u32 v53, $0x10  }
0x245: {  	v2 =	vshrl.u32 v2, $0x10;
	v3 =	vmul.f32 v49, v47;
	v57 =	vmul.f32 v52, v50  }
0x246: {  	v6 =	vand.u32 $0x1, v56;
	v4 =	vadd.s32 $0x7FFF, v4;
	v61 =	vor.u32 v2, v5  }
0x247: {  	v1 =	vadd.s32 v6, v53;
	v58 =	vshrl.u32 v3, $0x10;
	v8 =	vshrl.u32 v57, $0x10  }
0x248: {  	v4 =	vshrl.u32 v4, $0x10;
	v7 =	vand.u32 $0x1, v58;
	v59 =	vand.u32 $0x1, v8  }
0x249: {  	v1 =	vadd.s32 $0x7FFF, v1;
	v3 =	vadd.s32 v7, v3;
	v6 =	vadd.s32 v59, v57  }
0x24a: {  	[tilespmem:s16+$0x12030] =	vst v0;
	v60 =	vand.u32 $0xFFFF0000, v1;
	v3 =	vadd.s32 $0x7FFF, v3;
	v62 =	vadd.s32 $0x7FFF, v6  }
0x24b: {  	[tilespmem:s16+$0x12000] =	vst v61;
	v0 =	vor.u32 v4, v60;
	v3 =	vshrl.u32 v3, $0x10;
	v63 =	vand.u32 $0xFFFF0000, v62  }
0x24c: {  	[tilespmem:s16+$0x12010] =	vst v0;
	v1 =	vor.u32 v3, v63  }
0x24d: {  	s28 =	sadd.s32 $0x1, s28;
	[tilespmem:s16+$0x12020] =	vst v1  }
0x24e: {  	[hbm4b:s13+s3] =	stream.linear.scatter [tilespmem:s25], [sflag:$0x3], $0x2800, $0x38;
	[tilespmem:$0x17000] =	vst v63  }
0x24f: {  	p0 =	sne.s32 s28, s14;
	_ =	swait.ge [sflag:s1], $0x2800  }
.Ltmp8:
0x250: {  	[sflag:s1] =	ssyncset.done $0x0;
	(pc) =	sbr.rel @p0 .LBB2_1-.Ltmp8, $4  }
0x251: {  	[sflag:s1] =	ssyncadd.s32 $0xFFFFD800  }
0x252: {  	_ =	swait.ge [sflag:s20], $0x2800  }
0x253: {  	[sflag:s20] =	ssyncset.done $0x0  }
0x254: {  	[sflag:s20] =	ssyncadd.s32 $0xFFFFD800  }
0x255: {  	_ =	sfence.sel $0x180000  }
0x256: {  	[bflag:$0x0] =	sbarrier.arrive $0xFFFF  }
0x257: {  	_ =	strace $0x90000047  }
0x258: {  	s0 =	stileid.u32;
	[bflag:$0x2] =	sbarrier.arrive $0xFFFF  }
0x259: {  	p0 =	sne.s32 s0, $0x0;
	s0 =	rddreg [dreg:$0x2]  }
0x25a: {  	s0 =	sadd.s32 @!p0 $0x100000, s0  }
0x25b: {  	[sflag:s0] =	ssyncadd.tile.s32 @!p0 $0x1;
	_ =	shalt  }
.Lfunc_end2:
_tile_overlayer_lowered:
.L_overlay_start_2:
0x25c: {  	(tag) =	ssettag $0x2  }
0x25d: {  	s0 =	rddreg [dreg:$0x0];
	s2 =	stileid.u32  }
0x25e: {  	s1 =	rddreg [dreg:$0x1];
	p0 =	sne.s32 s2, $0x0  }
0x25f: {  	s3 =	rddreg [dreg:$0x2];
	[bflag:$0x3] =	sbarrier.arrive $0xFFFF;
	s2 =	simm.s32 @!p0 $0x1C05  }
0x260: {  	[timem:s3], [sflag:s2] =	dma.local @!p0 [hbm:s0], s1  }
0x261: {  	s0 =	simm.s32 @!p0 $0x5  }
0x262: {  	_ =	swait.ge @!p0 [sflag:s0], s1  }
0x263: {  	s1 =	ssub.s32 @!p0 $0x0, s1;
	[sflag:s0] =	ssyncset.done @!p0 $0x0  }
0x264: {  	[sflag:s0] =	ssyncadd.s32 @!p0 s1  }
0x265: {  	[bflag:$0x3] =	sbarrier.arrive $0xFFFF  }
0x266: {  	_ =	shalt  }

</sc_bundles>
